<compile_context>
chip_gen: v7x
topology: tpu7x:2x2x1
jax: 0.10.2.dev20260603
libtpu: 0.0.44.dev20260713+nightly
codegen_flags: <defaults>
</compile_context>

<pallas_src>
import functools

import jax
import jax.numpy as jnp
from jax import lax
from jax.experimental import pallas as pl
from jax.experimental.pallas import tpu as pltpu
from jax.experimental.pallas import tpu_sc as plsc

N_ROWS = 100000
N_COLS = 100
PAD_COLS = 128
R = 400
N_CHUNKS = N_ROWS // R
N_WORKERS = 32
N_ITERS = -(-N_CHUNKS // N_WORKERS)
GROUPS = R // 16

_MESH = plsc.VectorSubcoreMesh(core_axis_name="c", subcore_axis_name="s")


@functools.partial(
    pl.kernel,
    out_type=jax.ShapeDtypeStruct((N_ROWS, PAD_COLS), jnp.float32),
    mesh=_MESH,
    compiler_params=pltpu.CompilerParams(needs_layout_passes=False),
    scratch_types=[
        pltpu.VMEM((R,), jnp.int32),
        pltpu.VMEM((R,), jnp.int32),
        pltpu.VMEM((R, PAD_COLS), jnp.float32),
        pltpu.VMEM((R, PAD_COLS), jnp.float32),
        pltpu.VMEM((R,), jnp.int32),
        pltpu.VMEM((R,), jnp.int32),
        pltpu.SemaphoreType.DMA,
        pltpu.SemaphoreType.DMA,
        pltpu.SemaphoreType.DMA,
        pltpu.SemaphoreType.DMA,
    ],
)
def _sc_onehot(idx_hbm, out_hbm, idx0, idx1, rows0, rows1, offs0, offs1,
               so0, so1, si0, si1):
    wid = lax.axis_index("s") * 2 + lax.axis_index("c")
    bufs = [(idx0, rows0, offs0, so0, si0), (idx1, rows1, offs1, so1, si1)]

    zeros16 = jnp.zeros((16,), jnp.float32)
    ones16 = jnp.ones((16,), jnp.float32)
    lane = lax.iota(jnp.int32, 16)

    def chunk_of(i):
        return jnp.minimum(wid + i * N_WORKERS, N_CHUNKS - 1)

    pending_idx = [
        pltpu.async_copy(idx_hbm.at[pl.ds(chunk_of(i) * R, R)],
                         bufs[i][0], bufs[i][4])
        for i in range(2)
    ]

    def _zero_body(r, _):
        for k in range(PAD_COLS // 16):
            rows0[r, pl.ds(k * 16, 16)] = zeros16
            rows1[r, pl.ds(k * 16, 16)] = zeros16
        return 0
    lax.fori_loop(0, R, _zero_body, 0)

    pending_out = [None, None]
    for i in range(N_ITERS):
        b = i % 2
        idx_v, rows_v, offs_v, so, si = bufs[b]
        c = chunk_of(i)
        if pending_out[b] is not None:
            pending_out[b].wait()
            for g in range(GROUPS):
                old_col = offs_v[pl.ds(g * 16, 16)]
                plsc.store_scatter(rows_v, [lane + g * 16, old_col], zeros16)
        pending_idx[b].wait()
        for g in range(GROUPS):
            idx16 = idx_v[pl.ds(g * 16, 16)]
            offs_v[pl.ds(g * 16, 16)] = idx16
            plsc.store_scatter(rows_v, [lane + g * 16, idx16], ones16)
        if i + 2 < N_ITERS:
            pending_idx[b] = pltpu.async_copy(
                idx_hbm.at[pl.ds(chunk_of(i + 2) * R, R)], idx_v, si)
        pending_out[b] = pltpu.async_copy(
            rows_v, out_hbm.at[pl.ds(c * R, R)], so)

    for b in range(2):
        if pending_out[b] is not None:
            pending_out[b].wait()


def kernel(atomic_numbers):
    padded = _sc_onehot(atomic_numbers)
    return lax.slice(padded, (0, 0), (N_ROWS, N_COLS))

# --- scband reference (transcript-rebuilt; emitter-appended) ---
"""Pipeline reference for scband-node-encoder-71751723647686 (READ-ONLY COPY).

The authoritative reference and input builder live on the scoring server;
editing this copy changes nothing except your own understanding.
"""

import jax, jax.numpy as jnp
import numpy as np

N_ATOMS = 100000
NUM_CLASSES = 100
ZS = np.arange(NUM_CLASSES)  # zs = [0..99], as in init_kwargs


def setup_inputs(seed: int = 0) -> dict:
    key = jax.random.key(seed)
    atomic_numbers = jax.random.randint(key, (N_ATOMS,), 0, NUM_CLASSES, dtype=jnp.int32)
    return {"atomic_numbers": atomic_numbers}


def reference(atomic_numbers):
    # atomic_numbers_to_indices: map each atomic number z to its index in z_table
    zs = jnp.asarray(ZS, dtype=jnp.int32)
    z_to_index = jnp.zeros((int(ZS.max()) + 1,), dtype=jnp.int32).at[zs].set(
        jnp.arange(NUM_CLASSES, dtype=jnp.int32)
    )
    indices = jnp.take(z_to_index, atomic_numbers, axis=0)  # gather
    # to_one_hot: scatter 1.0 into [N, num_classes] at (row, index)
    n = indices.shape[0]
    one_hot = jnp.zeros((n, NUM_CLASSES), dtype=jnp.float32).at[
        jnp.arange(n), indices
    ].set(1.0)
    return one_hot

if __name__ == "__main__":
    import jax
    _d = setup_inputs()
    print(jax.jit(kernel)(*tuple(_d.values())))

</pallas_src>

<mosaic_0001>
#map = affine_map<(d0, d1) -> (0)>
#map1 = affine_map<(d0, d1) -> (0, 0)>
module attributes {stable_mosaic.version = 14 : i64} {
  func.func @_sc_onehot(%arg0: i32, %arg1: i32, %arg2: memref<100000xi32, #tpu.memory_space<hbm>>, %arg3: memref<100000x128xf32, #tpu.memory_space<hbm>>, %arg4: memref<400xi32, #tpu.memory_space<vmem>>, %arg5: memref<400xi32, #tpu.memory_space<vmem>>, %arg6: memref<400x128xf32, #tpu.memory_space<vmem>>, %arg7: memref<400x128xf32, #tpu.memory_space<vmem>>, %arg8: memref<400xi32, #tpu.memory_space<vmem>>, %arg9: memref<400xi32, #tpu.memory_space<vmem>>, %arg10: memref<!tpu.dma_semaphore, #tpu.memory_space<semaphore_mem>>, %arg11: memref<!tpu.dma_semaphore, #tpu.memory_space<semaphore_mem>>, %arg12: memref<!tpu.dma_semaphore, #tpu.memory_space<semaphore_mem>>, %arg13: memref<!tpu.dma_semaphore, #tpu.memory_space<semaphore_mem>>) attributes {dimension_semantics = [#tpu.dimension_semantics<core_parallel>, #tpu.dimension_semantics<subcore_parallel>], iteration_bounds = array<i64: 2, 16>, scalar_prefetch = 0 : i64, scratch_operands = 10 : i64, tpu.core_type = #tpu.core_type<sc_vector_subcore>, window_params = [{transform_indices = #map}, {transform_indices = #map1}]} {
    %mul3A = arith.constant 2 : i32
    %mul3A_0 = arith.muli %arg1, %mul3A : i32
    %add3A = arith.addi %mul3A_0, %arg0 : i32
    %broadcast_in_dim3A = arith.constant 0.000000e+00 : f32
    %broadcast_in_dim3A_1 = vector.broadcast %broadcast_in_dim3A : f32 to vector<16xf32>
    %broadcast_in_dim3A_2 = arith.constant 1.000000e+00 : f32
    %broadcast_in_dim3A_3 = vector.broadcast %broadcast_in_dim3A_2 : f32 to vector<16xf32>
    %iota3A = tpu.iota {dimensions = array<i32: 0>} : vector<16xi32>
    %add3A_4 = arith.constant 0 : i32
    %add3A_5 = arith.addi %add3A, %add3A_4 : i32
    %min3A = arith.constant 249 : i32
    %min3A_6 = arith.minsi %add3A_5, %min3A : i32
    %mul3A_7 = arith.constant 400 : i32
    %mul3A_8 = arith.muli %min3A_6, %mul3A_7 : i32
    %dma_start3A = tpu.memref_slice %arg2[%mul3A_8] : memref<100000xi32, #tpu.memory_space<hbm>> -> memref<400xi32, #tpu.memory_space<hbm>>
    %dma_start3A_9 = tpu.memref_slice %arg2[%mul3A_8] : memref<100000xi32, #tpu.memory_space<hbm>> -> memref<400xi32, #tpu.memory_space<hbm>>
    tpu.enqueue_dma source(%dma_start3A_9 : memref<400xi32, #tpu.memory_space<hbm>>) target(%arg4 : memref<400xi32, #tpu.memory_space<vmem>>) target_semaphore(%arg12 : memref<!tpu.dma_semaphore, #tpu.memory_space<semaphore_mem>>)
    %add3A_10 = arith.constant 32 : i32
    %add3A_11 = arith.addi %add3A, %add3A_10 : i32
    %min3A_12 = arith.constant 249 : i32
    %min3A_13 = arith.minsi %add3A_11, %min3A_12 : i32
    %mul3A_14 = arith.constant 400 : i32
    %mul3A_15 = arith.muli %min3A_13, %mul3A_14 : i32
    %dma_start3A_16 = tpu.memref_slice %arg2[%mul3A_15] : memref<100000xi32, #tpu.memory_space<hbm>> -> memref<400xi32, #tpu.memory_space<hbm>>
    %dma_start3A_17 = tpu.memref_slice %arg2[%mul3A_15] : memref<100000xi32, #tpu.memory_space<hbm>> -> memref<400xi32, #tpu.memory_space<hbm>>
    tpu.enqueue_dma source(%dma_start3A_17 : memref<400xi32, #tpu.memory_space<hbm>>) target(%arg5 : memref<400xi32, #tpu.memory_space<vmem>>) target_semaphore(%arg13 : memref<!tpu.dma_semaphore, #tpu.memory_space<semaphore_mem>>)
    %scan3A = arith.constant 0 : i32
    %scan3A_18 = arith.constant 0 : i32
    %scan3A_19 = arith.constant 400 : i32
    %scan3A_20 = arith.addi %scan3A_18, %scan3A_19 : i32
    %scan3A_21 = arith.constant 1 : i32
    %scan3A_22 = scf.for %scan3A_2347 = %scan3A_18 to %scan3A_20 step %scan3A_21 iter_args(%scan3A_2348 = %scan3A) -> (i32)  : i32 {
      %swap3A_2349 = arith.index_cast %scan3A_2347 : i32 to index
      %swap3A_2350 = arith.constant 0 : index
      %swap3A_2351 = tpu.vector_load %arg6[%swap3A_2349, %swap3A_2350] {strides = array<i32>} : memref<400x128xf32, #tpu.memory_space<vmem>>, vector<16xf32>,
      tpu.vector_store %arg6[%swap3A_2349, %swap3A_2350], %broadcast_in_dim3A_1 {strides = array<i32>} : memref<400x128xf32, #tpu.memory_space<vmem>>, vector<16xf32>,
      %swap3A_2352 = arith.index_cast %scan3A_2347 : i32 to index
      %swap3A_2353 = arith.constant 0 : index
      %swap3A_2354 = tpu.vector_load %arg7[%swap3A_2352, %swap3A_2353] {strides = array<i32>} : memref<400x128xf32, #tpu.memory_space<vmem>>, vector<16xf32>,
      tpu.vector_store %arg7[%swap3A_2352, %swap3A_2353], %broadcast_in_dim3A_1 {strides = array<i32>} : memref<400x128xf32, #tpu.memory_space<vmem>>, vector<16xf32>,
      %swap3A_2355 = arith.index_cast %scan3A_2347 : i32 to index
      %swap3A_2356 = arith.constant 16 : index
      %swap3A_2357 = tpu.vector_load %arg6[%swap3A_2355, %swap3A_2356] {strides = array<i32>} : memref<400x128xf32, #tpu.memory_space<vmem>>, vector<16xf32>,
      tpu.vector_store %arg6[%swap3A_2355, %swap3A_2356], %broadcast_in_dim3A_1 {strides = array<i32>} : memref<400x128xf32, #tpu.memory_space<vmem>>, vector<16xf32>,
      %swap3A_2358 = arith.index_cast %scan3A_2347 : i32 to index
      %swap3A_2359 = arith.constant 16 : index
      %swap3A_2360 = tpu.vector_load %arg7[%swap3A_2358, %swap3A_2359] {strides = array<i32>} : memref<400x128xf32, #tpu.memory_space<vmem>>, vector<16xf32>,
      tpu.vector_store %arg7[%swap3A_2358, %swap3A_2359], %broadcast_in_dim3A_1 {strides = array<i32>} : memref<400x128xf32, #tpu.memory_space<vmem>>, vector<16xf32>,
      %swap3A_2361 = arith.index_cast %scan3A_2347 : i32 to index
      %swap3A_2362 = arith.constant 32 : index
      %swap3A_2363 = tpu.vector_load %arg6[%swap3A_2361, %swap3A_2362] {strides = array<i32>} : memref<400x128xf32, #tpu.memory_space<vmem>>, vector<16xf32>,
      tpu.vector_store %arg6[%swap3A_2361, %swap3A_2362], %broadcast_in_dim3A_1 {strides = array<i32>} : memref<400x128xf32, #tpu.memory_space<vmem>>, vector<16xf32>,
      %swap3A_2364 = arith.index_cast %scan3A_2347 : i32 to index
      %swap3A_2365 = arith.constant 32 : index
      %swap3A_2366 = tpu.vector_load %arg7[%swap3A_2364, %swap3A_2365] {strides = array<i32>} : memref<400x128xf32, #tpu.memory_space<vmem>>, vector<16xf32>,
      tpu.vector_store %arg7[%swap3A_2364, %swap3A_2365], %broadcast_in_dim3A_1 {strides = array<i32>} : memref<400x128xf32, #tpu.memory_space<vmem>>, vector<16xf32>,
      %swap3A_2367 = arith.index_cast %scan3A_2347 : i32 to index
      %swap3A_2368 = arith.constant 48 : index
      %swap3A_2369 = tpu.vector_load %arg6[%swap3A_2367, %swap3A_2368] {strides = array<i32>} : memref<400x128xf32, #tpu.memory_space<vmem>>, vector<16xf32>,
      tpu.vector_store %arg6[%swap3A_2367, %swap3A_2368], %broadcast_in_dim3A_1 {strides = array<i32>} : memref<400x128xf32, #tpu.memory_space<vmem>>, vector<16xf32>,
      %swap3A_2370 = arith.index_cast %scan3A_2347 : i32 to index
      %swap3A_2371 = arith.constant 48 : index
      %swap3A_2372 = tpu.vector_load %arg7[%swap3A_2370, %swap3A_2371] {strides = array<i32>} : memref<400x128xf32, #tpu.memory_space<vmem>>, vector<16xf32>,
      tpu.vector_store %arg7[%swap3A_2370, %swap3A_2371], %broadcast_in_dim3A_1 {strides = array<i32>} : memref<400x128xf32, #tpu.memory_space<vmem>>, vector<16xf32>,
      %swap3A_2373 = arith.index_cast %scan3A_2347 : i32 to index
      %swap3A_2374 = arith.constant 64 : index
      %swap3A_2375 = tpu.vector_load %arg6[%swap3A_2373, %swap3A_2374] {strides = array<i32>} : memref<400x128xf32, #tpu.memory_space<vmem>>, vector<16xf32>,
      tpu.vector_store %arg6[%swap3A_2373, %swap3A_2374], %broadcast_in_dim3A_1 {strides = array<i32>} : memref<400x128xf32, #tpu.memory_space<vmem>>, vector<16xf32>,
      %swap3A_2376 = arith.index_cast %scan3A_2347 : i32 to index
      %swap3A_2377 = arith.constant 64 : index
      %swap3A_2378 = tpu.vector_load %arg7[%swap3A_2376, %swap3A_2377] {strides = array<i32>} : memref<400x128xf32, #tpu.memory_space<vmem>>, vector<16xf32>,
      tpu.vector_store %arg7[%swap3A_2376, %swap3A_2377], %broadcast_in_dim3A_1 {strides = array<i32>} : memref<400x128xf32, #tpu.memory_space<vmem>>, vector<16xf32>,
      %swap3A_2379 = arith.index_cast %scan3A_2347 : i32 to index
      %swap3A_2380 = arith.constant 80 : index
      %swap3A_2381 = tpu.vector_load %arg6[%swap3A_2379, %swap3A_2380] {strides = array<i32>} : memref<400x128xf32, #tpu.memory_space<vmem>>, vector<16xf32>,
      tpu.vector_store %arg6[%swap3A_2379, %swap3A_2380], %broadcast_in_dim3A_1 {strides = array<i32>} : memref<400x128xf32, #tpu.memory_space<vmem>>, vector<16xf32>,
      %swap3A_2382 = arith.index_cast %scan3A_2347 : i32 to index
      %swap3A_2383 = arith.constant 80 : index
      %swap3A_2384 = tpu.vector_load %arg7[%swap3A_2382, %swap3A_2383] {strides = array<i32>} : memref<400x128xf32, #tpu.memory_space<vmem>>, vector<16xf32>,
      tpu.vector_store %arg7[%swap3A_2382, %swap3A_2383], %broadcast_in_dim3A_1 {strides = array<i32>} : memref<400x128xf32, #tpu.memory_space<vmem>>, vector<16xf32>,
      %swap3A_2385 = arith.index_cast %scan3A_2347 : i32 to index
      %swap3A_2386 = arith.constant 96 : index
      %swap3A_2387 = tpu.vector_load %arg6[%swap3A_2385, %swap3A_2386] {strides = array<i32>} : memref<400x128xf32, #tpu.memory_space<vmem>>, vector<16xf32>,
      tpu.vector_store %arg6[%swap3A_2385, %swap3A_2386], %broadcast_in_dim3A_1 {strides = array<i32>} : memref<400x128xf32, #tpu.memory_space<vmem>>, vector<16xf32>,
      %swap3A_2388 = arith.index_cast %scan3A_2347 : i32 to index
      %swap3A_2389 = arith.constant 96 : index
      %swap3A_2390 = tpu.vector_load %arg7[%swap3A_2388, %swap3A_2389] {strides = array<i32>} : memref<400x128xf32, #tpu.memory_space<vmem>>, vector<16xf32>,
      tpu.vector_store %arg7[%swap3A_2388, %swap3A_2389], %broadcast_in_dim3A_1 {strides = array<i32>} : memref<400x128xf32, #tpu.memory_space<vmem>>, vector<16xf32>,
      %swap3A_2391 = arith.index_cast %scan3A_2347 : i32 to index
      %swap3A_2392 = arith.constant 112 : index
      %swap3A_2393 = tpu.vector_load %arg6[%swap3A_2391, %swap3A_2392] {strides = array<i32>} : memref<400x128xf32, #tpu.memory_space<vmem>>, vector<16xf32>,
      tpu.vector_store %arg6[%swap3A_2391, %swap3A_2392], %broadcast_in_dim3A_1 {strides = array<i32>} : memref<400x128xf32, #tpu.memory_space<vmem>>, vector<16xf32>,
      %swap3A_2394 = arith.index_cast %scan3A_2347 : i32 to index
      %swap3A_2395 = arith.constant 112 : index
      %swap3A_2396 = tpu.vector_load %arg7[%swap3A_2394, %swap3A_2395] {strides = array<i32>} : memref<400x128xf32, #tpu.memory_space<vmem>>, vector<16xf32>,
      tpu.vector_store %arg7[%swap3A_2394, %swap3A_2395], %broadcast_in_dim3A_1 {strides = array<i32>} : memref<400x128xf32, #tpu.memory_space<vmem>>, vector<16xf32>,
      %scan3A_2397 = arith.constant 0 : i32
      scf.yield %scan3A_2397 : i32
    }
    %scan3A_23 = arith.constant 400 : i32
    %add3A_24 = arith.constant 0 : i32
    %add3A_25 = arith.addi %add3A, %add3A_24 : i32
    %min3A_26 = arith.constant 249 : i32
    %min3A_27 = arith.minsi %add3A_25, %min3A_26 : i32
    %dma_wait3A = tpu.memref_slice %arg2[%mul3A_8] : memref<100000xi32, #tpu.memory_space<hbm>> -> memref<400xi32, #tpu.memory_space<hbm>>
    %dma_wait3A_28 = tpu.memref_slice %arg2[%mul3A_8] : memref<100000xi32, #tpu.memory_space<hbm>> -> memref<400xi32, #tpu.memory_space<hbm>>
    tpu.wait_dma2 semaphore(%arg12 : memref<!tpu.dma_semaphore, #tpu.memory_space<semaphore_mem>>) src(%dma_wait3A_28 : memref<400xi32, #tpu.memory_space<hbm>>) dst(%arg4 : memref<400xi32, #tpu.memory_space<vmem>>)
    %get3A = arith.constant 0 : index
    %get3A_29 = tpu.vector_load %arg4[%get3A] {strides = array<i32>} : memref<400xi32, #tpu.memory_space<vmem>>, vector<16xi32>,
    %swap3A = arith.constant 0 : index
    %swap3A_30 = tpu.vector_load %arg8[%swap3A] {strides = array<i32>} : memref<400xi32, #tpu.memory_space<vmem>>, vector<16xi32>,
    tpu.vector_store %arg8[%swap3A], %get3A_29 {strides = array<i32>} : memref<400xi32, #tpu.memory_space<vmem>>, vector<16xi32>,
    %add3A_31 = arith.constant 0 : i32
    %add3A_32 = vector.broadcast %add3A_31 : i32 to vector<16xi32>
    %add3A_33 = arith.addi %iota3A, %add3A_32 : vector<16xi32>
    tpu.vector_store_idx %arg6[%add3A_33, %get3A_29], %broadcast_in_dim3A_3 : memref<400x128xf32, #tpu.memory_space<vmem>>[vector<16xi32>, vector<16xi32>], vector<16xf32>,
    %get3A_34 = arith.constant 16 : index
    %get3A_35 = tpu.vector_load %arg4[%get3A_34] {strides = array<i32>} : memref<400xi32, #tpu.memory_space<vmem>>, vector<16xi32>,
    %swap3A_36 = arith.constant 16 : index
    %swap3A_37 = tpu.vector_load %arg8[%swap3A_36] {strides = array<i32>} : memref<400xi32, #tpu.memory_space<vmem>>, vector<16xi32>,
    tpu.vector_store %arg8[%swap3A_36], %get3A_35 {strides = array<i32>} : memref<400xi32, #tpu.memory_space<vmem>>, vector<16xi32>,
    %add3A_38 = arith.constant 16 : i32
    %add3A_39 = vector.broadcast %add3A_38 : i32 to vector<16xi32>
    %add3A_40 = arith.addi %iota3A, %add3A_39 : vector<16xi32>
    tpu.vector_store_idx %arg6[%add3A_40, %get3A_35], %broadcast_in_dim3A_3 : memref<400x128xf32, #tpu.memory_space<vmem>>[vector<16xi32>, vector<16xi32>], vector<16xf32>,
    %get3A_41 = arith.constant 32 : index
    %get3A_42 = tpu.vector_load %arg4[%get3A_41] {strides = array<i32>} : memref<400xi32, #tpu.memory_space<vmem>>, vector<16xi32>,
    %swap3A_43 = arith.constant 32 : index
    %swap3A_44 = tpu.vector_load %arg8[%swap3A_43] {strides = array<i32>} : memref<400xi32, #tpu.memory_space<vmem>>, vector<16xi32>,
    tpu.vector_store %arg8[%swap3A_43], %get3A_42 {strides = array<i32>} : memref<400xi32, #tpu.memory_space<vmem>>, vector<16xi32>,
    %add3A_45 = arith.constant 32 : i32
    %add3A_46 = vector.broadcast %add3A_45 : i32 to vector<16xi32>
    %add3A_47 = arith.addi %iota3A, %add3A_46 : vector<16xi32>
    tpu.vector_store_idx %arg6[%add3A_47, %get3A_42], %broadcast_in_dim3A_3 : memref<400x128xf32, #tpu.memory_space<vmem>>[vector<16xi32>, vector<16xi32>], vector<16xf32>,
    %get3A_48 = arith.constant 48 : index
    %get3A_49 = tpu.vector_load %arg4[%get3A_48] {strides = array<i32>} : memref<400xi32, #tpu.memory_space<vmem>>, vector<16xi32>,
    %swap3A_50 = arith.constant 48 : index
    %swap3A_51 = tpu.vector_load %arg8[%swap3A_50] {strides = array<i32>} : memref<400xi32, #tpu.memory_space<vmem>>, vector<16xi32>,
    tpu.vector_store %arg8[%swap3A_50], %get3A_49 {strides = array<i32>} : memref<400xi32, #tpu.memory_space<vmem>>, vector<16xi32>,
    %add3A_52 = arith.constant 48 : i32
    %add3A_53 = vector.broadcast %add3A_52 : i32 to vector<16xi32>
    %add3A_54 = arith.addi %iota3A, %add3A_53 : vector<16xi32>
    tpu.vector_store_idx %arg6[%add3A_54, %get3A_49], %broadcast_in_dim3A_3 : memref<400x128xf32, #tpu.memory_space<vmem>>[vector<16xi32>, vector<16xi32>], vector<16xf32>,
    %get3A_55 = arith.constant 64 : index
    %get3A_56 = tpu.vector_load %arg4[%get3A_55] {strides = array<i32>} : memref<400xi32, #tpu.memory_space<vmem>>, vector<16xi32>,
    %swap3A_57 = arith.constant 64 : index
    %swap3A_58 = tpu.vector_load %arg8[%swap3A_57] {strides = array<i32>} : memref<400xi32, #tpu.memory_space<vmem>>, vector<16xi32>,
    tpu.vector_store %arg8[%swap3A_57], %get3A_56 {strides = array<i32>} : memref<400xi32, #tpu.memory_space<vmem>>, vector<16xi32>,
    %add3A_59 = arith.constant 64 : i32
    %add3A_60 = vector.broadcast %add3A_59 : i32 to vector<16xi32>
    %add3A_61 = arith.addi %iota3A, %add3A_60 : vector<16xi32>
    tpu.vector_store_idx %arg6[%add3A_61, %get3A_56], %broadcast_in_dim3A_3 : memref<400x128xf32, #tpu.memory_space<vmem>>[vector<16xi32>, vector<16xi32>], vector<16xf32>,
    %get3A_62 = arith.constant 80 : index
    %get3A_63 = tpu.vector_load %arg4[%get3A_62] {strides = array<i32>} : memref<400xi32, #tpu.memory_space<vmem>>, vector<16xi32>,
    %swap3A_64 = arith.constant 80 : index
    %swap3A_65 = tpu.vector_load %arg8[%swap3A_64] {strides = array<i32>} : memref<400xi32, #tpu.memory_space<vmem>>, vector<16xi32>,
    tpu.vector_store %arg8[%swap3A_64], %get3A_63 {strides = array<i32>} : memref<400xi32, #tpu.memory_space<vmem>>, vector<16xi32>,
    %add3A_66 = arith.constant 80 : i32
    %add3A_67 = vector.broadcast %add3A_66 : i32 to vector<16xi32>
    %add3A_68 = arith.addi %iota3A, %add3A_67 : vector<16xi32>
    tpu.vector_store_idx %arg6[%add3A_68, %get3A_63], %broadcast_in_dim3A_3 : memref<400x128xf32, #tpu.memory_space<vmem>>[vector<16xi32>, vector<16xi32>], vector<16xf32>,
    %get3A_69 = arith.constant 96 : index
    %get3A_70 = tpu.vector_load %arg4[%get3A_69] {strides = array<i32>} : memref<400xi32, #tpu.memory_space<vmem>>, vector<16xi32>,
    %swap3A_71 = arith.constant 96 : index
    %swap3A_72 = tpu.vector_load %arg8[%swap3A_71] {strides = array<i32>} : memref<400xi32, #tpu.memory_space<vmem>>, vector<16xi32>,
    tpu.vector_store %arg8[%swap3A_71], %get3A_70 {strides = array<i32>} : memref<400xi32, #tpu.memory_space<vmem>>, vector<16xi32>,
    %add3A_73 = arith.constant 96 : i32
    %add3A_74 = vector.broadcast %add3A_73 : i32 to vector<16xi32>
    %add3A_75 = arith.addi %iota3A, %add3A_74 : vector<16xi32>
    tpu.vector_store_idx %arg6[%add3A_75, %get3A_70], %broadcast_in_dim3A_3 : memref<400x128xf32, #tpu.memory_space<vmem>>[vector<16xi32>, vector<16xi32>], vector<16xf32>,
    %get3A_76 = arith.constant 112 : index
    %get3A_77 = tpu.vector_load %arg4[%get3A_76] {strides = array<i32>} : memref<400xi32, #tpu.memory_space<vmem>>, vector<16xi32>,
    %swap3A_78 = arith.constant 112 : index
    %swap3A_79 = tpu.vector_load %arg8[%swap3A_78] {strides = array<i32>} : memref<400xi32, #tpu.memory_space<vmem>>, vector<16xi32>,
    tpu.vector_store %arg8[%swap3A_78], %get3A_77 {strides = array<i32>} : memref<400xi32, #tpu.memory_space<vmem>>, vector<16xi32>,
    %add3A_80 = arith.constant 112 : i32
    %add3A_81 = vector.broadcast %add3A_80 : i32 to vector<16xi32>
    %add3A_82 = arith.addi %iota3A, %add3A_81 : vector<16xi32>
    tpu.vector_store_idx %arg6[%add3A_82, %get3A_77], %broadcast_in_dim3A_3 : memref<400x128xf32, #tpu.memory_space<vmem>>[vector<16xi32>, vector<16xi32>], vector<16xf32>,
    %get3A_83 = arith.constant 128 : index
    %get3A_84 = tpu.vector_load %arg4[%get3A_83] {strides = array<i32>} : memref<400xi32, #tpu.memory_space<vmem>>, vector<16xi32>,
    %swap3A_85 = arith.constant 128 : index
    %swap3A_86 = tpu.vector_load %arg8[%swap3A_85] {strides = array<i32>} : memref<400xi32, #tpu.memory_space<vmem>>, vector<16xi32>,
    tpu.vector_store %arg8[%swap3A_85], %get3A_84 {strides = array<i32>} : memref<400xi32, #tpu.memory_space<vmem>>, vector<16xi32>,
    %add3A_87 = arith.constant 128 : i32
    %add3A_88 = vector.broadcast %add3A_87 : i32 to vector<16xi32>
    %add3A_89 = arith.addi %iota3A, %add3A_88 : vector<16xi32>
    tpu.vector_store_idx %arg6[%add3A_89, %get3A_84], %broadcast_in_dim3A_3 : memref<400x128xf32, #tpu.memory_space<vmem>>[vector<16xi32>, vector<16xi32>], vector<16xf32>,
    %get3A_90 = arith.constant 144 : index
    %get3A_91 = tpu.vector_load %arg4[%get3A_90] {strides = array<i32>} : memref<400xi32, #tpu.memory_space<vmem>>, vector<16xi32>,
    %swap3A_92 = arith.constant 144 : index
    %swap3A_93 = tpu.vector_load %arg8[%swap3A_92] {strides = array<i32>} : memref<400xi32, #tpu.memory_space<vmem>>, vector<16xi32>,
    tpu.vector_store %arg8[%swap3A_92], %get3A_91 {strides = array<i32>} : memref<400xi32, #tpu.memory_space<vmem>>, vector<16xi32>,
    %add3A_94 = arith.constant 144 : i32
    %add3A_95 = vector.broadcast %add3A_94 : i32 to vector<16xi32>
    %add3A_96 = arith.addi %iota3A, %add3A_95 : vector<16xi32>
    tpu.vector_store_idx %arg6[%add3A_96, %get3A_91], %broadcast_in_dim3A_3 : memref<400x128xf32, #tpu.memory_space<vmem>>[vector<16xi32>, vector<16xi32>], vector<16xf32>,
    %get3A_97 = arith.constant 160 : index
    %get3A_98 = tpu.vector_load %arg4[%get3A_97] {strides = array<i32>} : memref<400xi32, #tpu.memory_space<vmem>>, vector<16xi32>,
    %swap3A_99 = arith.constant 160 : index
    %swap3A_100 = tpu.vector_load %arg8[%swap3A_99] {strides = array<i32>} : memref<400xi32, #tpu.memory_space<vmem>>, vector<16xi32>,
    tpu.vector_store %arg8[%swap3A_99], %get3A_98 {strides = array<i32>} : memref<400xi32, #tpu.memory_space<vmem>>, vector<16xi32>,
    %add3A_101 = arith.constant 160 : i32
    %add3A_102 = vector.broadcast %add3A_101 : i32 to vector<16xi32>
    %add3A_103 = arith.addi %iota3A, %add3A_102 : vector<16xi32>
    tpu.vector_store_idx %arg6[%add3A_103, %get3A_98], %broadcast_in_dim3A_3 : memref<400x128xf32, #tpu.memory_space<vmem>>[vector<16xi32>, vector<16xi32>], vector<16xf32>,
    %get3A_104 = arith.constant 176 : index
    %get3A_105 = tpu.vector_load %arg4[%get3A_104] {strides = array<i32>} : memref<400xi32, #tpu.memory_space<vmem>>, vector<16xi32>,
    %swap3A_106 = arith.constant 176 : index
    %swap3A_107 = tpu.vector_load %arg8[%swap3A_106] {strides = array<i32>} : memref<400xi32, #tpu.memory_space<vmem>>, vector<16xi32>,
    tpu.vector_store %arg8[%swap3A_106], %get3A_105 {strides = array<i32>} : memref<400xi32, #tpu.memory_space<vmem>>, vector<16xi32>,
    %add3A_108 = arith.constant 176 : i32
    %add3A_109 = vector.broadcast %add3A_108 : i32 to vector<16xi32>
    %add3A_110 = arith.addi %iota3A, %add3A_109 : vector<16xi32>
    tpu.vector_store_idx %arg6[%add3A_110, %get3A_105], %broadcast_in_dim3A_3 : memref<400x128xf32, #tpu.memory_space<vmem>>[vector<16xi32>, vector<16xi32>], vector<16xf32>,
    %get3A_111 = arith.constant 192 : index
    %get3A_112 = tpu.vector_load %arg4[%get3A_111] {strides = array<i32>} : memref<400xi32, #tpu.memory_space<vmem>>, vector<16xi32>,
    %swap3A_113 = arith.constant 192 : index
    %swap3A_114 = tpu.vector_load %arg8[%swap3A_113] {strides = array<i32>} : memref<400xi32, #tpu.memory_space<vmem>>, vector<16xi32>,
    tpu.vector_store %arg8[%swap3A_113], %get3A_112 {strides = array<i32>} : memref<400xi32, #tpu.memory_space<vmem>>, vector<16xi32>,
    %add3A_115 = arith.constant 192 : i32
    %add3A_116 = vector.broadcast %add3A_115 : i32 to vector<16xi32>
    %add3A_117 = arith.addi %iota3A, %add3A_116 : vector<16xi32>
    tpu.vector_store_idx %arg6[%add3A_117, %get3A_112], %broadcast_in_dim3A_3 : memref<400x128xf32, #tpu.memory_space<vmem>>[vector<16xi32>, vector<16xi32>], vector<16xf32>,
    %get3A_118 = arith.constant 208 : index
    %get3A_119 = tpu.vector_load %arg4[%get3A_118] {strides = array<i32>} : memref<400xi32, #tpu.memory_space<vmem>>, vector<16xi32>,
    %swap3A_120 = arith.constant 208 : index
    %swap3A_121 = tpu.vector_load %arg8[%swap3A_120] {strides = array<i32>} : memref<400xi32, #tpu.memory_space<vmem>>, vector<16xi32>,
    tpu.vector_store %arg8[%swap3A_120], %get3A_119 {strides = array<i32>} : memref<400xi32, #tpu.memory_space<vmem>>, vector<16xi32>,
    %add3A_122 = arith.constant 208 : i32
    %add3A_123 = vector.broadcast %add3A_122 : i32 to vector<16xi32>
    %add3A_124 = arith.addi %iota3A, %add3A_123 : vector<16xi32>
    tpu.vector_store_idx %arg6[%add3A_124, %get3A_119], %broadcast_in_dim3A_3 : memref<400x128xf32, #tpu.memory_space<vmem>>[vector<16xi32>, vector<16xi32>], vector<16xf32>,
    %get3A_125 = arith.constant 224 : index
    %get3A_126 = tpu.vector_load %arg4[%get3A_125] {strides = array<i32>} : memref<400xi32, #tpu.memory_space<vmem>>, vector<16xi32>,
    %swap3A_127 = arith.constant 224 : index
    %swap3A_128 = tpu.vector_load %arg8[%swap3A_127] {strides = array<i32>} : memref<400xi32, #tpu.memory_space<vmem>>, vector<16xi32>,
    tpu.vector_store %arg8[%swap3A_127], %get3A_126 {strides = array<i32>} : memref<400xi32, #tpu.memory_space<vmem>>, vector<16xi32>,
    %add3A_129 = arith.constant 224 : i32
    %add3A_130 = vector.broadcast %add3A_129 : i32 to vector<16xi32>
    %add3A_131 = arith.addi %iota3A, %add3A_130 : vector<16xi32>
    tpu.vector_store_idx %arg6[%add3A_131, %get3A_126], %broadcast_in_dim3A_3 : memref<400x128xf32, #tpu.memory_space<vmem>>[vector<16xi32>, vector<16xi32>], vector<16xf32>,
    %get3A_132 = arith.constant 240 : index
    %get3A_133 = tpu.vector_load %arg4[%get3A_132] {strides = array<i32>} : memref<400xi32, #tpu.memory_space<vmem>>, vector<16xi32>,
    %swap3A_134 = arith.constant 240 : index
    %swap3A_135 = tpu.vector_load %arg8[%swap3A_134] {strides = array<i32>} : memref<400xi32, #tpu.memory_space<vmem>>, vector<16xi32>,
    tpu.vector_store %arg8[%swap3A_134], %get3A_133 {strides = array<i32>} : memref<400xi32, #tpu.memory_space<vmem>>, vector<16xi32>,
    %add3A_136 = arith.constant 240 : i32
    %add3A_137 = vector.broadcast %add3A_136 : i32 to vector<16xi32>
    %add3A_138 = arith.addi %iota3A, %add3A_137 : vector<16xi32>
    tpu.vector_store_idx %arg6[%add3A_138, %get3A_133], %broadcast_in_dim3A_3 : memref<400x128xf32, #tpu.memory_space<vmem>>[vector<16xi32>, vector<16xi32>], vector<16xf32>,
    %get3A_139 = arith.constant 256 : index
    %get3A_140 = tpu.vector_load %arg4[%get3A_139] {strides = array<i32>} : memref<400xi32, #tpu.memory_space<vmem>>, vector<16xi32>,
    %swap3A_141 = arith.constant 256 : index
    %swap3A_142 = tpu.vector_load %arg8[%swap3A_141] {strides = array<i32>} : memref<400xi32, #tpu.memory_space<vmem>>, vector<16xi32>,
    tpu.vector_store %arg8[%swap3A_141], %get3A_140 {strides = array<i32>} : memref<400xi32, #tpu.memory_space<vmem>>, vector<16xi32>,
    %add3A_143 = arith.constant 256 : i32
    %add3A_144 = vector.broadcast %add3A_143 : i32 to vector<16xi32>
    %add3A_145 = arith.addi %iota3A, %add3A_144 : vector<16xi32>
    tpu.vector_store_idx %arg6[%add3A_145, %get3A_140], %broadcast_in_dim3A_3 : memref<400x128xf32, #tpu.memory_space<vmem>>[vector<16xi32>, vector<16xi32>], vector<16xf32>,
    %get3A_146 = arith.constant 272 : index
    %get3A_147 = tpu.vector_load %arg4[%get3A_146] {strides = array<i32>} : memref<400xi32, #tpu.memory_space<vmem>>, vector<16xi32>,
    %swap3A_148 = arith.constant 272 : index
    %swap3A_149 = tpu.vector_load %arg8[%swap3A_148] {strides = array<i32>} : memref<400xi32, #tpu.memory_space<vmem>>, vector<16xi32>,
    tpu.vector_store %arg8[%swap3A_148], %get3A_147 {strides = array<i32>} : memref<400xi32, #tpu.memory_space<vmem>>, vector<16xi32>,
    %add3A_150 = arith.constant 272 : i32
    %add3A_151 = vector.broadcast %add3A_150 : i32 to vector<16xi32>
    %add3A_152 = arith.addi %iota3A, %add3A_151 : vector<16xi32>
    tpu.vector_store_idx %arg6[%add3A_152, %get3A_147], %broadcast_in_dim3A_3 : memref<400x128xf32, #tpu.memory_space<vmem>>[vector<16xi32>, vector<16xi32>], vector<16xf32>,
    %get3A_153 = arith.constant 288 : index
    %get3A_154 = tpu.vector_load %arg4[%get3A_153] {strides = array<i32>} : memref<400xi32, #tpu.memory_space<vmem>>, vector<16xi32>,
    %swap3A_155 = arith.constant 288 : index
    %swap3A_156 = tpu.vector_load %arg8[%swap3A_155] {strides = array<i32>} : memref<400xi32, #tpu.memory_space<vmem>>, vector<16xi32>,
    tpu.vector_store %arg8[%swap3A_155], %get3A_154 {strides = array<i32>} : memref<400xi32, #tpu.memory_space<vmem>>, vector<16xi32>,
    %add3A_157 = arith.constant 288 : i32
    %add3A_158 = vector.broadcast %add3A_157 : i32 to vector<16xi32>
    %add3A_159 = arith.addi %iota3A, %add3A_158 : vector<16xi32>
    tpu.vector_store_idx %arg6[%add3A_159, %get3A_154], %broadcast_in_dim3A_3 : memref<400x128xf32, #tpu.memory_space<vmem>>[vector<16xi32>, vector<16xi32>], vector<16xf32>,
    %get3A_160 = arith.constant 304 : index
    %get3A_161 = tpu.vector_load %arg4[%get3A_160] {strides = array<i32>} : memref<400xi32, #tpu.memory_space<vmem>>, vector<16xi32>,
    %swap3A_162 = arith.constant 304 : index
    %swap3A_163 = tpu.vector_load %arg8[%swap3A_162] {strides = array<i32>} : memref<400xi32, #tpu.memory_space<vmem>>, vector<16xi32>,
    tpu.vector_store %arg8[%swap3A_162], %get3A_161 {strides = array<i32>} : memref<400xi32, #tpu.memory_space<vmem>>, vector<16xi32>,
    %add3A_164 = arith.constant 304 : i32
    %add3A_165 = vector.broadcast %add3A_164 : i32 to vector<16xi32>
    %add3A_166 = arith.addi %iota3A, %add3A_165 : vector<16xi32>
    tpu.vector_store_idx %arg6[%add3A_166, %get3A_161], %broadcast_in_dim3A_3 : memref<400x128xf32, #tpu.memory_space<vmem>>[vector<16xi32>, vector<16xi32>], vector<16xf32>,
    %get3A_167 = arith.constant 320 : index
    %get3A_168 = tpu.vector_load %arg4[%get3A_167] {strides = array<i32>} : memref<400xi32, #tpu.memory_space<vmem>>, vector<16xi32>,
    %swap3A_169 = arith.constant 320 : index
    %swap3A_170 = tpu.vector_load %arg8[%swap3A_169] {strides = array<i32>} : memref<400xi32, #tpu.memory_space<vmem>>, vector<16xi32>,
    tpu.vector_store %arg8[%swap3A_169], %get3A_168 {strides = array<i32>} : memref<400xi32, #tpu.memory_space<vmem>>, vector<16xi32>,
    %add3A_171 = arith.constant 320 : i32
    %add3A_172 = vector.broadcast %add3A_171 : i32 to vector<16xi32>
    %add3A_173 = arith.addi %iota3A, %add3A_172 : vector<16xi32>
    tpu.vector_store_idx %arg6[%add3A_173, %get3A_168], %broadcast_in_dim3A_3 : memref<400x128xf32, #tpu.memory_space<vmem>>[vector<16xi32>, vector<16xi32>], vector<16xf32>,
    %get3A_174 = arith.constant 336 : index
    %get3A_175 = tpu.vector_load %arg4[%get3A_174] {strides = array<i32>} : memref<400xi32, #tpu.memory_space<vmem>>, vector<16xi32>,
    %swap3A_176 = arith.constant 336 : index
    %swap3A_177 = tpu.vector_load %arg8[%swap3A_176] {strides = array<i32>} : memref<400xi32, #tpu.memory_space<vmem>>, vector<16xi32>,
    tpu.vector_store %arg8[%swap3A_176], %get3A_175 {strides = array<i32>} : memref<400xi32, #tpu.memory_space<vmem>>, vector<16xi32>,
    %add3A_178 = arith.constant 336 : i32
    %add3A_179 = vector.broadcast %add3A_178 : i32 to vector<16xi32>
    %add3A_180 = arith.addi %iota3A, %add3A_179 : vector<16xi32>
    tpu.vector_store_idx %arg6[%add3A_180, %get3A_175], %broadcast_in_dim3A_3 : memref<400x128xf32, #tpu.memory_space<vmem>>[vector<16xi32>, vector<16xi32>], vector<16xf32>,
    %get3A_181 = arith.constant 352 : index
    %get3A_182 = tpu.vector_load %arg4[%get3A_181] {strides = array<i32>} : memref<400xi32, #tpu.memory_space<vmem>>, vector<16xi32>,
    %swap3A_183 = arith.constant 352 : index
    %swap3A_184 = tpu.vector_load %arg8[%swap3A_183] {strides = array<i32>} : memref<400xi32, #tpu.memory_space<vmem>>, vector<16xi32>,
    tpu.vector_store %arg8[%swap3A_183], %get3A_182 {strides = array<i32>} : memref<400xi32, #tpu.memory_space<vmem>>, vector<16xi32>,
    %add3A_185 = arith.constant 352 : i32
    %add3A_186 = vector.broadcast %add3A_185 : i32 to vector<16xi32>
    %add3A_187 = arith.addi %iota3A, %add3A_186 : vector<16xi32>
    tpu.vector_store_idx %arg6[%add3A_187, %get3A_182], %broadcast_in_dim3A_3 : memref<400x128xf32, #tpu.memory_space<vmem>>[vector<16xi32>, vector<16xi32>], vector<16xf32>,
    %get3A_188 = arith.constant 368 : index
    %get3A_189 = tpu.vector_load %arg4[%get3A_188] {strides = array<i32>} : memref<400xi32, #tpu.memory_space<vmem>>, vector<16xi32>,
    %swap3A_190 = arith.constant 368 : index
    %swap3A_191 = tpu.vector_load %arg8[%swap3A_190] {strides = array<i32>} : memref<400xi32, #tpu.memory_space<vmem>>, vector<16xi32>,
    tpu.vector_store %arg8[%swap3A_190], %get3A_189 {strides = array<i32>} : memref<400xi32, #tpu.memory_space<vmem>>, vector<16xi32>,
    %add3A_192 = arith.constant 368 : i32
    %add3A_193 = vector.broadcast %add3A_192 : i32 to vector<16xi32>
    %add3A_194 = arith.addi %iota3A, %add3A_193 : vector<16xi32>
    tpu.vector_store_idx %arg6[%add3A_194, %get3A_189], %broadcast_in_dim3A_3 : memref<400x128xf32, #tpu.memory_space<vmem>>[vector<16xi32>, vector<16xi32>], vector<16xf32>,
    %get3A_195 = arith.constant 384 : index
    %get3A_196 = tpu.vector_load %arg4[%get3A_195] {strides = array<i32>} : memref<400xi32, #tpu.memory_space<vmem>>, vector<16xi32>,
    %swap3A_197 = arith.constant 384 : index
    %swap3A_198 = tpu.vector_load %arg8[%swap3A_197] {strides = array<i32>} : memref<400xi32, #tpu.memory_space<vmem>>, vector<16xi32>,
    tpu.vector_store %arg8[%swap3A_197], %get3A_196 {strides = array<i32>} : memref<400xi32, #tpu.memory_space<vmem>>, vector<16xi32>,
    %add3A_199 = arith.constant 384 : i32
    %add3A_200 = vector.broadcast %add3A_199 : i32 to vector<16xi32>
    %add3A_201 = arith.addi %iota3A, %add3A_200 : vector<16xi32>
    tpu.vector_store_idx %arg6[%add3A_201, %get3A_196], %broadcast_in_dim3A_3 : memref<400x128xf32, #tpu.memory_space<vmem>>[vector<16xi32>, vector<16xi32>], vector<16xf32>,
    %add3A_202 = arith.constant 64 : i32
    %add3A_203 = arith.addi %add3A, %add3A_202 : i32
    %min3A_204 = arith.constant 249 : i32
    %min3A_205 = arith.minsi %add3A_203, %min3A_204 : i32
    %mul3A_206 = arith.constant 400 : i32
    %mul3A_207 = arith.muli %min3A_205, %mul3A_206 : i32
    %dma_start3A_208 = tpu.memref_slice %arg2[%mul3A_207] : memref<100000xi32, #tpu.memory_space<hbm>> -> memref<400xi32, #tpu.memory_space<hbm>>
    %dma_start3A_209 = tpu.memref_slice %arg2[%mul3A_207] : memref<100000xi32, #tpu.memory_space<hbm>> -> memref<400xi32, #tpu.memory_space<hbm>>
    tpu.enqueue_dma source(%dma_start3A_209 : memref<400xi32, #tpu.memory_space<hbm>>) target(%arg4 : memref<400xi32, #tpu.memory_space<vmem>>) target_semaphore(%arg12 : memref<!tpu.dma_semaphore, #tpu.memory_space<semaphore_mem>>)
    %mul3A_210 = arith.constant 400 : i32
    %mul3A_211 = arith.muli %min3A_27, %mul3A_210 : i32
    %dma_start3A_212 = arith.constant 0 : i32
    %dma_start3A_213 = tpu.memref_slice %arg3[%mul3A_211, %dma_start3A_212] : memref<100000x128xf32, #tpu.memory_space<hbm>> -> memref<400x128xf32, #tpu.memory_space<hbm>>
    %dma_start3A_214 = arith.constant 0 : i32
    %dma_start3A_215 = tpu.memref_slice %arg3[%mul3A_211, %dma_start3A_214] : memref<100000x128xf32, #tpu.memory_space<hbm>> -> memref<400x128xf32, #tpu.memory_space<hbm>>
    tpu.enqueue_dma source(%arg6 : memref<400x128xf32, #tpu.memory_space<vmem>>) target(%dma_start3A_215 : memref<400x128xf32, #tpu.memory_space<hbm>>) target_semaphore(%arg10 : memref<!tpu.dma_semaphore, #tpu.memory_space<semaphore_mem>>)
    %add3A_216 = arith.constant 32 : i32
    %add3A_217 = arith.addi %add3A, %add3A_216 : i32
    %min3A_218 = arith.constant 249 : i32
    %min3A_219 = arith.minsi %add3A_217, %min3A_218 : i32
    %dma_wait3A_220 = tpu.memref_slice %arg2[%mul3A_15] : memref<100000xi32, #tpu.memory_space<hbm>> -> memref<400xi32, #tpu.memory_space<hbm>>
    %dma_wait3A_221 = tpu.memref_slice %arg2[%mul3A_15] : memref<100000xi32, #tpu.memory_space<hbm>> -> memref<400xi32, #tpu.memory_space<hbm>>
    tpu.wait_dma2 semaphore(%arg13 : memref<!tpu.dma_semaphore, #tpu.memory_space<semaphore_mem>>) src(%dma_wait3A_221 : memref<400xi32, #tpu.memory_space<hbm>>) dst(%arg5 : memref<400xi32, #tpu.memory_space<vmem>>)
    %get3A_222 = arith.constant 0 : index
    %get3A_223 = tpu.vector_load %arg5[%get3A_222] {strides = array<i32>} : memref<400xi32, #tpu.memory_space<vmem>>, vector<16xi32>,
    %swap3A_224 = arith.constant 0 : index
    %swap3A_225 = tpu.vector_load %arg9[%swap3A_224] {strides = array<i32>} : memref<400xi32, #tpu.memory_space<vmem>>, vector<16xi32>,
    tpu.vector_store %arg9[%swap3A_224], %get3A_223 {strides = array<i32>} : memref<400xi32, #tpu.memory_space<vmem>>, vector<16xi32>,
    %add3A_226 = arith.constant 0 : i32
    %add3A_227 = vector.broadcast %add3A_226 : i32 to vector<16xi32>
    %add3A_228 = arith.addi %iota3A, %add3A_227 : vector<16xi32>
    tpu.vector_store_idx %arg7[%add3A_228, %get3A_223], %broadcast_in_dim3A_3 : memref<400x128xf32, #tpu.memory_space<vmem>>[vector<16xi32>, vector<16xi32>], vector<16xf32>,
    %get3A_229 = arith.constant 16 : index
    %get3A_230 = tpu.vector_load %arg5[%get3A_229] {strides = array<i32>} : memref<400xi32, #tpu.memory_space<vmem>>, vector<16xi32>,
    %swap3A_231 = arith.constant 16 : index
    %swap3A_232 = tpu.vector_load %arg9[%swap3A_231] {strides = array<i32>} : memref<400xi32, #tpu.memory_space<vmem>>, vector<16xi32>,
    tpu.vector_store %arg9[%swap3A_231], %get3A_230 {strides = array<i32>} : memref<400xi32, #tpu.memory_space<vmem>>, vector<16xi32>,
    %add3A_233 = arith.constant 16 : i32
    %add3A_234 = vector.broadcast %add3A_233 : i32 to vector<16xi32>
    %add3A_235 = arith.addi %iota3A, %add3A_234 : vector<16xi32>
    tpu.vector_store_idx %arg7[%add3A_235, %get3A_230], %broadcast_in_dim3A_3 : memref<400x128xf32, #tpu.memory_space<vmem>>[vector<16xi32>, vector<16xi32>], vector<16xf32>,
    %get3A_236 = arith.constant 32 : index
    %get3A_237 = tpu.vector_load %arg5[%get3A_236] {strides = array<i32>} : memref<400xi32, #tpu.memory_space<vmem>>, vector<16xi32>,
    %swap3A_238 = arith.constant 32 : index
    %swap3A_239 = tpu.vector_load %arg9[%swap3A_238] {strides = array<i32>} : memref<400xi32, #tpu.memory_space<vmem>>, vector<16xi32>,
    tpu.vector_store %arg9[%swap3A_238], %get3A_237 {strides = array<i32>} : memref<400xi32, #tpu.memory_space<vmem>>, vector<16xi32>,
    %add3A_240 = arith.constant 32 : i32
    %add3A_241 = vector.broadcast %add3A_240 : i32 to vector<16xi32>
    %add3A_242 = arith.addi %iota3A, %add3A_241 : vector<16xi32>
    tpu.vector_store_idx %arg7[%add3A_242, %get3A_237], %broadcast_in_dim3A_3 : memref<400x128xf32, #tpu.memory_space<vmem>>[vector<16xi32>, vector<16xi32>], vector<16xf32>,
    %get3A_243 = arith.constant 48 : index
    %get3A_244 = tpu.vector_load %arg5[%get3A_243] {strides = array<i32>} : memref<400xi32, #tpu.memory_space<vmem>>, vector<16xi32>,
    %swap3A_245 = arith.constant 48 : index
    %swap3A_246 = tpu.vector_load %arg9[%swap3A_245] {strides = array<i32>} : memref<400xi32, #tpu.memory_space<vmem>>, vector<16xi32>,
    tpu.vector_store %arg9[%swap3A_245], %get3A_244 {strides = array<i32>} : memref<400xi32, #tpu.memory_space<vmem>>, vector<16xi32>,
    %add3A_247 = arith.constant 48 : i32
    %add3A_248 = vector.broadcast %add3A_247 : i32 to vector<16xi32>
    %add3A_249 = arith.addi %iota3A, %add3A_248 : vector<16xi32>
    tpu.vector_store_idx %arg7[%add3A_249, %get3A_244], %broadcast_in_dim3A_3 : memref<400x128xf32, #tpu.memory_space<vmem>>[vector<16xi32>, vector<16xi32>], vector<16xf32>,
    %get3A_250 = arith.constant 64 : index
    %get3A_251 = tpu.vector_load %arg5[%get3A_250] {strides = array<i32>} : memref<400xi32, #tpu.memory_space<vmem>>, vector<16xi32>,
    %swap3A_252 = arith.constant 64 : index
    %swap3A_253 = tpu.vector_load %arg9[%swap3A_252] {strides = array<i32>} : memref<400xi32, #tpu.memory_space<vmem>>, vector<16xi32>,
    tpu.vector_store %arg9[%swap3A_252], %get3A_251 {strides = array<i32>} : memref<400xi32, #tpu.memory_space<vmem>>, vector<16xi32>,
    %add3A_254 = arith.constant 64 : i32
    %add3A_255 = vector.broadcast %add3A_254 : i32 to vector<16xi32>
    %add3A_256 = arith.addi %iota3A, %add3A_255 : vector<16xi32>
    tpu.vector_store_idx %arg7[%add3A_256, %get3A_251], %broadcast_in_dim3A_3 : memref<400x128xf32, #tpu.memory_space<vmem>>[vector<16xi32>, vector<16xi32>], vector<16xf32>,
    %get3A_257 = arith.constant 80 : index
    %get3A_258 = tpu.vector_load %arg5[%get3A_257] {strides = array<i32>} : memref<400xi32, #tpu.memory_space<vmem>>, vector<16xi32>,
    %swap3A_259 = arith.constant 80 : index
    %swap3A_260 = tpu.vector_load %arg9[%swap3A_259] {strides = array<i32>} : memref<400xi32, #tpu.memory_space<vmem>>, vector<16xi32>,
    tpu.vector_store %arg9[%swap3A_259], %get3A_258 {strides = array<i32>} : memref<400xi32, #tpu.memory_space<vmem>>, vector<16xi32>,
    %add3A_261 = arith.constant 80 : i32
    %add3A_262 = vector.broadcast %add3A_261 : i32 to vector<16xi32>
    %add3A_263 = arith.addi %iota3A, %add3A_262 : vector<16xi32>
    tpu.vector_store_idx %arg7[%add3A_263, %get3A_258], %broadcast_in_dim3A_3 : memref<400x128xf32, #tpu.memory_space<vmem>>[vector<16xi32>, vector<16xi32>], vector<16xf32>,
    %get3A_264 = arith.constant 96 : index
    %get3A_265 = tpu.vector_load %arg5[%get3A_264] {strides = array<i32>} : memref<400xi32, #tpu.memory_space<vmem>>, vector<16xi32>,
    %swap3A_266 = arith.constant 96 : index
    %swap3A_267 = tpu.vector_load %arg9[%swap3A_266] {strides = array<i32>} : memref<400xi32, #tpu.memory_space<vmem>>, vector<16xi32>,
    tpu.vector_store %arg9[%swap3A_266], %get3A_265 {strides = array<i32>} : memref<400xi32, #tpu.memory_space<vmem>>, vector<16xi32>,
    %add3A_268 = arith.constant 96 : i32
    %add3A_269 = vector.broadcast %add3A_268 : i32 to vector<16xi32>
    %add3A_270 = arith.addi %iota3A, %add3A_269 : vector<16xi32>
    tpu.vector_store_idx %arg7[%add3A_270, %get3A_265], %broadcast_in_dim3A_3 : memref<400x128xf32, #tpu.memory_space<vmem>>[vector<16xi32>, vector<16xi32>], vector<16xf32>,
    %get3A_271 = arith.constant 112 : index
    %get3A_272 = tpu.vector_load %arg5[%get3A_271] {strides = array<i32>} : memref<400xi32, #tpu.memory_space<vmem>>, vector<16xi32>,
    %swap3A_273 = arith.constant 112 : index
    %swap3A_274 = tpu.vector_load %arg9[%swap3A_273] {strides = array<i32>} : memref<400xi32, #tpu.memory_space<vmem>>, vector<16xi32>,
    tpu.vector_store %arg9[%swap3A_273], %get3A_272 {strides = array<i32>} : memref<400xi32, #tpu.memory_space<vmem>>, vector<16xi32>,
    %add3A_275 = arith.constant 112 : i32
    %add3A_276 = vector.broadcast %add3A_275 : i32 to vector<16xi32>
    %add3A_277 = arith.addi %iota3A, %add3A_276 : vector<16xi32>
    tpu.vector_store_idx %arg7[%add3A_277, %get3A_272], %broadcast_in_dim3A_3 : memref<400x128xf32, #tpu.memory_space<vmem>>[vector<16xi32>, vector<16xi32>], vector<16xf32>,
    %get3A_278 = arith.constant 128 : index
    %get3A_279 = tpu.vector_load %arg5[%get3A_278] {strides = array<i32>} : memref<400xi32, #tpu.memory_space<vmem>>, vector<16xi32>,
    %swap3A_280 = arith.constant 128 : index
    %swap3A_281 = tpu.vector_load %arg9[%swap3A_280] {strides = array<i32>} : memref<400xi32, #tpu.memory_space<vmem>>, vector<16xi32>,
    tpu.vector_store %arg9[%swap3A_280], %get3A_279 {strides = array<i32>} : memref<400xi32, #tpu.memory_space<vmem>>, vector<16xi32>,
    %add3A_282 = arith.constant 128 : i32
    %add3A_283 = vector.broadcast %add3A_282 : i32 to vector<16xi32>
    %add3A_284 = arith.addi %iota3A, %add3A_283 : vector<16xi32>
    tpu.vector_store_idx %arg7[%add3A_284, %get3A_279], %broadcast_in_dim3A_3 : memref<400x128xf32, #tpu.memory_space<vmem>>[vector<16xi32>, vector<16xi32>], vector<16xf32>,
    %get3A_285 = arith.constant 144 : index
    %get3A_286 = tpu.vector_load %arg5[%get3A_285] {strides = array<i32>} : memref<400xi32, #tpu.memory_space<vmem>>, vector<16xi32>,
    %swap3A_287 = arith.constant 144 : index
    %swap3A_288 = tpu.vector_load %arg9[%swap3A_287] {strides = array<i32>} : memref<400xi32, #tpu.memory_space<vmem>>, vector<16xi32>,
    tpu.vector_store %arg9[%swap3A_287], %get3A_286 {strides = array<i32>} : memref<400xi32, #tpu.memory_space<vmem>>, vector<16xi32>,
    %add3A_289 = arith.constant 144 : i32
    %add3A_290 = vector.broadcast %add3A_289 : i32 to vector<16xi32>
    %add3A_291 = arith.addi %iota3A, %add3A_290 : vector<16xi32>
    tpu.vector_store_idx %arg7[%add3A_291, %get3A_286], %broadcast_in_dim3A_3 : memref<400x128xf32, #tpu.memory_space<vmem>>[vector<16xi32>, vector<16xi32>], vector<16xf32>,
    %get3A_292 = arith.constant 160 : index
    %get3A_293 = tpu.vector_load %arg5[%get3A_292] {strides = array<i32>} : memref<400xi32, #tpu.memory_space<vmem>>, vector<16xi32>,
    %swap3A_294 = arith.constant 160 : index
    %swap3A_295 = tpu.vector_load %arg9[%swap3A_294] {strides = array<i32>} : memref<400xi32, #tpu.memory_space<vmem>>, vector<16xi32>,
    tpu.vector_store %arg9[%swap3A_294], %get3A_293 {strides = array<i32>} : memref<400xi32, #tpu.memory_space<vmem>>, vector<16xi32>,
    %add3A_296 = arith.constant 160 : i32
    %add3A_297 = vector.broadcast %add3A_296 : i32 to vector<16xi32>
    %add3A_298 = arith.addi %iota3A, %add3A_297 : vector<16xi32>
    tpu.vector_store_idx %arg7[%add3A_298, %get3A_293], %broadcast_in_dim3A_3 : memref<400x128xf32, #tpu.memory_space<vmem>>[vector<16xi32>, vector<16xi32>], vector<16xf32>,
    %get3A_299 = arith.constant 176 : index
    %get3A_300 = tpu.vector_load %arg5[%get3A_299] {strides = array<i32>} : memref<400xi32, #tpu.memory_space<vmem>>, vector<16xi32>,
    %swap3A_301 = arith.constant 176 : index
    %swap3A_302 = tpu.vector_load %arg9[%swap3A_301] {strides = array<i32>} : memref<400xi32, #tpu.memory_space<vmem>>, vector<16xi32>,
    tpu.vector_store %arg9[%swap3A_301], %get3A_300 {strides = array<i32>} : memref<400xi32, #tpu.memory_space<vmem>>, vector<16xi32>,
    %add3A_303 = arith.constant 176 : i32
    %add3A_304 = vector.broadcast %add3A_303 : i32 to vector<16xi32>
    %add3A_305 = arith.addi %iota3A, %add3A_304 : vector<16xi32>
    tpu.vector_store_idx %arg7[%add3A_305, %get3A_300], %broadcast_in_dim3A_3 : memref<400x128xf32, #tpu.memory_space<vmem>>[vector<16xi32>, vector<16xi32>], vector<16xf32>,
    %get3A_306 = arith.constant 192 : index
    %get3A_307 = tpu.vector_load %arg5[%get3A_306] {strides = array<i32>} : memref<400xi32, #tpu.memory_space<vmem>>, vector<16xi32>,
    %swap3A_308 = arith.constant 192 : index
    %swap3A_309 = tpu.vector_load %arg9[%swap3A_308] {strides = array<i32>} : memref<400xi32, #tpu.memory_space<vmem>>, vector<16xi32>,
    tpu.vector_store %arg9[%swap3A_308], %get3A_307 {strides = array<i32>} : memref<400xi32, #tpu.memory_space<vmem>>, vector<16xi32>,
    %add3A_310 = arith.constant 192 : i32
    %add3A_311 = vector.broadcast %add3A_310 : i32 to vector<16xi32>
    %add3A_312 = arith.addi %iota3A, %add3A_311 : vector<16xi32>
    tpu.vector_store_idx %arg7[%add3A_312, %get3A_307], %broadcast_in_dim3A_3 : memref<400x128xf32, #tpu.memory_space<vmem>>[vector<16xi32>, vector<16xi32>], vector<16xf32>,
    %get3A_313 = arith.constant 208 : index
    %get3A_314 = tpu.vector_load %arg5[%get3A_313] {strides = array<i32>} : memref<400xi32, #tpu.memory_space<vmem>>, vector<16xi32>,
    %swap3A_315 = arith.constant 208 : index
    %swap3A_316 = tpu.vector_load %arg9[%swap3A_315] {strides = array<i32>} : memref<400xi32, #tpu.memory_space<vmem>>, vector<16xi32>,
    tpu.vector_store %arg9[%swap3A_315], %get3A_314 {strides = array<i32>} : memref<400xi32, #tpu.memory_space<vmem>>, vector<16xi32>,
    %add3A_317 = arith.constant 208 : i32
    %add3A_318 = vector.broadcast %add3A_317 : i32 to vector<16xi32>
    %add3A_319 = arith.addi %iota3A, %add3A_318 : vector<16xi32>
    tpu.vector_store_idx %arg7[%add3A_319, %get3A_314], %broadcast_in_dim3A_3 : memref<400x128xf32, #tpu.memory_space<vmem>>[vector<16xi32>, vector<16xi32>], vector<16xf32>,
    %get3A_320 = arith.constant 224 : index
    %get3A_321 = tpu.vector_load %arg5[%get3A_320] {strides = array<i32>} : memref<400xi32, #tpu.memory_space<vmem>>, vector<16xi32>,
    %swap3A_322 = arith.constant 224 : index
    %swap3A_323 = tpu.vector_load %arg9[%swap3A_322] {strides = array<i32>} : memref<400xi32, #tpu.memory_space<vmem>>, vector<16xi32>,
    tpu.vector_store %arg9[%swap3A_322], %get3A_321 {strides = array<i32>} : memref<400xi32, #tpu.memory_space<vmem>>, vector<16xi32>,
    %add3A_324 = arith.constant 224 : i32
    %add3A_325 = vector.broadcast %add3A_324 : i32 to vector<16xi32>
    %add3A_326 = arith.addi %iota3A, %add3A_325 : vector<16xi32>
    tpu.vector_store_idx %arg7[%add3A_326, %get3A_321], %broadcast_in_dim3A_3 : memref<400x128xf32, #tpu.memory_space<vmem>>[vector<16xi32>, vector<16xi32>], vector<16xf32>,
    %get3A_327 = arith.constant 240 : index
    %get3A_328 = tpu.vector_load %arg5[%get3A_327] {strides = array<i32>} : memref<400xi32, #tpu.memory_space<vmem>>, vector<16xi32>,
    %swap3A_329 = arith.constant 240 : index
    %swap3A_330 = tpu.vector_load %arg9[%swap3A_329] {strides = array<i32>} : memref<400xi32, #tpu.memory_space<vmem>>, vector<16xi32>,
    tpu.vector_store %arg9[%swap3A_329], %get3A_328 {strides = array<i32>} : memref<400xi32, #tpu.memory_space<vmem>>, vector<16xi32>,
    %add3A_331 = arith.constant 240 : i32
    %add3A_332 = vector.broadcast %add3A_331 : i32 to vector<16xi32>
    %add3A_333 = arith.addi %iota3A, %add3A_332 : vector<16xi32>
    tpu.vector_store_idx %arg7[%add3A_333, %get3A_328], %broadcast_in_dim3A_3 : memref<400x128xf32, #tpu.memory_space<vmem>>[vector<16xi32>, vector<16xi32>], vector<16xf32>,
    %get3A_334 = arith.constant 256 : index
    %get3A_335 = tpu.vector_load %arg5[%get3A_334] {strides = array<i32>} : memref<400xi32, #tpu.memory_space<vmem>>, vector<16xi32>,
    %swap3A_336 = arith.constant 256 : index
    %swap3A_337 = tpu.vector_load %arg9[%swap3A_336] {strides = array<i32>} : memref<400xi32, #tpu.memory_space<vmem>>, vector<16xi32>,
    tpu.vector_store %arg9[%swap3A_336], %get3A_335 {strides = array<i32>} : memref<400xi32, #tpu.memory_space<vmem>>, vector<16xi32>,
    %add3A_338 = arith.constant 256 : i32
    %add3A_339 = vector.broadcast %add3A_338 : i32 to vector<16xi32>
    %add3A_340 = arith.addi %iota3A, %add3A_339 : vector<16xi32>
    tpu.vector_store_idx %arg7[%add3A_340, %get3A_335], %broadcast_in_dim3A_3 : memref<400x128xf32, #tpu.memory_space<vmem>>[vector<16xi32>, vector<16xi32>], vector<16xf32>,
    %get3A_341 = arith.constant 272 : index
    %get3A_342 = tpu.vector_load %arg5[%get3A_341] {strides = array<i32>} : memref<400xi32, #tpu.memory_space<vmem>>, vector<16xi32>,
    %swap3A_343 = arith.constant 272 : index
    %swap3A_344 = tpu.vector_load %arg9[%swap3A_343] {strides = array<i32>} : memref<400xi32, #tpu.memory_space<vmem>>, vector<16xi32>,
    tpu.vector_store %arg9[%swap3A_343], %get3A_342 {strides = array<i32>} : memref<400xi32, #tpu.memory_space<vmem>>, vector<16xi32>,
    %add3A_345 = arith.constant 272 : i32
    %add3A_346 = vector.broadcast %add3A_345 : i32 to vector<16xi32>
    %add3A_347 = arith.addi %iota3A, %add3A_346 : vector<16xi32>
    tpu.vector_store_idx %arg7[%add3A_347, %get3A_342], %broadcast_in_dim3A_3 : memref<400x128xf32, #tpu.memory_space<vmem>>[vector<16xi32>, vector<16xi32>], vector<16xf32>,
    %get3A_348 = arith.constant 288 : index
    %get3A_349 = tpu.vector_load %arg5[%get3A_348] {strides = array<i32>} : memref<400xi32, #tpu.memory_space<vmem>>, vector<16xi32>,
    %swap3A_350 = arith.constant 288 : index
    %swap3A_351 = tpu.vector_load %arg9[%swap3A_350] {strides = array<i32>} : memref<400xi32, #tpu.memory_space<vmem>>, vector<16xi32>,
    tpu.vector_store %arg9[%swap3A_350], %get3A_349 {strides = array<i32>} : memref<400xi32, #tpu.memory_space<vmem>>, vector<16xi32>,
    %add3A_352 = arith.constant 288 : i32
    %add3A_353 = vector.broadcast %add3A_352 : i32 to vector<16xi32>
    %add3A_354 = arith.addi %iota3A, %add3A_353 : vector<16xi32>
    tpu.vector_store_idx %arg7[%add3A_354, %get3A_349], %broadcast_in_dim3A_3 : memref<400x128xf32, #tpu.memory_space<vmem>>[vector<16xi32>, vector<16xi32>], vector<16xf32>,
    %get3A_355 = arith.constant 304 : index
    %get3A_356 = tpu.vector_load %arg5[%get3A_355] {strides = array<i32>} : memref<400xi32, #tpu.memory_space<vmem>>, vector<16xi32>,
    %swap3A_357 = arith.constant 304 : index
    %swap3A_358 = tpu.vector_load %arg9[%swap3A_357] {strides = array<i32>} : memref<400xi32, #tpu.memory_space<vmem>>, vector<16xi32>,
    tpu.vector_store %arg9[%swap3A_357], %get3A_356 {strides = array<i32>} : memref<400xi32, #tpu.memory_space<vmem>>, vector<16xi32>,
    %add3A_359 = arith.constant 304 : i32
    %add3A_360 = vector.broadcast %add3A_359 : i32 to vector<16xi32>
    %add3A_361 = arith.addi %iota3A, %add3A_360 : vector<16xi32>
    tpu.vector_store_idx %arg7[%add3A_361, %get3A_356], %broadcast_in_dim3A_3 : memref<400x128xf32, #tpu.memory_space<vmem>>[vector<16xi32>, vector<16xi32>], vector<16xf32>,
    %get3A_362 = arith.constant 320 : index
    %get3A_363 = tpu.vector_load %arg5[%get3A_362] {strides = array<i32>} : memref<400xi32, #tpu.memory_space<vmem>>, vector<16xi32>,
    %swap3A_364 = arith.constant 320 : index
    %swap3A_365 = tpu.vector_load %arg9[%swap3A_364] {strides = array<i32>} : memref<400xi32, #tpu.memory_space<vmem>>, vector<16xi32>,
    tpu.vector_store %arg9[%swap3A_364], %get3A_363 {strides = array<i32>} : memref<400xi32, #tpu.memory_space<vmem>>, vector<16xi32>,
    %add3A_366 = arith.constant 320 : i32
    %add3A_367 = vector.broadcast %add3A_366 : i32 to vector<16xi32>
    %add3A_368 = arith.addi %iota3A, %add3A_367 : vector<16xi32>
    tpu.vector_store_idx %arg7[%add3A_368, %get3A_363], %broadcast_in_dim3A_3 : memref<400x128xf32, #tpu.memory_space<vmem>>[vector<16xi32>, vector<16xi32>], vector<16xf32>,
    %get3A_369 = arith.constant 336 : index
    %get3A_370 = tpu.vector_load %arg5[%get3A_369] {strides = array<i32>} : memref<400xi32, #tpu.memory_space<vmem>>, vector<16xi32>,
    %swap3A_371 = arith.constant 336 : index
    %swap3A_372 = tpu.vector_load %arg9[%swap3A_371] {strides = array<i32>} : memref<400xi32, #tpu.memory_space<vmem>>, vector<16xi32>,
    tpu.vector_store %arg9[%swap3A_371], %get3A_370 {strides = array<i32>} : memref<400xi32, #tpu.memory_space<vmem>>, vector<16xi32>,
    %add3A_373 = arith.constant 336 : i32
    %add3A_374 = vector.broadcast %add3A_373 : i32 to vector<16xi32>
    %add3A_375 = arith.addi %iota3A, %add3A_374 : vector<16xi32>
    tpu.vector_store_idx %arg7[%add3A_375, %get3A_370], %broadcast_in_dim3A_3 : memref<400x128xf32, #tpu.memory_space<vmem>>[vector<16xi32>, vector<16xi32>], vector<16xf32>,
    %get3A_376 = arith.constant 352 : index
    %get3A_377 = tpu.vector_load %arg5[%get3A_376] {strides = array<i32>} : memref<400xi32, #tpu.memory_space<vmem>>, vector<16xi32>,
    %swap3A_378 = arith.constant 352 : index
    %swap3A_379 = tpu.vector_load %arg9[%swap3A_378] {strides = array<i32>} : memref<400xi32, #tpu.memory_space<vmem>>, vector<16xi32>,
    tpu.vector_store %arg9[%swap3A_378], %get3A_377 {strides = array<i32>} : memref<400xi32, #tpu.memory_space<vmem>>, vector<16xi32>,
    %add3A_380 = arith.constant 352 : i32
    %add3A_381 = vector.broadcast %add3A_380 : i32 to vector<16xi32>
    %add3A_382 = arith.addi %iota3A, %add3A_381 : vector<16xi32>
    tpu.vector_store_idx %arg7[%add3A_382, %get3A_377], %broadcast_in_dim3A_3 : memref<400x128xf32, #tpu.memory_space<vmem>>[vector<16xi32>, vector<16xi32>], vector<16xf32>,
    %get3A_383 = arith.constant 368 : index
    %get3A_384 = tpu.vector_load %arg5[%get3A_383] {strides = array<i32>} : memref<400xi32, #tpu.memory_space<vmem>>, vector<16xi32>,
    %swap3A_385 = arith.constant 368 : index
    %swap3A_386 = tpu.vector_load %arg9[%swap3A_385] {strides = array<i32>} : memref<400xi32, #tpu.memory_space<vmem>>, vector<16xi32>,
    tpu.vector_store %arg9[%swap3A_385], %get3A_384 {strides = array<i32>} : memref<400xi32, #tpu.memory_space<vmem>>, vector<16xi32>,
    %add3A_387 = arith.constant 368 : i32
    %add3A_388 = vector.broadcast %add3A_387 : i32 to vector<16xi32>
    %add3A_389 = arith.addi %iota3A, %add3A_388 : vector<16xi32>
    tpu.vector_store_idx %arg7[%add3A_389, %get3A_384], %broadcast_in_dim3A_3 : memref<400x128xf32, #tpu.memory_space<vmem>>[vector<16xi32>, vector<16xi32>], vector<16xf32>,
    %get3A_390 = arith.constant 384 : index
    %get3A_391 = tpu.vector_load %arg5[%get3A_390] {strides = array<i32>} : memref<400xi32, #tpu.memory_space<vmem>>, vector<16xi32>,
    %swap3A_392 = arith.constant 384 : index
    %swap3A_393 = tpu.vector_load %arg9[%swap3A_392] {strides = array<i32>} : memref<400xi32, #tpu.memory_space<vmem>>, vector<16xi32>,
    tpu.vector_store %arg9[%swap3A_392], %get3A_391 {strides = array<i32>} : memref<400xi32, #tpu.memory_space<vmem>>, vector<16xi32>,
    %add3A_394 = arith.constant 384 : i32
    %add3A_395 = vector.broadcast %add3A_394 : i32 to vector<16xi32>
    %add3A_396 = arith.addi %iota3A, %add3A_395 : vector<16xi32>
    tpu.vector_store_idx %arg7[%add3A_396, %get3A_391], %broadcast_in_dim3A_3 : memref<400x128xf32, #tpu.memory_space<vmem>>[vector<16xi32>, vector<16xi32>], vector<16xf32>,
    %add3A_397 = arith.constant 96 : i32
    %add3A_398 = arith.addi %add3A, %add3A_397 : i32
    %min3A_399 = arith.constant 249 : i32
    %min3A_400 = arith.minsi %add3A_398, %min3A_399 : i32
    %mul3A_401 = arith.constant 400 : i32
    %mul3A_402 = arith.muli %min3A_400, %mul3A_401 : i32
    %dma_start3A_403 = tpu.memref_slice %arg2[%mul3A_402] : memref<100000xi32, #tpu.memory_space<hbm>> -> memref<400xi32, #tpu.memory_space<hbm>>
    %dma_start3A_404 = tpu.memref_slice %arg2[%mul3A_402] : memref<100000xi32, #tpu.memory_space<hbm>> -> memref<400xi32, #tpu.memory_space<hbm>>
    tpu.enqueue_dma source(%dma_start3A_404 : memref<400xi32, #tpu.memory_space<hbm>>) target(%arg5 : memref<400xi32, #tpu.memory_space<vmem>>) target_semaphore(%arg13 : memref<!tpu.dma_semaphore, #tpu.memory_space<semaphore_mem>>)
    %mul3A_405 = arith.constant 400 : i32
    %mul3A_406 = arith.muli %min3A_219, %mul3A_405 : i32
    %dma_start3A_407 = arith.constant 0 : i32
    %dma_start3A_408 = tpu.memref_slice %arg3[%mul3A_406, %dma_start3A_407] : memref<100000x128xf32, #tpu.memory_space<hbm>> -> memref<400x128xf32, #tpu.memory_space<hbm>>
    %dma_start3A_409 = arith.constant 0 : i32
    %dma_start3A_410 = tpu.memref_slice %arg3[%mul3A_406, %dma_start3A_409] : memref<100000x128xf32, #tpu.memory_space<hbm>> -> memref<400x128xf32, #tpu.memory_space<hbm>>
    tpu.enqueue_dma source(%arg7 : memref<400x128xf32, #tpu.memory_space<vmem>>) target(%dma_start3A_410 : memref<400x128xf32, #tpu.memory_space<hbm>>) target_semaphore(%arg11 : memref<!tpu.dma_semaphore, #tpu.memory_space<semaphore_mem>>)
    %add3A_411 = arith.constant 64 : i32
    %add3A_412 = arith.addi %add3A, %add3A_411 : i32
    %min3A_413 = arith.constant 249 : i32
    %min3A_414 = arith.minsi %add3A_412, %min3A_413 : i32
    %dma_wait3A_415 = arith.constant 0 : i32
    %dma_wait3A_416 = tpu.memref_slice %arg3[%mul3A_211, %dma_wait3A_415] : memref<100000x128xf32, #tpu.memory_space<hbm>> -> memref<400x128xf32, #tpu.memory_space<hbm>>
    %dma_wait3A_417 = arith.constant 0 : i32
    %dma_wait3A_418 = tpu.memref_slice %arg3[%mul3A_211, %dma_wait3A_417] : memref<100000x128xf32, #tpu.memory_space<hbm>> -> memref<400x128xf32, #tpu.memory_space<hbm>>
    tpu.wait_dma2 semaphore(%arg10 : memref<!tpu.dma_semaphore, #tpu.memory_space<semaphore_mem>>) src(%arg6 : memref<400x128xf32, #tpu.memory_space<vmem>>) dst(%dma_wait3A_418 : memref<400x128xf32, #tpu.memory_space<hbm>>)
    %get3A_419 = arith.constant 0 : index
    %get3A_420 = tpu.vector_load %arg8[%get3A_419] {strides = array<i32>} : memref<400xi32, #tpu.memory_space<vmem>>, vector<16xi32>,
    %add3A_421 = arith.constant 0 : i32
    %add3A_422 = vector.broadcast %add3A_421 : i32 to vector<16xi32>
    %add3A_423 = arith.addi %iota3A, %add3A_422 : vector<16xi32>
    tpu.vector_store_idx %arg6[%add3A_423, %get3A_420], %broadcast_in_dim3A_1 : memref<400x128xf32, #tpu.memory_space<vmem>>[vector<16xi32>, vector<16xi32>], vector<16xf32>,
    %get3A_424 = arith.constant 16 : index
    %get3A_425 = tpu.vector_load %arg8[%get3A_424] {strides = array<i32>} : memref<400xi32, #tpu.memory_space<vmem>>, vector<16xi32>,
    %add3A_426 = arith.constant 16 : i32
    %add3A_427 = vector.broadcast %add3A_426 : i32 to vector<16xi32>
    %add3A_428 = arith.addi %iota3A, %add3A_427 : vector<16xi32>
    tpu.vector_store_idx %arg6[%add3A_428, %get3A_425], %broadcast_in_dim3A_1 : memref<400x128xf32, #tpu.memory_space<vmem>>[vector<16xi32>, vector<16xi32>], vector<16xf32>,
    %get3A_429 = arith.constant 32 : index
    %get3A_430 = tpu.vector_load %arg8[%get3A_429] {strides = array<i32>} : memref<400xi32, #tpu.memory_space<vmem>>, vector<16xi32>,
    %add3A_431 = arith.constant 32 : i32
    %add3A_432 = vector.broadcast %add3A_431 : i32 to vector<16xi32>
    %add3A_433 = arith.addi %iota3A, %add3A_432 : vector<16xi32>
    tpu.vector_store_idx %arg6[%add3A_433, %get3A_430], %broadcast_in_dim3A_1 : memref<400x128xf32, #tpu.memory_space<vmem>>[vector<16xi32>, vector<16xi32>], vector<16xf32>,
    %get3A_434 = arith.constant 48 : index
    %get3A_435 = tpu.vector_load %arg8[%get3A_434] {strides = array<i32>} : memref<400xi32, #tpu.memory_space<vmem>>, vector<16xi32>,
    %add3A_436 = arith.constant 48 : i32
    %add3A_437 = vector.broadcast %add3A_436 : i32 to vector<16xi32>
    %add3A_438 = arith.addi %iota3A, %add3A_437 : vector<16xi32>
    tpu.vector_store_idx %arg6[%add3A_438, %get3A_435], %broadcast_in_dim3A_1 : memref<400x128xf32, #tpu.memory_space<vmem>>[vector<16xi32>, vector<16xi32>], vector<16xf32>,
    %get3A_439 = arith.constant 64 : index
    %get3A_440 = tpu.vector_load %arg8[%get3A_439] {strides = array<i32>} : memref<400xi32, #tpu.memory_space<vmem>>, vector<16xi32>,
    %add3A_441 = arith.constant 64 : i32
    %add3A_442 = vector.broadcast %add3A_441 : i32 to vector<16xi32>
    %add3A_443 = arith.addi %iota3A, %add3A_442 : vector<16xi32>
    tpu.vector_store_idx %arg6[%add3A_443, %get3A_440], %broadcast_in_dim3A_1 : memref<400x128xf32, #tpu.memory_space<vmem>>[vector<16xi32>, vector<16xi32>], vector<16xf32>,
    %get3A_444 = arith.constant 80 : index
    %get3A_445 = tpu.vector_load %arg8[%get3A_444] {strides = array<i32>} : memref<400xi32, #tpu.memory_space<vmem>>, vector<16xi32>,
    %add3A_446 = arith.constant 80 : i32
    %add3A_447 = vector.broadcast %add3A_446 : i32 to vector<16xi32>
    %add3A_448 = arith.addi %iota3A, %add3A_447 : vector<16xi32>
    tpu.vector_store_idx %arg6[%add3A_448, %get3A_445], %broadcast_in_dim3A_1 : memref<400x128xf32, #tpu.memory_space<vmem>>[vector<16xi32>, vector<16xi32>], vector<16xf32>,
    %get3A_449 = arith.constant 96 : index
    %get3A_450 = tpu.vector_load %arg8[%get3A_449] {strides = array<i32>} : memref<400xi32, #tpu.memory_space<vmem>>, vector<16xi32>,
    %add3A_451 = arith.constant 96 : i32
    %add3A_452 = vector.broadcast %add3A_451 : i32 to vector<16xi32>
    %add3A_453 = arith.addi %iota3A, %add3A_452 : vector<16xi32>
    tpu.vector_store_idx %arg6[%add3A_453, %get3A_450], %broadcast_in_dim3A_1 : memref<400x128xf32, #tpu.memory_space<vmem>>[vector<16xi32>, vector<16xi32>], vector<16xf32>,
    %get3A_454 = arith.constant 112 : index
    %get3A_455 = tpu.vector_load %arg8[%get3A_454] {strides = array<i32>} : memref<400xi32, #tpu.memory_space<vmem>>, vector<16xi32>,
    %add3A_456 = arith.constant 112 : i32
    %add3A_457 = vector.broadcast %add3A_456 : i32 to vector<16xi32>
    %add3A_458 = arith.addi %iota3A, %add3A_457 : vector<16xi32>
    tpu.vector_store_idx %arg6[%add3A_458, %get3A_455], %broadcast_in_dim3A_1 : memref<400x128xf32, #tpu.memory_space<vmem>>[vector<16xi32>, vector<16xi32>], vector<16xf32>,
    %get3A_459 = arith.constant 128 : index
    %get3A_460 = tpu.vector_load %arg8[%get3A_459] {strides = array<i32>} : memref<400xi32, #tpu.memory_space<vmem>>, vector<16xi32>,
    %add3A_461 = arith.constant 128 : i32
    %add3A_462 = vector.broadcast %add3A_461 : i32 to vector<16xi32>
    %add3A_463 = arith.addi %iota3A, %add3A_462 : vector<16xi32>
    tpu.vector_store_idx %arg6[%add3A_463, %get3A_460], %broadcast_in_dim3A_1 : memref<400x128xf32, #tpu.memory_space<vmem>>[vector<16xi32>, vector<16xi32>], vector<16xf32>,
    %get3A_464 = arith.constant 144 : index
    %get3A_465 = tpu.vector_load %arg8[%get3A_464] {strides = array<i32>} : memref<400xi32, #tpu.memory_space<vmem>>, vector<16xi32>,
    %add3A_466 = arith.constant 144 : i32
    %add3A_467 = vector.broadcast %add3A_466 : i32 to vector<16xi32>
    %add3A_468 = arith.addi %iota3A, %add3A_467 : vector<16xi32>
    tpu.vector_store_idx %arg6[%add3A_468, %get3A_465], %broadcast_in_dim3A_1 : memref<400x128xf32, #tpu.memory_space<vmem>>[vector<16xi32>, vector<16xi32>], vector<16xf32>,
    %get3A_469 = arith.constant 160 : index
    %get3A_470 = tpu.vector_load %arg8[%get3A_469] {strides = array<i32>} : memref<400xi32, #tpu.memory_space<vmem>>, vector<16xi32>,
    %add3A_471 = arith.constant 160 : i32
    %add3A_472 = vector.broadcast %add3A_471 : i32 to vector<16xi32>
    %add3A_473 = arith.addi %iota3A, %add3A_472 : vector<16xi32>
    tpu.vector_store_idx %arg6[%add3A_473, %get3A_470], %broadcast_in_dim3A_1 : memref<400x128xf32, #tpu.memory_space<vmem>>[vector<16xi32>, vector<16xi32>], vector<16xf32>,
    %get3A_474 = arith.constant 176 : index
    %get3A_475 = tpu.vector_load %arg8[%get3A_474] {strides = array<i32>} : memref<400xi32, #tpu.memory_space<vmem>>, vector<16xi32>,
    %add3A_476 = arith.constant 176 : i32
    %add3A_477 = vector.broadcast %add3A_476 : i32 to vector<16xi32>
    %add3A_478 = arith.addi %iota3A, %add3A_477 : vector<16xi32>
    tpu.vector_store_idx %arg6[%add3A_478, %get3A_475], %broadcast_in_dim3A_1 : memref<400x128xf32, #tpu.memory_space<vmem>>[vector<16xi32>, vector<16xi32>], vector<16xf32>,
    %get3A_479 = arith.constant 192 : index
    %get3A_480 = tpu.vector_load %arg8[%get3A_479] {strides = array<i32>} : memref<400xi32, #tpu.memory_space<vmem>>, vector<16xi32>,
    %add3A_481 = arith.constant 192 : i32
    %add3A_482 = vector.broadcast %add3A_481 : i32 to vector<16xi32>
    %add3A_483 = arith.addi %iota3A, %add3A_482 : vector<16xi32>
    tpu.vector_store_idx %arg6[%add3A_483, %get3A_480], %broadcast_in_dim3A_1 : memref<400x128xf32, #tpu.memory_space<vmem>>[vector<16xi32>, vector<16xi32>], vector<16xf32>,
    %get3A_484 = arith.constant 208 : index
    %get3A_485 = tpu.vector_load %arg8[%get3A_484] {strides = array<i32>} : memref<400xi32, #tpu.memory_space<vmem>>, vector<16xi32>,
    %add3A_486 = arith.constant 208 : i32
    %add3A_487 = vector.broadcast %add3A_486 : i32 to vector<16xi32>
    %add3A_488 = arith.addi %iota3A, %add3A_487 : vector<16xi32>
    tpu.vector_store_idx %arg6[%add3A_488, %get3A_485], %broadcast_in_dim3A_1 : memref<400x128xf32, #tpu.memory_space<vmem>>[vector<16xi32>, vector<16xi32>], vector<16xf32>,
    %get3A_489 = arith.constant 224 : index
    %get3A_490 = tpu.vector_load %arg8[%get3A_489] {strides = array<i32>} : memref<400xi32, #tpu.memory_space<vmem>>, vector<16xi32>,
    %add3A_491 = arith.constant 224 : i32
    %add3A_492 = vector.broadcast %add3A_491 : i32 to vector<16xi32>
    %add3A_493 = arith.addi %iota3A, %add3A_492 : vector<16xi32>
    tpu.vector_store_idx %arg6[%add3A_493, %get3A_490], %broadcast_in_dim3A_1 : memref<400x128xf32, #tpu.memory_space<vmem>>[vector<16xi32>, vector<16xi32>], vector<16xf32>,
    %get3A_494 = arith.constant 240 : index
    %get3A_495 = tpu.vector_load %arg8[%get3A_494] {strides = array<i32>} : memref<400xi32, #tpu.memory_space<vmem>>, vector<16xi32>,
    %add3A_496 = arith.constant 240 : i32
    %add3A_497 = vector.broadcast %add3A_496 : i32 to vector<16xi32>
    %add3A_498 = arith.addi %iota3A, %add3A_497 : vector<16xi32>
    tpu.vector_store_idx %arg6[%add3A_498, %get3A_495], %broadcast_in_dim3A_1 : memref<400x128xf32, #tpu.memory_space<vmem>>[vector<16xi32>, vector<16xi32>], vector<16xf32>,
    %get3A_499 = arith.constant 256 : index
    %get3A_500 = tpu.vector_load %arg8[%get3A_499] {strides = array<i32>} : memref<400xi32, #tpu.memory_space<vmem>>, vector<16xi32>,
    %add3A_501 = arith.constant 256 : i32
    %add3A_502 = vector.broadcast %add3A_501 : i32 to vector<16xi32>
    %add3A_503 = arith.addi %iota3A, %add3A_502 : vector<16xi32>
    tpu.vector_store_idx %arg6[%add3A_503, %get3A_500], %broadcast_in_dim3A_1 : memref<400x128xf32, #tpu.memory_space<vmem>>[vector<16xi32>, vector<16xi32>], vector<16xf32>,
    %get3A_504 = arith.constant 272 : index
    %get3A_505 = tpu.vector_load %arg8[%get3A_504] {strides = array<i32>} : memref<400xi32, #tpu.memory_space<vmem>>, vector<16xi32>,
    %add3A_506 = arith.constant 272 : i32
    %add3A_507 = vector.broadcast %add3A_506 : i32 to vector<16xi32>
    %add3A_508 = arith.addi %iota3A, %add3A_507 : vector<16xi32>
    tpu.vector_store_idx %arg6[%add3A_508, %get3A_505], %broadcast_in_dim3A_1 : memref<400x128xf32, #tpu.memory_space<vmem>>[vector<16xi32>, vector<16xi32>], vector<16xf32>,
    %get3A_509 = arith.constant 288 : index
    %get3A_510 = tpu.vector_load %arg8[%get3A_509] {strides = array<i32>} : memref<400xi32, #tpu.memory_space<vmem>>, vector<16xi32>,
    %add3A_511 = arith.constant 288 : i32
    %add3A_512 = vector.broadcast %add3A_511 : i32 to vector<16xi32>
    %add3A_513 = arith.addi %iota3A, %add3A_512 : vector<16xi32>
    tpu.vector_store_idx %arg6[%add3A_513, %get3A_510], %broadcast_in_dim3A_1 : memref<400x128xf32, #tpu.memory_space<vmem>>[vector<16xi32>, vector<16xi32>], vector<16xf32>,
    %get3A_514 = arith.constant 304 : index
    %get3A_515 = tpu.vector_load %arg8[%get3A_514] {strides = array<i32>} : memref<400xi32, #tpu.memory_space<vmem>>, vector<16xi32>,
    %add3A_516 = arith.constant 304 : i32
    %add3A_517 = vector.broadcast %add3A_516 : i32 to vector<16xi32>
    %add3A_518 = arith.addi %iota3A, %add3A_517 : vector<16xi32>
    tpu.vector_store_idx %arg6[%add3A_518, %get3A_515], %broadcast_in_dim3A_1 : memref<400x128xf32, #tpu.memory_space<vmem>>[vector<16xi32>, vector<16xi32>], vector<16xf32>,
    %get3A_519 = arith.constant 320 : index
    %get3A_520 = tpu.vector_load %arg8[%get3A_519] {strides = array<i32>} : memref<400xi32, #tpu.memory_space<vmem>>, vector<16xi32>,
    %add3A_521 = arith.constant 320 : i32
    %add3A_522 = vector.broadcast %add3A_521 : i32 to vector<16xi32>
    %add3A_523 = arith.addi %iota3A, %add3A_522 : vector<16xi32>
    tpu.vector_store_idx %arg6[%add3A_523, %get3A_520], %broadcast_in_dim3A_1 : memref<400x128xf32, #tpu.memory_space<vmem>>[vector<16xi32>, vector<16xi32>], vector<16xf32>,
    %get3A_524 = arith.constant 336 : index
    %get3A_525 = tpu.vector_load %arg8[%get3A_524] {strides = array<i32>} : memref<400xi32, #tpu.memory_space<vmem>>, vector<16xi32>,
    %add3A_526 = arith.constant 336 : i32
    %add3A_527 = vector.broadcast %add3A_526 : i32 to vector<16xi32>
    %add3A_528 = arith.addi %iota3A, %add3A_527 : vector<16xi32>
    tpu.vector_store_idx %arg6[%add3A_528, %get3A_525], %broadcast_in_dim3A_1 : memref<400x128xf32, #tpu.memory_space<vmem>>[vector<16xi32>, vector<16xi32>], vector<16xf32>,
    %get3A_529 = arith.constant 352 : index
    %get3A_530 = tpu.vector_load %arg8[%get3A_529] {strides = array<i32>} : memref<400xi32, #tpu.memory_space<vmem>>, vector<16xi32>,
    %add3A_531 = arith.constant 352 : i32
    %add3A_532 = vector.broadcast %add3A_531 : i32 to vector<16xi32>
    %add3A_533 = arith.addi %iota3A, %add3A_532 : vector<16xi32>
    tpu.vector_store_idx %arg6[%add3A_533, %get3A_530], %broadcast_in_dim3A_1 : memref<400x128xf32, #tpu.memory_space<vmem>>[vector<16xi32>, vector<16xi32>], vector<16xf32>,
    %get3A_534 = arith.constant 368 : index
    %get3A_535 = tpu.vector_load %arg8[%get3A_534] {strides = array<i32>} : memref<400xi32, #tpu.memory_space<vmem>>, vector<16xi32>,
    %add3A_536 = arith.constant 368 : i32
    %add3A_537 = vector.broadcast %add3A_536 : i32 to vector<16xi32>
    %add3A_538 = arith.addi %iota3A, %add3A_537 : vector<16xi32>
    tpu.vector_store_idx %arg6[%add3A_538, %get3A_535], %broadcast_in_dim3A_1 : memref<400x128xf32, #tpu.memory_space<vmem>>[vector<16xi32>, vector<16xi32>], vector<16xf32>,
    %get3A_539 = arith.constant 384 : index
    %get3A_540 = tpu.vector_load %arg8[%get3A_539] {strides = array<i32>} : memref<400xi32, #tpu.memory_space<vmem>>, vector<16xi32>,
    %add3A_541 = arith.constant 384 : i32
    %add3A_542 = vector.broadcast %add3A_541 : i32 to vector<16xi32>
    %add3A_543 = arith.addi %iota3A, %add3A_542 : vector<16xi32>
    tpu.vector_store_idx %arg6[%add3A_543, %get3A_540], %broadcast_in_dim3A_1 : memref<400x128xf32, #tpu.memory_space<vmem>>[vector<16xi32>, vector<16xi32>], vector<16xf32>,
    %dma_wait3A_544 = tpu.memref_slice %arg2[%mul3A_207] : memref<100000xi32, #tpu.memory_space<hbm>> -> memref<400xi32, #tpu.memory_space<hbm>>
    %dma_wait3A_545 = tpu.memref_slice %arg2[%mul3A_207] : memref<100000xi32, #tpu.memory_space<hbm>> -> memref<400xi32, #tpu.memory_space<hbm>>
    tpu.wait_dma2 semaphore(%arg12 : memref<!tpu.dma_semaphore, #tpu.memory_space<semaphore_mem>>) src(%dma_wait3A_545 : memref<400xi32, #tpu.memory_space<hbm>>) dst(%arg4 : memref<400xi32, #tpu.memory_space<vmem>>)
    %get3A_546 = arith.constant 0 : index
    %get3A_547 = tpu.vector_load %arg4[%get3A_546] {strides = array<i32>} : memref<400xi32, #tpu.memory_space<vmem>>, vector<16xi32>,
    %swap3A_548 = arith.constant 0 : index
    %swap3A_549 = tpu.vector_load %arg8[%swap3A_548] {strides = array<i32>} : memref<400xi32, #tpu.memory_space<vmem>>, vector<16xi32>,
    tpu.vector_store %arg8[%swap3A_548], %get3A_547 {strides = array<i32>} : memref<400xi32, #tpu.memory_space<vmem>>, vector<16xi32>,
    %add3A_550 = arith.constant 0 : i32
    %add3A_551 = vector.broadcast %add3A_550 : i32 to vector<16xi32>
    %add3A_552 = arith.addi %iota3A, %add3A_551 : vector<16xi32>
    tpu.vector_store_idx %arg6[%add3A_552, %get3A_547], %broadcast_in_dim3A_3 : memref<400x128xf32, #tpu.memory_space<vmem>>[vector<16xi32>, vector<16xi32>], vector<16xf32>,
    %get3A_553 = arith.constant 16 : index
    %get3A_554 = tpu.vector_load %arg4[%get3A_553] {strides = array<i32>} : memref<400xi32, #tpu.memory_space<vmem>>, vector<16xi32>,
    %swap3A_555 = arith.constant 16 : index
    %swap3A_556 = tpu.vector_load %arg8[%swap3A_555] {strides = array<i32>} : memref<400xi32, #tpu.memory_space<vmem>>, vector<16xi32>,
    tpu.vector_store %arg8[%swap3A_555], %get3A_554 {strides = array<i32>} : memref<400xi32, #tpu.memory_space<vmem>>, vector<16xi32>,
    %add3A_557 = arith.constant 16 : i32
    %add3A_558 = vector.broadcast %add3A_557 : i32 to vector<16xi32>
    %add3A_559 = arith.addi %iota3A, %add3A_558 : vector<16xi32>
    tpu.vector_store_idx %arg6[%add3A_559, %get3A_554], %broadcast_in_dim3A_3 : memref<400x128xf32, #tpu.memory_space<vmem>>[vector<16xi32>, vector<16xi32>], vector<16xf32>,
    %get3A_560 = arith.constant 32 : index
    %get3A_561 = tpu.vector_load %arg4[%get3A_560] {strides = array<i32>} : memref<400xi32, #tpu.memory_space<vmem>>, vector<16xi32>,
    %swap3A_562 = arith.constant 32 : index
    %swap3A_563 = tpu.vector_load %arg8[%swap3A_562] {strides = array<i32>} : memref<400xi32, #tpu.memory_space<vmem>>, vector<16xi32>,
    tpu.vector_store %arg8[%swap3A_562], %get3A_561 {strides = array<i32>} : memref<400xi32, #tpu.memory_space<vmem>>, vector<16xi32>,
    %add3A_564 = arith.constant 32 : i32
    %add3A_565 = vector.broadcast %add3A_564 : i32 to vector<16xi32>
    %add3A_566 = arith.addi %iota3A, %add3A_565 : vector<16xi32>
    tpu.vector_store_idx %arg6[%add3A_566, %get3A_561], %broadcast_in_dim3A_3 : memref<400x128xf32, #tpu.memory_space<vmem>>[vector<16xi32>, vector<16xi32>], vector<16xf32>,
    %get3A_567 = arith.constant 48 : index
    %get3A_568 = tpu.vector_load %arg4[%get3A_567] {strides = array<i32>} : memref<400xi32, #tpu.memory_space<vmem>>, vector<16xi32>,
    %swap3A_569 = arith.constant 48 : index
    %swap3A_570 = tpu.vector_load %arg8[%swap3A_569] {strides = array<i32>} : memref<400xi32, #tpu.memory_space<vmem>>, vector<16xi32>,
    tpu.vector_store %arg8[%swap3A_569], %get3A_568 {strides = array<i32>} : memref<400xi32, #tpu.memory_space<vmem>>, vector<16xi32>,
    %add3A_571 = arith.constant 48 : i32
    %add3A_572 = vector.broadcast %add3A_571 : i32 to vector<16xi32>
    %add3A_573 = arith.addi %iota3A, %add3A_572 : vector<16xi32>
    tpu.vector_store_idx %arg6[%add3A_573, %get3A_568], %broadcast_in_dim3A_3 : memref<400x128xf32, #tpu.memory_space<vmem>>[vector<16xi32>, vector<16xi32>], vector<16xf32>,
    %get3A_574 = arith.constant 64 : index
    %get3A_575 = tpu.vector_load %arg4[%get3A_574] {strides = array<i32>} : memref<400xi32, #tpu.memory_space<vmem>>, vector<16xi32>,
    %swap3A_576 = arith.constant 64 : index
    %swap3A_577 = tpu.vector_load %arg8[%swap3A_576] {strides = array<i32>} : memref<400xi32, #tpu.memory_space<vmem>>, vector<16xi32>,
    tpu.vector_store %arg8[%swap3A_576], %get3A_575 {strides = array<i32>} : memref<400xi32, #tpu.memory_space<vmem>>, vector<16xi32>,
    %add3A_578 = arith.constant 64 : i32
    %add3A_579 = vector.broadcast %add3A_578 : i32 to vector<16xi32>
    %add3A_580 = arith.addi %iota3A, %add3A_579 : vector<16xi32>
    tpu.vector_store_idx %arg6[%add3A_580, %get3A_575], %broadcast_in_dim3A_3 : memref<400x128xf32, #tpu.memory_space<vmem>>[vector<16xi32>, vector<16xi32>], vector<16xf32>,
    %get3A_581 = arith.constant 80 : index
    %get3A_582 = tpu.vector_load %arg4[%get3A_581] {strides = array<i32>} : memref<400xi32, #tpu.memory_space<vmem>>, vector<16xi32>,
    %swap3A_583 = arith.constant 80 : index
    %swap3A_584 = tpu.vector_load %arg8[%swap3A_583] {strides = array<i32>} : memref<400xi32, #tpu.memory_space<vmem>>, vector<16xi32>,
    tpu.vector_store %arg8[%swap3A_583], %get3A_582 {strides = array<i32>} : memref<400xi32, #tpu.memory_space<vmem>>, vector<16xi32>,
    %add3A_585 = arith.constant 80 : i32
    %add3A_586 = vector.broadcast %add3A_585 : i32 to vector<16xi32>
    %add3A_587 = arith.addi %iota3A, %add3A_586 : vector<16xi32>
    tpu.vector_store_idx %arg6[%add3A_587, %get3A_582], %broadcast_in_dim3A_3 : memref<400x128xf32, #tpu.memory_space<vmem>>[vector<16xi32>, vector<16xi32>], vector<16xf32>,
    %get3A_588 = arith.constant 96 : index
    %get3A_589 = tpu.vector_load %arg4[%get3A_588] {strides = array<i32>} : memref<400xi32, #tpu.memory_space<vmem>>, vector<16xi32>,
    %swap3A_590 = arith.constant 96 : index
    %swap3A_591 = tpu.vector_load %arg8[%swap3A_590] {strides = array<i32>} : memref<400xi32, #tpu.memory_space<vmem>>, vector<16xi32>,
    tpu.vector_store %arg8[%swap3A_590], %get3A_589 {strides = array<i32>} : memref<400xi32, #tpu.memory_space<vmem>>, vector<16xi32>,
    %add3A_592 = arith.constant 96 : i32
    %add3A_593 = vector.broadcast %add3A_592 : i32 to vector<16xi32>
    %add3A_594 = arith.addi %iota3A, %add3A_593 : vector<16xi32>
    tpu.vector_store_idx %arg6[%add3A_594, %get3A_589], %broadcast_in_dim3A_3 : memref<400x128xf32, #tpu.memory_space<vmem>>[vector<16xi32>, vector<16xi32>], vector<16xf32>,
    %get3A_595 = arith.constant 112 : index
    %get3A_596 = tpu.vector_load %arg4[%get3A_595] {strides = array<i32>} : memref<400xi32, #tpu.memory_space<vmem>>, vector<16xi32>,
    %swap3A_597 = arith.constant 112 : index
    %swap3A_598 = tpu.vector_load %arg8[%swap3A_597] {strides = array<i32>} : memref<400xi32, #tpu.memory_space<vmem>>, vector<16xi32>,
    tpu.vector_store %arg8[%swap3A_597], %get3A_596 {strides = array<i32>} : memref<400xi32, #tpu.memory_space<vmem>>, vector<16xi32>,
    %add3A_599 = arith.constant 112 : i32
    %add3A_600 = vector.broadcast %add3A_599 : i32 to vector<16xi32>
    %add3A_601 = arith.addi %iota3A, %add3A_600 : vector<16xi32>
    tpu.vector_store_idx %arg6[%add3A_601, %get3A_596], %broadcast_in_dim3A_3 : memref<400x128xf32, #tpu.memory_space<vmem>>[vector<16xi32>, vector<16xi32>], vector<16xf32>,
    %get3A_602 = arith.constant 128 : index
    %get3A_603 = tpu.vector_load %arg4[%get3A_602] {strides = array<i32>} : memref<400xi32, #tpu.memory_space<vmem>>, vector<16xi32>,
    %swap3A_604 = arith.constant 128 : index
    %swap3A_605 = tpu.vector_load %arg8[%swap3A_604] {strides = array<i32>} : memref<400xi32, #tpu.memory_space<vmem>>, vector<16xi32>,
    tpu.vector_store %arg8[%swap3A_604], %get3A_603 {strides = array<i32>} : memref<400xi32, #tpu.memory_space<vmem>>, vector<16xi32>,
    %add3A_606 = arith.constant 128 : i32
    %add3A_607 = vector.broadcast %add3A_606 : i32 to vector<16xi32>
    %add3A_608 = arith.addi %iota3A, %add3A_607 : vector<16xi32>
    tpu.vector_store_idx %arg6[%add3A_608, %get3A_603], %broadcast_in_dim3A_3 : memref<400x128xf32, #tpu.memory_space<vmem>>[vector<16xi32>, vector<16xi32>], vector<16xf32>,
    %get3A_609 = arith.constant 144 : index
    %get3A_610 = tpu.vector_load %arg4[%get3A_609] {strides = array<i32>} : memref<400xi32, #tpu.memory_space<vmem>>, vector<16xi32>,
    %swap3A_611 = arith.constant 144 : index
    %swap3A_612 = tpu.vector_load %arg8[%swap3A_611] {strides = array<i32>} : memref<400xi32, #tpu.memory_space<vmem>>, vector<16xi32>,
    tpu.vector_store %arg8[%swap3A_611], %get3A_610 {strides = array<i32>} : memref<400xi32, #tpu.memory_space<vmem>>, vector<16xi32>,
    %add3A_613 = arith.constant 144 : i32
    %add3A_614 = vector.broadcast %add3A_613 : i32 to vector<16xi32>
    %add3A_615 = arith.addi %iota3A, %add3A_614 : vector<16xi32>
    tpu.vector_store_idx %arg6[%add3A_615, %get3A_610], %broadcast_in_dim3A_3 : memref<400x128xf32, #tpu.memory_space<vmem>>[vector<16xi32>, vector<16xi32>], vector<16xf32>,
    %get3A_616 = arith.constant 160 : index
    %get3A_617 = tpu.vector_load %arg4[%get3A_616] {strides = array<i32>} : memref<400xi32, #tpu.memory_space<vmem>>, vector<16xi32>,
    %swap3A_618 = arith.constant 160 : index
    %swap3A_619 = tpu.vector_load %arg8[%swap3A_618] {strides = array<i32>} : memref<400xi32, #tpu.memory_space<vmem>>, vector<16xi32>,
    tpu.vector_store %arg8[%swap3A_618], %get3A_617 {strides = array<i32>} : memref<400xi32, #tpu.memory_space<vmem>>, vector<16xi32>,
    %add3A_620 = arith.constant 160 : i32
    %add3A_621 = vector.broadcast %add3A_620 : i32 to vector<16xi32>
    %add3A_622 = arith.addi %iota3A, %add3A_621 : vector<16xi32>
    tpu.vector_store_idx %arg6[%add3A_622, %get3A_617], %broadcast_in_dim3A_3 : memref<400x128xf32, #tpu.memory_space<vmem>>[vector<16xi32>, vector<16xi32>], vector<16xf32>,
    %get3A_623 = arith.constant 176 : index
    %get3A_624 = tpu.vector_load %arg4[%get3A_623] {strides = array<i32>} : memref<400xi32, #tpu.memory_space<vmem>>, vector<16xi32>,
    %swap3A_625 = arith.constant 176 : index
    %swap3A_626 = tpu.vector_load %arg8[%swap3A_625] {strides = array<i32>} : memref<400xi32, #tpu.memory_space<vmem>>, vector<16xi32>,
    tpu.vector_store %arg8[%swap3A_625], %get3A_624 {strides = array<i32>} : memref<400xi32, #tpu.memory_space<vmem>>, vector<16xi32>,
    %add3A_627 = arith.constant 176 : i32
    %add3A_628 = vector.broadcast %add3A_627 : i32 to vector<16xi32>
    %add3A_629 = arith.addi %iota3A, %add3A_628 : vector<16xi32>
    tpu.vector_store_idx %arg6[%add3A_629, %get3A_624], %broadcast_in_dim3A_3 : memref<400x128xf32, #tpu.memory_space<vmem>>[vector<16xi32>, vector<16xi32>], vector<16xf32>,
    %get3A_630 = arith.constant 192 : index
    %get3A_631 = tpu.vector_load %arg4[%get3A_630] {strides = array<i32>} : memref<400xi32, #tpu.memory_space<vmem>>, vector<16xi32>,
    %swap3A_632 = arith.constant 192 : index
    %swap3A_633 = tpu.vector_load %arg8[%swap3A_632] {strides = array<i32>} : memref<400xi32, #tpu.memory_space<vmem>>, vector<16xi32>,
    tpu.vector_store %arg8[%swap3A_632], %get3A_631 {strides = array<i32>} : memref<400xi32, #tpu.memory_space<vmem>>, vector<16xi32>,
    %add3A_634 = arith.constant 192 : i32
    %add3A_635 = vector.broadcast %add3A_634 : i32 to vector<16xi32>
    %add3A_636 = arith.addi %iota3A, %add3A_635 : vector<16xi32>
    tpu.vector_store_idx %arg6[%add3A_636, %get3A_631], %broadcast_in_dim3A_3 : memref<400x128xf32, #tpu.memory_space<vmem>>[vector<16xi32>, vector<16xi32>], vector<16xf32>,
    %get3A_637 = arith.constant 208 : index
    %get3A_638 = tpu.vector_load %arg4[%get3A_637] {strides = array<i32>} : memref<400xi32, #tpu.memory_space<vmem>>, vector<16xi32>,
    %swap3A_639 = arith.constant 208 : index
    %swap3A_640 = tpu.vector_load %arg8[%swap3A_639] {strides = array<i32>} : memref<400xi32, #tpu.memory_space<vmem>>, vector<16xi32>,
    tpu.vector_store %arg8[%swap3A_639], %get3A_638 {strides = array<i32>} : memref<400xi32, #tpu.memory_space<vmem>>, vector<16xi32>,
    %add3A_641 = arith.constant 208 : i32
    %add3A_642 = vector.broadcast %add3A_641 : i32 to vector<16xi32>
    %add3A_643 = arith.addi %iota3A, %add3A_642 : vector<16xi32>
    tpu.vector_store_idx %arg6[%add3A_643, %get3A_638], %broadcast_in_dim3A_3 : memref<400x128xf32, #tpu.memory_space<vmem>>[vector<16xi32>, vector<16xi32>], vector<16xf32>,
    %get3A_644 = arith.constant 224 : index
    %get3A_645 = tpu.vector_load %arg4[%get3A_644] {strides = array<i32>} : memref<400xi32, #tpu.memory_space<vmem>>, vector<16xi32>,
    %swap3A_646 = arith.constant 224 : index
    %swap3A_647 = tpu.vector_load %arg8[%swap3A_646] {strides = array<i32>} : memref<400xi32, #tpu.memory_space<vmem>>, vector<16xi32>,
    tpu.vector_store %arg8[%swap3A_646], %get3A_645 {strides = array<i32>} : memref<400xi32, #tpu.memory_space<vmem>>, vector<16xi32>,
    %add3A_648 = arith.constant 224 : i32
    %add3A_649 = vector.broadcast %add3A_648 : i32 to vector<16xi32>
    %add3A_650 = arith.addi %iota3A, %add3A_649 : vector<16xi32>
    tpu.vector_store_idx %arg6[%add3A_650, %get3A_645], %broadcast_in_dim3A_3 : memref<400x128xf32, #tpu.memory_space<vmem>>[vector<16xi32>, vector<16xi32>], vector<16xf32>,
    %get3A_651 = arith.constant 240 : index
    %get3A_652 = tpu.vector_load %arg4[%get3A_651] {strides = array<i32>} : memref<400xi32, #tpu.memory_space<vmem>>, vector<16xi32>,
    %swap3A_653 = arith.constant 240 : index
    %swap3A_654 = tpu.vector_load %arg8[%swap3A_653] {strides = array<i32>} : memref<400xi32, #tpu.memory_space<vmem>>, vector<16xi32>,
    tpu.vector_store %arg8[%swap3A_653], %get3A_652 {strides = array<i32>} : memref<400xi32, #tpu.memory_space<vmem>>, vector<16xi32>,
    %add3A_655 = arith.constant 240 : i32
    %add3A_656 = vector.broadcast %add3A_655 : i32 to vector<16xi32>
    %add3A_657 = arith.addi %iota3A, %add3A_656 : vector<16xi32>
    tpu.vector_store_idx %arg6[%add3A_657, %get3A_652], %broadcast_in_dim3A_3 : memref<400x128xf32, #tpu.memory_space<vmem>>[vector<16xi32>, vector<16xi32>], vector<16xf32>,
    %get3A_658 = arith.constant 256 : index
    %get3A_659 = tpu.vector_load %arg4[%get3A_658] {strides = array<i32>} : memref<400xi32, #tpu.memory_space<vmem>>, vector<16xi32>,
    %swap3A_660 = arith.constant 256 : index
    %swap3A_661 = tpu.vector_load %arg8[%swap3A_660] {strides = array<i32>} : memref<400xi32, #tpu.memory_space<vmem>>, vector<16xi32>,
    tpu.vector_store %arg8[%swap3A_660], %get3A_659 {strides = array<i32>} : memref<400xi32, #tpu.memory_space<vmem>>, vector<16xi32>,
    %add3A_662 = arith.constant 256 : i32
    %add3A_663 = vector.broadcast %add3A_662 : i32 to vector<16xi32>
    %add3A_664 = arith.addi %iota3A, %add3A_663 : vector<16xi32>
    tpu.vector_store_idx %arg6[%add3A_664, %get3A_659], %broadcast_in_dim3A_3 : memref<400x128xf32, #tpu.memory_space<vmem>>[vector<16xi32>, vector<16xi32>], vector<16xf32>,
    %get3A_665 = arith.constant 272 : index
    %get3A_666 = tpu.vector_load %arg4[%get3A_665] {strides = array<i32>} : memref<400xi32, #tpu.memory_space<vmem>>, vector<16xi32>,
    %swap3A_667 = arith.constant 272 : index
    %swap3A_668 = tpu.vector_load %arg8[%swap3A_667] {strides = array<i32>} : memref<400xi32, #tpu.memory_space<vmem>>, vector<16xi32>,
    tpu.vector_store %arg8[%swap3A_667], %get3A_666 {strides = array<i32>} : memref<400xi32, #tpu.memory_space<vmem>>, vector<16xi32>,
    %add3A_669 = arith.constant 272 : i32
    %add3A_670 = vector.broadcast %add3A_669 : i32 to vector<16xi32>
    %add3A_671 = arith.addi %iota3A, %add3A_670 : vector<16xi32>
    tpu.vector_store_idx %arg6[%add3A_671, %get3A_666], %broadcast_in_dim3A_3 : memref<400x128xf32, #tpu.memory_space<vmem>>[vector<16xi32>, vector<16xi32>], vector<16xf32>,
    %get3A_672 = arith.constant 288 : index
    %get3A_673 = tpu.vector_load %arg4[%get3A_672] {strides = array<i32>} : memref<400xi32, #tpu.memory_space<vmem>>, vector<16xi32>,
    %swap3A_674 = arith.constant 288 : index
    %swap3A_675 = tpu.vector_load %arg8[%swap3A_674] {strides = array<i32>} : memref<400xi32, #tpu.memory_space<vmem>>, vector<16xi32>,
    tpu.vector_store %arg8[%swap3A_674], %get3A_673 {strides = array<i32>} : memref<400xi32, #tpu.memory_space<vmem>>, vector<16xi32>,
    %add3A_676 = arith.constant 288 : i32
    %add3A_677 = vector.broadcast %add3A_676 : i32 to vector<16xi32>
    %add3A_678 = arith.addi %iota3A, %add3A_677 : vector<16xi32>
    tpu.vector_store_idx %arg6[%add3A_678, %get3A_673], %broadcast_in_dim3A_3 : memref<400x128xf32, #tpu.memory_space<vmem>>[vector<16xi32>, vector<16xi32>], vector<16xf32>,
    %get3A_679 = arith.constant 304 : index
    %get3A_680 = tpu.vector_load %arg4[%get3A_679] {strides = array<i32>} : memref<400xi32, #tpu.memory_space<vmem>>, vector<16xi32>,
    %swap3A_681 = arith.constant 304 : index
    %swap3A_682 = tpu.vector_load %arg8[%swap3A_681] {strides = array<i32>} : memref<400xi32, #tpu.memory_space<vmem>>, vector<16xi32>,
    tpu.vector_store %arg8[%swap3A_681], %get3A_680 {strides = array<i32>} : memref<400xi32, #tpu.memory_space<vmem>>, vector<16xi32>,
    %add3A_683 = arith.constant 304 : i32
    %add3A_684 = vector.broadcast %add3A_683 : i32 to vector<16xi32>
    %add3A_685 = arith.addi %iota3A, %add3A_684 : vector<16xi32>
    tpu.vector_store_idx %arg6[%add3A_685, %get3A_680], %broadcast_in_dim3A_3 : memref<400x128xf32, #tpu.memory_space<vmem>>[vector<16xi32>, vector<16xi32>], vector<16xf32>,
    %get3A_686 = arith.constant 320 : index
    %get3A_687 = tpu.vector_load %arg4[%get3A_686] {strides = array<i32>} : memref<400xi32, #tpu.memory_space<vmem>>, vector<16xi32>,
    %swap3A_688 = arith.constant 320 : index
    %swap3A_689 = tpu.vector_load %arg8[%swap3A_688] {strides = array<i32>} : memref<400xi32, #tpu.memory_space<vmem>>, vector<16xi32>,
    tpu.vector_store %arg8[%swap3A_688], %get3A_687 {strides = array<i32>} : memref<400xi32, #tpu.memory_space<vmem>>, vector<16xi32>,
    %add3A_690 = arith.constant 320 : i32
    %add3A_691 = vector.broadcast %add3A_690 : i32 to vector<16xi32>
    %add3A_692 = arith.addi %iota3A, %add3A_691 : vector<16xi32>
    tpu.vector_store_idx %arg6[%add3A_692, %get3A_687], %broadcast_in_dim3A_3 : memref<400x128xf32, #tpu.memory_space<vmem>>[vector<16xi32>, vector<16xi32>], vector<16xf32>,
    %get3A_693 = arith.constant 336 : index
    %get3A_694 = tpu.vector_load %arg4[%get3A_693] {strides = array<i32>} : memref<400xi32, #tpu.memory_space<vmem>>, vector<16xi32>,
    %swap3A_695 = arith.constant 336 : index
    %swap3A_696 = tpu.vector_load %arg8[%swap3A_695] {strides = array<i32>} : memref<400xi32, #tpu.memory_space<vmem>>, vector<16xi32>,
    tpu.vector_store %arg8[%swap3A_695], %get3A_694 {strides = array<i32>} : memref<400xi32, #tpu.memory_space<vmem>>, vector<16xi32>,
    %add3A_697 = arith.constant 336 : i32
    %add3A_698 = vector.broadcast %add3A_697 : i32 to vector<16xi32>
    %add3A_699 = arith.addi %iota3A, %add3A_698 : vector<16xi32>
    tpu.vector_store_idx %arg6[%add3A_699, %get3A_694], %broadcast_in_dim3A_3 : memref<400x128xf32, #tpu.memory_space<vmem>>[vector<16xi32>, vector<16xi32>], vector<16xf32>,
    %get3A_700 = arith.constant 352 : index
    %get3A_701 = tpu.vector_load %arg4[%get3A_700] {strides = array<i32>} : memref<400xi32, #tpu.memory_space<vmem>>, vector<16xi32>,
    %swap3A_702 = arith.constant 352 : index
    %swap3A_703 = tpu.vector_load %arg8[%swap3A_702] {strides = array<i32>} : memref<400xi32, #tpu.memory_space<vmem>>, vector<16xi32>,
    tpu.vector_store %arg8[%swap3A_702], %get3A_701 {strides = array<i32>} : memref<400xi32, #tpu.memory_space<vmem>>, vector<16xi32>,
    %add3A_704 = arith.constant 352 : i32
    %add3A_705 = vector.broadcast %add3A_704 : i32 to vector<16xi32>
    %add3A_706 = arith.addi %iota3A, %add3A_705 : vector<16xi32>
    tpu.vector_store_idx %arg6[%add3A_706, %get3A_701], %broadcast_in_dim3A_3 : memref<400x128xf32, #tpu.memory_space<vmem>>[vector<16xi32>, vector<16xi32>], vector<16xf32>,
    %get3A_707 = arith.constant 368 : index
    %get3A_708 = tpu.vector_load %arg4[%get3A_707] {strides = array<i32>} : memref<400xi32, #tpu.memory_space<vmem>>, vector<16xi32>,
    %swap3A_709 = arith.constant 368 : index
    %swap3A_710 = tpu.vector_load %arg8[%swap3A_709] {strides = array<i32>} : memref<400xi32, #tpu.memory_space<vmem>>, vector<16xi32>,
    tpu.vector_store %arg8[%swap3A_709], %get3A_708 {strides = array<i32>} : memref<400xi32, #tpu.memory_space<vmem>>, vector<16xi32>,
    %add3A_711 = arith.constant 368 : i32
    %add3A_712 = vector.broadcast %add3A_711 : i32 to vector<16xi32>
    %add3A_713 = arith.addi %iota3A, %add3A_712 : vector<16xi32>
    tpu.vector_store_idx %arg6[%add3A_713, %get3A_708], %broadcast_in_dim3A_3 : memref<400x128xf32, #tpu.memory_space<vmem>>[vector<16xi32>, vector<16xi32>], vector<16xf32>,
    %get3A_714 = arith.constant 384 : index
    %get3A_715 = tpu.vector_load %arg4[%get3A_714] {strides = array<i32>} : memref<400xi32, #tpu.memory_space<vmem>>, vector<16xi32>,
    %swap3A_716 = arith.constant 384 : index
    %swap3A_717 = tpu.vector_load %arg8[%swap3A_716] {strides = array<i32>} : memref<400xi32, #tpu.memory_space<vmem>>, vector<16xi32>,
    tpu.vector_store %arg8[%swap3A_716], %get3A_715 {strides = array<i32>} : memref<400xi32, #tpu.memory_space<vmem>>, vector<16xi32>,
    %add3A_718 = arith.constant 384 : i32
    %add3A_719 = vector.broadcast %add3A_718 : i32 to vector<16xi32>
    %add3A_720 = arith.addi %iota3A, %add3A_719 : vector<16xi32>
    tpu.vector_store_idx %arg6[%add3A_720, %get3A_715], %broadcast_in_dim3A_3 : memref<400x128xf32, #tpu.memory_space<vmem>>[vector<16xi32>, vector<16xi32>], vector<16xf32>,
    %add3A_721 = arith.constant 128 : i32
    %add3A_722 = arith.addi %add3A, %add3A_721 : i32
    %min3A_723 = arith.constant 249 : i32
    %min3A_724 = arith.minsi %add3A_722, %min3A_723 : i32
    %mul3A_725 = arith.constant 400 : i32
    %mul3A_726 = arith.muli %min3A_724, %mul3A_725 : i32
    %dma_start3A_727 = tpu.memref_slice %arg2[%mul3A_726] : memref<100000xi32, #tpu.memory_space<hbm>> -> memref<400xi32, #tpu.memory_space<hbm>>
    %dma_start3A_728 = tpu.memref_slice %arg2[%mul3A_726] : memref<100000xi32, #tpu.memory_space<hbm>> -> memref<400xi32, #tpu.memory_space<hbm>>
    tpu.enqueue_dma source(%dma_start3A_728 : memref<400xi32, #tpu.memory_space<hbm>>) target(%arg4 : memref<400xi32, #tpu.memory_space<vmem>>) target_semaphore(%arg12 : memref<!tpu.dma_semaphore, #tpu.memory_space<semaphore_mem>>)
    %mul3A_729 = arith.constant 400 : i32
    %mul3A_730 = arith.muli %min3A_414, %mul3A_729 : i32
    %dma_start3A_731 = arith.constant 0 : i32
    %dma_start3A_732 = tpu.memref_slice %arg3[%mul3A_730, %dma_start3A_731] : memref<100000x128xf32, #tpu.memory_space<hbm>> -> memref<400x128xf32, #tpu.memory_space<hbm>>
    %dma_start3A_733 = arith.constant 0 : i32
    %dma_start3A_734 = tpu.memref_slice %arg3[%mul3A_730, %dma_start3A_733] : memref<100000x128xf32, #tpu.memory_space<hbm>> -> memref<400x128xf32, #tpu.memory_space<hbm>>
    tpu.enqueue_dma source(%arg6 : memref<400x128xf32, #tpu.memory_space<vmem>>) target(%dma_start3A_734 : memref<400x128xf32, #tpu.memory_space<hbm>>) target_semaphore(%arg10 : memref<!tpu.dma_semaphore, #tpu.memory_space<semaphore_mem>>)
    %add3A_735 = arith.constant 96 : i32
    %add3A_736 = arith.addi %add3A, %add3A_735 : i32
    %min3A_737 = arith.constant 249 : i32
    %min3A_738 = arith.minsi %add3A_736, %min3A_737 : i32
    %dma_wait3A_739 = arith.constant 0 : i32
    %dma_wait3A_740 = tpu.memref_slice %arg3[%mul3A_406, %dma_wait3A_739] : memref<100000x128xf32, #tpu.memory_space<hbm>> -> memref<400x128xf32, #tpu.memory_space<hbm>>
    %dma_wait3A_741 = arith.constant 0 : i32
    %dma_wait3A_742 = tpu.memref_slice %arg3[%mul3A_406, %dma_wait3A_741] : memref<100000x128xf32, #tpu.memory_space<hbm>> -> memref<400x128xf32, #tpu.memory_space<hbm>>
    tpu.wait_dma2 semaphore(%arg11 : memref<!tpu.dma_semaphore, #tpu.memory_space<semaphore_mem>>) src(%arg7 : memref<400x128xf32, #tpu.memory_space<vmem>>) dst(%dma_wait3A_742 : memref<400x128xf32, #tpu.memory_space<hbm>>)
    %get3A_743 = arith.constant 0 : index
    %get3A_744 = tpu.vector_load %arg9[%get3A_743] {strides = array<i32>} : memref<400xi32, #tpu.memory_space<vmem>>, vector<16xi32>,
    %add3A_745 = arith.constant 0 : i32
    %add3A_746 = vector.broadcast %add3A_745 : i32 to vector<16xi32>
    %add3A_747 = arith.addi %iota3A, %add3A_746 : vector<16xi32>
    tpu.vector_store_idx %arg7[%add3A_747, %get3A_744], %broadcast_in_dim3A_1 : memref<400x128xf32, #tpu.memory_space<vmem>>[vector<16xi32>, vector<16xi32>], vector<16xf32>,
    %get3A_748 = arith.constant 16 : index
    %get3A_749 = tpu.vector_load %arg9[%get3A_748] {strides = array<i32>} : memref<400xi32, #tpu.memory_space<vmem>>, vector<16xi32>,
    %add3A_750 = arith.constant 16 : i32
    %add3A_751 = vector.broadcast %add3A_750 : i32 to vector<16xi32>
    %add3A_752 = arith.addi %iota3A, %add3A_751 : vector<16xi32>
    tpu.vector_store_idx %arg7[%add3A_752, %get3A_749], %broadcast_in_dim3A_1 : memref<400x128xf32, #tpu.memory_space<vmem>>[vector<16xi32>, vector<16xi32>], vector<16xf32>,
    %get3A_753 = arith.constant 32 : index
    %get3A_754 = tpu.vector_load %arg9[%get3A_753] {strides = array<i32>} : memref<400xi32, #tpu.memory_space<vmem>>, vector<16xi32>,
    %add3A_755 = arith.constant 32 : i32
    %add3A_756 = vector.broadcast %add3A_755 : i32 to vector<16xi32>
    %add3A_757 = arith.addi %iota3A, %add3A_756 : vector<16xi32>
    tpu.vector_store_idx %arg7[%add3A_757, %get3A_754], %broadcast_in_dim3A_1 : memref<400x128xf32, #tpu.memory_space<vmem>>[vector<16xi32>, vector<16xi32>], vector<16xf32>,
    %get3A_758 = arith.constant 48 : index
    %get3A_759 = tpu.vector_load %arg9[%get3A_758] {strides = array<i32>} : memref<400xi32, #tpu.memory_space<vmem>>, vector<16xi32>,
    %add3A_760 = arith.constant 48 : i32
    %add3A_761 = vector.broadcast %add3A_760 : i32 to vector<16xi32>
    %add3A_762 = arith.addi %iota3A, %add3A_761 : vector<16xi32>
    tpu.vector_store_idx %arg7[%add3A_762, %get3A_759], %broadcast_in_dim3A_1 : memref<400x128xf32, #tpu.memory_space<vmem>>[vector<16xi32>, vector<16xi32>], vector<16xf32>,
    %get3A_763 = arith.constant 64 : index
    %get3A_764 = tpu.vector_load %arg9[%get3A_763] {strides = array<i32>} : memref<400xi32, #tpu.memory_space<vmem>>, vector<16xi32>,
    %add3A_765 = arith.constant 64 : i32
    %add3A_766 = vector.broadcast %add3A_765 : i32 to vector<16xi32>
    %add3A_767 = arith.addi %iota3A, %add3A_766 : vector<16xi32>
    tpu.vector_store_idx %arg7[%add3A_767, %get3A_764], %broadcast_in_dim3A_1 : memref<400x128xf32, #tpu.memory_space<vmem>>[vector<16xi32>, vector<16xi32>], vector<16xf32>,
    %get3A_768 = arith.constant 80 : index
    %get3A_769 = tpu.vector_load %arg9[%get3A_768] {strides = array<i32>} : memref<400xi32, #tpu.memory_space<vmem>>, vector<16xi32>,
    %add3A_770 = arith.constant 80 : i32
    %add3A_771 = vector.broadcast %add3A_770 : i32 to vector<16xi32>
    %add3A_772 = arith.addi %iota3A, %add3A_771 : vector<16xi32>
    tpu.vector_store_idx %arg7[%add3A_772, %get3A_769], %broadcast_in_dim3A_1 : memref<400x128xf32, #tpu.memory_space<vmem>>[vector<16xi32>, vector<16xi32>], vector<16xf32>,
    %get3A_773 = arith.constant 96 : index
    %get3A_774 = tpu.vector_load %arg9[%get3A_773] {strides = array<i32>} : memref<400xi32, #tpu.memory_space<vmem>>, vector<16xi32>,
    %add3A_775 = arith.constant 96 : i32
    %add3A_776 = vector.broadcast %add3A_775 : i32 to vector<16xi32>
    %add3A_777 = arith.addi %iota3A, %add3A_776 : vector<16xi32>
    tpu.vector_store_idx %arg7[%add3A_777, %get3A_774], %broadcast_in_dim3A_1 : memref<400x128xf32, #tpu.memory_space<vmem>>[vector<16xi32>, vector<16xi32>], vector<16xf32>,
    %get3A_778 = arith.constant 112 : index
    %get3A_779 = tpu.vector_load %arg9[%get3A_778] {strides = array<i32>} : memref<400xi32, #tpu.memory_space<vmem>>, vector<16xi32>,
    %add3A_780 = arith.constant 112 : i32
    %add3A_781 = vector.broadcast %add3A_780 : i32 to vector<16xi32>
    %add3A_782 = arith.addi %iota3A, %add3A_781 : vector<16xi32>
    tpu.vector_store_idx %arg7[%add3A_782, %get3A_779], %broadcast_in_dim3A_1 : memref<400x128xf32, #tpu.memory_space<vmem>>[vector<16xi32>, vector<16xi32>], vector<16xf32>,
    %get3A_783 = arith.constant 128 : index
    %get3A_784 = tpu.vector_load %arg9[%get3A_783] {strides = array<i32>} : memref<400xi32, #tpu.memory_space<vmem>>, vector<16xi32>,
    %add3A_785 = arith.constant 128 : i32
    %add3A_786 = vector.broadcast %add3A_785 : i32 to vector<16xi32>
    %add3A_787 = arith.addi %iota3A, %add3A_786 : vector<16xi32>
    tpu.vector_store_idx %arg7[%add3A_787, %get3A_784], %broadcast_in_dim3A_1 : memref<400x128xf32, #tpu.memory_space<vmem>>[vector<16xi32>, vector<16xi32>], vector<16xf32>,
    %get3A_788 = arith.constant 144 : index
    %get3A_789 = tpu.vector_load %arg9[%get3A_788] {strides = array<i32>} : memref<400xi32, #tpu.memory_space<vmem>>, vector<16xi32>,
    %add3A_790 = arith.constant 144 : i32
    %add3A_791 = vector.broadcast %add3A_790 : i32 to vector<16xi32>
    %add3A_792 = arith.addi %iota3A, %add3A_791 : vector<16xi32>
    tpu.vector_store_idx %arg7[%add3A_792, %get3A_789], %broadcast_in_dim3A_1 : memref<400x128xf32, #tpu.memory_space<vmem>>[vector<16xi32>, vector<16xi32>], vector<16xf32>,
    %get3A_793 = arith.constant 160 : index
    %get3A_794 = tpu.vector_load %arg9[%get3A_793] {strides = array<i32>} : memref<400xi32, #tpu.memory_space<vmem>>, vector<16xi32>,
    %add3A_795 = arith.constant 160 : i32
    %add3A_796 = vector.broadcast %add3A_795 : i32 to vector<16xi32>
    %add3A_797 = arith.addi %iota3A, %add3A_796 : vector<16xi32>
    tpu.vector_store_idx %arg7[%add3A_797, %get3A_794], %broadcast_in_dim3A_1 : memref<400x128xf32, #tpu.memory_space<vmem>>[vector<16xi32>, vector<16xi32>], vector<16xf32>,
    %get3A_798 = arith.constant 176 : index
    %get3A_799 = tpu.vector_load %arg9[%get3A_798] {strides = array<i32>} : memref<400xi32, #tpu.memory_space<vmem>>, vector<16xi32>,
    %add3A_800 = arith.constant 176 : i32
    %add3A_801 = vector.broadcast %add3A_800 : i32 to vector<16xi32>
    %add3A_802 = arith.addi %iota3A, %add3A_801 : vector<16xi32>
    tpu.vector_store_idx %arg7[%add3A_802, %get3A_799], %broadcast_in_dim3A_1 : memref<400x128xf32, #tpu.memory_space<vmem>>[vector<16xi32>, vector<16xi32>], vector<16xf32>,
    %get3A_803 = arith.constant 192 : index
    %get3A_804 = tpu.vector_load %arg9[%get3A_803] {strides = array<i32>} : memref<400xi32, #tpu.memory_space<vmem>>, vector<16xi32>,
    %add3A_805 = arith.constant 192 : i32
    %add3A_806 = vector.broadcast %add3A_805 : i32 to vector<16xi32>
    %add3A_807 = arith.addi %iota3A, %add3A_806 : vector<16xi32>
    tpu.vector_store_idx %arg7[%add3A_807, %get3A_804], %broadcast_in_dim3A_1 : memref<400x128xf32, #tpu.memory_space<vmem>>[vector<16xi32>, vector<16xi32>], vector<16xf32>,
    %get3A_808 = arith.constant 208 : index
    %get3A_809 = tpu.vector_load %arg9[%get3A_808] {strides = array<i32>} : memref<400xi32, #tpu.memory_space<vmem>>, vector<16xi32>,
    %add3A_810 = arith.constant 208 : i32
    %add3A_811 = vector.broadcast %add3A_810 : i32 to vector<16xi32>
    %add3A_812 = arith.addi %iota3A, %add3A_811 : vector<16xi32>
    tpu.vector_store_idx %arg7[%add3A_812, %get3A_809], %broadcast_in_dim3A_1 : memref<400x128xf32, #tpu.memory_space<vmem>>[vector<16xi32>, vector<16xi32>], vector<16xf32>,
    %get3A_813 = arith.constant 224 : index
    %get3A_814 = tpu.vector_load %arg9[%get3A_813] {strides = array<i32>} : memref<400xi32, #tpu.memory_space<vmem>>, vector<16xi32>,
    %add3A_815 = arith.constant 224 : i32
    %add3A_816 = vector.broadcast %add3A_815 : i32 to vector<16xi32>
    %add3A_817 = arith.addi %iota3A, %add3A_816 : vector<16xi32>
    tpu.vector_store_idx %arg7[%add3A_817, %get3A_814], %broadcast_in_dim3A_1 : memref<400x128xf32, #tpu.memory_space<vmem>>[vector<16xi32>, vector<16xi32>], vector<16xf32>,
    %get3A_818 = arith.constant 240 : index
    %get3A_819 = tpu.vector_load %arg9[%get3A_818] {strides = array<i32>} : memref<400xi32, #tpu.memory_space<vmem>>, vector<16xi32>,
    %add3A_820 = arith.constant 240 : i32
    %add3A_821 = vector.broadcast %add3A_820 : i32 to vector<16xi32>
    %add3A_822 = arith.addi %iota3A, %add3A_821 : vector<16xi32>
    tpu.vector_store_idx %arg7[%add3A_822, %get3A_819], %broadcast_in_dim3A_1 : memref<400x128xf32, #tpu.memory_space<vmem>>[vector<16xi32>, vector<16xi32>], vector<16xf32>,
    %get3A_823 = arith.constant 256 : index
    %get3A_824 = tpu.vector_load %arg9[%get3A_823] {strides = array<i32>} : memref<400xi32, #tpu.memory_space<vmem>>, vector<16xi32>,
    %add3A_825 = arith.constant 256 : i32
    %add3A_826 = vector.broadcast %add3A_825 : i32 to vector<16xi32>
    %add3A_827 = arith.addi %iota3A, %add3A_826 : vector<16xi32>
    tpu.vector_store_idx %arg7[%add3A_827, %get3A_824], %broadcast_in_dim3A_1 : memref<400x128xf32, #tpu.memory_space<vmem>>[vector<16xi32>, vector<16xi32>], vector<16xf32>,
    %get3A_828 = arith.constant 272 : index
    %get3A_829 = tpu.vector_load %arg9[%get3A_828] {strides = array<i32>} : memref<400xi32, #tpu.memory_space<vmem>>, vector<16xi32>,
    %add3A_830 = arith.constant 272 : i32
    %add3A_831 = vector.broadcast %add3A_830 : i32 to vector<16xi32>
    %add3A_832 = arith.addi %iota3A, %add3A_831 : vector<16xi32>
    tpu.vector_store_idx %arg7[%add3A_832, %get3A_829], %broadcast_in_dim3A_1 : memref<400x128xf32, #tpu.memory_space<vmem>>[vector<16xi32>, vector<16xi32>], vector<16xf32>,
    %get3A_833 = arith.constant 288 : index
    %get3A_834 = tpu.vector_load %arg9[%get3A_833] {strides = array<i32>} : memref<400xi32, #tpu.memory_space<vmem>>, vector<16xi32>,
    %add3A_835 = arith.constant 288 : i32
    %add3A_836 = vector.broadcast %add3A_835 : i32 to vector<16xi32>
    %add3A_837 = arith.addi %iota3A, %add3A_836 : vector<16xi32>
    tpu.vector_store_idx %arg7[%add3A_837, %get3A_834], %broadcast_in_dim3A_1 : memref<400x128xf32, #tpu.memory_space<vmem>>[vector<16xi32>, vector<16xi32>], vector<16xf32>,
    %get3A_838 = arith.constant 304 : index
    %get3A_839 = tpu.vector_load %arg9[%get3A_838] {strides = array<i32>} : memref<400xi32, #tpu.memory_space<vmem>>, vector<16xi32>,
    %add3A_840 = arith.constant 304 : i32
    %add3A_841 = vector.broadcast %add3A_840 : i32 to vector<16xi32>
    %add3A_842 = arith.addi %iota3A, %add3A_841 : vector<16xi32>
    tpu.vector_store_idx %arg7[%add3A_842, %get3A_839], %broadcast_in_dim3A_1 : memref<400x128xf32, #tpu.memory_space<vmem>>[vector<16xi32>, vector<16xi32>], vector<16xf32>,
    %get3A_843 = arith.constant 320 : index
    %get3A_844 = tpu.vector_load %arg9[%get3A_843] {strides = array<i32>} : memref<400xi32, #tpu.memory_space<vmem>>, vector<16xi32>,
    %add3A_845 = arith.constant 320 : i32
    %add3A_846 = vector.broadcast %add3A_845 : i32 to vector<16xi32>
    %add3A_847 = arith.addi %iota3A, %add3A_846 : vector<16xi32>
    tpu.vector_store_idx %arg7[%add3A_847, %get3A_844], %broadcast_in_dim3A_1 : memref<400x128xf32, #tpu.memory_space<vmem>>[vector<16xi32>, vector<16xi32>], vector<16xf32>,
    %get3A_848 = arith.constant 336 : index
    %get3A_849 = tpu.vector_load %arg9[%get3A_848] {strides = array<i32>} : memref<400xi32, #tpu.memory_space<vmem>>, vector<16xi32>,
    %add3A_850 = arith.constant 336 : i32
    %add3A_851 = vector.broadcast %add3A_850 : i32 to vector<16xi32>
    %add3A_852 = arith.addi %iota3A, %add3A_851 : vector<16xi32>
    tpu.vector_store_idx %arg7[%add3A_852, %get3A_849], %broadcast_in_dim3A_1 : memref<400x128xf32, #tpu.memory_space<vmem>>[vector<16xi32>, vector<16xi32>], vector<16xf32>,
    %get3A_853 = arith.constant 352 : index
    %get3A_854 = tpu.vector_load %arg9[%get3A_853] {strides = array<i32>} : memref<400xi32, #tpu.memory_space<vmem>>, vector<16xi32>,
    %add3A_855 = arith.constant 352 : i32
    %add3A_856 = vector.broadcast %add3A_855 : i32 to vector<16xi32>
    %add3A_857 = arith.addi %iota3A, %add3A_856 : vector<16xi32>
    tpu.vector_store_idx %arg7[%add3A_857, %get3A_854], %broadcast_in_dim3A_1 : memref<400x128xf32, #tpu.memory_space<vmem>>[vector<16xi32>, vector<16xi32>], vector<16xf32>,
    %get3A_858 = arith.constant 368 : index
    %get3A_859 = tpu.vector_load %arg9[%get3A_858] {strides = array<i32>} : memref<400xi32, #tpu.memory_space<vmem>>, vector<16xi32>,
    %add3A_860 = arith.constant 368 : i32
    %add3A_861 = vector.broadcast %add3A_860 : i32 to vector<16xi32>
    %add3A_862 = arith.addi %iota3A, %add3A_861 : vector<16xi32>
    tpu.vector_store_idx %arg7[%add3A_862, %get3A_859], %broadcast_in_dim3A_1 : memref<400x128xf32, #tpu.memory_space<vmem>>[vector<16xi32>, vector<16xi32>], vector<16xf32>,
    %get3A_863 = arith.constant 384 : index
    %get3A_864 = tpu.vector_load %arg9[%get3A_863] {strides = array<i32>} : memref<400xi32, #tpu.memory_space<vmem>>, vector<16xi32>,
    %add3A_865 = arith.constant 384 : i32
    %add3A_866 = vector.broadcast %add3A_865 : i32 to vector<16xi32>
    %add3A_867 = arith.addi %iota3A, %add3A_866 : vector<16xi32>
    tpu.vector_store_idx %arg7[%add3A_867, %get3A_864], %broadcast_in_dim3A_1 : memref<400x128xf32, #tpu.memory_space<vmem>>[vector<16xi32>, vector<16xi32>], vector<16xf32>,
    %dma_wait3A_868 = tpu.memref_slice %arg2[%mul3A_402] : memref<100000xi32, #tpu.memory_space<hbm>> -> memref<400xi32, #tpu.memory_space<hbm>>
    %dma_wait3A_869 = tpu.memref_slice %arg2[%mul3A_402] : memref<100000xi32, #tpu.memory_space<hbm>> -> memref<400xi32, #tpu.memory_space<hbm>>
    tpu.wait_dma2 semaphore(%arg13 : memref<!tpu.dma_semaphore, #tpu.memory_space<semaphore_mem>>) src(%dma_wait3A_869 : memref<400xi32, #tpu.memory_space<hbm>>) dst(%arg5 : memref<400xi32, #tpu.memory_space<vmem>>)
    %get3A_870 = arith.constant 0 : index
    %get3A_871 = tpu.vector_load %arg5[%get3A_870] {strides = array<i32>} : memref<400xi32, #tpu.memory_space<vmem>>, vector<16xi32>,
    %swap3A_872 = arith.constant 0 : index
    %swap3A_873 = tpu.vector_load %arg9[%swap3A_872] {strides = array<i32>} : memref<400xi32, #tpu.memory_space<vmem>>, vector<16xi32>,
    tpu.vector_store %arg9[%swap3A_872], %get3A_871 {strides = array<i32>} : memref<400xi32, #tpu.memory_space<vmem>>, vector<16xi32>,
    %add3A_874 = arith.constant 0 : i32
    %add3A_875 = vector.broadcast %add3A_874 : i32 to vector<16xi32>
    %add3A_876 = arith.addi %iota3A, %add3A_875 : vector<16xi32>
    tpu.vector_store_idx %arg7[%add3A_876, %get3A_871], %broadcast_in_dim3A_3 : memref<400x128xf32, #tpu.memory_space<vmem>>[vector<16xi32>, vector<16xi32>], vector<16xf32>,
    %get3A_877 = arith.constant 16 : index
    %get3A_878 = tpu.vector_load %arg5[%get3A_877] {strides = array<i32>} : memref<400xi32, #tpu.memory_space<vmem>>, vector<16xi32>,
    %swap3A_879 = arith.constant 16 : index
    %swap3A_880 = tpu.vector_load %arg9[%swap3A_879] {strides = array<i32>} : memref<400xi32, #tpu.memory_space<vmem>>, vector<16xi32>,
    tpu.vector_store %arg9[%swap3A_879], %get3A_878 {strides = array<i32>} : memref<400xi32, #tpu.memory_space<vmem>>, vector<16xi32>,
    %add3A_881 = arith.constant 16 : i32
    %add3A_882 = vector.broadcast %add3A_881 : i32 to vector<16xi32>
    %add3A_883 = arith.addi %iota3A, %add3A_882 : vector<16xi32>
    tpu.vector_store_idx %arg7[%add3A_883, %get3A_878], %broadcast_in_dim3A_3 : memref<400x128xf32, #tpu.memory_space<vmem>>[vector<16xi32>, vector<16xi32>], vector<16xf32>,
    %get3A_884 = arith.constant 32 : index
    %get3A_885 = tpu.vector_load %arg5[%get3A_884] {strides = array<i32>} : memref<400xi32, #tpu.memory_space<vmem>>, vector<16xi32>,
    %swap3A_886 = arith.constant 32 : index
    %swap3A_887 = tpu.vector_load %arg9[%swap3A_886] {strides = array<i32>} : memref<400xi32, #tpu.memory_space<vmem>>, vector<16xi32>,
    tpu.vector_store %arg9[%swap3A_886], %get3A_885 {strides = array<i32>} : memref<400xi32, #tpu.memory_space<vmem>>, vector<16xi32>,
    %add3A_888 = arith.constant 32 : i32
    %add3A_889 = vector.broadcast %add3A_888 : i32 to vector<16xi32>
    %add3A_890 = arith.addi %iota3A, %add3A_889 : vector<16xi32>
    tpu.vector_store_idx %arg7[%add3A_890, %get3A_885], %broadcast_in_dim3A_3 : memref<400x128xf32, #tpu.memory_space<vmem>>[vector<16xi32>, vector<16xi32>], vector<16xf32>,
    %get3A_891 = arith.constant 48 : index
    %get3A_892 = tpu.vector_load %arg5[%get3A_891] {strides = array<i32>} : memref<400xi32, #tpu.memory_space<vmem>>, vector<16xi32>,
    %swap3A_893 = arith.constant 48 : index
    %swap3A_894 = tpu.vector_load %arg9[%swap3A_893] {strides = array<i32>} : memref<400xi32, #tpu.memory_space<vmem>>, vector<16xi32>,
    tpu.vector_store %arg9[%swap3A_893], %get3A_892 {strides = array<i32>} : memref<400xi32, #tpu.memory_space<vmem>>, vector<16xi32>,
    %add3A_895 = arith.constant 48 : i32
    %add3A_896 = vector.broadcast %add3A_895 : i32 to vector<16xi32>
    %add3A_897 = arith.addi %iota3A, %add3A_896 : vector<16xi32>
    tpu.vector_store_idx %arg7[%add3A_897, %get3A_892], %broadcast_in_dim3A_3 : memref<400x128xf32, #tpu.memory_space<vmem>>[vector<16xi32>, vector<16xi32>], vector<16xf32>,
    %get3A_898 = arith.constant 64 : index
    %get3A_899 = tpu.vector_load %arg5[%get3A_898] {strides = array<i32>} : memref<400xi32, #tpu.memory_space<vmem>>, vector<16xi32>,
    %swap3A_900 = arith.constant 64 : index
    %swap3A_901 = tpu.vector_load %arg9[%swap3A_900] {strides = array<i32>} : memref<400xi32, #tpu.memory_space<vmem>>, vector<16xi32>,
    tpu.vector_store %arg9[%swap3A_900], %get3A_899 {strides = array<i32>} : memref<400xi32, #tpu.memory_space<vmem>>, vector<16xi32>,
    %add3A_902 = arith.constant 64 : i32
    %add3A_903 = vector.broadcast %add3A_902 : i32 to vector<16xi32>
    %add3A_904 = arith.addi %iota3A, %add3A_903 : vector<16xi32>
    tpu.vector_store_idx %arg7[%add3A_904, %get3A_899], %broadcast_in_dim3A_3 : memref<400x128xf32, #tpu.memory_space<vmem>>[vector<16xi32>, vector<16xi32>], vector<16xf32>,
    %get3A_905 = arith.constant 80 : index
    %get3A_906 = tpu.vector_load %arg5[%get3A_905] {strides = array<i32>} : memref<400xi32, #tpu.memory_space<vmem>>, vector<16xi32>,
    %swap3A_907 = arith.constant 80 : index
    %swap3A_908 = tpu.vector_load %arg9[%swap3A_907] {strides = array<i32>} : memref<400xi32, #tpu.memory_space<vmem>>, vector<16xi32>,
    tpu.vector_store %arg9[%swap3A_907], %get3A_906 {strides = array<i32>} : memref<400xi32, #tpu.memory_space<vmem>>, vector<16xi32>,
    %add3A_909 = arith.constant 80 : i32
    %add3A_910 = vector.broadcast %add3A_909 : i32 to vector<16xi32>
    %add3A_911 = arith.addi %iota3A, %add3A_910 : vector<16xi32>
    tpu.vector_store_idx %arg7[%add3A_911, %get3A_906], %broadcast_in_dim3A_3 : memref<400x128xf32, #tpu.memory_space<vmem>>[vector<16xi32>, vector<16xi32>], vector<16xf32>,
    %get3A_912 = arith.constant 96 : index
    %get3A_913 = tpu.vector_load %arg5[%get3A_912] {strides = array<i32>} : memref<400xi32, #tpu.memory_space<vmem>>, vector<16xi32>,
    %swap3A_914 = arith.constant 96 : index
    %swap3A_915 = tpu.vector_load %arg9[%swap3A_914] {strides = array<i32>} : memref<400xi32, #tpu.memory_space<vmem>>, vector<16xi32>,
    tpu.vector_store %arg9[%swap3A_914], %get3A_913 {strides = array<i32>} : memref<400xi32, #tpu.memory_space<vmem>>, vector<16xi32>,
    %add3A_916 = arith.constant 96 : i32
    %add3A_917 = vector.broadcast %add3A_916 : i32 to vector<16xi32>
    %add3A_918 = arith.addi %iota3A, %add3A_917 : vector<16xi32>
    tpu.vector_store_idx %arg7[%add3A_918, %get3A_913], %broadcast_in_dim3A_3 : memref<400x128xf32, #tpu.memory_space<vmem>>[vector<16xi32>, vector<16xi32>], vector<16xf32>,
    %get3A_919 = arith.constant 112 : index
    %get3A_920 = tpu.vector_load %arg5[%get3A_919] {strides = array<i32>} : memref<400xi32, #tpu.memory_space<vmem>>, vector<16xi32>,
    %swap3A_921 = arith.constant 112 : index
    %swap3A_922 = tpu.vector_load %arg9[%swap3A_921] {strides = array<i32>} : memref<400xi32, #tpu.memory_space<vmem>>, vector<16xi32>,
    tpu.vector_store %arg9[%swap3A_921], %get3A_920 {strides = array<i32>} : memref<400xi32, #tpu.memory_space<vmem>>, vector<16xi32>,
    %add3A_923 = arith.constant 112 : i32
    %add3A_924 = vector.broadcast %add3A_923 : i32 to vector<16xi32>
    %add3A_925 = arith.addi %iota3A, %add3A_924 : vector<16xi32>
    tpu.vector_store_idx %arg7[%add3A_925, %get3A_920], %broadcast_in_dim3A_3 : memref<400x128xf32, #tpu.memory_space<vmem>>[vector<16xi32>, vector<16xi32>], vector<16xf32>,
    %get3A_926 = arith.constant 128 : index
    %get3A_927 = tpu.vector_load %arg5[%get3A_926] {strides = array<i32>} : memref<400xi32, #tpu.memory_space<vmem>>, vector<16xi32>,
    %swap3A_928 = arith.constant 128 : index
    %swap3A_929 = tpu.vector_load %arg9[%swap3A_928] {strides = array<i32>} : memref<400xi32, #tpu.memory_space<vmem>>, vector<16xi32>,
    tpu.vector_store %arg9[%swap3A_928], %get3A_927 {strides = array<i32>} : memref<400xi32, #tpu.memory_space<vmem>>, vector<16xi32>,
    %add3A_930 = arith.constant 128 : i32
    %add3A_931 = vector.broadcast %add3A_930 : i32 to vector<16xi32>
    %add3A_932 = arith.addi %iota3A, %add3A_931 : vector<16xi32>
    tpu.vector_store_idx %arg7[%add3A_932, %get3A_927], %broadcast_in_dim3A_3 : memref<400x128xf32, #tpu.memory_space<vmem>>[vector<16xi32>, vector<16xi32>], vector<16xf32>,
    %get3A_933 = arith.constant 144 : index
    %get3A_934 = tpu.vector_load %arg5[%get3A_933] {strides = array<i32>} : memref<400xi32, #tpu.memory_space<vmem>>, vector<16xi32>,
    %swap3A_935 = arith.constant 144 : index
    %swap3A_936 = tpu.vector_load %arg9[%swap3A_935] {strides = array<i32>} : memref<400xi32, #tpu.memory_space<vmem>>, vector<16xi32>,
    tpu.vector_store %arg9[%swap3A_935], %get3A_934 {strides = array<i32>} : memref<400xi32, #tpu.memory_space<vmem>>, vector<16xi32>,
    %add3A_937 = arith.constant 144 : i32
    %add3A_938 = vector.broadcast %add3A_937 : i32 to vector<16xi32>
    %add3A_939 = arith.addi %iota3A, %add3A_938 : vector<16xi32>
    tpu.vector_store_idx %arg7[%add3A_939, %get3A_934], %broadcast_in_dim3A_3 : memref<400x128xf32, #tpu.memory_space<vmem>>[vector<16xi32>, vector<16xi32>], vector<16xf32>,
    %get3A_940 = arith.constant 160 : index
    %get3A_941 = tpu.vector_load %arg5[%get3A_940] {strides = array<i32>} : memref<400xi32, #tpu.memory_space<vmem>>, vector<16xi32>,
    %swap3A_942 = arith.constant 160 : index
    %swap3A_943 = tpu.vector_load %arg9[%swap3A_942] {strides = array<i32>} : memref<400xi32, #tpu.memory_space<vmem>>, vector<16xi32>,
    tpu.vector_store %arg9[%swap3A_942], %get3A_941 {strides = array<i32>} : memref<400xi32, #tpu.memory_space<vmem>>, vector<16xi32>,
    %add3A_944 = arith.constant 160 : i32
    %add3A_945 = vector.broadcast %add3A_944 : i32 to vector<16xi32>
    %add3A_946 = arith.addi %iota3A, %add3A_945 : vector<16xi32>
    tpu.vector_store_idx %arg7[%add3A_946, %get3A_941], %broadcast_in_dim3A_3 : memref<400x128xf32, #tpu.memory_space<vmem>>[vector<16xi32>, vector<16xi32>], vector<16xf32>,
    %get3A_947 = arith.constant 176 : index
    %get3A_948 = tpu.vector_load %arg5[%get3A_947] {strides = array<i32>} : memref<400xi32, #tpu.memory_space<vmem>>, vector<16xi32>,
    %swap3A_949 = arith.constant 176 : index
    %swap3A_950 = tpu.vector_load %arg9[%swap3A_949] {strides = array<i32>} : memref<400xi32, #tpu.memory_space<vmem>>, vector<16xi32>,
    tpu.vector_store %arg9[%swap3A_949], %get3A_948 {strides = array<i32>} : memref<400xi32, #tpu.memory_space<vmem>>, vector<16xi32>,
    %add3A_951 = arith.constant 176 : i32
    %add3A_952 = vector.broadcast %add3A_951 : i32 to vector<16xi32>
    %add3A_953 = arith.addi %iota3A, %add3A_952 : vector<16xi32>
    tpu.vector_store_idx %arg7[%add3A_953, %get3A_948], %broadcast_in_dim3A_3 : memref<400x128xf32, #tpu.memory_space<vmem>>[vector<16xi32>, vector<16xi32>], vector<16xf32>,
    %get3A_954 = arith.constant 192 : index
    %get3A_955 = tpu.vector_load %arg5[%get3A_954] {strides = array<i32>} : memref<400xi32, #tpu.memory_space<vmem>>, vector<16xi32>,
    %swap3A_956 = arith.constant 192 : index
    %swap3A_957 = tpu.vector_load %arg9[%swap3A_956] {strides = array<i32>} : memref<400xi32, #tpu.memory_space<vmem>>, vector<16xi32>,
    tpu.vector_store %arg9[%swap3A_956], %get3A_955 {strides = array<i32>} : memref<400xi32, #tpu.memory_space<vmem>>, vector<16xi32>,
    %add3A_958 = arith.constant 192 : i32
    %add3A_959 = vector.broadcast %add3A_958 : i32 to vector<16xi32>
    %add3A_960 = arith.addi %iota3A, %add3A_959 : vector<16xi32>
    tpu.vector_store_idx %arg7[%add3A_960, %get3A_955], %broadcast_in_dim3A_3 : memref<400x128xf32, #tpu.memory_space<vmem>>[vector<16xi32>, vector<16xi32>], vector<16xf32>,
    %get3A_961 = arith.constant 208 : index
    %get3A_962 = tpu.vector_load %arg5[%get3A_961] {strides = array<i32>} : memref<400xi32, #tpu.memory_space<vmem>>, vector<16xi32>,
    %swap3A_963 = arith.constant 208 : index
    %swap3A_964 = tpu.vector_load %arg9[%swap3A_963] {strides = array<i32>} : memref<400xi32, #tpu.memory_space<vmem>>, vector<16xi32>,
    tpu.vector_store %arg9[%swap3A_963], %get3A_962 {strides = array<i32>} : memref<400xi32, #tpu.memory_space<vmem>>, vector<16xi32>,
    %add3A_965 = arith.constant 208 : i32
    %add3A_966 = vector.broadcast %add3A_965 : i32 to vector<16xi32>
    %add3A_967 = arith.addi %iota3A, %add3A_966 : vector<16xi32>
    tpu.vector_store_idx %arg7[%add3A_967, %get3A_962], %broadcast_in_dim3A_3 : memref<400x128xf32, #tpu.memory_space<vmem>>[vector<16xi32>, vector<16xi32>], vector<16xf32>,
    %get3A_968 = arith.constant 224 : index
    %get3A_969 = tpu.vector_load %arg5[%get3A_968] {strides = array<i32>} : memref<400xi32, #tpu.memory_space<vmem>>, vector<16xi32>,
    %swap3A_970 = arith.constant 224 : index
    %swap3A_971 = tpu.vector_load %arg9[%swap3A_970] {strides = array<i32>} : memref<400xi32, #tpu.memory_space<vmem>>, vector<16xi32>,
    tpu.vector_store %arg9[%swap3A_970], %get3A_969 {strides = array<i32>} : memref<400xi32, #tpu.memory_space<vmem>>, vector<16xi32>,
    %add3A_972 = arith.constant 224 : i32
    %add3A_973 = vector.broadcast %add3A_972 : i32 to vector<16xi32>
    %add3A_974 = arith.addi %iota3A, %add3A_973 : vector<16xi32>
    tpu.vector_store_idx %arg7[%add3A_974, %get3A_969], %broadcast_in_dim3A_3 : memref<400x128xf32, #tpu.memory_space<vmem>>[vector<16xi32>, vector<16xi32>], vector<16xf32>,
    %get3A_975 = arith.constant 240 : index
    %get3A_976 = tpu.vector_load %arg5[%get3A_975] {strides = array<i32>} : memref<400xi32, #tpu.memory_space<vmem>>, vector<16xi32>,
    %swap3A_977 = arith.constant 240 : index
    %swap3A_978 = tpu.vector_load %arg9[%swap3A_977] {strides = array<i32>} : memref<400xi32, #tpu.memory_space<vmem>>, vector<16xi32>,
    tpu.vector_store %arg9[%swap3A_977], %get3A_976 {strides = array<i32>} : memref<400xi32, #tpu.memory_space<vmem>>, vector<16xi32>,
    %add3A_979 = arith.constant 240 : i32
    %add3A_980 = vector.broadcast %add3A_979 : i32 to vector<16xi32>
    %add3A_981 = arith.addi %iota3A, %add3A_980 : vector<16xi32>
    tpu.vector_store_idx %arg7[%add3A_981, %get3A_976], %broadcast_in_dim3A_3 : memref<400x128xf32, #tpu.memory_space<vmem>>[vector<16xi32>, vector<16xi32>], vector<16xf32>,
    %get3A_982 = arith.constant 256 : index
    %get3A_983 = tpu.vector_load %arg5[%get3A_982] {strides = array<i32>} : memref<400xi32, #tpu.memory_space<vmem>>, vector<16xi32>,
    %swap3A_984 = arith.constant 256 : index
    %swap3A_985 = tpu.vector_load %arg9[%swap3A_984] {strides = array<i32>} : memref<400xi32, #tpu.memory_space<vmem>>, vector<16xi32>,
    tpu.vector_store %arg9[%swap3A_984], %get3A_983 {strides = array<i32>} : memref<400xi32, #tpu.memory_space<vmem>>, vector<16xi32>,
    %add3A_986 = arith.constant 256 : i32
    %add3A_987 = vector.broadcast %add3A_986 : i32 to vector<16xi32>
    %add3A_988 = arith.addi %iota3A, %add3A_987 : vector<16xi32>
    tpu.vector_store_idx %arg7[%add3A_988, %get3A_983], %broadcast_in_dim3A_3 : memref<400x128xf32, #tpu.memory_space<vmem>>[vector<16xi32>, vector<16xi32>], vector<16xf32>,
    %get3A_989 = arith.constant 272 : index
    %get3A_990 = tpu.vector_load %arg5[%get3A_989] {strides = array<i32>} : memref<400xi32, #tpu.memory_space<vmem>>, vector<16xi32>,
    %swap3A_991 = arith.constant 272 : index
    %swap3A_992 = tpu.vector_load %arg9[%swap3A_991] {strides = array<i32>} : memref<400xi32, #tpu.memory_space<vmem>>, vector<16xi32>,
    tpu.vector_store %arg9[%swap3A_991], %get3A_990 {strides = array<i32>} : memref<400xi32, #tpu.memory_space<vmem>>, vector<16xi32>,
    %add3A_993 = arith.constant 272 : i32
    %add3A_994 = vector.broadcast %add3A_993 : i32 to vector<16xi32>
    %add3A_995 = arith.addi %iota3A, %add3A_994 : vector<16xi32>
    tpu.vector_store_idx %arg7[%add3A_995, %get3A_990], %broadcast_in_dim3A_3 : memref<400x128xf32, #tpu.memory_space<vmem>>[vector<16xi32>, vector<16xi32>], vector<16xf32>,
    %get3A_996 = arith.constant 288 : index
    %get3A_997 = tpu.vector_load %arg5[%get3A_996] {strides = array<i32>} : memref<400xi32, #tpu.memory_space<vmem>>, vector<16xi32>,
    %swap3A_998 = arith.constant 288 : index
    %swap3A_999 = tpu.vector_load %arg9[%swap3A_998] {strides = array<i32>} : memref<400xi32, #tpu.memory_space<vmem>>, vector<16xi32>,
    tpu.vector_store %arg9[%swap3A_998], %get3A_997 {strides = array<i32>} : memref<400xi32, #tpu.memory_space<vmem>>, vector<16xi32>,
    %add3A_1000 = arith.constant 288 : i32
    %add3A_1001 = vector.broadcast %add3A_1000 : i32 to vector<16xi32>
    %add3A_1002 = arith.addi %iota3A, %add3A_1001 : vector<16xi32>
    tpu.vector_store_idx %arg7[%add3A_1002, %get3A_997], %broadcast_in_dim3A_3 : memref<400x128xf32, #tpu.memory_space<vmem>>[vector<16xi32>, vector<16xi32>], vector<16xf32>,
    %get3A_1003 = arith.constant 304 : index
    %get3A_1004 = tpu.vector_load %arg5[%get3A_1003] {strides = array<i32>} : memref<400xi32, #tpu.memory_space<vmem>>, vector<16xi32>,
    %swap3A_1005 = arith.constant 304 : index
    %swap3A_1006 = tpu.vector_load %arg9[%swap3A_1005] {strides = array<i32>} : memref<400xi32, #tpu.memory_space<vmem>>, vector<16xi32>,
    tpu.vector_store %arg9[%swap3A_1005], %get3A_1004 {strides = array<i32>} : memref<400xi32, #tpu.memory_space<vmem>>, vector<16xi32>,
    %add3A_1007 = arith.constant 304 : i32
    %add3A_1008 = vector.broadcast %add3A_1007 : i32 to vector<16xi32>
    %add3A_1009 = arith.addi %iota3A, %add3A_1008 : vector<16xi32>
    tpu.vector_store_idx %arg7[%add3A_1009, %get3A_1004], %broadcast_in_dim3A_3 : memref<400x128xf32, #tpu.memory_space<vmem>>[vector<16xi32>, vector<16xi32>], vector<16xf32>,
    %get3A_1010 = arith.constant 320 : index
    %get3A_1011 = tpu.vector_load %arg5[%get3A_1010] {strides = array<i32>} : memref<400xi32, #tpu.memory_space<vmem>>, vector<16xi32>,
    %swap3A_1012 = arith.constant 320 : index
    %swap3A_1013 = tpu.vector_load %arg9[%swap3A_1012] {strides = array<i32>} : memref<400xi32, #tpu.memory_space<vmem>>, vector<16xi32>,
    tpu.vector_store %arg9[%swap3A_1012], %get3A_1011 {strides = array<i32>} : memref<400xi32, #tpu.memory_space<vmem>>, vector<16xi32>,
    %add3A_1014 = arith.constant 320 : i32
    %add3A_1015 = vector.broadcast %add3A_1014 : i32 to vector<16xi32>
    %add3A_1016 = arith.addi %iota3A, %add3A_1015 : vector<16xi32>
    tpu.vector_store_idx %arg7[%add3A_1016, %get3A_1011], %broadcast_in_dim3A_3 : memref<400x128xf32, #tpu.memory_space<vmem>>[vector<16xi32>, vector<16xi32>], vector<16xf32>,
    %get3A_1017 = arith.constant 336 : index
    %get3A_1018 = tpu.vector_load %arg5[%get3A_1017] {strides = array<i32>} : memref<400xi32, #tpu.memory_space<vmem>>, vector<16xi32>,
    %swap3A_1019 = arith.constant 336 : index
    %swap3A_1020 = tpu.vector_load %arg9[%swap3A_1019] {strides = array<i32>} : memref<400xi32, #tpu.memory_space<vmem>>, vector<16xi32>,
    tpu.vector_store %arg9[%swap3A_1019], %get3A_1018 {strides = array<i32>} : memref<400xi32, #tpu.memory_space<vmem>>, vector<16xi32>,
    %add3A_1021 = arith.constant 336 : i32
    %add3A_1022 = vector.broadcast %add3A_1021 : i32 to vector<16xi32>
    %add3A_1023 = arith.addi %iota3A, %add3A_1022 : vector<16xi32>
    tpu.vector_store_idx %arg7[%add3A_1023, %get3A_1018], %broadcast_in_dim3A_3 : memref<400x128xf32, #tpu.memory_space<vmem>>[vector<16xi32>, vector<16xi32>], vector<16xf32>,
    %get3A_1024 = arith.constant 352 : index
    %get3A_1025 = tpu.vector_load %arg5[%get3A_1024] {strides = array<i32>} : memref<400xi32, #tpu.memory_space<vmem>>, vector<16xi32>,
    %swap3A_1026 = arith.constant 352 : index
    %swap3A_1027 = tpu.vector_load %arg9[%swap3A_1026] {strides = array<i32>} : memref<400xi32, #tpu.memory_space<vmem>>, vector<16xi32>,
    tpu.vector_store %arg9[%swap3A_1026], %get3A_1025 {strides = array<i32>} : memref<400xi32, #tpu.memory_space<vmem>>, vector<16xi32>,
    %add3A_1028 = arith.constant 352 : i32
    %add3A_1029 = vector.broadcast %add3A_1028 : i32 to vector<16xi32>
    %add3A_1030 = arith.addi %iota3A, %add3A_1029 : vector<16xi32>
    tpu.vector_store_idx %arg7[%add3A_1030, %get3A_1025], %broadcast_in_dim3A_3 : memref<400x128xf32, #tpu.memory_space<vmem>>[vector<16xi32>, vector<16xi32>], vector<16xf32>,
    %get3A_1031 = arith.constant 368 : index
    %get3A_1032 = tpu.vector_load %arg5[%get3A_1031] {strides = array<i32>} : memref<400xi32, #tpu.memory_space<vmem>>, vector<16xi32>,
    %swap3A_1033 = arith.constant 368 : index
    %swap3A_1034 = tpu.vector_load %arg9[%swap3A_1033] {strides = array<i32>} : memref<400xi32, #tpu.memory_space<vmem>>, vector<16xi32>,
    tpu.vector_store %arg9[%swap3A_1033], %get3A_1032 {strides = array<i32>} : memref<400xi32, #tpu.memory_space<vmem>>, vector<16xi32>,
    %add3A_1035 = arith.constant 368 : i32
    %add3A_1036 = vector.broadcast %add3A_1035 : i32 to vector<16xi32>
    %add3A_1037 = arith.addi %iota3A, %add3A_1036 : vector<16xi32>
    tpu.vector_store_idx %arg7[%add3A_1037, %get3A_1032], %broadcast_in_dim3A_3 : memref<400x128xf32, #tpu.memory_space<vmem>>[vector<16xi32>, vector<16xi32>], vector<16xf32>,
    %get3A_1038 = arith.constant 384 : index
    %get3A_1039 = tpu.vector_load %arg5[%get3A_1038] {strides = array<i32>} : memref<400xi32, #tpu.memory_space<vmem>>, vector<16xi32>,
    %swap3A_1040 = arith.constant 384 : index
    %swap3A_1041 = tpu.vector_load %arg9[%swap3A_1040] {strides = array<i32>} : memref<400xi32, #tpu.memory_space<vmem>>, vector<16xi32>,
    tpu.vector_store %arg9[%swap3A_1040], %get3A_1039 {strides = array<i32>} : memref<400xi32, #tpu.memory_space<vmem>>, vector<16xi32>,
    %add3A_1042 = arith.constant 384 : i32
    %add3A_1043 = vector.broadcast %add3A_1042 : i32 to vector<16xi32>
    %add3A_1044 = arith.addi %iota3A, %add3A_1043 : vector<16xi32>
    tpu.vector_store_idx %arg7[%add3A_1044, %get3A_1039], %broadcast_in_dim3A_3 : memref<400x128xf32, #tpu.memory_space<vmem>>[vector<16xi32>, vector<16xi32>], vector<16xf32>,
    %add3A_1045 = arith.constant 160 : i32
    %add3A_1046 = arith.addi %add3A, %add3A_1045 : i32
    %min3A_1047 = arith.constant 249 : i32
    %min3A_1048 = arith.minsi %add3A_1046, %min3A_1047 : i32
    %mul3A_1049 = arith.constant 400 : i32
    %mul3A_1050 = arith.muli %min3A_1048, %mul3A_1049 : i32
    %dma_start3A_1051 = tpu.memref_slice %arg2[%mul3A_1050] : memref<100000xi32, #tpu.memory_space<hbm>> -> memref<400xi32, #tpu.memory_space<hbm>>
    %dma_start3A_1052 = tpu.memref_slice %arg2[%mul3A_1050] : memref<100000xi32, #tpu.memory_space<hbm>> -> memref<400xi32, #tpu.memory_space<hbm>>
    tpu.enqueue_dma source(%dma_start3A_1052 : memref<400xi32, #tpu.memory_space<hbm>>) target(%arg5 : memref<400xi32, #tpu.memory_space<vmem>>) target_semaphore(%arg13 : memref<!tpu.dma_semaphore, #tpu.memory_space<semaphore_mem>>)
    %mul3A_1053 = arith.constant 400 : i32
    %mul3A_1054 = arith.muli %min3A_738, %mul3A_1053 : i32
    %dma_start3A_1055 = arith.constant 0 : i32
    %dma_start3A_1056 = tpu.memref_slice %arg3[%mul3A_1054, %dma_start3A_1055] : memref<100000x128xf32, #tpu.memory_space<hbm>> -> memref<400x128xf32, #tpu.memory_space<hbm>>
    %dma_start3A_1057 = arith.constant 0 : i32
    %dma_start3A_1058 = tpu.memref_slice %arg3[%mul3A_1054, %dma_start3A_1057] : memref<100000x128xf32, #tpu.memory_space<hbm>> -> memref<400x128xf32, #tpu.memory_space<hbm>>
    tpu.enqueue_dma source(%arg7 : memref<400x128xf32, #tpu.memory_space<vmem>>) target(%dma_start3A_1058 : memref<400x128xf32, #tpu.memory_space<hbm>>) target_semaphore(%arg11 : memref<!tpu.dma_semaphore, #tpu.memory_space<semaphore_mem>>)
    %add3A_1059 = arith.constant 128 : i32
    %add3A_1060 = arith.addi %add3A, %add3A_1059 : i32
    %min3A_1061 = arith.constant 249 : i32
    %min3A_1062 = arith.minsi %add3A_1060, %min3A_1061 : i32
    %dma_wait3A_1063 = arith.constant 0 : i32
    %dma_wait3A_1064 = tpu.memref_slice %arg3[%mul3A_730, %dma_wait3A_1063] : memref<100000x128xf32, #tpu.memory_space<hbm>> -> memref<400x128xf32, #tpu.memory_space<hbm>>
    %dma_wait3A_1065 = arith.constant 0 : i32
    %dma_wait3A_1066 = tpu.memref_slice %arg3[%mul3A_730, %dma_wait3A_1065] : memref<100000x128xf32, #tpu.memory_space<hbm>> -> memref<400x128xf32, #tpu.memory_space<hbm>>
    tpu.wait_dma2 semaphore(%arg10 : memref<!tpu.dma_semaphore, #tpu.memory_space<semaphore_mem>>) src(%arg6 : memref<400x128xf32, #tpu.memory_space<vmem>>) dst(%dma_wait3A_1066 : memref<400x128xf32, #tpu.memory_space<hbm>>)
    %get3A_1067 = arith.constant 0 : index
    %get3A_1068 = tpu.vector_load %arg8[%get3A_1067] {strides = array<i32>} : memref<400xi32, #tpu.memory_space<vmem>>, vector<16xi32>,
    %add3A_1069 = arith.constant 0 : i32
    %add3A_1070 = vector.broadcast %add3A_1069 : i32 to vector<16xi32>
    %add3A_1071 = arith.addi %iota3A, %add3A_1070 : vector<16xi32>
    tpu.vector_store_idx %arg6[%add3A_1071, %get3A_1068], %broadcast_in_dim3A_1 : memref<400x128xf32, #tpu.memory_space<vmem>>[vector<16xi32>, vector<16xi32>], vector<16xf32>,
    %get3A_1072 = arith.constant 16 : index
    %get3A_1073 = tpu.vector_load %arg8[%get3A_1072] {strides = array<i32>} : memref<400xi32, #tpu.memory_space<vmem>>, vector<16xi32>,
    %add3A_1074 = arith.constant 16 : i32
    %add3A_1075 = vector.broadcast %add3A_1074 : i32 to vector<16xi32>
    %add3A_1076 = arith.addi %iota3A, %add3A_1075 : vector<16xi32>
    tpu.vector_store_idx %arg6[%add3A_1076, %get3A_1073], %broadcast_in_dim3A_1 : memref<400x128xf32, #tpu.memory_space<vmem>>[vector<16xi32>, vector<16xi32>], vector<16xf32>,
    %get3A_1077 = arith.constant 32 : index
    %get3A_1078 = tpu.vector_load %arg8[%get3A_1077] {strides = array<i32>} : memref<400xi32, #tpu.memory_space<vmem>>, vector<16xi32>,
    %add3A_1079 = arith.constant 32 : i32
    %add3A_1080 = vector.broadcast %add3A_1079 : i32 to vector<16xi32>
    %add3A_1081 = arith.addi %iota3A, %add3A_1080 : vector<16xi32>
    tpu.vector_store_idx %arg6[%add3A_1081, %get3A_1078], %broadcast_in_dim3A_1 : memref<400x128xf32, #tpu.memory_space<vmem>>[vector<16xi32>, vector<16xi32>], vector<16xf32>,
    %get3A_1082 = arith.constant 48 : index
    %get3A_1083 = tpu.vector_load %arg8[%get3A_1082] {strides = array<i32>} : memref<400xi32, #tpu.memory_space<vmem>>, vector<16xi32>,
    %add3A_1084 = arith.constant 48 : i32
    %add3A_1085 = vector.broadcast %add3A_1084 : i32 to vector<16xi32>
    %add3A_1086 = arith.addi %iota3A, %add3A_1085 : vector<16xi32>
    tpu.vector_store_idx %arg6[%add3A_1086, %get3A_1083], %broadcast_in_dim3A_1 : memref<400x128xf32, #tpu.memory_space<vmem>>[vector<16xi32>, vector<16xi32>], vector<16xf32>,
    %get3A_1087 = arith.constant 64 : index
    %get3A_1088 = tpu.vector_load %arg8[%get3A_1087] {strides = array<i32>} : memref<400xi32, #tpu.memory_space<vmem>>, vector<16xi32>,
    %add3A_1089 = arith.constant 64 : i32
    %add3A_1090 = vector.broadcast %add3A_1089 : i32 to vector<16xi32>
    %add3A_1091 = arith.addi %iota3A, %add3A_1090 : vector<16xi32>
    tpu.vector_store_idx %arg6[%add3A_1091, %get3A_1088], %broadcast_in_dim3A_1 : memref<400x128xf32, #tpu.memory_space<vmem>>[vector<16xi32>, vector<16xi32>], vector<16xf32>,
    %get3A_1092 = arith.constant 80 : index
    %get3A_1093 = tpu.vector_load %arg8[%get3A_1092] {strides = array<i32>} : memref<400xi32, #tpu.memory_space<vmem>>, vector<16xi32>,
    %add3A_1094 = arith.constant 80 : i32
    %add3A_1095 = vector.broadcast %add3A_1094 : i32 to vector<16xi32>
    %add3A_1096 = arith.addi %iota3A, %add3A_1095 : vector<16xi32>
    tpu.vector_store_idx %arg6[%add3A_1096, %get3A_1093], %broadcast_in_dim3A_1 : memref<400x128xf32, #tpu.memory_space<vmem>>[vector<16xi32>, vector<16xi32>], vector<16xf32>,
    %get3A_1097 = arith.constant 96 : index
    %get3A_1098 = tpu.vector_load %arg8[%get3A_1097] {strides = array<i32>} : memref<400xi32, #tpu.memory_space<vmem>>, vector<16xi32>,
    %add3A_1099 = arith.constant 96 : i32
    %add3A_1100 = vector.broadcast %add3A_1099 : i32 to vector<16xi32>
    %add3A_1101 = arith.addi %iota3A, %add3A_1100 : vector<16xi32>
    tpu.vector_store_idx %arg6[%add3A_1101, %get3A_1098], %broadcast_in_dim3A_1 : memref<400x128xf32, #tpu.memory_space<vmem>>[vector<16xi32>, vector<16xi32>], vector<16xf32>,
    %get3A_1102 = arith.constant 112 : index
    %get3A_1103 = tpu.vector_load %arg8[%get3A_1102] {strides = array<i32>} : memref<400xi32, #tpu.memory_space<vmem>>, vector<16xi32>,
    %add3A_1104 = arith.constant 112 : i32
    %add3A_1105 = vector.broadcast %add3A_1104 : i32 to vector<16xi32>
    %add3A_1106 = arith.addi %iota3A, %add3A_1105 : vector<16xi32>
    tpu.vector_store_idx %arg6[%add3A_1106, %get3A_1103], %broadcast_in_dim3A_1 : memref<400x128xf32, #tpu.memory_space<vmem>>[vector<16xi32>, vector<16xi32>], vector<16xf32>,
    %get3A_1107 = arith.constant 128 : index
    %get3A_1108 = tpu.vector_load %arg8[%get3A_1107] {strides = array<i32>} : memref<400xi32, #tpu.memory_space<vmem>>, vector<16xi32>,
    %add3A_1109 = arith.constant 128 : i32
    %add3A_1110 = vector.broadcast %add3A_1109 : i32 to vector<16xi32>
    %add3A_1111 = arith.addi %iota3A, %add3A_1110 : vector<16xi32>
    tpu.vector_store_idx %arg6[%add3A_1111, %get3A_1108], %broadcast_in_dim3A_1 : memref<400x128xf32, #tpu.memory_space<vmem>>[vector<16xi32>, vector<16xi32>], vector<16xf32>,
    %get3A_1112 = arith.constant 144 : index
    %get3A_1113 = tpu.vector_load %arg8[%get3A_1112] {strides = array<i32>} : memref<400xi32, #tpu.memory_space<vmem>>, vector<16xi32>,
    %add3A_1114 = arith.constant 144 : i32
    %add3A_1115 = vector.broadcast %add3A_1114 : i32 to vector<16xi32>
    %add3A_1116 = arith.addi %iota3A, %add3A_1115 : vector<16xi32>
    tpu.vector_store_idx %arg6[%add3A_1116, %get3A_1113], %broadcast_in_dim3A_1 : memref<400x128xf32, #tpu.memory_space<vmem>>[vector<16xi32>, vector<16xi32>], vector<16xf32>,
    %get3A_1117 = arith.constant 160 : index
    %get3A_1118 = tpu.vector_load %arg8[%get3A_1117] {strides = array<i32>} : memref<400xi32, #tpu.memory_space<vmem>>, vector<16xi32>,
    %add3A_1119 = arith.constant 160 : i32
    %add3A_1120 = vector.broadcast %add3A_1119 : i32 to vector<16xi32>
    %add3A_1121 = arith.addi %iota3A, %add3A_1120 : vector<16xi32>
    tpu.vector_store_idx %arg6[%add3A_1121, %get3A_1118], %broadcast_in_dim3A_1 : memref<400x128xf32, #tpu.memory_space<vmem>>[vector<16xi32>, vector<16xi32>], vector<16xf32>,
    %get3A_1122 = arith.constant 176 : index
    %get3A_1123 = tpu.vector_load %arg8[%get3A_1122] {strides = array<i32>} : memref<400xi32, #tpu.memory_space<vmem>>, vector<16xi32>,
    %add3A_1124 = arith.constant 176 : i32
    %add3A_1125 = vector.broadcast %add3A_1124 : i32 to vector<16xi32>
    %add3A_1126 = arith.addi %iota3A, %add3A_1125 : vector<16xi32>
    tpu.vector_store_idx %arg6[%add3A_1126, %get3A_1123], %broadcast_in_dim3A_1 : memref<400x128xf32, #tpu.memory_space<vmem>>[vector<16xi32>, vector<16xi32>], vector<16xf32>,
    %get3A_1127 = arith.constant 192 : index
    %get3A_1128 = tpu.vector_load %arg8[%get3A_1127] {strides = array<i32>} : memref<400xi32, #tpu.memory_space<vmem>>, vector<16xi32>,
    %add3A_1129 = arith.constant 192 : i32
    %add3A_1130 = vector.broadcast %add3A_1129 : i32 to vector<16xi32>
    %add3A_1131 = arith.addi %iota3A, %add3A_1130 : vector<16xi32>
    tpu.vector_store_idx %arg6[%add3A_1131, %get3A_1128], %broadcast_in_dim3A_1 : memref<400x128xf32, #tpu.memory_space<vmem>>[vector<16xi32>, vector<16xi32>], vector<16xf32>,
    %get3A_1132 = arith.constant 208 : index
    %get3A_1133 = tpu.vector_load %arg8[%get3A_1132] {strides = array<i32>} : memref<400xi32, #tpu.memory_space<vmem>>, vector<16xi32>,
    %add3A_1134 = arith.constant 208 : i32
    %add3A_1135 = vector.broadcast %add3A_1134 : i32 to vector<16xi32>
    %add3A_1136 = arith.addi %iota3A, %add3A_1135 : vector<16xi32>
    tpu.vector_store_idx %arg6[%add3A_1136, %get3A_1133], %broadcast_in_dim3A_1 : memref<400x128xf32, #tpu.memory_space<vmem>>[vector<16xi32>, vector<16xi32>], vector<16xf32>,
    %get3A_1137 = arith.constant 224 : index
    %get3A_1138 = tpu.vector_load %arg8[%get3A_1137] {strides = array<i32>} : memref<400xi32, #tpu.memory_space<vmem>>, vector<16xi32>,
    %add3A_1139 = arith.constant 224 : i32
    %add3A_1140 = vector.broadcast %add3A_1139 : i32 to vector<16xi32>
    %add3A_1141 = arith.addi %iota3A, %add3A_1140 : vector<16xi32>
    tpu.vector_store_idx %arg6[%add3A_1141, %get3A_1138], %broadcast_in_dim3A_1 : memref<400x128xf32, #tpu.memory_space<vmem>>[vector<16xi32>, vector<16xi32>], vector<16xf32>,
    %get3A_1142 = arith.constant 240 : index
    %get3A_1143 = tpu.vector_load %arg8[%get3A_1142] {strides = array<i32>} : memref<400xi32, #tpu.memory_space<vmem>>, vector<16xi32>,
    %add3A_1144 = arith.constant 240 : i32
    %add3A_1145 = vector.broadcast %add3A_1144 : i32 to vector<16xi32>
    %add3A_1146 = arith.addi %iota3A, %add3A_1145 : vector<16xi32>
    tpu.vector_store_idx %arg6[%add3A_1146, %get3A_1143], %broadcast_in_dim3A_1 : memref<400x128xf32, #tpu.memory_space<vmem>>[vector<16xi32>, vector<16xi32>], vector<16xf32>,
    %get3A_1147 = arith.constant 256 : index
    %get3A_1148 = tpu.vector_load %arg8[%get3A_1147] {strides = array<i32>} : memref<400xi32, #tpu.memory_space<vmem>>, vector<16xi32>,
    %add3A_1149 = arith.constant 256 : i32
    %add3A_1150 = vector.broadcast %add3A_1149 : i32 to vector<16xi32>
    %add3A_1151 = arith.addi %iota3A, %add3A_1150 : vector<16xi32>
    tpu.vector_store_idx %arg6[%add3A_1151, %get3A_1148], %broadcast_in_dim3A_1 : memref<400x128xf32, #tpu.memory_space<vmem>>[vector<16xi32>, vector<16xi32>], vector<16xf32>,
    %get3A_1152 = arith.constant 272 : index
    %get3A_1153 = tpu.vector_load %arg8[%get3A_1152] {strides = array<i32>} : memref<400xi32, #tpu.memory_space<vmem>>, vector<16xi32>,
    %add3A_1154 = arith.constant 272 : i32
    %add3A_1155 = vector.broadcast %add3A_1154 : i32 to vector<16xi32>
    %add3A_1156 = arith.addi %iota3A, %add3A_1155 : vector<16xi32>
    tpu.vector_store_idx %arg6[%add3A_1156, %get3A_1153], %broadcast_in_dim3A_1 : memref<400x128xf32, #tpu.memory_space<vmem>>[vector<16xi32>, vector<16xi32>], vector<16xf32>,
    %get3A_1157 = arith.constant 288 : index
    %get3A_1158 = tpu.vector_load %arg8[%get3A_1157] {strides = array<i32>} : memref<400xi32, #tpu.memory_space<vmem>>, vector<16xi32>,
    %add3A_1159 = arith.constant 288 : i32
    %add3A_1160 = vector.broadcast %add3A_1159 : i32 to vector<16xi32>
    %add3A_1161 = arith.addi %iota3A, %add3A_1160 : vector<16xi32>
    tpu.vector_store_idx %arg6[%add3A_1161, %get3A_1158], %broadcast_in_dim3A_1 : memref<400x128xf32, #tpu.memory_space<vmem>>[vector<16xi32>, vector<16xi32>], vector<16xf32>,
    %get3A_1162 = arith.constant 304 : index
    %get3A_1163 = tpu.vector_load %arg8[%get3A_1162] {strides = array<i32>} : memref<400xi32, #tpu.memory_space<vmem>>, vector<16xi32>,
    %add3A_1164 = arith.constant 304 : i32
    %add3A_1165 = vector.broadcast %add3A_1164 : i32 to vector<16xi32>
    %add3A_1166 = arith.addi %iota3A, %add3A_1165 : vector<16xi32>
    tpu.vector_store_idx %arg6[%add3A_1166, %get3A_1163], %broadcast_in_dim3A_1 : memref<400x128xf32, #tpu.memory_space<vmem>>[vector<16xi32>, vector<16xi32>], vector<16xf32>,
    %get3A_1167 = arith.constant 320 : index
    %get3A_1168 = tpu.vector_load %arg8[%get3A_1167] {strides = array<i32>} : memref<400xi32, #tpu.memory_space<vmem>>, vector<16xi32>,
    %add3A_1169 = arith.constant 320 : i32
    %add3A_1170 = vector.broadcast %add3A_1169 : i32 to vector<16xi32>
    %add3A_1171 = arith.addi %iota3A, %add3A_1170 : vector<16xi32>
    tpu.vector_store_idx %arg6[%add3A_1171, %get3A_1168], %broadcast_in_dim3A_1 : memref<400x128xf32, #tpu.memory_space<vmem>>[vector<16xi32>, vector<16xi32>], vector<16xf32>,
    %get3A_1172 = arith.constant 336 : index
    %get3A_1173 = tpu.vector_load %arg8[%get3A_1172] {strides = array<i32>} : memref<400xi32, #tpu.memory_space<vmem>>, vector<16xi32>,
    %add3A_1174 = arith.constant 336 : i32
    %add3A_1175 = vector.broadcast %add3A_1174 : i32 to vector<16xi32>
    %add3A_1176 = arith.addi %iota3A, %add3A_1175 : vector<16xi32>
    tpu.vector_store_idx %arg6[%add3A_1176, %get3A_1173], %broadcast_in_dim3A_1 : memref<400x128xf32, #tpu.memory_space<vmem>>[vector<16xi32>, vector<16xi32>], vector<16xf32>,
    %get3A_1177 = arith.constant 352 : index
    %get3A_1178 = tpu.vector_load %arg8[%get3A_1177] {strides = array<i32>} : memref<400xi32, #tpu.memory_space<vmem>>, vector<16xi32>,
    %add3A_1179 = arith.constant 352 : i32
    %add3A_1180 = vector.broadcast %add3A_1179 : i32 to vector<16xi32>
    %add3A_1181 = arith.addi %iota3A, %add3A_1180 : vector<16xi32>
    tpu.vector_store_idx %arg6[%add3A_1181, %get3A_1178], %broadcast_in_dim3A_1 : memref<400x128xf32, #tpu.memory_space<vmem>>[vector<16xi32>, vector<16xi32>], vector<16xf32>,
    %get3A_1182 = arith.constant 368 : index
    %get3A_1183 = tpu.vector_load %arg8[%get3A_1182] {strides = array<i32>} : memref<400xi32, #tpu.memory_space<vmem>>, vector<16xi32>,
    %add3A_1184 = arith.constant 368 : i32
    %add3A_1185 = vector.broadcast %add3A_1184 : i32 to vector<16xi32>
    %add3A_1186 = arith.addi %iota3A, %add3A_1185 : vector<16xi32>
    tpu.vector_store_idx %arg6[%add3A_1186, %get3A_1183], %broadcast_in_dim3A_1 : memref<400x128xf32, #tpu.memory_space<vmem>>[vector<16xi32>, vector<16xi32>], vector<16xf32>,
    %get3A_1187 = arith.constant 384 : index
    %get3A_1188 = tpu.vector_load %arg8[%get3A_1187] {strides = array<i32>} : memref<400xi32, #tpu.memory_space<vmem>>, vector<16xi32>,
    %add3A_1189 = arith.constant 384 : i32
    %add3A_1190 = vector.broadcast %add3A_1189 : i32 to vector<16xi32>
    %add3A_1191 = arith.addi %iota3A, %add3A_1190 : vector<16xi32>
    tpu.vector_store_idx %arg6[%add3A_1191, %get3A_1188], %broadcast_in_dim3A_1 : memref<400x128xf32, #tpu.memory_space<vmem>>[vector<16xi32>, vector<16xi32>], vector<16xf32>,
    %dma_wait3A_1192 = tpu.memref_slice %arg2[%mul3A_726] : memref<100000xi32, #tpu.memory_space<hbm>> -> memref<400xi32, #tpu.memory_space<hbm>>
    %dma_wait3A_1193 = tpu.memref_slice %arg2[%mul3A_726] : memref<100000xi32, #tpu.memory_space<hbm>> -> memref<400xi32, #tpu.memory_space<hbm>>
    tpu.wait_dma2 semaphore(%arg12 : memref<!tpu.dma_semaphore, #tpu.memory_space<semaphore_mem>>) src(%dma_wait3A_1193 : memref<400xi32, #tpu.memory_space<hbm>>) dst(%arg4 : memref<400xi32, #tpu.memory_space<vmem>>)
    %get3A_1194 = arith.constant 0 : index
    %get3A_1195 = tpu.vector_load %arg4[%get3A_1194] {strides = array<i32>} : memref<400xi32, #tpu.memory_space<vmem>>, vector<16xi32>,
    %swap3A_1196 = arith.constant 0 : index
    %swap3A_1197 = tpu.vector_load %arg8[%swap3A_1196] {strides = array<i32>} : memref<400xi32, #tpu.memory_space<vmem>>, vector<16xi32>,
    tpu.vector_store %arg8[%swap3A_1196], %get3A_1195 {strides = array<i32>} : memref<400xi32, #tpu.memory_space<vmem>>, vector<16xi32>,
    %add3A_1198 = arith.constant 0 : i32
    %add3A_1199 = vector.broadcast %add3A_1198 : i32 to vector<16xi32>
    %add3A_1200 = arith.addi %iota3A, %add3A_1199 : vector<16xi32>
    tpu.vector_store_idx %arg6[%add3A_1200, %get3A_1195], %broadcast_in_dim3A_3 : memref<400x128xf32, #tpu.memory_space<vmem>>[vector<16xi32>, vector<16xi32>], vector<16xf32>,
    %get3A_1201 = arith.constant 16 : index
    %get3A_1202 = tpu.vector_load %arg4[%get3A_1201] {strides = array<i32>} : memref<400xi32, #tpu.memory_space<vmem>>, vector<16xi32>,
    %swap3A_1203 = arith.constant 16 : index
    %swap3A_1204 = tpu.vector_load %arg8[%swap3A_1203] {strides = array<i32>} : memref<400xi32, #tpu.memory_space<vmem>>, vector<16xi32>,
    tpu.vector_store %arg8[%swap3A_1203], %get3A_1202 {strides = array<i32>} : memref<400xi32, #tpu.memory_space<vmem>>, vector<16xi32>,
    %add3A_1205 = arith.constant 16 : i32
    %add3A_1206 = vector.broadcast %add3A_1205 : i32 to vector<16xi32>
    %add3A_1207 = arith.addi %iota3A, %add3A_1206 : vector<16xi32>
    tpu.vector_store_idx %arg6[%add3A_1207, %get3A_1202], %broadcast_in_dim3A_3 : memref<400x128xf32, #tpu.memory_space<vmem>>[vector<16xi32>, vector<16xi32>], vector<16xf32>,
    %get3A_1208 = arith.constant 32 : index
    %get3A_1209 = tpu.vector_load %arg4[%get3A_1208] {strides = array<i32>} : memref<400xi32, #tpu.memory_space<vmem>>, vector<16xi32>,
    %swap3A_1210 = arith.constant 32 : index
    %swap3A_1211 = tpu.vector_load %arg8[%swap3A_1210] {strides = array<i32>} : memref<400xi32, #tpu.memory_space<vmem>>, vector<16xi32>,
    tpu.vector_store %arg8[%swap3A_1210], %get3A_1209 {strides = array<i32>} : memref<400xi32, #tpu.memory_space<vmem>>, vector<16xi32>,
    %add3A_1212 = arith.constant 32 : i32
    %add3A_1213 = vector.broadcast %add3A_1212 : i32 to vector<16xi32>
    %add3A_1214 = arith.addi %iota3A, %add3A_1213 : vector<16xi32>
    tpu.vector_store_idx %arg6[%add3A_1214, %get3A_1209], %broadcast_in_dim3A_3 : memref<400x128xf32, #tpu.memory_space<vmem>>[vector<16xi32>, vector<16xi32>], vector<16xf32>,
    %get3A_1215 = arith.constant 48 : index
    %get3A_1216 = tpu.vector_load %arg4[%get3A_1215] {strides = array<i32>} : memref<400xi32, #tpu.memory_space<vmem>>, vector<16xi32>,
    %swap3A_1217 = arith.constant 48 : index
    %swap3A_1218 = tpu.vector_load %arg8[%swap3A_1217] {strides = array<i32>} : memref<400xi32, #tpu.memory_space<vmem>>, vector<16xi32>,
    tpu.vector_store %arg8[%swap3A_1217], %get3A_1216 {strides = array<i32>} : memref<400xi32, #tpu.memory_space<vmem>>, vector<16xi32>,
    %add3A_1219 = arith.constant 48 : i32
    %add3A_1220 = vector.broadcast %add3A_1219 : i32 to vector<16xi32>
    %add3A_1221 = arith.addi %iota3A, %add3A_1220 : vector<16xi32>
    tpu.vector_store_idx %arg6[%add3A_1221, %get3A_1216], %broadcast_in_dim3A_3 : memref<400x128xf32, #tpu.memory_space<vmem>>[vector<16xi32>, vector<16xi32>], vector<16xf32>,
    %get3A_1222 = arith.constant 64 : index
    %get3A_1223 = tpu.vector_load %arg4[%get3A_1222] {strides = array<i32>} : memref<400xi32, #tpu.memory_space<vmem>>, vector<16xi32>,
    %swap3A_1224 = arith.constant 64 : index
    %swap3A_1225 = tpu.vector_load %arg8[%swap3A_1224] {strides = array<i32>} : memref<400xi32, #tpu.memory_space<vmem>>, vector<16xi32>,
    tpu.vector_store %arg8[%swap3A_1224], %get3A_1223 {strides = array<i32>} : memref<400xi32, #tpu.memory_space<vmem>>, vector<16xi32>,
    %add3A_1226 = arith.constant 64 : i32
    %add3A_1227 = vector.broadcast %add3A_1226 : i32 to vector<16xi32>
    %add3A_1228 = arith.addi %iota3A, %add3A_1227 : vector<16xi32>
    tpu.vector_store_idx %arg6[%add3A_1228, %get3A_1223], %broadcast_in_dim3A_3 : memref<400x128xf32, #tpu.memory_space<vmem>>[vector<16xi32>, vector<16xi32>], vector<16xf32>,
    %get3A_1229 = arith.constant 80 : index
    %get3A_1230 = tpu.vector_load %arg4[%get3A_1229] {strides = array<i32>} : memref<400xi32, #tpu.memory_space<vmem>>, vector<16xi32>,
    %swap3A_1231 = arith.constant 80 : index
    %swap3A_1232 = tpu.vector_load %arg8[%swap3A_1231] {strides = array<i32>} : memref<400xi32, #tpu.memory_space<vmem>>, vector<16xi32>,
    tpu.vector_store %arg8[%swap3A_1231], %get3A_1230 {strides = array<i32>} : memref<400xi32, #tpu.memory_space<vmem>>, vector<16xi32>,
    %add3A_1233 = arith.constant 80 : i32
    %add3A_1234 = vector.broadcast %add3A_1233 : i32 to vector<16xi32>
    %add3A_1235 = arith.addi %iota3A, %add3A_1234 : vector<16xi32>
    tpu.vector_store_idx %arg6[%add3A_1235, %get3A_1230], %broadcast_in_dim3A_3 : memref<400x128xf32, #tpu.memory_space<vmem>>[vector<16xi32>, vector<16xi32>], vector<16xf32>,
    %get3A_1236 = arith.constant 96 : index
    %get3A_1237 = tpu.vector_load %arg4[%get3A_1236] {strides = array<i32>} : memref<400xi32, #tpu.memory_space<vmem>>, vector<16xi32>,
    %swap3A_1238 = arith.constant 96 : index
    %swap3A_1239 = tpu.vector_load %arg8[%swap3A_1238] {strides = array<i32>} : memref<400xi32, #tpu.memory_space<vmem>>, vector<16xi32>,
    tpu.vector_store %arg8[%swap3A_1238], %get3A_1237 {strides = array<i32>} : memref<400xi32, #tpu.memory_space<vmem>>, vector<16xi32>,
    %add3A_1240 = arith.constant 96 : i32
    %add3A_1241 = vector.broadcast %add3A_1240 : i32 to vector<16xi32>
    %add3A_1242 = arith.addi %iota3A, %add3A_1241 : vector<16xi32>
    tpu.vector_store_idx %arg6[%add3A_1242, %get3A_1237], %broadcast_in_dim3A_3 : memref<400x128xf32, #tpu.memory_space<vmem>>[vector<16xi32>, vector<16xi32>], vector<16xf32>,
    %get3A_1243 = arith.constant 112 : index
    %get3A_1244 = tpu.vector_load %arg4[%get3A_1243] {strides = array<i32>} : memref<400xi32, #tpu.memory_space<vmem>>, vector<16xi32>,
    %swap3A_1245 = arith.constant 112 : index
    %swap3A_1246 = tpu.vector_load %arg8[%swap3A_1245] {strides = array<i32>} : memref<400xi32, #tpu.memory_space<vmem>>, vector<16xi32>,
    tpu.vector_store %arg8[%swap3A_1245], %get3A_1244 {strides = array<i32>} : memref<400xi32, #tpu.memory_space<vmem>>, vector<16xi32>,
    %add3A_1247 = arith.constant 112 : i32
    %add3A_1248 = vector.broadcast %add3A_1247 : i32 to vector<16xi32>
    %add3A_1249 = arith.addi %iota3A, %add3A_1248 : vector<16xi32>
    tpu.vector_store_idx %arg6[%add3A_1249, %get3A_1244], %broadcast_in_dim3A_3 : memref<400x128xf32, #tpu.memory_space<vmem>>[vector<16xi32>, vector<16xi32>], vector<16xf32>,
    %get3A_1250 = arith.constant 128 : index
    %get3A_1251 = tpu.vector_load %arg4[%get3A_1250] {strides = array<i32>} : memref<400xi32, #tpu.memory_space<vmem>>, vector<16xi32>,
    %swap3A_1252 = arith.constant 128 : index
    %swap3A_1253 = tpu.vector_load %arg8[%swap3A_1252] {strides = array<i32>} : memref<400xi32, #tpu.memory_space<vmem>>, vector<16xi32>,
    tpu.vector_store %arg8[%swap3A_1252], %get3A_1251 {strides = array<i32>} : memref<400xi32, #tpu.memory_space<vmem>>, vector<16xi32>,
    %add3A_1254 = arith.constant 128 : i32
    %add3A_1255 = vector.broadcast %add3A_1254 : i32 to vector<16xi32>
    %add3A_1256 = arith.addi %iota3A, %add3A_1255 : vector<16xi32>
    tpu.vector_store_idx %arg6[%add3A_1256, %get3A_1251], %broadcast_in_dim3A_3 : memref<400x128xf32, #tpu.memory_space<vmem>>[vector<16xi32>, vector<16xi32>], vector<16xf32>,
    %get3A_1257 = arith.constant 144 : index
    %get3A_1258 = tpu.vector_load %arg4[%get3A_1257] {strides = array<i32>} : memref<400xi32, #tpu.memory_space<vmem>>, vector<16xi32>,
    %swap3A_1259 = arith.constant 144 : index
    %swap3A_1260 = tpu.vector_load %arg8[%swap3A_1259] {strides = array<i32>} : memref<400xi32, #tpu.memory_space<vmem>>, vector<16xi32>,
    tpu.vector_store %arg8[%swap3A_1259], %get3A_1258 {strides = array<i32>} : memref<400xi32, #tpu.memory_space<vmem>>, vector<16xi32>,
    %add3A_1261 = arith.constant 144 : i32
    %add3A_1262 = vector.broadcast %add3A_1261 : i32 to vector<16xi32>
    %add3A_1263 = arith.addi %iota3A, %add3A_1262 : vector<16xi32>
    tpu.vector_store_idx %arg6[%add3A_1263, %get3A_1258], %broadcast_in_dim3A_3 : memref<400x128xf32, #tpu.memory_space<vmem>>[vector<16xi32>, vector<16xi32>], vector<16xf32>,
    %get3A_1264 = arith.constant 160 : index
    %get3A_1265 = tpu.vector_load %arg4[%get3A_1264] {strides = array<i32>} : memref<400xi32, #tpu.memory_space<vmem>>, vector<16xi32>,
    %swap3A_1266 = arith.constant 160 : index
    %swap3A_1267 = tpu.vector_load %arg8[%swap3A_1266] {strides = array<i32>} : memref<400xi32, #tpu.memory_space<vmem>>, vector<16xi32>,
    tpu.vector_store %arg8[%swap3A_1266], %get3A_1265 {strides = array<i32>} : memref<400xi32, #tpu.memory_space<vmem>>, vector<16xi32>,
    %add3A_1268 = arith.constant 160 : i32
    %add3A_1269 = vector.broadcast %add3A_1268 : i32 to vector<16xi32>
    %add3A_1270 = arith.addi %iota3A, %add3A_1269 : vector<16xi32>
    tpu.vector_store_idx %arg6[%add3A_1270, %get3A_1265], %broadcast_in_dim3A_3 : memref<400x128xf32, #tpu.memory_space<vmem>>[vector<16xi32>, vector<16xi32>], vector<16xf32>,
    %get3A_1271 = arith.constant 176 : index
    %get3A_1272 = tpu.vector_load %arg4[%get3A_1271] {strides = array<i32>} : memref<400xi32, #tpu.memory_space<vmem>>, vector<16xi32>,
    %swap3A_1273 = arith.constant 176 : index
    %swap3A_1274 = tpu.vector_load %arg8[%swap3A_1273] {strides = array<i32>} : memref<400xi32, #tpu.memory_space<vmem>>, vector<16xi32>,
    tpu.vector_store %arg8[%swap3A_1273], %get3A_1272 {strides = array<i32>} : memref<400xi32, #tpu.memory_space<vmem>>, vector<16xi32>,
    %add3A_1275 = arith.constant 176 : i32
    %add3A_1276 = vector.broadcast %add3A_1275 : i32 to vector<16xi32>
    %add3A_1277 = arith.addi %iota3A, %add3A_1276 : vector<16xi32>
    tpu.vector_store_idx %arg6[%add3A_1277, %get3A_1272], %broadcast_in_dim3A_3 : memref<400x128xf32, #tpu.memory_space<vmem>>[vector<16xi32>, vector<16xi32>], vector<16xf32>,
    %get3A_1278 = arith.constant 192 : index
    %get3A_1279 = tpu.vector_load %arg4[%get3A_1278] {strides = array<i32>} : memref<400xi32, #tpu.memory_space<vmem>>, vector<16xi32>,
    %swap3A_1280 = arith.constant 192 : index
    %swap3A_1281 = tpu.vector_load %arg8[%swap3A_1280] {strides = array<i32>} : memref<400xi32, #tpu.memory_space<vmem>>, vector<16xi32>,
    tpu.vector_store %arg8[%swap3A_1280], %get3A_1279 {strides = array<i32>} : memref<400xi32, #tpu.memory_space<vmem>>, vector<16xi32>,
    %add3A_1282 = arith.constant 192 : i32
    %add3A_1283 = vector.broadcast %add3A_1282 : i32 to vector<16xi32>
    %add3A_1284 = arith.addi %iota3A, %add3A_1283 : vector<16xi32>
    tpu.vector_store_idx %arg6[%add3A_1284, %get3A_1279], %broadcast_in_dim3A_3 : memref<400x128xf32, #tpu.memory_space<vmem>>[vector<16xi32>, vector<16xi32>], vector<16xf32>,
    %get3A_1285 = arith.constant 208 : index
    %get3A_1286 = tpu.vector_load %arg4[%get3A_1285] {strides = array<i32>} : memref<400xi32, #tpu.memory_space<vmem>>, vector<16xi32>,
    %swap3A_1287 = arith.constant 208 : index
    %swap3A_1288 = tpu.vector_load %arg8[%swap3A_1287] {strides = array<i32>} : memref<400xi32, #tpu.memory_space<vmem>>, vector<16xi32>,
    tpu.vector_store %arg8[%swap3A_1287], %get3A_1286 {strides = array<i32>} : memref<400xi32, #tpu.memory_space<vmem>>, vector<16xi32>,
    %add3A_1289 = arith.constant 208 : i32
    %add3A_1290 = vector.broadcast %add3A_1289 : i32 to vector<16xi32>
    %add3A_1291 = arith.addi %iota3A, %add3A_1290 : vector<16xi32>
    tpu.vector_store_idx %arg6[%add3A_1291, %get3A_1286], %broadcast_in_dim3A_3 : memref<400x128xf32, #tpu.memory_space<vmem>>[vector<16xi32>, vector<16xi32>], vector<16xf32>,
    %get3A_1292 = arith.constant 224 : index
    %get3A_1293 = tpu.vector_load %arg4[%get3A_1292] {strides = array<i32>} : memref<400xi32, #tpu.memory_space<vmem>>, vector<16xi32>,
    %swap3A_1294 = arith.constant 224 : index
    %swap3A_1295 = tpu.vector_load %arg8[%swap3A_1294] {strides = array<i32>} : memref<400xi32, #tpu.memory_space<vmem>>, vector<16xi32>,
    tpu.vector_store %arg8[%swap3A_1294], %get3A_1293 {strides = array<i32>} : memref<400xi32, #tpu.memory_space<vmem>>, vector<16xi32>,
    %add3A_1296 = arith.constant 224 : i32
    %add3A_1297 = vector.broadcast %add3A_1296 : i32 to vector<16xi32>
    %add3A_1298 = arith.addi %iota3A, %add3A_1297 : vector<16xi32>
    tpu.vector_store_idx %arg6[%add3A_1298, %get3A_1293], %broadcast_in_dim3A_3 : memref<400x128xf32, #tpu.memory_space<vmem>>[vector<16xi32>, vector<16xi32>], vector<16xf32>,
    %get3A_1299 = arith.constant 240 : index
    %get3A_1300 = tpu.vector_load %arg4[%get3A_1299] {strides = array<i32>} : memref<400xi32, #tpu.memory_space<vmem>>, vector<16xi32>,
    %swap3A_1301 = arith.constant 240 : index
    %swap3A_1302 = tpu.vector_load %arg8[%swap3A_1301] {strides = array<i32>} : memref<400xi32, #tpu.memory_space<vmem>>, vector<16xi32>,
    tpu.vector_store %arg8[%swap3A_1301], %get3A_1300 {strides = array<i32>} : memref<400xi32, #tpu.memory_space<vmem>>, vector<16xi32>,
    %add3A_1303 = arith.constant 240 : i32
    %add3A_1304 = vector.broadcast %add3A_1303 : i32 to vector<16xi32>
    %add3A_1305 = arith.addi %iota3A, %add3A_1304 : vector<16xi32>
    tpu.vector_store_idx %arg6[%add3A_1305, %get3A_1300], %broadcast_in_dim3A_3 : memref<400x128xf32, #tpu.memory_space<vmem>>[vector<16xi32>, vector<16xi32>], vector<16xf32>,
    %get3A_1306 = arith.constant 256 : index
    %get3A_1307 = tpu.vector_load %arg4[%get3A_1306] {strides = array<i32>} : memref<400xi32, #tpu.memory_space<vmem>>, vector<16xi32>,
    %swap3A_1308 = arith.constant 256 : index
    %swap3A_1309 = tpu.vector_load %arg8[%swap3A_1308] {strides = array<i32>} : memref<400xi32, #tpu.memory_space<vmem>>, vector<16xi32>,
    tpu.vector_store %arg8[%swap3A_1308], %get3A_1307 {strides = array<i32>} : memref<400xi32, #tpu.memory_space<vmem>>, vector<16xi32>,
    %add3A_1310 = arith.constant 256 : i32
    %add3A_1311 = vector.broadcast %add3A_1310 : i32 to vector<16xi32>
    %add3A_1312 = arith.addi %iota3A, %add3A_1311 : vector<16xi32>
    tpu.vector_store_idx %arg6[%add3A_1312, %get3A_1307], %broadcast_in_dim3A_3 : memref<400x128xf32, #tpu.memory_space<vmem>>[vector<16xi32>, vector<16xi32>], vector<16xf32>,
    %get3A_1313 = arith.constant 272 : index
    %get3A_1314 = tpu.vector_load %arg4[%get3A_1313] {strides = array<i32>} : memref<400xi32, #tpu.memory_space<vmem>>, vector<16xi32>,
    %swap3A_1315 = arith.constant 272 : index
    %swap3A_1316 = tpu.vector_load %arg8[%swap3A_1315] {strides = array<i32>} : memref<400xi32, #tpu.memory_space<vmem>>, vector<16xi32>,
    tpu.vector_store %arg8[%swap3A_1315], %get3A_1314 {strides = array<i32>} : memref<400xi32, #tpu.memory_space<vmem>>, vector<16xi32>,
    %add3A_1317 = arith.constant 272 : i32
    %add3A_1318 = vector.broadcast %add3A_1317 : i32 to vector<16xi32>
    %add3A_1319 = arith.addi %iota3A, %add3A_1318 : vector<16xi32>
    tpu.vector_store_idx %arg6[%add3A_1319, %get3A_1314], %broadcast_in_dim3A_3 : memref<400x128xf32, #tpu.memory_space<vmem>>[vector<16xi32>, vector<16xi32>], vector<16xf32>,
    %get3A_1320 = arith.constant 288 : index
    %get3A_1321 = tpu.vector_load %arg4[%get3A_1320] {strides = array<i32>} : memref<400xi32, #tpu.memory_space<vmem>>, vector<16xi32>,
    %swap3A_1322 = arith.constant 288 : index
    %swap3A_1323 = tpu.vector_load %arg8[%swap3A_1322] {strides = array<i32>} : memref<400xi32, #tpu.memory_space<vmem>>, vector<16xi32>,
    tpu.vector_store %arg8[%swap3A_1322], %get3A_1321 {strides = array<i32>} : memref<400xi32, #tpu.memory_space<vmem>>, vector<16xi32>,
    %add3A_1324 = arith.constant 288 : i32
    %add3A_1325 = vector.broadcast %add3A_1324 : i32 to vector<16xi32>
    %add3A_1326 = arith.addi %iota3A, %add3A_1325 : vector<16xi32>
    tpu.vector_store_idx %arg6[%add3A_1326, %get3A_1321], %broadcast_in_dim3A_3 : memref<400x128xf32, #tpu.memory_space<vmem>>[vector<16xi32>, vector<16xi32>], vector<16xf32>,
    %get3A_1327 = arith.constant 304 : index
    %get3A_1328 = tpu.vector_load %arg4[%get3A_1327] {strides = array<i32>} : memref<400xi32, #tpu.memory_space<vmem>>, vector<16xi32>,
    %swap3A_1329 = arith.constant 304 : index
    %swap3A_1330 = tpu.vector_load %arg8[%swap3A_1329] {strides = array<i32>} : memref<400xi32, #tpu.memory_space<vmem>>, vector<16xi32>,
    tpu.vector_store %arg8[%swap3A_1329], %get3A_1328 {strides = array<i32>} : memref<400xi32, #tpu.memory_space<vmem>>, vector<16xi32>,
    %add3A_1331 = arith.constant 304 : i32
    %add3A_1332 = vector.broadcast %add3A_1331 : i32 to vector<16xi32>
    %add3A_1333 = arith.addi %iota3A, %add3A_1332 : vector<16xi32>
    tpu.vector_store_idx %arg6[%add3A_1333, %get3A_1328], %broadcast_in_dim3A_3 : memref<400x128xf32, #tpu.memory_space<vmem>>[vector<16xi32>, vector<16xi32>], vector<16xf32>,
    %get3A_1334 = arith.constant 320 : index
    %get3A_1335 = tpu.vector_load %arg4[%get3A_1334] {strides = array<i32>} : memref<400xi32, #tpu.memory_space<vmem>>, vector<16xi32>,
    %swap3A_1336 = arith.constant 320 : index
    %swap3A_1337 = tpu.vector_load %arg8[%swap3A_1336] {strides = array<i32>} : memref<400xi32, #tpu.memory_space<vmem>>, vector<16xi32>,
    tpu.vector_store %arg8[%swap3A_1336], %get3A_1335 {strides = array<i32>} : memref<400xi32, #tpu.memory_space<vmem>>, vector<16xi32>,
    %add3A_1338 = arith.constant 320 : i32
    %add3A_1339 = vector.broadcast %add3A_1338 : i32 to vector<16xi32>
    %add3A_1340 = arith.addi %iota3A, %add3A_1339 : vector<16xi32>
    tpu.vector_store_idx %arg6[%add3A_1340, %get3A_1335], %broadcast_in_dim3A_3 : memref<400x128xf32, #tpu.memory_space<vmem>>[vector<16xi32>, vector<16xi32>], vector<16xf32>,
    %get3A_1341 = arith.constant 336 : index
    %get3A_1342 = tpu.vector_load %arg4[%get3A_1341] {strides = array<i32>} : memref<400xi32, #tpu.memory_space<vmem>>, vector<16xi32>,
    %swap3A_1343 = arith.constant 336 : index
    %swap3A_1344 = tpu.vector_load %arg8[%swap3A_1343] {strides = array<i32>} : memref<400xi32, #tpu.memory_space<vmem>>, vector<16xi32>,
    tpu.vector_store %arg8[%swap3A_1343], %get3A_1342 {strides = array<i32>} : memref<400xi32, #tpu.memory_space<vmem>>, vector<16xi32>,
    %add3A_1345 = arith.constant 336 : i32
    %add3A_1346 = vector.broadcast %add3A_1345 : i32 to vector<16xi32>
    %add3A_1347 = arith.addi %iota3A, %add3A_1346 : vector<16xi32>
    tpu.vector_store_idx %arg6[%add3A_1347, %get3A_1342], %broadcast_in_dim3A_3 : memref<400x128xf32, #tpu.memory_space<vmem>>[vector<16xi32>, vector<16xi32>], vector<16xf32>,
    %get3A_1348 = arith.constant 352 : index
    %get3A_1349 = tpu.vector_load %arg4[%get3A_1348] {strides = array<i32>} : memref<400xi32, #tpu.memory_space<vmem>>, vector<16xi32>,
    %swap3A_1350 = arith.constant 352 : index
    %swap3A_1351 = tpu.vector_load %arg8[%swap3A_1350] {strides = array<i32>} : memref<400xi32, #tpu.memory_space<vmem>>, vector<16xi32>,
    tpu.vector_store %arg8[%swap3A_1350], %get3A_1349 {strides = array<i32>} : memref<400xi32, #tpu.memory_space<vmem>>, vector<16xi32>,
    %add3A_1352 = arith.constant 352 : i32
    %add3A_1353 = vector.broadcast %add3A_1352 : i32 to vector<16xi32>
    %add3A_1354 = arith.addi %iota3A, %add3A_1353 : vector<16xi32>
    tpu.vector_store_idx %arg6[%add3A_1354, %get3A_1349], %broadcast_in_dim3A_3 : memref<400x128xf32, #tpu.memory_space<vmem>>[vector<16xi32>, vector<16xi32>], vector<16xf32>,
    %get3A_1355 = arith.constant 368 : index
    %get3A_1356 = tpu.vector_load %arg4[%get3A_1355] {strides = array<i32>} : memref<400xi32, #tpu.memory_space<vmem>>, vector<16xi32>,
    %swap3A_1357 = arith.constant 368 : index
    %swap3A_1358 = tpu.vector_load %arg8[%swap3A_1357] {strides = array<i32>} : memref<400xi32, #tpu.memory_space<vmem>>, vector<16xi32>,
    tpu.vector_store %arg8[%swap3A_1357], %get3A_1356 {strides = array<i32>} : memref<400xi32, #tpu.memory_space<vmem>>, vector<16xi32>,
    %add3A_1359 = arith.constant 368 : i32
    %add3A_1360 = vector.broadcast %add3A_1359 : i32 to vector<16xi32>
    %add3A_1361 = arith.addi %iota3A, %add3A_1360 : vector<16xi32>
    tpu.vector_store_idx %arg6[%add3A_1361, %get3A_1356], %broadcast_in_dim3A_3 : memref<400x128xf32, #tpu.memory_space<vmem>>[vector<16xi32>, vector<16xi32>], vector<16xf32>,
    %get3A_1362 = arith.constant 384 : index
    %get3A_1363 = tpu.vector_load %arg4[%get3A_1362] {strides = array<i32>} : memref<400xi32, #tpu.memory_space<vmem>>, vector<16xi32>,
    %swap3A_1364 = arith.constant 384 : index
    %swap3A_1365 = tpu.vector_load %arg8[%swap3A_1364] {strides = array<i32>} : memref<400xi32, #tpu.memory_space<vmem>>, vector<16xi32>,
    tpu.vector_store %arg8[%swap3A_1364], %get3A_1363 {strides = array<i32>} : memref<400xi32, #tpu.memory_space<vmem>>, vector<16xi32>,
    %add3A_1366 = arith.constant 384 : i32
    %add3A_1367 = vector.broadcast %add3A_1366 : i32 to vector<16xi32>
    %add3A_1368 = arith.addi %iota3A, %add3A_1367 : vector<16xi32>
    tpu.vector_store_idx %arg6[%add3A_1368, %get3A_1363], %broadcast_in_dim3A_3 : memref<400x128xf32, #tpu.memory_space<vmem>>[vector<16xi32>, vector<16xi32>], vector<16xf32>,
    %add3A_1369 = arith.constant 192 : i32
    %add3A_1370 = arith.addi %add3A, %add3A_1369 : i32
    %min3A_1371 = arith.constant 249 : i32
    %min3A_1372 = arith.minsi %add3A_1370, %min3A_1371 : i32
    %mul3A_1373 = arith.constant 400 : i32
    %mul3A_1374 = arith.muli %min3A_1372, %mul3A_1373 : i32
    %dma_start3A_1375 = tpu.memref_slice %arg2[%mul3A_1374] : memref<100000xi32, #tpu.memory_space<hbm>> -> memref<400xi32, #tpu.memory_space<hbm>>
    %dma_start3A_1376 = tpu.memref_slice %arg2[%mul3A_1374] : memref<100000xi32, #tpu.memory_space<hbm>> -> memref<400xi32, #tpu.memory_space<hbm>>
    tpu.enqueue_dma source(%dma_start3A_1376 : memref<400xi32, #tpu.memory_space<hbm>>) target(%arg4 : memref<400xi32, #tpu.memory_space<vmem>>) target_semaphore(%arg12 : memref<!tpu.dma_semaphore, #tpu.memory_space<semaphore_mem>>)
    %mul3A_1377 = arith.constant 400 : i32
    %mul3A_1378 = arith.muli %min3A_1062, %mul3A_1377 : i32
    %dma_start3A_1379 = arith.constant 0 : i32
    %dma_start3A_1380 = tpu.memref_slice %arg3[%mul3A_1378, %dma_start3A_1379] : memref<100000x128xf32, #tpu.memory_space<hbm>> -> memref<400x128xf32, #tpu.memory_space<hbm>>
    %dma_start3A_1381 = arith.constant 0 : i32
    %dma_start3A_1382 = tpu.memref_slice %arg3[%mul3A_1378, %dma_start3A_1381] : memref<100000x128xf32, #tpu.memory_space<hbm>> -> memref<400x128xf32, #tpu.memory_space<hbm>>
    tpu.enqueue_dma source(%arg6 : memref<400x128xf32, #tpu.memory_space<vmem>>) target(%dma_start3A_1382 : memref<400x128xf32, #tpu.memory_space<hbm>>) target_semaphore(%arg10 : memref<!tpu.dma_semaphore, #tpu.memory_space<semaphore_mem>>)
    %add3A_1383 = arith.constant 160 : i32
    %add3A_1384 = arith.addi %add3A, %add3A_1383 : i32
    %min3A_1385 = arith.constant 249 : i32
    %min3A_1386 = arith.minsi %add3A_1384, %min3A_1385 : i32
    %dma_wait3A_1387 = arith.constant 0 : i32
    %dma_wait3A_1388 = tpu.memref_slice %arg3[%mul3A_1054, %dma_wait3A_1387] : memref<100000x128xf32, #tpu.memory_space<hbm>> -> memref<400x128xf32, #tpu.memory_space<hbm>>
    %dma_wait3A_1389 = arith.constant 0 : i32
    %dma_wait3A_1390 = tpu.memref_slice %arg3[%mul3A_1054, %dma_wait3A_1389] : memref<100000x128xf32, #tpu.memory_space<hbm>> -> memref<400x128xf32, #tpu.memory_space<hbm>>
    tpu.wait_dma2 semaphore(%arg11 : memref<!tpu.dma_semaphore, #tpu.memory_space<semaphore_mem>>) src(%arg7 : memref<400x128xf32, #tpu.memory_space<vmem>>) dst(%dma_wait3A_1390 : memref<400x128xf32, #tpu.memory_space<hbm>>)
    %get3A_1391 = arith.constant 0 : index
    %get3A_1392 = tpu.vector_load %arg9[%get3A_1391] {strides = array<i32>} : memref<400xi32, #tpu.memory_space<vmem>>, vector<16xi32>,
    %add3A_1393 = arith.constant 0 : i32
    %add3A_1394 = vector.broadcast %add3A_1393 : i32 to vector<16xi32>
    %add3A_1395 = arith.addi %iota3A, %add3A_1394 : vector<16xi32>
    tpu.vector_store_idx %arg7[%add3A_1395, %get3A_1392], %broadcast_in_dim3A_1 : memref<400x128xf32, #tpu.memory_space<vmem>>[vector<16xi32>, vector<16xi32>], vector<16xf32>,
    %get3A_1396 = arith.constant 16 : index
    %get3A_1397 = tpu.vector_load %arg9[%get3A_1396] {strides = array<i32>} : memref<400xi32, #tpu.memory_space<vmem>>, vector<16xi32>,
    %add3A_1398 = arith.constant 16 : i32
    %add3A_1399 = vector.broadcast %add3A_1398 : i32 to vector<16xi32>
    %add3A_1400 = arith.addi %iota3A, %add3A_1399 : vector<16xi32>
    tpu.vector_store_idx %arg7[%add3A_1400, %get3A_1397], %broadcast_in_dim3A_1 : memref<400x128xf32, #tpu.memory_space<vmem>>[vector<16xi32>, vector<16xi32>], vector<16xf32>,
    %get3A_1401 = arith.constant 32 : index
    %get3A_1402 = tpu.vector_load %arg9[%get3A_1401] {strides = array<i32>} : memref<400xi32, #tpu.memory_space<vmem>>, vector<16xi32>,
    %add3A_1403 = arith.constant 32 : i32
    %add3A_1404 = vector.broadcast %add3A_1403 : i32 to vector<16xi32>
    %add3A_1405 = arith.addi %iota3A, %add3A_1404 : vector<16xi32>
    tpu.vector_store_idx %arg7[%add3A_1405, %get3A_1402], %broadcast_in_dim3A_1 : memref<400x128xf32, #tpu.memory_space<vmem>>[vector<16xi32>, vector<16xi32>], vector<16xf32>,
    %get3A_1406 = arith.constant 48 : index
    %get3A_1407 = tpu.vector_load %arg9[%get3A_1406] {strides = array<i32>} : memref<400xi32, #tpu.memory_space<vmem>>, vector<16xi32>,
    %add3A_1408 = arith.constant 48 : i32
    %add3A_1409 = vector.broadcast %add3A_1408 : i32 to vector<16xi32>
    %add3A_1410 = arith.addi %iota3A, %add3A_1409 : vector<16xi32>
    tpu.vector_store_idx %arg7[%add3A_1410, %get3A_1407], %broadcast_in_dim3A_1 : memref<400x128xf32, #tpu.memory_space<vmem>>[vector<16xi32>, vector<16xi32>], vector<16xf32>,
    %get3A_1411 = arith.constant 64 : index
    %get3A_1412 = tpu.vector_load %arg9[%get3A_1411] {strides = array<i32>} : memref<400xi32, #tpu.memory_space<vmem>>, vector<16xi32>,
    %add3A_1413 = arith.constant 64 : i32
    %add3A_1414 = vector.broadcast %add3A_1413 : i32 to vector<16xi32>
    %add3A_1415 = arith.addi %iota3A, %add3A_1414 : vector<16xi32>
    tpu.vector_store_idx %arg7[%add3A_1415, %get3A_1412], %broadcast_in_dim3A_1 : memref<400x128xf32, #tpu.memory_space<vmem>>[vector<16xi32>, vector<16xi32>], vector<16xf32>,
    %get3A_1416 = arith.constant 80 : index
    %get3A_1417 = tpu.vector_load %arg9[%get3A_1416] {strides = array<i32>} : memref<400xi32, #tpu.memory_space<vmem>>, vector<16xi32>,
    %add3A_1418 = arith.constant 80 : i32
    %add3A_1419 = vector.broadcast %add3A_1418 : i32 to vector<16xi32>
    %add3A_1420 = arith.addi %iota3A, %add3A_1419 : vector<16xi32>
    tpu.vector_store_idx %arg7[%add3A_1420, %get3A_1417], %broadcast_in_dim3A_1 : memref<400x128xf32, #tpu.memory_space<vmem>>[vector<16xi32>, vector<16xi32>], vector<16xf32>,
    %get3A_1421 = arith.constant 96 : index
    %get3A_1422 = tpu.vector_load %arg9[%get3A_1421] {strides = array<i32>} : memref<400xi32, #tpu.memory_space<vmem>>, vector<16xi32>,
    %add3A_1423 = arith.constant 96 : i32
    %add3A_1424 = vector.broadcast %add3A_1423 : i32 to vector<16xi32>
    %add3A_1425 = arith.addi %iota3A, %add3A_1424 : vector<16xi32>
    tpu.vector_store_idx %arg7[%add3A_1425, %get3A_1422], %broadcast_in_dim3A_1 : memref<400x128xf32, #tpu.memory_space<vmem>>[vector<16xi32>, vector<16xi32>], vector<16xf32>,
    %get3A_1426 = arith.constant 112 : index
    %get3A_1427 = tpu.vector_load %arg9[%get3A_1426] {strides = array<i32>} : memref<400xi32, #tpu.memory_space<vmem>>, vector<16xi32>,
    %add3A_1428 = arith.constant 112 : i32
    %add3A_1429 = vector.broadcast %add3A_1428 : i32 to vector<16xi32>
    %add3A_1430 = arith.addi %iota3A, %add3A_1429 : vector<16xi32>
    tpu.vector_store_idx %arg7[%add3A_1430, %get3A_1427], %broadcast_in_dim3A_1 : memref<400x128xf32, #tpu.memory_space<vmem>>[vector<16xi32>, vector<16xi32>], vector<16xf32>,
    %get3A_1431 = arith.constant 128 : index
    %get3A_1432 = tpu.vector_load %arg9[%get3A_1431] {strides = array<i32>} : memref<400xi32, #tpu.memory_space<vmem>>, vector<16xi32>,
    %add3A_1433 = arith.constant 128 : i32
    %add3A_1434 = vector.broadcast %add3A_1433 : i32 to vector<16xi32>
    %add3A_1435 = arith.addi %iota3A, %add3A_1434 : vector<16xi32>
    tpu.vector_store_idx %arg7[%add3A_1435, %get3A_1432], %broadcast_in_dim3A_1 : memref<400x128xf32, #tpu.memory_space<vmem>>[vector<16xi32>, vector<16xi32>], vector<16xf32>,
    %get3A_1436 = arith.constant 144 : index
    %get3A_1437 = tpu.vector_load %arg9[%get3A_1436] {strides = array<i32>} : memref<400xi32, #tpu.memory_space<vmem>>, vector<16xi32>,
    %add3A_1438 = arith.constant 144 : i32
    %add3A_1439 = vector.broadcast %add3A_1438 : i32 to vector<16xi32>
    %add3A_1440 = arith.addi %iota3A, %add3A_1439 : vector<16xi32>
    tpu.vector_store_idx %arg7[%add3A_1440, %get3A_1437], %broadcast_in_dim3A_1 : memref<400x128xf32, #tpu.memory_space<vmem>>[vector<16xi32>, vector<16xi32>], vector<16xf32>,
    %get3A_1441 = arith.constant 160 : index
    %get3A_1442 = tpu.vector_load %arg9[%get3A_1441] {strides = array<i32>} : memref<400xi32, #tpu.memory_space<vmem>>, vector<16xi32>,
    %add3A_1443 = arith.constant 160 : i32
    %add3A_1444 = vector.broadcast %add3A_1443 : i32 to vector<16xi32>
    %add3A_1445 = arith.addi %iota3A, %add3A_1444 : vector<16xi32>
    tpu.vector_store_idx %arg7[%add3A_1445, %get3A_1442], %broadcast_in_dim3A_1 : memref<400x128xf32, #tpu.memory_space<vmem>>[vector<16xi32>, vector<16xi32>], vector<16xf32>,
    %get3A_1446 = arith.constant 176 : index
    %get3A_1447 = tpu.vector_load %arg9[%get3A_1446] {strides = array<i32>} : memref<400xi32, #tpu.memory_space<vmem>>, vector<16xi32>,
    %add3A_1448 = arith.constant 176 : i32
    %add3A_1449 = vector.broadcast %add3A_1448 : i32 to vector<16xi32>
    %add3A_1450 = arith.addi %iota3A, %add3A_1449 : vector<16xi32>
    tpu.vector_store_idx %arg7[%add3A_1450, %get3A_1447], %broadcast_in_dim3A_1 : memref<400x128xf32, #tpu.memory_space<vmem>>[vector<16xi32>, vector<16xi32>], vector<16xf32>,
    %get3A_1451 = arith.constant 192 : index
    %get3A_1452 = tpu.vector_load %arg9[%get3A_1451] {strides = array<i32>} : memref<400xi32, #tpu.memory_space<vmem>>, vector<16xi32>,
    %add3A_1453 = arith.constant 192 : i32
    %add3A_1454 = vector.broadcast %add3A_1453 : i32 to vector<16xi32>
    %add3A_1455 = arith.addi %iota3A, %add3A_1454 : vector<16xi32>
    tpu.vector_store_idx %arg7[%add3A_1455, %get3A_1452], %broadcast_in_dim3A_1 : memref<400x128xf32, #tpu.memory_space<vmem>>[vector<16xi32>, vector<16xi32>], vector<16xf32>,
    %get3A_1456 = arith.constant 208 : index
    %get3A_1457 = tpu.vector_load %arg9[%get3A_1456] {strides = array<i32>} : memref<400xi32, #tpu.memory_space<vmem>>, vector<16xi32>,
    %add3A_1458 = arith.constant 208 : i32
    %add3A_1459 = vector.broadcast %add3A_1458 : i32 to vector<16xi32>
    %add3A_1460 = arith.addi %iota3A, %add3A_1459 : vector<16xi32>
    tpu.vector_store_idx %arg7[%add3A_1460, %get3A_1457], %broadcast_in_dim3A_1 : memref<400x128xf32, #tpu.memory_space<vmem>>[vector<16xi32>, vector<16xi32>], vector<16xf32>,
    %get3A_1461 = arith.constant 224 : index
    %get3A_1462 = tpu.vector_load %arg9[%get3A_1461] {strides = array<i32>} : memref<400xi32, #tpu.memory_space<vmem>>, vector<16xi32>,
    %add3A_1463 = arith.constant 224 : i32
    %add3A_1464 = vector.broadcast %add3A_1463 : i32 to vector<16xi32>
    %add3A_1465 = arith.addi %iota3A, %add3A_1464 : vector<16xi32>
    tpu.vector_store_idx %arg7[%add3A_1465, %get3A_1462], %broadcast_in_dim3A_1 : memref<400x128xf32, #tpu.memory_space<vmem>>[vector<16xi32>, vector<16xi32>], vector<16xf32>,
    %get3A_1466 = arith.constant 240 : index
    %get3A_1467 = tpu.vector_load %arg9[%get3A_1466] {strides = array<i32>} : memref<400xi32, #tpu.memory_space<vmem>>, vector<16xi32>,
    %add3A_1468 = arith.constant 240 : i32
    %add3A_1469 = vector.broadcast %add3A_1468 : i32 to vector<16xi32>
    %add3A_1470 = arith.addi %iota3A, %add3A_1469 : vector<16xi32>
    tpu.vector_store_idx %arg7[%add3A_1470, %get3A_1467], %broadcast_in_dim3A_1 : memref<400x128xf32, #tpu.memory_space<vmem>>[vector<16xi32>, vector<16xi32>], vector<16xf32>,
    %get3A_1471 = arith.constant 256 : index
    %get3A_1472 = tpu.vector_load %arg9[%get3A_1471] {strides = array<i32>} : memref<400xi32, #tpu.memory_space<vmem>>, vector<16xi32>,
    %add3A_1473 = arith.constant 256 : i32
    %add3A_1474 = vector.broadcast %add3A_1473 : i32 to vector<16xi32>
    %add3A_1475 = arith.addi %iota3A, %add3A_1474 : vector<16xi32>
    tpu.vector_store_idx %arg7[%add3A_1475, %get3A_1472], %broadcast_in_dim3A_1 : memref<400x128xf32, #tpu.memory_space<vmem>>[vector<16xi32>, vector<16xi32>], vector<16xf32>,
    %get3A_1476 = arith.constant 272 : index
    %get3A_1477 = tpu.vector_load %arg9[%get3A_1476] {strides = array<i32>} : memref<400xi32, #tpu.memory_space<vmem>>, vector<16xi32>,
    %add3A_1478 = arith.constant 272 : i32
    %add3A_1479 = vector.broadcast %add3A_1478 : i32 to vector<16xi32>
    %add3A_1480 = arith.addi %iota3A, %add3A_1479 : vector<16xi32>
    tpu.vector_store_idx %arg7[%add3A_1480, %get3A_1477], %broadcast_in_dim3A_1 : memref<400x128xf32, #tpu.memory_space<vmem>>[vector<16xi32>, vector<16xi32>], vector<16xf32>,
    %get3A_1481 = arith.constant 288 : index
    %get3A_1482 = tpu.vector_load %arg9[%get3A_1481] {strides = array<i32>} : memref<400xi32, #tpu.memory_space<vmem>>, vector<16xi32>,
    %add3A_1483 = arith.constant 288 : i32
    %add3A_1484 = vector.broadcast %add3A_1483 : i32 to vector<16xi32>
    %add3A_1485 = arith.addi %iota3A, %add3A_1484 : vector<16xi32>
    tpu.vector_store_idx %arg7[%add3A_1485, %get3A_1482], %broadcast_in_dim3A_1 : memref<400x128xf32, #tpu.memory_space<vmem>>[vector<16xi32>, vector<16xi32>], vector<16xf32>,
    %get3A_1486 = arith.constant 304 : index
    %get3A_1487 = tpu.vector_load %arg9[%get3A_1486] {strides = array<i32>} : memref<400xi32, #tpu.memory_space<vmem>>, vector<16xi32>,
    %add3A_1488 = arith.constant 304 : i32
    %add3A_1489 = vector.broadcast %add3A_1488 : i32 to vector<16xi32>
    %add3A_1490 = arith.addi %iota3A, %add3A_1489 : vector<16xi32>
    tpu.vector_store_idx %arg7[%add3A_1490, %get3A_1487], %broadcast_in_dim3A_1 : memref<400x128xf32, #tpu.memory_space<vmem>>[vector<16xi32>, vector<16xi32>], vector<16xf32>,
    %get3A_1491 = arith.constant 320 : index
    %get3A_1492 = tpu.vector_load %arg9[%get3A_1491] {strides = array<i32>} : memref<400xi32, #tpu.memory_space<vmem>>, vector<16xi32>,
    %add3A_1493 = arith.constant 320 : i32
    %add3A_1494 = vector.broadcast %add3A_1493 : i32 to vector<16xi32>
    %add3A_1495 = arith.addi %iota3A, %add3A_1494 : vector<16xi32>
    tpu.vector_store_idx %arg7[%add3A_1495, %get3A_1492], %broadcast_in_dim3A_1 : memref<400x128xf32, #tpu.memory_space<vmem>>[vector<16xi32>, vector<16xi32>], vector<16xf32>,
    %get3A_1496 = arith.constant 336 : index
    %get3A_1497 = tpu.vector_load %arg9[%get3A_1496] {strides = array<i32>} : memref<400xi32, #tpu.memory_space<vmem>>, vector<16xi32>,
    %add3A_1498 = arith.constant 336 : i32
    %add3A_1499 = vector.broadcast %add3A_1498 : i32 to vector<16xi32>
    %add3A_1500 = arith.addi %iota3A, %add3A_1499 : vector<16xi32>
    tpu.vector_store_idx %arg7[%add3A_1500, %get3A_1497], %broadcast_in_dim3A_1 : memref<400x128xf32, #tpu.memory_space<vmem>>[vector<16xi32>, vector<16xi32>], vector<16xf32>,
    %get3A_1501 = arith.constant 352 : index
    %get3A_1502 = tpu.vector_load %arg9[%get3A_1501] {strides = array<i32>} : memref<400xi32, #tpu.memory_space<vmem>>, vector<16xi32>,
    %add3A_1503 = arith.constant 352 : i32
    %add3A_1504 = vector.broadcast %add3A_1503 : i32 to vector<16xi32>
    %add3A_1505 = arith.addi %iota3A, %add3A_1504 : vector<16xi32>
    tpu.vector_store_idx %arg7[%add3A_1505, %get3A_1502], %broadcast_in_dim3A_1 : memref<400x128xf32, #tpu.memory_space<vmem>>[vector<16xi32>, vector<16xi32>], vector<16xf32>,
    %get3A_1506 = arith.constant 368 : index
    %get3A_1507 = tpu.vector_load %arg9[%get3A_1506] {strides = array<i32>} : memref<400xi32, #tpu.memory_space<vmem>>, vector<16xi32>,
    %add3A_1508 = arith.constant 368 : i32
    %add3A_1509 = vector.broadcast %add3A_1508 : i32 to vector<16xi32>
    %add3A_1510 = arith.addi %iota3A, %add3A_1509 : vector<16xi32>
    tpu.vector_store_idx %arg7[%add3A_1510, %get3A_1507], %broadcast_in_dim3A_1 : memref<400x128xf32, #tpu.memory_space<vmem>>[vector<16xi32>, vector<16xi32>], vector<16xf32>,
    %get3A_1511 = arith.constant 384 : index
    %get3A_1512 = tpu.vector_load %arg9[%get3A_1511] {strides = array<i32>} : memref<400xi32, #tpu.memory_space<vmem>>, vector<16xi32>,
    %add3A_1513 = arith.constant 384 : i32
    %add3A_1514 = vector.broadcast %add3A_1513 : i32 to vector<16xi32>
    %add3A_1515 = arith.addi %iota3A, %add3A_1514 : vector<16xi32>
    tpu.vector_store_idx %arg7[%add3A_1515, %get3A_1512], %broadcast_in_dim3A_1 : memref<400x128xf32, #tpu.memory_space<vmem>>[vector<16xi32>, vector<16xi32>], vector<16xf32>,
    %dma_wait3A_1516 = tpu.memref_slice %arg2[%mul3A_1050] : memref<100000xi32, #tpu.memory_space<hbm>> -> memref<400xi32, #tpu.memory_space<hbm>>
    %dma_wait3A_1517 = tpu.memref_slice %arg2[%mul3A_1050] : memref<100000xi32, #tpu.memory_space<hbm>> -> memref<400xi32, #tpu.memory_space<hbm>>
    tpu.wait_dma2 semaphore(%arg13 : memref<!tpu.dma_semaphore, #tpu.memory_space<semaphore_mem>>) src(%dma_wait3A_1517 : memref<400xi32, #tpu.memory_space<hbm>>) dst(%arg5 : memref<400xi32, #tpu.memory_space<vmem>>)
    %get3A_1518 = arith.constant 0 : index
    %get3A_1519 = tpu.vector_load %arg5[%get3A_1518] {strides = array<i32>} : memref<400xi32, #tpu.memory_space<vmem>>, vector<16xi32>,
    %swap3A_1520 = arith.constant 0 : index
    %swap3A_1521 = tpu.vector_load %arg9[%swap3A_1520] {strides = array<i32>} : memref<400xi32, #tpu.memory_space<vmem>>, vector<16xi32>,
    tpu.vector_store %arg9[%swap3A_1520], %get3A_1519 {strides = array<i32>} : memref<400xi32, #tpu.memory_space<vmem>>, vector<16xi32>,
    %add3A_1522 = arith.constant 0 : i32
    %add3A_1523 = vector.broadcast %add3A_1522 : i32 to vector<16xi32>
    %add3A_1524 = arith.addi %iota3A, %add3A_1523 : vector<16xi32>
    tpu.vector_store_idx %arg7[%add3A_1524, %get3A_1519], %broadcast_in_dim3A_3 : memref<400x128xf32, #tpu.memory_space<vmem>>[vector<16xi32>, vector<16xi32>], vector<16xf32>,
    %get3A_1525 = arith.constant 16 : index
    %get3A_1526 = tpu.vector_load %arg5[%get3A_1525] {strides = array<i32>} : memref<400xi32, #tpu.memory_space<vmem>>, vector<16xi32>,
    %swap3A_1527 = arith.constant 16 : index
    %swap3A_1528 = tpu.vector_load %arg9[%swap3A_1527] {strides = array<i32>} : memref<400xi32, #tpu.memory_space<vmem>>, vector<16xi32>,
    tpu.vector_store %arg9[%swap3A_1527], %get3A_1526 {strides = array<i32>} : memref<400xi32, #tpu.memory_space<vmem>>, vector<16xi32>,
    %add3A_1529 = arith.constant 16 : i32
    %add3A_1530 = vector.broadcast %add3A_1529 : i32 to vector<16xi32>
    %add3A_1531 = arith.addi %iota3A, %add3A_1530 : vector<16xi32>
    tpu.vector_store_idx %arg7[%add3A_1531, %get3A_1526], %broadcast_in_dim3A_3 : memref<400x128xf32, #tpu.memory_space<vmem>>[vector<16xi32>, vector<16xi32>], vector<16xf32>,
    %get3A_1532 = arith.constant 32 : index
    %get3A_1533 = tpu.vector_load %arg5[%get3A_1532] {strides = array<i32>} : memref<400xi32, #tpu.memory_space<vmem>>, vector<16xi32>,
    %swap3A_1534 = arith.constant 32 : index
    %swap3A_1535 = tpu.vector_load %arg9[%swap3A_1534] {strides = array<i32>} : memref<400xi32, #tpu.memory_space<vmem>>, vector<16xi32>,
    tpu.vector_store %arg9[%swap3A_1534], %get3A_1533 {strides = array<i32>} : memref<400xi32, #tpu.memory_space<vmem>>, vector<16xi32>,
    %add3A_1536 = arith.constant 32 : i32
    %add3A_1537 = vector.broadcast %add3A_1536 : i32 to vector<16xi32>
    %add3A_1538 = arith.addi %iota3A, %add3A_1537 : vector<16xi32>
    tpu.vector_store_idx %arg7[%add3A_1538, %get3A_1533], %broadcast_in_dim3A_3 : memref<400x128xf32, #tpu.memory_space<vmem>>[vector<16xi32>, vector<16xi32>], vector<16xf32>,
    %get3A_1539 = arith.constant 48 : index
    %get3A_1540 = tpu.vector_load %arg5[%get3A_1539] {strides = array<i32>} : memref<400xi32, #tpu.memory_space<vmem>>, vector<16xi32>,
    %swap3A_1541 = arith.constant 48 : index
    %swap3A_1542 = tpu.vector_load %arg9[%swap3A_1541] {strides = array<i32>} : memref<400xi32, #tpu.memory_space<vmem>>, vector<16xi32>,
    tpu.vector_store %arg9[%swap3A_1541], %get3A_1540 {strides = array<i32>} : memref<400xi32, #tpu.memory_space<vmem>>, vector<16xi32>,
    %add3A_1543 = arith.constant 48 : i32
    %add3A_1544 = vector.broadcast %add3A_1543 : i32 to vector<16xi32>
    %add3A_1545 = arith.addi %iota3A, %add3A_1544 : vector<16xi32>
    tpu.vector_store_idx %arg7[%add3A_1545, %get3A_1540], %broadcast_in_dim3A_3 : memref<400x128xf32, #tpu.memory_space<vmem>>[vector<16xi32>, vector<16xi32>], vector<16xf32>,
    %get3A_1546 = arith.constant 64 : index
    %get3A_1547 = tpu.vector_load %arg5[%get3A_1546] {strides = array<i32>} : memref<400xi32, #tpu.memory_space<vmem>>, vector<16xi32>,
    %swap3A_1548 = arith.constant 64 : index
    %swap3A_1549 = tpu.vector_load %arg9[%swap3A_1548] {strides = array<i32>} : memref<400xi32, #tpu.memory_space<vmem>>, vector<16xi32>,
    tpu.vector_store %arg9[%swap3A_1548], %get3A_1547 {strides = array<i32>} : memref<400xi32, #tpu.memory_space<vmem>>, vector<16xi32>,
    %add3A_1550 = arith.constant 64 : i32
    %add3A_1551 = vector.broadcast %add3A_1550 : i32 to vector<16xi32>
    %add3A_1552 = arith.addi %iota3A, %add3A_1551 : vector<16xi32>
    tpu.vector_store_idx %arg7[%add3A_1552, %get3A_1547], %broadcast_in_dim3A_3 : memref<400x128xf32, #tpu.memory_space<vmem>>[vector<16xi32>, vector<16xi32>], vector<16xf32>,
    %get3A_1553 = arith.constant 80 : index
    %get3A_1554 = tpu.vector_load %arg5[%get3A_1553] {strides = array<i32>} : memref<400xi32, #tpu.memory_space<vmem>>, vector<16xi32>,
    %swap3A_1555 = arith.constant 80 : index
    %swap3A_1556 = tpu.vector_load %arg9[%swap3A_1555] {strides = array<i32>} : memref<400xi32, #tpu.memory_space<vmem>>, vector<16xi32>,
    tpu.vector_store %arg9[%swap3A_1555], %get3A_1554 {strides = array<i32>} : memref<400xi32, #tpu.memory_space<vmem>>, vector<16xi32>,
    %add3A_1557 = arith.constant 80 : i32
    %add3A_1558 = vector.broadcast %add3A_1557 : i32 to vector<16xi32>
    %add3A_1559 = arith.addi %iota3A, %add3A_1558 : vector<16xi32>
    tpu.vector_store_idx %arg7[%add3A_1559, %get3A_1554], %broadcast_in_dim3A_3 : memref<400x128xf32, #tpu.memory_space<vmem>>[vector<16xi32>, vector<16xi32>], vector<16xf32>,
    %get3A_1560 = arith.constant 96 : index
    %get3A_1561 = tpu.vector_load %arg5[%get3A_1560] {strides = array<i32>} : memref<400xi32, #tpu.memory_space<vmem>>, vector<16xi32>,
    %swap3A_1562 = arith.constant 96 : index
    %swap3A_1563 = tpu.vector_load %arg9[%swap3A_1562] {strides = array<i32>} : memref<400xi32, #tpu.memory_space<vmem>>, vector<16xi32>,
    tpu.vector_store %arg9[%swap3A_1562], %get3A_1561 {strides = array<i32>} : memref<400xi32, #tpu.memory_space<vmem>>, vector<16xi32>,
    %add3A_1564 = arith.constant 96 : i32
    %add3A_1565 = vector.broadcast %add3A_1564 : i32 to vector<16xi32>
    %add3A_1566 = arith.addi %iota3A, %add3A_1565 : vector<16xi32>
    tpu.vector_store_idx %arg7[%add3A_1566, %get3A_1561], %broadcast_in_dim3A_3 : memref<400x128xf32, #tpu.memory_space<vmem>>[vector<16xi32>, vector<16xi32>], vector<16xf32>,
    %get3A_1567 = arith.constant 112 : index
    %get3A_1568 = tpu.vector_load %arg5[%get3A_1567] {strides = array<i32>} : memref<400xi32, #tpu.memory_space<vmem>>, vector<16xi32>,
    %swap3A_1569 = arith.constant 112 : index
    %swap3A_1570 = tpu.vector_load %arg9[%swap3A_1569] {strides = array<i32>} : memref<400xi32, #tpu.memory_space<vmem>>, vector<16xi32>,
    tpu.vector_store %arg9[%swap3A_1569], %get3A_1568 {strides = array<i32>} : memref<400xi32, #tpu.memory_space<vmem>>, vector<16xi32>,
    %add3A_1571 = arith.constant 112 : i32
    %add3A_1572 = vector.broadcast %add3A_1571 : i32 to vector<16xi32>
    %add3A_1573 = arith.addi %iota3A, %add3A_1572 : vector<16xi32>
    tpu.vector_store_idx %arg7[%add3A_1573, %get3A_1568], %broadcast_in_dim3A_3 : memref<400x128xf32, #tpu.memory_space<vmem>>[vector<16xi32>, vector<16xi32>], vector<16xf32>,
    %get3A_1574 = arith.constant 128 : index
    %get3A_1575 = tpu.vector_load %arg5[%get3A_1574] {strides = array<i32>} : memref<400xi32, #tpu.memory_space<vmem>>, vector<16xi32>,
    %swap3A_1576 = arith.constant 128 : index
    %swap3A_1577 = tpu.vector_load %arg9[%swap3A_1576] {strides = array<i32>} : memref<400xi32, #tpu.memory_space<vmem>>, vector<16xi32>,
    tpu.vector_store %arg9[%swap3A_1576], %get3A_1575 {strides = array<i32>} : memref<400xi32, #tpu.memory_space<vmem>>, vector<16xi32>,
    %add3A_1578 = arith.constant 128 : i32
    %add3A_1579 = vector.broadcast %add3A_1578 : i32 to vector<16xi32>
    %add3A_1580 = arith.addi %iota3A, %add3A_1579 : vector<16xi32>
    tpu.vector_store_idx %arg7[%add3A_1580, %get3A_1575], %broadcast_in_dim3A_3 : memref<400x128xf32, #tpu.memory_space<vmem>>[vector<16xi32>, vector<16xi32>], vector<16xf32>,
    %get3A_1581 = arith.constant 144 : index
    %get3A_1582 = tpu.vector_load %arg5[%get3A_1581] {strides = array<i32>} : memref<400xi32, #tpu.memory_space<vmem>>, vector<16xi32>,
    %swap3A_1583 = arith.constant 144 : index
    %swap3A_1584 = tpu.vector_load %arg9[%swap3A_1583] {strides = array<i32>} : memref<400xi32, #tpu.memory_space<vmem>>, vector<16xi32>,
    tpu.vector_store %arg9[%swap3A_1583], %get3A_1582 {strides = array<i32>} : memref<400xi32, #tpu.memory_space<vmem>>, vector<16xi32>,
    %add3A_1585 = arith.constant 144 : i32
    %add3A_1586 = vector.broadcast %add3A_1585 : i32 to vector<16xi32>
    %add3A_1587 = arith.addi %iota3A, %add3A_1586 : vector<16xi32>
    tpu.vector_store_idx %arg7[%add3A_1587, %get3A_1582], %broadcast_in_dim3A_3 : memref<400x128xf32, #tpu.memory_space<vmem>>[vector<16xi32>, vector<16xi32>], vector<16xf32>,
    %get3A_1588 = arith.constant 160 : index
    %get3A_1589 = tpu.vector_load %arg5[%get3A_1588] {strides = array<i32>} : memref<400xi32, #tpu.memory_space<vmem>>, vector<16xi32>,
    %swap3A_1590 = arith.constant 160 : index
    %swap3A_1591 = tpu.vector_load %arg9[%swap3A_1590] {strides = array<i32>} : memref<400xi32, #tpu.memory_space<vmem>>, vector<16xi32>,
    tpu.vector_store %arg9[%swap3A_1590], %get3A_1589 {strides = array<i32>} : memref<400xi32, #tpu.memory_space<vmem>>, vector<16xi32>,
    %add3A_1592 = arith.constant 160 : i32
    %add3A_1593 = vector.broadcast %add3A_1592 : i32 to vector<16xi32>
    %add3A_1594 = arith.addi %iota3A, %add3A_1593 : vector<16xi32>
    tpu.vector_store_idx %arg7[%add3A_1594, %get3A_1589], %broadcast_in_dim3A_3 : memref<400x128xf32, #tpu.memory_space<vmem>>[vector<16xi32>, vector<16xi32>], vector<16xf32>,
    %get3A_1595 = arith.constant 176 : index
    %get3A_1596 = tpu.vector_load %arg5[%get3A_1595] {strides = array<i32>} : memref<400xi32, #tpu.memory_space<vmem>>, vector<16xi32>,
    %swap3A_1597 = arith.constant 176 : index
    %swap3A_1598 = tpu.vector_load %arg9[%swap3A_1597] {strides = array<i32>} : memref<400xi32, #tpu.memory_space<vmem>>, vector<16xi32>,
    tpu.vector_store %arg9[%swap3A_1597], %get3A_1596 {strides = array<i32>} : memref<400xi32, #tpu.memory_space<vmem>>, vector<16xi32>,
    %add3A_1599 = arith.constant 176 : i32
    %add3A_1600 = vector.broadcast %add3A_1599 : i32 to vector<16xi32>
    %add3A_1601 = arith.addi %iota3A, %add3A_1600 : vector<16xi32>
    tpu.vector_store_idx %arg7[%add3A_1601, %get3A_1596], %broadcast_in_dim3A_3 : memref<400x128xf32, #tpu.memory_space<vmem>>[vector<16xi32>, vector<16xi32>], vector<16xf32>,
    %get3A_1602 = arith.constant 192 : index
    %get3A_1603 = tpu.vector_load %arg5[%get3A_1602] {strides = array<i32>} : memref<400xi32, #tpu.memory_space<vmem>>, vector<16xi32>,
    %swap3A_1604 = arith.constant 192 : index
    %swap3A_1605 = tpu.vector_load %arg9[%swap3A_1604] {strides = array<i32>} : memref<400xi32, #tpu.memory_space<vmem>>, vector<16xi32>,
    tpu.vector_store %arg9[%swap3A_1604], %get3A_1603 {strides = array<i32>} : memref<400xi32, #tpu.memory_space<vmem>>, vector<16xi32>,
    %add3A_1606 = arith.constant 192 : i32
    %add3A_1607 = vector.broadcast %add3A_1606 : i32 to vector<16xi32>
    %add3A_1608 = arith.addi %iota3A, %add3A_1607 : vector<16xi32>
    tpu.vector_store_idx %arg7[%add3A_1608, %get3A_1603], %broadcast_in_dim3A_3 : memref<400x128xf32, #tpu.memory_space<vmem>>[vector<16xi32>, vector<16xi32>], vector<16xf32>,
    %get3A_1609 = arith.constant 208 : index
    %get3A_1610 = tpu.vector_load %arg5[%get3A_1609] {strides = array<i32>} : memref<400xi32, #tpu.memory_space<vmem>>, vector<16xi32>,
    %swap3A_1611 = arith.constant 208 : index
    %swap3A_1612 = tpu.vector_load %arg9[%swap3A_1611] {strides = array<i32>} : memref<400xi32, #tpu.memory_space<vmem>>, vector<16xi32>,
    tpu.vector_store %arg9[%swap3A_1611], %get3A_1610 {strides = array<i32>} : memref<400xi32, #tpu.memory_space<vmem>>, vector<16xi32>,
    %add3A_1613 = arith.constant 208 : i32
    %add3A_1614 = vector.broadcast %add3A_1613 : i32 to vector<16xi32>
    %add3A_1615 = arith.addi %iota3A, %add3A_1614 : vector<16xi32>
    tpu.vector_store_idx %arg7[%add3A_1615, %get3A_1610], %broadcast_in_dim3A_3 : memref<400x128xf32, #tpu.memory_space<vmem>>[vector<16xi32>, vector<16xi32>], vector<16xf32>,
    %get3A_1616 = arith.constant 224 : index
    %get3A_1617 = tpu.vector_load %arg5[%get3A_1616] {strides = array<i32>} : memref<400xi32, #tpu.memory_space<vmem>>, vector<16xi32>,
    %swap3A_1618 = arith.constant 224 : index
    %swap3A_1619 = tpu.vector_load %arg9[%swap3A_1618] {strides = array<i32>} : memref<400xi32, #tpu.memory_space<vmem>>, vector<16xi32>,
    tpu.vector_store %arg9[%swap3A_1618], %get3A_1617 {strides = array<i32>} : memref<400xi32, #tpu.memory_space<vmem>>, vector<16xi32>,
    %add3A_1620 = arith.constant 224 : i32
    %add3A_1621 = vector.broadcast %add3A_1620 : i32 to vector<16xi32>
    %add3A_1622 = arith.addi %iota3A, %add3A_1621 : vector<16xi32>
    tpu.vector_store_idx %arg7[%add3A_1622, %get3A_1617], %broadcast_in_dim3A_3 : memref<400x128xf32, #tpu.memory_space<vmem>>[vector<16xi32>, vector<16xi32>], vector<16xf32>,
    %get3A_1623 = arith.constant 240 : index
    %get3A_1624 = tpu.vector_load %arg5[%get3A_1623] {strides = array<i32>} : memref<400xi32, #tpu.memory_space<vmem>>, vector<16xi32>,
    %swap3A_1625 = arith.constant 240 : index
    %swap3A_1626 = tpu.vector_load %arg9[%swap3A_1625] {strides = array<i32>} : memref<400xi32, #tpu.memory_space<vmem>>, vector<16xi32>,
    tpu.vector_store %arg9[%swap3A_1625], %get3A_1624 {strides = array<i32>} : memref<400xi32, #tpu.memory_space<vmem>>, vector<16xi32>,
    %add3A_1627 = arith.constant 240 : i32
    %add3A_1628 = vector.broadcast %add3A_1627 : i32 to vector<16xi32>
    %add3A_1629 = arith.addi %iota3A, %add3A_1628 : vector<16xi32>
    tpu.vector_store_idx %arg7[%add3A_1629, %get3A_1624], %broadcast_in_dim3A_3 : memref<400x128xf32, #tpu.memory_space<vmem>>[vector<16xi32>, vector<16xi32>], vector<16xf32>,
    %get3A_1630 = arith.constant 256 : index
    %get3A_1631 = tpu.vector_load %arg5[%get3A_1630] {strides = array<i32>} : memref<400xi32, #tpu.memory_space<vmem>>, vector<16xi32>,
    %swap3A_1632 = arith.constant 256 : index
    %swap3A_1633 = tpu.vector_load %arg9[%swap3A_1632] {strides = array<i32>} : memref<400xi32, #tpu.memory_space<vmem>>, vector<16xi32>,
    tpu.vector_store %arg9[%swap3A_1632], %get3A_1631 {strides = array<i32>} : memref<400xi32, #tpu.memory_space<vmem>>, vector<16xi32>,
    %add3A_1634 = arith.constant 256 : i32
    %add3A_1635 = vector.broadcast %add3A_1634 : i32 to vector<16xi32>
    %add3A_1636 = arith.addi %iota3A, %add3A_1635 : vector<16xi32>
    tpu.vector_store_idx %arg7[%add3A_1636, %get3A_1631], %broadcast_in_dim3A_3 : memref<400x128xf32, #tpu.memory_space<vmem>>[vector<16xi32>, vector<16xi32>], vector<16xf32>,
    %get3A_1637 = arith.constant 272 : index
    %get3A_1638 = tpu.vector_load %arg5[%get3A_1637] {strides = array<i32>} : memref<400xi32, #tpu.memory_space<vmem>>, vector<16xi32>,
    %swap3A_1639 = arith.constant 272 : index
    %swap3A_1640 = tpu.vector_load %arg9[%swap3A_1639] {strides = array<i32>} : memref<400xi32, #tpu.memory_space<vmem>>, vector<16xi32>,
    tpu.vector_store %arg9[%swap3A_1639], %get3A_1638 {strides = array<i32>} : memref<400xi32, #tpu.memory_space<vmem>>, vector<16xi32>,
    %add3A_1641 = arith.constant 272 : i32
    %add3A_1642 = vector.broadcast %add3A_1641 : i32 to vector<16xi32>
    %add3A_1643 = arith.addi %iota3A, %add3A_1642 : vector<16xi32>
    tpu.vector_store_idx %arg7[%add3A_1643, %get3A_1638], %broadcast_in_dim3A_3 : memref<400x128xf32, #tpu.memory_space<vmem>>[vector<16xi32>, vector<16xi32>], vector<16xf32>,
    %get3A_1644 = arith.constant 288 : index
    %get3A_1645 = tpu.vector_load %arg5[%get3A_1644] {strides = array<i32>} : memref<400xi32, #tpu.memory_space<vmem>>, vector<16xi32>,
    %swap3A_1646 = arith.constant 288 : index
    %swap3A_1647 = tpu.vector_load %arg9[%swap3A_1646] {strides = array<i32>} : memref<400xi32, #tpu.memory_space<vmem>>, vector<16xi32>,
    tpu.vector_store %arg9[%swap3A_1646], %get3A_1645 {strides = array<i32>} : memref<400xi32, #tpu.memory_space<vmem>>, vector<16xi32>,
    %add3A_1648 = arith.constant 288 : i32
    %add3A_1649 = vector.broadcast %add3A_1648 : i32 to vector<16xi32>
    %add3A_1650 = arith.addi %iota3A, %add3A_1649 : vector<16xi32>
    tpu.vector_store_idx %arg7[%add3A_1650, %get3A_1645], %broadcast_in_dim3A_3 : memref<400x128xf32, #tpu.memory_space<vmem>>[vector<16xi32>, vector<16xi32>], vector<16xf32>,
    %get3A_1651 = arith.constant 304 : index
    %get3A_1652 = tpu.vector_load %arg5[%get3A_1651] {strides = array<i32>} : memref<400xi32, #tpu.memory_space<vmem>>, vector<16xi32>,
    %swap3A_1653 = arith.constant 304 : index
    %swap3A_1654 = tpu.vector_load %arg9[%swap3A_1653] {strides = array<i32>} : memref<400xi32, #tpu.memory_space<vmem>>, vector<16xi32>,
    tpu.vector_store %arg9[%swap3A_1653], %get3A_1652 {strides = array<i32>} : memref<400xi32, #tpu.memory_space<vmem>>, vector<16xi32>,
    %add3A_1655 = arith.constant 304 : i32
    %add3A_1656 = vector.broadcast %add3A_1655 : i32 to vector<16xi32>
    %add3A_1657 = arith.addi %iota3A, %add3A_1656 : vector<16xi32>
    tpu.vector_store_idx %arg7[%add3A_1657, %get3A_1652], %broadcast_in_dim3A_3 : memref<400x128xf32, #tpu.memory_space<vmem>>[vector<16xi32>, vector<16xi32>], vector<16xf32>,
    %get3A_1658 = arith.constant 320 : index
    %get3A_1659 = tpu.vector_load %arg5[%get3A_1658] {strides = array<i32>} : memref<400xi32, #tpu.memory_space<vmem>>, vector<16xi32>,
    %swap3A_1660 = arith.constant 320 : index
    %swap3A_1661 = tpu.vector_load %arg9[%swap3A_1660] {strides = array<i32>} : memref<400xi32, #tpu.memory_space<vmem>>, vector<16xi32>,
    tpu.vector_store %arg9[%swap3A_1660], %get3A_1659 {strides = array<i32>} : memref<400xi32, #tpu.memory_space<vmem>>, vector<16xi32>,
    %add3A_1662 = arith.constant 320 : i32
    %add3A_1663 = vector.broadcast %add3A_1662 : i32 to vector<16xi32>
    %add3A_1664 = arith.addi %iota3A, %add3A_1663 : vector<16xi32>
    tpu.vector_store_idx %arg7[%add3A_1664, %get3A_1659], %broadcast_in_dim3A_3 : memref<400x128xf32, #tpu.memory_space<vmem>>[vector<16xi32>, vector<16xi32>], vector<16xf32>,
    %get3A_1665 = arith.constant 336 : index
    %get3A_1666 = tpu.vector_load %arg5[%get3A_1665] {strides = array<i32>} : memref<400xi32, #tpu.memory_space<vmem>>, vector<16xi32>,
    %swap3A_1667 = arith.constant 336 : index
    %swap3A_1668 = tpu.vector_load %arg9[%swap3A_1667] {strides = array<i32>} : memref<400xi32, #tpu.memory_space<vmem>>, vector<16xi32>,
    tpu.vector_store %arg9[%swap3A_1667], %get3A_1666 {strides = array<i32>} : memref<400xi32, #tpu.memory_space<vmem>>, vector<16xi32>,
    %add3A_1669 = arith.constant 336 : i32
    %add3A_1670 = vector.broadcast %add3A_1669 : i32 to vector<16xi32>
    %add3A_1671 = arith.addi %iota3A, %add3A_1670 : vector<16xi32>
    tpu.vector_store_idx %arg7[%add3A_1671, %get3A_1666], %broadcast_in_dim3A_3 : memref<400x128xf32, #tpu.memory_space<vmem>>[vector<16xi32>, vector<16xi32>], vector<16xf32>,
    %get3A_1672 = arith.constant 352 : index
    %get3A_1673 = tpu.vector_load %arg5[%get3A_1672] {strides = array<i32>} : memref<400xi32, #tpu.memory_space<vmem>>, vector<16xi32>,
    %swap3A_1674 = arith.constant 352 : index
    %swap3A_1675 = tpu.vector_load %arg9[%swap3A_1674] {strides = array<i32>} : memref<400xi32, #tpu.memory_space<vmem>>, vector<16xi32>,
    tpu.vector_store %arg9[%swap3A_1674], %get3A_1673 {strides = array<i32>} : memref<400xi32, #tpu.memory_space<vmem>>, vector<16xi32>,
    %add3A_1676 = arith.constant 352 : i32
    %add3A_1677 = vector.broadcast %add3A_1676 : i32 to vector<16xi32>
    %add3A_1678 = arith.addi %iota3A, %add3A_1677 : vector<16xi32>
    tpu.vector_store_idx %arg7[%add3A_1678, %get3A_1673], %broadcast_in_dim3A_3 : memref<400x128xf32, #tpu.memory_space<vmem>>[vector<16xi32>, vector<16xi32>], vector<16xf32>,
    %get3A_1679 = arith.constant 368 : index
    %get3A_1680 = tpu.vector_load %arg5[%get3A_1679] {strides = array<i32>} : memref<400xi32, #tpu.memory_space<vmem>>, vector<16xi32>,
    %swap3A_1681 = arith.constant 368 : index
    %swap3A_1682 = tpu.vector_load %arg9[%swap3A_1681] {strides = array<i32>} : memref<400xi32, #tpu.memory_space<vmem>>, vector<16xi32>,
    tpu.vector_store %arg9[%swap3A_1681], %get3A_1680 {strides = array<i32>} : memref<400xi32, #tpu.memory_space<vmem>>, vector<16xi32>,
    %add3A_1683 = arith.constant 368 : i32
    %add3A_1684 = vector.broadcast %add3A_1683 : i32 to vector<16xi32>
    %add3A_1685 = arith.addi %iota3A, %add3A_1684 : vector<16xi32>
    tpu.vector_store_idx %arg7[%add3A_1685, %get3A_1680], %broadcast_in_dim3A_3 : memref<400x128xf32, #tpu.memory_space<vmem>>[vector<16xi32>, vector<16xi32>], vector<16xf32>,
    %get3A_1686 = arith.constant 384 : index
    %get3A_1687 = tpu.vector_load %arg5[%get3A_1686] {strides = array<i32>} : memref<400xi32, #tpu.memory_space<vmem>>, vector<16xi32>,
    %swap3A_1688 = arith.constant 384 : index
    %swap3A_1689 = tpu.vector_load %arg9[%swap3A_1688] {strides = array<i32>} : memref<400xi32, #tpu.memory_space<vmem>>, vector<16xi32>,
    tpu.vector_store %arg9[%swap3A_1688], %get3A_1687 {strides = array<i32>} : memref<400xi32, #tpu.memory_space<vmem>>, vector<16xi32>,
    %add3A_1690 = arith.constant 384 : i32
    %add3A_1691 = vector.broadcast %add3A_1690 : i32 to vector<16xi32>
    %add3A_1692 = arith.addi %iota3A, %add3A_1691 : vector<16xi32>
    tpu.vector_store_idx %arg7[%add3A_1692, %get3A_1687], %broadcast_in_dim3A_3 : memref<400x128xf32, #tpu.memory_space<vmem>>[vector<16xi32>, vector<16xi32>], vector<16xf32>,
    %add3A_1693 = arith.constant 224 : i32
    %add3A_1694 = arith.addi %add3A, %add3A_1693 : i32
    %min3A_1695 = arith.constant 249 : i32
    %min3A_1696 = arith.minsi %add3A_1694, %min3A_1695 : i32
    %mul3A_1697 = arith.constant 400 : i32
    %mul3A_1698 = arith.muli %min3A_1696, %mul3A_1697 : i32
    %dma_start3A_1699 = tpu.memref_slice %arg2[%mul3A_1698] : memref<100000xi32, #tpu.memory_space<hbm>> -> memref<400xi32, #tpu.memory_space<hbm>>
    %dma_start3A_1700 = tpu.memref_slice %arg2[%mul3A_1698] : memref<100000xi32, #tpu.memory_space<hbm>> -> memref<400xi32, #tpu.memory_space<hbm>>
    tpu.enqueue_dma source(%dma_start3A_1700 : memref<400xi32, #tpu.memory_space<hbm>>) target(%arg5 : memref<400xi32, #tpu.memory_space<vmem>>) target_semaphore(%arg13 : memref<!tpu.dma_semaphore, #tpu.memory_space<semaphore_mem>>)
    %mul3A_1701 = arith.constant 400 : i32
    %mul3A_1702 = arith.muli %min3A_1386, %mul3A_1701 : i32
    %dma_start3A_1703 = arith.constant 0 : i32
    %dma_start3A_1704 = tpu.memref_slice %arg3[%mul3A_1702, %dma_start3A_1703] : memref<100000x128xf32, #tpu.memory_space<hbm>> -> memref<400x128xf32, #tpu.memory_space<hbm>>
    %dma_start3A_1705 = arith.constant 0 : i32
    %dma_start3A_1706 = tpu.memref_slice %arg3[%mul3A_1702, %dma_start3A_1705] : memref<100000x128xf32, #tpu.memory_space<hbm>> -> memref<400x128xf32, #tpu.memory_space<hbm>>
    tpu.enqueue_dma source(%arg7 : memref<400x128xf32, #tpu.memory_space<vmem>>) target(%dma_start3A_1706 : memref<400x128xf32, #tpu.memory_space<hbm>>) target_semaphore(%arg11 : memref<!tpu.dma_semaphore, #tpu.memory_space<semaphore_mem>>)
    %add3A_1707 = arith.constant 192 : i32
    %add3A_1708 = arith.addi %add3A, %add3A_1707 : i32
    %min3A_1709 = arith.constant 249 : i32
    %min3A_1710 = arith.minsi %add3A_1708, %min3A_1709 : i32
    %dma_wait3A_1711 = arith.constant 0 : i32
    %dma_wait3A_1712 = tpu.memref_slice %arg3[%mul3A_1378, %dma_wait3A_1711] : memref<100000x128xf32, #tpu.memory_space<hbm>> -> memref<400x128xf32, #tpu.memory_space<hbm>>
    %dma_wait3A_1713 = arith.constant 0 : i32
    %dma_wait3A_1714 = tpu.memref_slice %arg3[%mul3A_1378, %dma_wait3A_1713] : memref<100000x128xf32, #tpu.memory_space<hbm>> -> memref<400x128xf32, #tpu.memory_space<hbm>>
    tpu.wait_dma2 semaphore(%arg10 : memref<!tpu.dma_semaphore, #tpu.memory_space<semaphore_mem>>) src(%arg6 : memref<400x128xf32, #tpu.memory_space<vmem>>) dst(%dma_wait3A_1714 : memref<400x128xf32, #tpu.memory_space<hbm>>)
    %get3A_1715 = arith.constant 0 : index
    %get3A_1716 = tpu.vector_load %arg8[%get3A_1715] {strides = array<i32>} : memref<400xi32, #tpu.memory_space<vmem>>, vector<16xi32>,
    %add3A_1717 = arith.constant 0 : i32
    %add3A_1718 = vector.broadcast %add3A_1717 : i32 to vector<16xi32>
    %add3A_1719 = arith.addi %iota3A, %add3A_1718 : vector<16xi32>
    tpu.vector_store_idx %arg6[%add3A_1719, %get3A_1716], %broadcast_in_dim3A_1 : memref<400x128xf32, #tpu.memory_space<vmem>>[vector<16xi32>, vector<16xi32>], vector<16xf32>,
    %get3A_1720 = arith.constant 16 : index
    %get3A_1721 = tpu.vector_load %arg8[%get3A_1720] {strides = array<i32>} : memref<400xi32, #tpu.memory_space<vmem>>, vector<16xi32>,
    %add3A_1722 = arith.constant 16 : i32
    %add3A_1723 = vector.broadcast %add3A_1722 : i32 to vector<16xi32>
    %add3A_1724 = arith.addi %iota3A, %add3A_1723 : vector<16xi32>
    tpu.vector_store_idx %arg6[%add3A_1724, %get3A_1721], %broadcast_in_dim3A_1 : memref<400x128xf32, #tpu.memory_space<vmem>>[vector<16xi32>, vector<16xi32>], vector<16xf32>,
    %get3A_1725 = arith.constant 32 : index
    %get3A_1726 = tpu.vector_load %arg8[%get3A_1725] {strides = array<i32>} : memref<400xi32, #tpu.memory_space<vmem>>, vector<16xi32>,
    %add3A_1727 = arith.constant 32 : i32
    %add3A_1728 = vector.broadcast %add3A_1727 : i32 to vector<16xi32>
    %add3A_1729 = arith.addi %iota3A, %add3A_1728 : vector<16xi32>
    tpu.vector_store_idx %arg6[%add3A_1729, %get3A_1726], %broadcast_in_dim3A_1 : memref<400x128xf32, #tpu.memory_space<vmem>>[vector<16xi32>, vector<16xi32>], vector<16xf32>,
    %get3A_1730 = arith.constant 48 : index
    %get3A_1731 = tpu.vector_load %arg8[%get3A_1730] {strides = array<i32>} : memref<400xi32, #tpu.memory_space<vmem>>, vector<16xi32>,
    %add3A_1732 = arith.constant 48 : i32
    %add3A_1733 = vector.broadcast %add3A_1732 : i32 to vector<16xi32>
    %add3A_1734 = arith.addi %iota3A, %add3A_1733 : vector<16xi32>
    tpu.vector_store_idx %arg6[%add3A_1734, %get3A_1731], %broadcast_in_dim3A_1 : memref<400x128xf32, #tpu.memory_space<vmem>>[vector<16xi32>, vector<16xi32>], vector<16xf32>,
    %get3A_1735 = arith.constant 64 : index
    %get3A_1736 = tpu.vector_load %arg8[%get3A_1735] {strides = array<i32>} : memref<400xi32, #tpu.memory_space<vmem>>, vector<16xi32>,
    %add3A_1737 = arith.constant 64 : i32
    %add3A_1738 = vector.broadcast %add3A_1737 : i32 to vector<16xi32>
    %add3A_1739 = arith.addi %iota3A, %add3A_1738 : vector<16xi32>
    tpu.vector_store_idx %arg6[%add3A_1739, %get3A_1736], %broadcast_in_dim3A_1 : memref<400x128xf32, #tpu.memory_space<vmem>>[vector<16xi32>, vector<16xi32>], vector<16xf32>,
    %get3A_1740 = arith.constant 80 : index
    %get3A_1741 = tpu.vector_load %arg8[%get3A_1740] {strides = array<i32>} : memref<400xi32, #tpu.memory_space<vmem>>, vector<16xi32>,
    %add3A_1742 = arith.constant 80 : i32
    %add3A_1743 = vector.broadcast %add3A_1742 : i32 to vector<16xi32>
    %add3A_1744 = arith.addi %iota3A, %add3A_1743 : vector<16xi32>
    tpu.vector_store_idx %arg6[%add3A_1744, %get3A_1741], %broadcast_in_dim3A_1 : memref<400x128xf32, #tpu.memory_space<vmem>>[vector<16xi32>, vector<16xi32>], vector<16xf32>,
    %get3A_1745 = arith.constant 96 : index
    %get3A_1746 = tpu.vector_load %arg8[%get3A_1745] {strides = array<i32>} : memref<400xi32, #tpu.memory_space<vmem>>, vector<16xi32>,
    %add3A_1747 = arith.constant 96 : i32
    %add3A_1748 = vector.broadcast %add3A_1747 : i32 to vector<16xi32>
    %add3A_1749 = arith.addi %iota3A, %add3A_1748 : vector<16xi32>
    tpu.vector_store_idx %arg6[%add3A_1749, %get3A_1746], %broadcast_in_dim3A_1 : memref<400x128xf32, #tpu.memory_space<vmem>>[vector<16xi32>, vector<16xi32>], vector<16xf32>,
    %get3A_1750 = arith.constant 112 : index
    %get3A_1751 = tpu.vector_load %arg8[%get3A_1750] {strides = array<i32>} : memref<400xi32, #tpu.memory_space<vmem>>, vector<16xi32>,
    %add3A_1752 = arith.constant 112 : i32
    %add3A_1753 = vector.broadcast %add3A_1752 : i32 to vector<16xi32>
    %add3A_1754 = arith.addi %iota3A, %add3A_1753 : vector<16xi32>
    tpu.vector_store_idx %arg6[%add3A_1754, %get3A_1751], %broadcast_in_dim3A_1 : memref<400x128xf32, #tpu.memory_space<vmem>>[vector<16xi32>, vector<16xi32>], vector<16xf32>,
    %get3A_1755 = arith.constant 128 : index
    %get3A_1756 = tpu.vector_load %arg8[%get3A_1755] {strides = array<i32>} : memref<400xi32, #tpu.memory_space<vmem>>, vector<16xi32>,
    %add3A_1757 = arith.constant 128 : i32
    %add3A_1758 = vector.broadcast %add3A_1757 : i32 to vector<16xi32>
    %add3A_1759 = arith.addi %iota3A, %add3A_1758 : vector<16xi32>
    tpu.vector_store_idx %arg6[%add3A_1759, %get3A_1756], %broadcast_in_dim3A_1 : memref<400x128xf32, #tpu.memory_space<vmem>>[vector<16xi32>, vector<16xi32>], vector<16xf32>,
    %get3A_1760 = arith.constant 144 : index
    %get3A_1761 = tpu.vector_load %arg8[%get3A_1760] {strides = array<i32>} : memref<400xi32, #tpu.memory_space<vmem>>, vector<16xi32>,
    %add3A_1762 = arith.constant 144 : i32
    %add3A_1763 = vector.broadcast %add3A_1762 : i32 to vector<16xi32>
    %add3A_1764 = arith.addi %iota3A, %add3A_1763 : vector<16xi32>
    tpu.vector_store_idx %arg6[%add3A_1764, %get3A_1761], %broadcast_in_dim3A_1 : memref<400x128xf32, #tpu.memory_space<vmem>>[vector<16xi32>, vector<16xi32>], vector<16xf32>,
    %get3A_1765 = arith.constant 160 : index
    %get3A_1766 = tpu.vector_load %arg8[%get3A_1765] {strides = array<i32>} : memref<400xi32, #tpu.memory_space<vmem>>, vector<16xi32>,
    %add3A_1767 = arith.constant 160 : i32
    %add3A_1768 = vector.broadcast %add3A_1767 : i32 to vector<16xi32>
    %add3A_1769 = arith.addi %iota3A, %add3A_1768 : vector<16xi32>
    tpu.vector_store_idx %arg6[%add3A_1769, %get3A_1766], %broadcast_in_dim3A_1 : memref<400x128xf32, #tpu.memory_space<vmem>>[vector<16xi32>, vector<16xi32>], vector<16xf32>,
    %get3A_1770 = arith.constant 176 : index
    %get3A_1771 = tpu.vector_load %arg8[%get3A_1770] {strides = array<i32>} : memref<400xi32, #tpu.memory_space<vmem>>, vector<16xi32>,
    %add3A_1772 = arith.constant 176 : i32
    %add3A_1773 = vector.broadcast %add3A_1772 : i32 to vector<16xi32>
    %add3A_1774 = arith.addi %iota3A, %add3A_1773 : vector<16xi32>
    tpu.vector_store_idx %arg6[%add3A_1774, %get3A_1771], %broadcast_in_dim3A_1 : memref<400x128xf32, #tpu.memory_space<vmem>>[vector<16xi32>, vector<16xi32>], vector<16xf32>,
    %get3A_1775 = arith.constant 192 : index
    %get3A_1776 = tpu.vector_load %arg8[%get3A_1775] {strides = array<i32>} : memref<400xi32, #tpu.memory_space<vmem>>, vector<16xi32>,
    %add3A_1777 = arith.constant 192 : i32
    %add3A_1778 = vector.broadcast %add3A_1777 : i32 to vector<16xi32>
    %add3A_1779 = arith.addi %iota3A, %add3A_1778 : vector<16xi32>
    tpu.vector_store_idx %arg6[%add3A_1779, %get3A_1776], %broadcast_in_dim3A_1 : memref<400x128xf32, #tpu.memory_space<vmem>>[vector<16xi32>, vector<16xi32>], vector<16xf32>,
    %get3A_1780 = arith.constant 208 : index
    %get3A_1781 = tpu.vector_load %arg8[%get3A_1780] {strides = array<i32>} : memref<400xi32, #tpu.memory_space<vmem>>, vector<16xi32>,
    %add3A_1782 = arith.constant 208 : i32
    %add3A_1783 = vector.broadcast %add3A_1782 : i32 to vector<16xi32>
    %add3A_1784 = arith.addi %iota3A, %add3A_1783 : vector<16xi32>
    tpu.vector_store_idx %arg6[%add3A_1784, %get3A_1781], %broadcast_in_dim3A_1 : memref<400x128xf32, #tpu.memory_space<vmem>>[vector<16xi32>, vector<16xi32>], vector<16xf32>,
    %get3A_1785 = arith.constant 224 : index
    %get3A_1786 = tpu.vector_load %arg8[%get3A_1785] {strides = array<i32>} : memref<400xi32, #tpu.memory_space<vmem>>, vector<16xi32>,
    %add3A_1787 = arith.constant 224 : i32
    %add3A_1788 = vector.broadcast %add3A_1787 : i32 to vector<16xi32>
    %add3A_1789 = arith.addi %iota3A, %add3A_1788 : vector<16xi32>
    tpu.vector_store_idx %arg6[%add3A_1789, %get3A_1786], %broadcast_in_dim3A_1 : memref<400x128xf32, #tpu.memory_space<vmem>>[vector<16xi32>, vector<16xi32>], vector<16xf32>,
    %get3A_1790 = arith.constant 240 : index
    %get3A_1791 = tpu.vector_load %arg8[%get3A_1790] {strides = array<i32>} : memref<400xi32, #tpu.memory_space<vmem>>, vector<16xi32>,
    %add3A_1792 = arith.constant 240 : i32
    %add3A_1793 = vector.broadcast %add3A_1792 : i32 to vector<16xi32>
    %add3A_1794 = arith.addi %iota3A, %add3A_1793 : vector<16xi32>
    tpu.vector_store_idx %arg6[%add3A_1794, %get3A_1791], %broadcast_in_dim3A_1 : memref<400x128xf32, #tpu.memory_space<vmem>>[vector<16xi32>, vector<16xi32>], vector<16xf32>,
    %get3A_1795 = arith.constant 256 : index
    %get3A_1796 = tpu.vector_load %arg8[%get3A_1795] {strides = array<i32>} : memref<400xi32, #tpu.memory_space<vmem>>, vector<16xi32>,
    %add3A_1797 = arith.constant 256 : i32
    %add3A_1798 = vector.broadcast %add3A_1797 : i32 to vector<16xi32>
    %add3A_1799 = arith.addi %iota3A, %add3A_1798 : vector<16xi32>
    tpu.vector_store_idx %arg6[%add3A_1799, %get3A_1796], %broadcast_in_dim3A_1 : memref<400x128xf32, #tpu.memory_space<vmem>>[vector<16xi32>, vector<16xi32>], vector<16xf32>,
    %get3A_1800 = arith.constant 272 : index
    %get3A_1801 = tpu.vector_load %arg8[%get3A_1800] {strides = array<i32>} : memref<400xi32, #tpu.memory_space<vmem>>, vector<16xi32>,
    %add3A_1802 = arith.constant 272 : i32
    %add3A_1803 = vector.broadcast %add3A_1802 : i32 to vector<16xi32>
    %add3A_1804 = arith.addi %iota3A, %add3A_1803 : vector<16xi32>
    tpu.vector_store_idx %arg6[%add3A_1804, %get3A_1801], %broadcast_in_dim3A_1 : memref<400x128xf32, #tpu.memory_space<vmem>>[vector<16xi32>, vector<16xi32>], vector<16xf32>,
    %get3A_1805 = arith.constant 288 : index
    %get3A_1806 = tpu.vector_load %arg8[%get3A_1805] {strides = array<i32>} : memref<400xi32, #tpu.memory_space<vmem>>, vector<16xi32>,
    %add3A_1807 = arith.constant 288 : i32
    %add3A_1808 = vector.broadcast %add3A_1807 : i32 to vector<16xi32>
    %add3A_1809 = arith.addi %iota3A, %add3A_1808 : vector<16xi32>
    tpu.vector_store_idx %arg6[%add3A_1809, %get3A_1806], %broadcast_in_dim3A_1 : memref<400x128xf32, #tpu.memory_space<vmem>>[vector<16xi32>, vector<16xi32>], vector<16xf32>,
    %get3A_1810 = arith.constant 304 : index
    %get3A_1811 = tpu.vector_load %arg8[%get3A_1810] {strides = array<i32>} : memref<400xi32, #tpu.memory_space<vmem>>, vector<16xi32>,
    %add3A_1812 = arith.constant 304 : i32
    %add3A_1813 = vector.broadcast %add3A_1812 : i32 to vector<16xi32>
    %add3A_1814 = arith.addi %iota3A, %add3A_1813 : vector<16xi32>
    tpu.vector_store_idx %arg6[%add3A_1814, %get3A_1811], %broadcast_in_dim3A_1 : memref<400x128xf32, #tpu.memory_space<vmem>>[vector<16xi32>, vector<16xi32>], vector<16xf32>,
    %get3A_1815 = arith.constant 320 : index
    %get3A_1816 = tpu.vector_load %arg8[%get3A_1815] {strides = array<i32>} : memref<400xi32, #tpu.memory_space<vmem>>, vector<16xi32>,
    %add3A_1817 = arith.constant 320 : i32
    %add3A_1818 = vector.broadcast %add3A_1817 : i32 to vector<16xi32>
    %add3A_1819 = arith.addi %iota3A, %add3A_1818 : vector<16xi32>
    tpu.vector_store_idx %arg6[%add3A_1819, %get3A_1816], %broadcast_in_dim3A_1 : memref<400x128xf32, #tpu.memory_space<vmem>>[vector<16xi32>, vector<16xi32>], vector<16xf32>,
    %get3A_1820 = arith.constant 336 : index
    %get3A_1821 = tpu.vector_load %arg8[%get3A_1820] {strides = array<i32>} : memref<400xi32, #tpu.memory_space<vmem>>, vector<16xi32>,
    %add3A_1822 = arith.constant 336 : i32
    %add3A_1823 = vector.broadcast %add3A_1822 : i32 to vector<16xi32>
    %add3A_1824 = arith.addi %iota3A, %add3A_1823 : vector<16xi32>
    tpu.vector_store_idx %arg6[%add3A_1824, %get3A_1821], %broadcast_in_dim3A_1 : memref<400x128xf32, #tpu.memory_space<vmem>>[vector<16xi32>, vector<16xi32>], vector<16xf32>,
    %get3A_1825 = arith.constant 352 : index
    %get3A_1826 = tpu.vector_load %arg8[%get3A_1825] {strides = array<i32>} : memref<400xi32, #tpu.memory_space<vmem>>, vector<16xi32>,
    %add3A_1827 = arith.constant 352 : i32
    %add3A_1828 = vector.broadcast %add3A_1827 : i32 to vector<16xi32>
    %add3A_1829 = arith.addi %iota3A, %add3A_1828 : vector<16xi32>
    tpu.vector_store_idx %arg6[%add3A_1829, %get3A_1826], %broadcast_in_dim3A_1 : memref<400x128xf32, #tpu.memory_space<vmem>>[vector<16xi32>, vector<16xi32>], vector<16xf32>,
    %get3A_1830 = arith.constant 368 : index
    %get3A_1831 = tpu.vector_load %arg8[%get3A_1830] {strides = array<i32>} : memref<400xi32, #tpu.memory_space<vmem>>, vector<16xi32>,
    %add3A_1832 = arith.constant 368 : i32
    %add3A_1833 = vector.broadcast %add3A_1832 : i32 to vector<16xi32>
    %add3A_1834 = arith.addi %iota3A, %add3A_1833 : vector<16xi32>
    tpu.vector_store_idx %arg6[%add3A_1834, %get3A_1831], %broadcast_in_dim3A_1 : memref<400x128xf32, #tpu.memory_space<vmem>>[vector<16xi32>, vector<16xi32>], vector<16xf32>,
    %get3A_1835 = arith.constant 384 : index
    %get3A_1836 = tpu.vector_load %arg8[%get3A_1835] {strides = array<i32>} : memref<400xi32, #tpu.memory_space<vmem>>, vector<16xi32>,
    %add3A_1837 = arith.constant 384 : i32
    %add3A_1838 = vector.broadcast %add3A_1837 : i32 to vector<16xi32>
    %add3A_1839 = arith.addi %iota3A, %add3A_1838 : vector<16xi32>
    tpu.vector_store_idx %arg6[%add3A_1839, %get3A_1836], %broadcast_in_dim3A_1 : memref<400x128xf32, #tpu.memory_space<vmem>>[vector<16xi32>, vector<16xi32>], vector<16xf32>,
    %dma_wait3A_1840 = tpu.memref_slice %arg2[%mul3A_1374] : memref<100000xi32, #tpu.memory_space<hbm>> -> memref<400xi32, #tpu.memory_space<hbm>>
    %dma_wait3A_1841 = tpu.memref_slice %arg2[%mul3A_1374] : memref<100000xi32, #tpu.memory_space<hbm>> -> memref<400xi32, #tpu.memory_space<hbm>>
    tpu.wait_dma2 semaphore(%arg12 : memref<!tpu.dma_semaphore, #tpu.memory_space<semaphore_mem>>) src(%dma_wait3A_1841 : memref<400xi32, #tpu.memory_space<hbm>>) dst(%arg4 : memref<400xi32, #tpu.memory_space<vmem>>)
    %get3A_1842 = arith.constant 0 : index
    %get3A_1843 = tpu.vector_load %arg4[%get3A_1842] {strides = array<i32>} : memref<400xi32, #tpu.memory_space<vmem>>, vector<16xi32>,
    %swap3A_1844 = arith.constant 0 : index
    %swap3A_1845 = tpu.vector_load %arg8[%swap3A_1844] {strides = array<i32>} : memref<400xi32, #tpu.memory_space<vmem>>, vector<16xi32>,
    tpu.vector_store %arg8[%swap3A_1844], %get3A_1843 {strides = array<i32>} : memref<400xi32, #tpu.memory_space<vmem>>, vector<16xi32>,
    %add3A_1846 = arith.constant 0 : i32
    %add3A_1847 = vector.broadcast %add3A_1846 : i32 to vector<16xi32>
    %add3A_1848 = arith.addi %iota3A, %add3A_1847 : vector<16xi32>
    tpu.vector_store_idx %arg6[%add3A_1848, %get3A_1843], %broadcast_in_dim3A_3 : memref<400x128xf32, #tpu.memory_space<vmem>>[vector<16xi32>, vector<16xi32>], vector<16xf32>,
    %get3A_1849 = arith.constant 16 : index
    %get3A_1850 = tpu.vector_load %arg4[%get3A_1849] {strides = array<i32>} : memref<400xi32, #tpu.memory_space<vmem>>, vector<16xi32>,
    %swap3A_1851 = arith.constant 16 : index
    %swap3A_1852 = tpu.vector_load %arg8[%swap3A_1851] {strides = array<i32>} : memref<400xi32, #tpu.memory_space<vmem>>, vector<16xi32>,
    tpu.vector_store %arg8[%swap3A_1851], %get3A_1850 {strides = array<i32>} : memref<400xi32, #tpu.memory_space<vmem>>, vector<16xi32>,
    %add3A_1853 = arith.constant 16 : i32
    %add3A_1854 = vector.broadcast %add3A_1853 : i32 to vector<16xi32>
    %add3A_1855 = arith.addi %iota3A, %add3A_1854 : vector<16xi32>
    tpu.vector_store_idx %arg6[%add3A_1855, %get3A_1850], %broadcast_in_dim3A_3 : memref<400x128xf32, #tpu.memory_space<vmem>>[vector<16xi32>, vector<16xi32>], vector<16xf32>,
    %get3A_1856 = arith.constant 32 : index
    %get3A_1857 = tpu.vector_load %arg4[%get3A_1856] {strides = array<i32>} : memref<400xi32, #tpu.memory_space<vmem>>, vector<16xi32>,
    %swap3A_1858 = arith.constant 32 : index
    %swap3A_1859 = tpu.vector_load %arg8[%swap3A_1858] {strides = array<i32>} : memref<400xi32, #tpu.memory_space<vmem>>, vector<16xi32>,
    tpu.vector_store %arg8[%swap3A_1858], %get3A_1857 {strides = array<i32>} : memref<400xi32, #tpu.memory_space<vmem>>, vector<16xi32>,
    %add3A_1860 = arith.constant 32 : i32
    %add3A_1861 = vector.broadcast %add3A_1860 : i32 to vector<16xi32>
    %add3A_1862 = arith.addi %iota3A, %add3A_1861 : vector<16xi32>
    tpu.vector_store_idx %arg6[%add3A_1862, %get3A_1857], %broadcast_in_dim3A_3 : memref<400x128xf32, #tpu.memory_space<vmem>>[vector<16xi32>, vector<16xi32>], vector<16xf32>,
    %get3A_1863 = arith.constant 48 : index
    %get3A_1864 = tpu.vector_load %arg4[%get3A_1863] {strides = array<i32>} : memref<400xi32, #tpu.memory_space<vmem>>, vector<16xi32>,
    %swap3A_1865 = arith.constant 48 : index
    %swap3A_1866 = tpu.vector_load %arg8[%swap3A_1865] {strides = array<i32>} : memref<400xi32, #tpu.memory_space<vmem>>, vector<16xi32>,
    tpu.vector_store %arg8[%swap3A_1865], %get3A_1864 {strides = array<i32>} : memref<400xi32, #tpu.memory_space<vmem>>, vector<16xi32>,
    %add3A_1867 = arith.constant 48 : i32
    %add3A_1868 = vector.broadcast %add3A_1867 : i32 to vector<16xi32>
    %add3A_1869 = arith.addi %iota3A, %add3A_1868 : vector<16xi32>
    tpu.vector_store_idx %arg6[%add3A_1869, %get3A_1864], %broadcast_in_dim3A_3 : memref<400x128xf32, #tpu.memory_space<vmem>>[vector<16xi32>, vector<16xi32>], vector<16xf32>,
    %get3A_1870 = arith.constant 64 : index
    %get3A_1871 = tpu.vector_load %arg4[%get3A_1870] {strides = array<i32>} : memref<400xi32, #tpu.memory_space<vmem>>, vector<16xi32>,
    %swap3A_1872 = arith.constant 64 : index
    %swap3A_1873 = tpu.vector_load %arg8[%swap3A_1872] {strides = array<i32>} : memref<400xi32, #tpu.memory_space<vmem>>, vector<16xi32>,
    tpu.vector_store %arg8[%swap3A_1872], %get3A_1871 {strides = array<i32>} : memref<400xi32, #tpu.memory_space<vmem>>, vector<16xi32>,
    %add3A_1874 = arith.constant 64 : i32
    %add3A_1875 = vector.broadcast %add3A_1874 : i32 to vector<16xi32>
    %add3A_1876 = arith.addi %iota3A, %add3A_1875 : vector<16xi32>
    tpu.vector_store_idx %arg6[%add3A_1876, %get3A_1871], %broadcast_in_dim3A_3 : memref<400x128xf32, #tpu.memory_space<vmem>>[vector<16xi32>, vector<16xi32>], vector<16xf32>,
    %get3A_1877 = arith.constant 80 : index
    %get3A_1878 = tpu.vector_load %arg4[%get3A_1877] {strides = array<i32>} : memref<400xi32, #tpu.memory_space<vmem>>, vector<16xi32>,
    %swap3A_1879 = arith.constant 80 : index
    %swap3A_1880 = tpu.vector_load %arg8[%swap3A_1879] {strides = array<i32>} : memref<400xi32, #tpu.memory_space<vmem>>, vector<16xi32>,
    tpu.vector_store %arg8[%swap3A_1879], %get3A_1878 {strides = array<i32>} : memref<400xi32, #tpu.memory_space<vmem>>, vector<16xi32>,
    %add3A_1881 = arith.constant 80 : i32
    %add3A_1882 = vector.broadcast %add3A_1881 : i32 to vector<16xi32>
    %add3A_1883 = arith.addi %iota3A, %add3A_1882 : vector<16xi32>
    tpu.vector_store_idx %arg6[%add3A_1883, %get3A_1878], %broadcast_in_dim3A_3 : memref<400x128xf32, #tpu.memory_space<vmem>>[vector<16xi32>, vector<16xi32>], vector<16xf32>,
    %get3A_1884 = arith.constant 96 : index
    %get3A_1885 = tpu.vector_load %arg4[%get3A_1884] {strides = array<i32>} : memref<400xi32, #tpu.memory_space<vmem>>, vector<16xi32>,
    %swap3A_1886 = arith.constant 96 : index
    %swap3A_1887 = tpu.vector_load %arg8[%swap3A_1886] {strides = array<i32>} : memref<400xi32, #tpu.memory_space<vmem>>, vector<16xi32>,
    tpu.vector_store %arg8[%swap3A_1886], %get3A_1885 {strides = array<i32>} : memref<400xi32, #tpu.memory_space<vmem>>, vector<16xi32>,
    %add3A_1888 = arith.constant 96 : i32
    %add3A_1889 = vector.broadcast %add3A_1888 : i32 to vector<16xi32>
    %add3A_1890 = arith.addi %iota3A, %add3A_1889 : vector<16xi32>
    tpu.vector_store_idx %arg6[%add3A_1890, %get3A_1885], %broadcast_in_dim3A_3 : memref<400x128xf32, #tpu.memory_space<vmem>>[vector<16xi32>, vector<16xi32>], vector<16xf32>,
    %get3A_1891 = arith.constant 112 : index
    %get3A_1892 = tpu.vector_load %arg4[%get3A_1891] {strides = array<i32>} : memref<400xi32, #tpu.memory_space<vmem>>, vector<16xi32>,
    %swap3A_1893 = arith.constant 112 : index
    %swap3A_1894 = tpu.vector_load %arg8[%swap3A_1893] {strides = array<i32>} : memref<400xi32, #tpu.memory_space<vmem>>, vector<16xi32>,
    tpu.vector_store %arg8[%swap3A_1893], %get3A_1892 {strides = array<i32>} : memref<400xi32, #tpu.memory_space<vmem>>, vector<16xi32>,
    %add3A_1895 = arith.constant 112 : i32
    %add3A_1896 = vector.broadcast %add3A_1895 : i32 to vector<16xi32>
    %add3A_1897 = arith.addi %iota3A, %add3A_1896 : vector<16xi32>
    tpu.vector_store_idx %arg6[%add3A_1897, %get3A_1892], %broadcast_in_dim3A_3 : memref<400x128xf32, #tpu.memory_space<vmem>>[vector<16xi32>, vector<16xi32>], vector<16xf32>,
    %get3A_1898 = arith.constant 128 : index
    %get3A_1899 = tpu.vector_load %arg4[%get3A_1898] {strides = array<i32>} : memref<400xi32, #tpu.memory_space<vmem>>, vector<16xi32>,
    %swap3A_1900 = arith.constant 128 : index
    %swap3A_1901 = tpu.vector_load %arg8[%swap3A_1900] {strides = array<i32>} : memref<400xi32, #tpu.memory_space<vmem>>, vector<16xi32>,
    tpu.vector_store %arg8[%swap3A_1900], %get3A_1899 {strides = array<i32>} : memref<400xi32, #tpu.memory_space<vmem>>, vector<16xi32>,
    %add3A_1902 = arith.constant 128 : i32
    %add3A_1903 = vector.broadcast %add3A_1902 : i32 to vector<16xi32>
    %add3A_1904 = arith.addi %iota3A, %add3A_1903 : vector<16xi32>
    tpu.vector_store_idx %arg6[%add3A_1904, %get3A_1899], %broadcast_in_dim3A_3 : memref<400x128xf32, #tpu.memory_space<vmem>>[vector<16xi32>, vector<16xi32>], vector<16xf32>,
    %get3A_1905 = arith.constant 144 : index
    %get3A_1906 = tpu.vector_load %arg4[%get3A_1905] {strides = array<i32>} : memref<400xi32, #tpu.memory_space<vmem>>, vector<16xi32>,
    %swap3A_1907 = arith.constant 144 : index
    %swap3A_1908 = tpu.vector_load %arg8[%swap3A_1907] {strides = array<i32>} : memref<400xi32, #tpu.memory_space<vmem>>, vector<16xi32>,
    tpu.vector_store %arg8[%swap3A_1907], %get3A_1906 {strides = array<i32>} : memref<400xi32, #tpu.memory_space<vmem>>, vector<16xi32>,
    %add3A_1909 = arith.constant 144 : i32
    %add3A_1910 = vector.broadcast %add3A_1909 : i32 to vector<16xi32>
    %add3A_1911 = arith.addi %iota3A, %add3A_1910 : vector<16xi32>
    tpu.vector_store_idx %arg6[%add3A_1911, %get3A_1906], %broadcast_in_dim3A_3 : memref<400x128xf32, #tpu.memory_space<vmem>>[vector<16xi32>, vector<16xi32>], vector<16xf32>,
    %get3A_1912 = arith.constant 160 : index
    %get3A_1913 = tpu.vector_load %arg4[%get3A_1912] {strides = array<i32>} : memref<400xi32, #tpu.memory_space<vmem>>, vector<16xi32>,
    %swap3A_1914 = arith.constant 160 : index
    %swap3A_1915 = tpu.vector_load %arg8[%swap3A_1914] {strides = array<i32>} : memref<400xi32, #tpu.memory_space<vmem>>, vector<16xi32>,
    tpu.vector_store %arg8[%swap3A_1914], %get3A_1913 {strides = array<i32>} : memref<400xi32, #tpu.memory_space<vmem>>, vector<16xi32>,
    %add3A_1916 = arith.constant 160 : i32
    %add3A_1917 = vector.broadcast %add3A_1916 : i32 to vector<16xi32>
    %add3A_1918 = arith.addi %iota3A, %add3A_1917 : vector<16xi32>
    tpu.vector_store_idx %arg6[%add3A_1918, %get3A_1913], %broadcast_in_dim3A_3 : memref<400x128xf32, #tpu.memory_space<vmem>>[vector<16xi32>, vector<16xi32>], vector<16xf32>,
    %get3A_1919 = arith.constant 176 : index
    %get3A_1920 = tpu.vector_load %arg4[%get3A_1919] {strides = array<i32>} : memref<400xi32, #tpu.memory_space<vmem>>, vector<16xi32>,
    %swap3A_1921 = arith.constant 176 : index
    %swap3A_1922 = tpu.vector_load %arg8[%swap3A_1921] {strides = array<i32>} : memref<400xi32, #tpu.memory_space<vmem>>, vector<16xi32>,
    tpu.vector_store %arg8[%swap3A_1921], %get3A_1920 {strides = array<i32>} : memref<400xi32, #tpu.memory_space<vmem>>, vector<16xi32>,
    %add3A_1923 = arith.constant 176 : i32
    %add3A_1924 = vector.broadcast %add3A_1923 : i32 to vector<16xi32>
    %add3A_1925 = arith.addi %iota3A, %add3A_1924 : vector<16xi32>
    tpu.vector_store_idx %arg6[%add3A_1925, %get3A_1920], %broadcast_in_dim3A_3 : memref<400x128xf32, #tpu.memory_space<vmem>>[vector<16xi32>, vector<16xi32>], vector<16xf32>,
    %get3A_1926 = arith.constant 192 : index
    %get3A_1927 = tpu.vector_load %arg4[%get3A_1926] {strides = array<i32>} : memref<400xi32, #tpu.memory_space<vmem>>, vector<16xi32>,
    %swap3A_1928 = arith.constant 192 : index
    %swap3A_1929 = tpu.vector_load %arg8[%swap3A_1928] {strides = array<i32>} : memref<400xi32, #tpu.memory_space<vmem>>, vector<16xi32>,
    tpu.vector_store %arg8[%swap3A_1928], %get3A_1927 {strides = array<i32>} : memref<400xi32, #tpu.memory_space<vmem>>, vector<16xi32>,
    %add3A_1930 = arith.constant 192 : i32
    %add3A_1931 = vector.broadcast %add3A_1930 : i32 to vector<16xi32>
    %add3A_1932 = arith.addi %iota3A, %add3A_1931 : vector<16xi32>
    tpu.vector_store_idx %arg6[%add3A_1932, %get3A_1927], %broadcast_in_dim3A_3 : memref<400x128xf32, #tpu.memory_space<vmem>>[vector<16xi32>, vector<16xi32>], vector<16xf32>,
    %get3A_1933 = arith.constant 208 : index
    %get3A_1934 = tpu.vector_load %arg4[%get3A_1933] {strides = array<i32>} : memref<400xi32, #tpu.memory_space<vmem>>, vector<16xi32>,
    %swap3A_1935 = arith.constant 208 : index
    %swap3A_1936 = tpu.vector_load %arg8[%swap3A_1935] {strides = array<i32>} : memref<400xi32, #tpu.memory_space<vmem>>, vector<16xi32>,
    tpu.vector_store %arg8[%swap3A_1935], %get3A_1934 {strides = array<i32>} : memref<400xi32, #tpu.memory_space<vmem>>, vector<16xi32>,
    %add3A_1937 = arith.constant 208 : i32
    %add3A_1938 = vector.broadcast %add3A_1937 : i32 to vector<16xi32>
    %add3A_1939 = arith.addi %iota3A, %add3A_1938 : vector<16xi32>
    tpu.vector_store_idx %arg6[%add3A_1939, %get3A_1934], %broadcast_in_dim3A_3 : memref<400x128xf32, #tpu.memory_space<vmem>>[vector<16xi32>, vector<16xi32>], vector<16xf32>,
    %get3A_1940 = arith.constant 224 : index
    %get3A_1941 = tpu.vector_load %arg4[%get3A_1940] {strides = array<i32>} : memref<400xi32, #tpu.memory_space<vmem>>, vector<16xi32>,
    %swap3A_1942 = arith.constant 224 : index
    %swap3A_1943 = tpu.vector_load %arg8[%swap3A_1942] {strides = array<i32>} : memref<400xi32, #tpu.memory_space<vmem>>, vector<16xi32>,
    tpu.vector_store %arg8[%swap3A_1942], %get3A_1941 {strides = array<i32>} : memref<400xi32, #tpu.memory_space<vmem>>, vector<16xi32>,
    %add3A_1944 = arith.constant 224 : i32
    %add3A_1945 = vector.broadcast %add3A_1944 : i32 to vector<16xi32>
    %add3A_1946 = arith.addi %iota3A, %add3A_1945 : vector<16xi32>
    tpu.vector_store_idx %arg6[%add3A_1946, %get3A_1941], %broadcast_in_dim3A_3 : memref<400x128xf32, #tpu.memory_space<vmem>>[vector<16xi32>, vector<16xi32>], vector<16xf32>,
    %get3A_1947 = arith.constant 240 : index
    %get3A_1948 = tpu.vector_load %arg4[%get3A_1947] {strides = array<i32>} : memref<400xi32, #tpu.memory_space<vmem>>, vector<16xi32>,
    %swap3A_1949 = arith.constant 240 : index
    %swap3A_1950 = tpu.vector_load %arg8[%swap3A_1949] {strides = array<i32>} : memref<400xi32, #tpu.memory_space<vmem>>, vector<16xi32>,
    tpu.vector_store %arg8[%swap3A_1949], %get3A_1948 {strides = array<i32>} : memref<400xi32, #tpu.memory_space<vmem>>, vector<16xi32>,
    %add3A_1951 = arith.constant 240 : i32
    %add3A_1952 = vector.broadcast %add3A_1951 : i32 to vector<16xi32>
    %add3A_1953 = arith.addi %iota3A, %add3A_1952 : vector<16xi32>
    tpu.vector_store_idx %arg6[%add3A_1953, %get3A_1948], %broadcast_in_dim3A_3 : memref<400x128xf32, #tpu.memory_space<vmem>>[vector<16xi32>, vector<16xi32>], vector<16xf32>,
    %get3A_1954 = arith.constant 256 : index
    %get3A_1955 = tpu.vector_load %arg4[%get3A_1954] {strides = array<i32>} : memref<400xi32, #tpu.memory_space<vmem>>, vector<16xi32>,
    %swap3A_1956 = arith.constant 256 : index
    %swap3A_1957 = tpu.vector_load %arg8[%swap3A_1956] {strides = array<i32>} : memref<400xi32, #tpu.memory_space<vmem>>, vector<16xi32>,
    tpu.vector_store %arg8[%swap3A_1956], %get3A_1955 {strides = array<i32>} : memref<400xi32, #tpu.memory_space<vmem>>, vector<16xi32>,
    %add3A_1958 = arith.constant 256 : i32
    %add3A_1959 = vector.broadcast %add3A_1958 : i32 to vector<16xi32>
    %add3A_1960 = arith.addi %iota3A, %add3A_1959 : vector<16xi32>
    tpu.vector_store_idx %arg6[%add3A_1960, %get3A_1955], %broadcast_in_dim3A_3 : memref<400x128xf32, #tpu.memory_space<vmem>>[vector<16xi32>, vector<16xi32>], vector<16xf32>,
    %get3A_1961 = arith.constant 272 : index
    %get3A_1962 = tpu.vector_load %arg4[%get3A_1961] {strides = array<i32>} : memref<400xi32, #tpu.memory_space<vmem>>, vector<16xi32>,
    %swap3A_1963 = arith.constant 272 : index
    %swap3A_1964 = tpu.vector_load %arg8[%swap3A_1963] {strides = array<i32>} : memref<400xi32, #tpu.memory_space<vmem>>, vector<16xi32>,
    tpu.vector_store %arg8[%swap3A_1963], %get3A_1962 {strides = array<i32>} : memref<400xi32, #tpu.memory_space<vmem>>, vector<16xi32>,
    %add3A_1965 = arith.constant 272 : i32
    %add3A_1966 = vector.broadcast %add3A_1965 : i32 to vector<16xi32>
    %add3A_1967 = arith.addi %iota3A, %add3A_1966 : vector<16xi32>
    tpu.vector_store_idx %arg6[%add3A_1967, %get3A_1962], %broadcast_in_dim3A_3 : memref<400x128xf32, #tpu.memory_space<vmem>>[vector<16xi32>, vector<16xi32>], vector<16xf32>,
    %get3A_1968 = arith.constant 288 : index
    %get3A_1969 = tpu.vector_load %arg4[%get3A_1968] {strides = array<i32>} : memref<400xi32, #tpu.memory_space<vmem>>, vector<16xi32>,
    %swap3A_1970 = arith.constant 288 : index
    %swap3A_1971 = tpu.vector_load %arg8[%swap3A_1970] {strides = array<i32>} : memref<400xi32, #tpu.memory_space<vmem>>, vector<16xi32>,
    tpu.vector_store %arg8[%swap3A_1970], %get3A_1969 {strides = array<i32>} : memref<400xi32, #tpu.memory_space<vmem>>, vector<16xi32>,
    %add3A_1972 = arith.constant 288 : i32
    %add3A_1973 = vector.broadcast %add3A_1972 : i32 to vector<16xi32>
    %add3A_1974 = arith.addi %iota3A, %add3A_1973 : vector<16xi32>
    tpu.vector_store_idx %arg6[%add3A_1974, %get3A_1969], %broadcast_in_dim3A_3 : memref<400x128xf32, #tpu.memory_space<vmem>>[vector<16xi32>, vector<16xi32>], vector<16xf32>,
    %get3A_1975 = arith.constant 304 : index
    %get3A_1976 = tpu.vector_load %arg4[%get3A_1975] {strides = array<i32>} : memref<400xi32, #tpu.memory_space<vmem>>, vector<16xi32>,
    %swap3A_1977 = arith.constant 304 : index
    %swap3A_1978 = tpu.vector_load %arg8[%swap3A_1977] {strides = array<i32>} : memref<400xi32, #tpu.memory_space<vmem>>, vector<16xi32>,
    tpu.vector_store %arg8[%swap3A_1977], %get3A_1976 {strides = array<i32>} : memref<400xi32, #tpu.memory_space<vmem>>, vector<16xi32>,
    %add3A_1979 = arith.constant 304 : i32
    %add3A_1980 = vector.broadcast %add3A_1979 : i32 to vector<16xi32>
    %add3A_1981 = arith.addi %iota3A, %add3A_1980 : vector<16xi32>
    tpu.vector_store_idx %arg6[%add3A_1981, %get3A_1976], %broadcast_in_dim3A_3 : memref<400x128xf32, #tpu.memory_space<vmem>>[vector<16xi32>, vector<16xi32>], vector<16xf32>,
    %get3A_1982 = arith.constant 320 : index
    %get3A_1983 = tpu.vector_load %arg4[%get3A_1982] {strides = array<i32>} : memref<400xi32, #tpu.memory_space<vmem>>, vector<16xi32>,
    %swap3A_1984 = arith.constant 320 : index
    %swap3A_1985 = tpu.vector_load %arg8[%swap3A_1984] {strides = array<i32>} : memref<400xi32, #tpu.memory_space<vmem>>, vector<16xi32>,
    tpu.vector_store %arg8[%swap3A_1984], %get3A_1983 {strides = array<i32>} : memref<400xi32, #tpu.memory_space<vmem>>, vector<16xi32>,
    %add3A_1986 = arith.constant 320 : i32
    %add3A_1987 = vector.broadcast %add3A_1986 : i32 to vector<16xi32>
    %add3A_1988 = arith.addi %iota3A, %add3A_1987 : vector<16xi32>
    tpu.vector_store_idx %arg6[%add3A_1988, %get3A_1983], %broadcast_in_dim3A_3 : memref<400x128xf32, #tpu.memory_space<vmem>>[vector<16xi32>, vector<16xi32>], vector<16xf32>,
    %get3A_1989 = arith.constant 336 : index
    %get3A_1990 = tpu.vector_load %arg4[%get3A_1989] {strides = array<i32>} : memref<400xi32, #tpu.memory_space<vmem>>, vector<16xi32>,
    %swap3A_1991 = arith.constant 336 : index
    %swap3A_1992 = tpu.vector_load %arg8[%swap3A_1991] {strides = array<i32>} : memref<400xi32, #tpu.memory_space<vmem>>, vector<16xi32>,
    tpu.vector_store %arg8[%swap3A_1991], %get3A_1990 {strides = array<i32>} : memref<400xi32, #tpu.memory_space<vmem>>, vector<16xi32>,
    %add3A_1993 = arith.constant 336 : i32
    %add3A_1994 = vector.broadcast %add3A_1993 : i32 to vector<16xi32>
    %add3A_1995 = arith.addi %iota3A, %add3A_1994 : vector<16xi32>
    tpu.vector_store_idx %arg6[%add3A_1995, %get3A_1990], %broadcast_in_dim3A_3 : memref<400x128xf32, #tpu.memory_space<vmem>>[vector<16xi32>, vector<16xi32>], vector<16xf32>,
    %get3A_1996 = arith.constant 352 : index
    %get3A_1997 = tpu.vector_load %arg4[%get3A_1996] {strides = array<i32>} : memref<400xi32, #tpu.memory_space<vmem>>, vector<16xi32>,
    %swap3A_1998 = arith.constant 352 : index
    %swap3A_1999 = tpu.vector_load %arg8[%swap3A_1998] {strides = array<i32>} : memref<400xi32, #tpu.memory_space<vmem>>, vector<16xi32>,
    tpu.vector_store %arg8[%swap3A_1998], %get3A_1997 {strides = array<i32>} : memref<400xi32, #tpu.memory_space<vmem>>, vector<16xi32>,
    %add3A_2000 = arith.constant 352 : i32
    %add3A_2001 = vector.broadcast %add3A_2000 : i32 to vector<16xi32>
    %add3A_2002 = arith.addi %iota3A, %add3A_2001 : vector<16xi32>
    tpu.vector_store_idx %arg6[%add3A_2002, %get3A_1997], %broadcast_in_dim3A_3 : memref<400x128xf32, #tpu.memory_space<vmem>>[vector<16xi32>, vector<16xi32>], vector<16xf32>,
    %get3A_2003 = arith.constant 368 : index
    %get3A_2004 = tpu.vector_load %arg4[%get3A_2003] {strides = array<i32>} : memref<400xi32, #tpu.memory_space<vmem>>, vector<16xi32>,
    %swap3A_2005 = arith.constant 368 : index
    %swap3A_2006 = tpu.vector_load %arg8[%swap3A_2005] {strides = array<i32>} : memref<400xi32, #tpu.memory_space<vmem>>, vector<16xi32>,
    tpu.vector_store %arg8[%swap3A_2005], %get3A_2004 {strides = array<i32>} : memref<400xi32, #tpu.memory_space<vmem>>, vector<16xi32>,
    %add3A_2007 = arith.constant 368 : i32
    %add3A_2008 = vector.broadcast %add3A_2007 : i32 to vector<16xi32>
    %add3A_2009 = arith.addi %iota3A, %add3A_2008 : vector<16xi32>
    tpu.vector_store_idx %arg6[%add3A_2009, %get3A_2004], %broadcast_in_dim3A_3 : memref<400x128xf32, #tpu.memory_space<vmem>>[vector<16xi32>, vector<16xi32>], vector<16xf32>,
    %get3A_2010 = arith.constant 384 : index
    %get3A_2011 = tpu.vector_load %arg4[%get3A_2010] {strides = array<i32>} : memref<400xi32, #tpu.memory_space<vmem>>, vector<16xi32>,
    %swap3A_2012 = arith.constant 384 : index
    %swap3A_2013 = tpu.vector_load %arg8[%swap3A_2012] {strides = array<i32>} : memref<400xi32, #tpu.memory_space<vmem>>, vector<16xi32>,
    tpu.vector_store %arg8[%swap3A_2012], %get3A_2011 {strides = array<i32>} : memref<400xi32, #tpu.memory_space<vmem>>, vector<16xi32>,
    %add3A_2014 = arith.constant 384 : i32
    %add3A_2015 = vector.broadcast %add3A_2014 : i32 to vector<16xi32>
    %add3A_2016 = arith.addi %iota3A, %add3A_2015 : vector<16xi32>
    tpu.vector_store_idx %arg6[%add3A_2016, %get3A_2011], %broadcast_in_dim3A_3 : memref<400x128xf32, #tpu.memory_space<vmem>>[vector<16xi32>, vector<16xi32>], vector<16xf32>,
    %mul3A_2017 = arith.constant 400 : i32
    %mul3A_2018 = arith.muli %min3A_1710, %mul3A_2017 : i32
    %dma_start3A_2019 = arith.constant 0 : i32
    %dma_start3A_2020 = tpu.memref_slice %arg3[%mul3A_2018, %dma_start3A_2019] : memref<100000x128xf32, #tpu.memory_space<hbm>> -> memref<400x128xf32, #tpu.memory_space<hbm>>
    %dma_start3A_2021 = arith.constant 0 : i32
    %dma_start3A_2022 = tpu.memref_slice %arg3[%mul3A_2018, %dma_start3A_2021] : memref<100000x128xf32, #tpu.memory_space<hbm>> -> memref<400x128xf32, #tpu.memory_space<hbm>>
    tpu.enqueue_dma source(%arg6 : memref<400x128xf32, #tpu.memory_space<vmem>>) target(%dma_start3A_2022 : memref<400x128xf32, #tpu.memory_space<hbm>>) target_semaphore(%arg10 : memref<!tpu.dma_semaphore, #tpu.memory_space<semaphore_mem>>)
    %add3A_2023 = arith.constant 224 : i32
    %add3A_2024 = arith.addi %add3A, %add3A_2023 : i32
    %min3A_2025 = arith.constant 249 : i32
    %min3A_2026 = arith.minsi %add3A_2024, %min3A_2025 : i32
    %dma_wait3A_2027 = arith.constant 0 : i32
    %dma_wait3A_2028 = tpu.memref_slice %arg3[%mul3A_1702, %dma_wait3A_2027] : memref<100000x128xf32, #tpu.memory_space<hbm>> -> memref<400x128xf32, #tpu.memory_space<hbm>>
    %dma_wait3A_2029 = arith.constant 0 : i32
    %dma_wait3A_2030 = tpu.memref_slice %arg3[%mul3A_1702, %dma_wait3A_2029] : memref<100000x128xf32, #tpu.memory_space<hbm>> -> memref<400x128xf32, #tpu.memory_space<hbm>>
    tpu.wait_dma2 semaphore(%arg11 : memref<!tpu.dma_semaphore, #tpu.memory_space<semaphore_mem>>) src(%arg7 : memref<400x128xf32, #tpu.memory_space<vmem>>) dst(%dma_wait3A_2030 : memref<400x128xf32, #tpu.memory_space<hbm>>)
    %get3A_2031 = arith.constant 0 : index
    %get3A_2032 = tpu.vector_load %arg9[%get3A_2031] {strides = array<i32>} : memref<400xi32, #tpu.memory_space<vmem>>, vector<16xi32>,
    %add3A_2033 = arith.constant 0 : i32
    %add3A_2034 = vector.broadcast %add3A_2033 : i32 to vector<16xi32>
    %add3A_2035 = arith.addi %iota3A, %add3A_2034 : vector<16xi32>
    tpu.vector_store_idx %arg7[%add3A_2035, %get3A_2032], %broadcast_in_dim3A_1 : memref<400x128xf32, #tpu.memory_space<vmem>>[vector<16xi32>, vector<16xi32>], vector<16xf32>,
    %get3A_2036 = arith.constant 16 : index
    %get3A_2037 = tpu.vector_load %arg9[%get3A_2036] {strides = array<i32>} : memref<400xi32, #tpu.memory_space<vmem>>, vector<16xi32>,
    %add3A_2038 = arith.constant 16 : i32
    %add3A_2039 = vector.broadcast %add3A_2038 : i32 to vector<16xi32>
    %add3A_2040 = arith.addi %iota3A, %add3A_2039 : vector<16xi32>
    tpu.vector_store_idx %arg7[%add3A_2040, %get3A_2037], %broadcast_in_dim3A_1 : memref<400x128xf32, #tpu.memory_space<vmem>>[vector<16xi32>, vector<16xi32>], vector<16xf32>,
    %get3A_2041 = arith.constant 32 : index
    %get3A_2042 = tpu.vector_load %arg9[%get3A_2041] {strides = array<i32>} : memref<400xi32, #tpu.memory_space<vmem>>, vector<16xi32>,
    %add3A_2043 = arith.constant 32 : i32
    %add3A_2044 = vector.broadcast %add3A_2043 : i32 to vector<16xi32>
    %add3A_2045 = arith.addi %iota3A, %add3A_2044 : vector<16xi32>
    tpu.vector_store_idx %arg7[%add3A_2045, %get3A_2042], %broadcast_in_dim3A_1 : memref<400x128xf32, #tpu.memory_space<vmem>>[vector<16xi32>, vector<16xi32>], vector<16xf32>,
    %get3A_2046 = arith.constant 48 : index
    %get3A_2047 = tpu.vector_load %arg9[%get3A_2046] {strides = array<i32>} : memref<400xi32, #tpu.memory_space<vmem>>, vector<16xi32>,
    %add3A_2048 = arith.constant 48 : i32
    %add3A_2049 = vector.broadcast %add3A_2048 : i32 to vector<16xi32>
    %add3A_2050 = arith.addi %iota3A, %add3A_2049 : vector<16xi32>
    tpu.vector_store_idx %arg7[%add3A_2050, %get3A_2047], %broadcast_in_dim3A_1 : memref<400x128xf32, #tpu.memory_space<vmem>>[vector<16xi32>, vector<16xi32>], vector<16xf32>,
    %get3A_2051 = arith.constant 64 : index
    %get3A_2052 = tpu.vector_load %arg9[%get3A_2051] {strides = array<i32>} : memref<400xi32, #tpu.memory_space<vmem>>, vector<16xi32>,
    %add3A_2053 = arith.constant 64 : i32
    %add3A_2054 = vector.broadcast %add3A_2053 : i32 to vector<16xi32>
    %add3A_2055 = arith.addi %iota3A, %add3A_2054 : vector<16xi32>
    tpu.vector_store_idx %arg7[%add3A_2055, %get3A_2052], %broadcast_in_dim3A_1 : memref<400x128xf32, #tpu.memory_space<vmem>>[vector<16xi32>, vector<16xi32>], vector<16xf32>,
    %get3A_2056 = arith.constant 80 : index
    %get3A_2057 = tpu.vector_load %arg9[%get3A_2056] {strides = array<i32>} : memref<400xi32, #tpu.memory_space<vmem>>, vector<16xi32>,
    %add3A_2058 = arith.constant 80 : i32
    %add3A_2059 = vector.broadcast %add3A_2058 : i32 to vector<16xi32>
    %add3A_2060 = arith.addi %iota3A, %add3A_2059 : vector<16xi32>
    tpu.vector_store_idx %arg7[%add3A_2060, %get3A_2057], %broadcast_in_dim3A_1 : memref<400x128xf32, #tpu.memory_space<vmem>>[vector<16xi32>, vector<16xi32>], vector<16xf32>,
    %get3A_2061 = arith.constant 96 : index
    %get3A_2062 = tpu.vector_load %arg9[%get3A_2061] {strides = array<i32>} : memref<400xi32, #tpu.memory_space<vmem>>, vector<16xi32>,
    %add3A_2063 = arith.constant 96 : i32
    %add3A_2064 = vector.broadcast %add3A_2063 : i32 to vector<16xi32>
    %add3A_2065 = arith.addi %iota3A, %add3A_2064 : vector<16xi32>
    tpu.vector_store_idx %arg7[%add3A_2065, %get3A_2062], %broadcast_in_dim3A_1 : memref<400x128xf32, #tpu.memory_space<vmem>>[vector<16xi32>, vector<16xi32>], vector<16xf32>,
    %get3A_2066 = arith.constant 112 : index
    %get3A_2067 = tpu.vector_load %arg9[%get3A_2066] {strides = array<i32>} : memref<400xi32, #tpu.memory_space<vmem>>, vector<16xi32>,
    %add3A_2068 = arith.constant 112 : i32
    %add3A_2069 = vector.broadcast %add3A_2068 : i32 to vector<16xi32>
    %add3A_2070 = arith.addi %iota3A, %add3A_2069 : vector<16xi32>
    tpu.vector_store_idx %arg7[%add3A_2070, %get3A_2067], %broadcast_in_dim3A_1 : memref<400x128xf32, #tpu.memory_space<vmem>>[vector<16xi32>, vector<16xi32>], vector<16xf32>,
    %get3A_2071 = arith.constant 128 : index
    %get3A_2072 = tpu.vector_load %arg9[%get3A_2071] {strides = array<i32>} : memref<400xi32, #tpu.memory_space<vmem>>, vector<16xi32>,
    %add3A_2073 = arith.constant 128 : i32
    %add3A_2074 = vector.broadcast %add3A_2073 : i32 to vector<16xi32>
    %add3A_2075 = arith.addi %iota3A, %add3A_2074 : vector<16xi32>
    tpu.vector_store_idx %arg7[%add3A_2075, %get3A_2072], %broadcast_in_dim3A_1 : memref<400x128xf32, #tpu.memory_space<vmem>>[vector<16xi32>, vector<16xi32>], vector<16xf32>,
    %get3A_2076 = arith.constant 144 : index
    %get3A_2077 = tpu.vector_load %arg9[%get3A_2076] {strides = array<i32>} : memref<400xi32, #tpu.memory_space<vmem>>, vector<16xi32>,
    %add3A_2078 = arith.constant 144 : i32
    %add3A_2079 = vector.broadcast %add3A_2078 : i32 to vector<16xi32>
    %add3A_2080 = arith.addi %iota3A, %add3A_2079 : vector<16xi32>
    tpu.vector_store_idx %arg7[%add3A_2080, %get3A_2077], %broadcast_in_dim3A_1 : memref<400x128xf32, #tpu.memory_space<vmem>>[vector<16xi32>, vector<16xi32>], vector<16xf32>,
    %get3A_2081 = arith.constant 160 : index
    %get3A_2082 = tpu.vector_load %arg9[%get3A_2081] {strides = array<i32>} : memref<400xi32, #tpu.memory_space<vmem>>, vector<16xi32>,
    %add3A_2083 = arith.constant 160 : i32
    %add3A_2084 = vector.broadcast %add3A_2083 : i32 to vector<16xi32>
    %add3A_2085 = arith.addi %iota3A, %add3A_2084 : vector<16xi32>
    tpu.vector_store_idx %arg7[%add3A_2085, %get3A_2082], %broadcast_in_dim3A_1 : memref<400x128xf32, #tpu.memory_space<vmem>>[vector<16xi32>, vector<16xi32>], vector<16xf32>,
    %get3A_2086 = arith.constant 176 : index
    %get3A_2087 = tpu.vector_load %arg9[%get3A_2086] {strides = array<i32>} : memref<400xi32, #tpu.memory_space<vmem>>, vector<16xi32>,
    %add3A_2088 = arith.constant 176 : i32
    %add3A_2089 = vector.broadcast %add3A_2088 : i32 to vector<16xi32>
    %add3A_2090 = arith.addi %iota3A, %add3A_2089 : vector<16xi32>
    tpu.vector_store_idx %arg7[%add3A_2090, %get3A_2087], %broadcast_in_dim3A_1 : memref<400x128xf32, #tpu.memory_space<vmem>>[vector<16xi32>, vector<16xi32>], vector<16xf32>,
    %get3A_2091 = arith.constant 192 : index
    %get3A_2092 = tpu.vector_load %arg9[%get3A_2091] {strides = array<i32>} : memref<400xi32, #tpu.memory_space<vmem>>, vector<16xi32>,
    %add3A_2093 = arith.constant 192 : i32
    %add3A_2094 = vector.broadcast %add3A_2093 : i32 to vector<16xi32>
    %add3A_2095 = arith.addi %iota3A, %add3A_2094 : vector<16xi32>
    tpu.vector_store_idx %arg7[%add3A_2095, %get3A_2092], %broadcast_in_dim3A_1 : memref<400x128xf32, #tpu.memory_space<vmem>>[vector<16xi32>, vector<16xi32>], vector<16xf32>,
    %get3A_2096 = arith.constant 208 : index
    %get3A_2097 = tpu.vector_load %arg9[%get3A_2096] {strides = array<i32>} : memref<400xi32, #tpu.memory_space<vmem>>, vector<16xi32>,
    %add3A_2098 = arith.constant 208 : i32
    %add3A_2099 = vector.broadcast %add3A_2098 : i32 to vector<16xi32>
    %add3A_2100 = arith.addi %iota3A, %add3A_2099 : vector<16xi32>
    tpu.vector_store_idx %arg7[%add3A_2100, %get3A_2097], %broadcast_in_dim3A_1 : memref<400x128xf32, #tpu.memory_space<vmem>>[vector<16xi32>, vector<16xi32>], vector<16xf32>,
    %get3A_2101 = arith.constant 224 : index
    %get3A_2102 = tpu.vector_load %arg9[%get3A_2101] {strides = array<i32>} : memref<400xi32, #tpu.memory_space<vmem>>, vector<16xi32>,
    %add3A_2103 = arith.constant 224 : i32
    %add3A_2104 = vector.broadcast %add3A_2103 : i32 to vector<16xi32>
    %add3A_2105 = arith.addi %iota3A, %add3A_2104 : vector<16xi32>
    tpu.vector_store_idx %arg7[%add3A_2105, %get3A_2102], %broadcast_in_dim3A_1 : memref<400x128xf32, #tpu.memory_space<vmem>>[vector<16xi32>, vector<16xi32>], vector<16xf32>,
    %get3A_2106 = arith.constant 240 : index
    %get3A_2107 = tpu.vector_load %arg9[%get3A_2106] {strides = array<i32>} : memref<400xi32, #tpu.memory_space<vmem>>, vector<16xi32>,
    %add3A_2108 = arith.constant 240 : i32
    %add3A_2109 = vector.broadcast %add3A_2108 : i32 to vector<16xi32>
    %add3A_2110 = arith.addi %iota3A, %add3A_2109 : vector<16xi32>
    tpu.vector_store_idx %arg7[%add3A_2110, %get3A_2107], %broadcast_in_dim3A_1 : memref<400x128xf32, #tpu.memory_space<vmem>>[vector<16xi32>, vector<16xi32>], vector<16xf32>,
    %get3A_2111 = arith.constant 256 : index
    %get3A_2112 = tpu.vector_load %arg9[%get3A_2111] {strides = array<i32>} : memref<400xi32, #tpu.memory_space<vmem>>, vector<16xi32>,
    %add3A_2113 = arith.constant 256 : i32
    %add3A_2114 = vector.broadcast %add3A_2113 : i32 to vector<16xi32>
    %add3A_2115 = arith.addi %iota3A, %add3A_2114 : vector<16xi32>
    tpu.vector_store_idx %arg7[%add3A_2115, %get3A_2112], %broadcast_in_dim3A_1 : memref<400x128xf32, #tpu.memory_space<vmem>>[vector<16xi32>, vector<16xi32>], vector<16xf32>,
    %get3A_2116 = arith.constant 272 : index
    %get3A_2117 = tpu.vector_load %arg9[%get3A_2116] {strides = array<i32>} : memref<400xi32, #tpu.memory_space<vmem>>, vector<16xi32>,
    %add3A_2118 = arith.constant 272 : i32
    %add3A_2119 = vector.broadcast %add3A_2118 : i32 to vector<16xi32>
    %add3A_2120 = arith.addi %iota3A, %add3A_2119 : vector<16xi32>
    tpu.vector_store_idx %arg7[%add3A_2120, %get3A_2117], %broadcast_in_dim3A_1 : memref<400x128xf32, #tpu.memory_space<vmem>>[vector<16xi32>, vector<16xi32>], vector<16xf32>,
    %get3A_2121 = arith.constant 288 : index
    %get3A_2122 = tpu.vector_load %arg9[%get3A_2121] {strides = array<i32>} : memref<400xi32, #tpu.memory_space<vmem>>, vector<16xi32>,
    %add3A_2123 = arith.constant 288 : i32
    %add3A_2124 = vector.broadcast %add3A_2123 : i32 to vector<16xi32>
    %add3A_2125 = arith.addi %iota3A, %add3A_2124 : vector<16xi32>
    tpu.vector_store_idx %arg7[%add3A_2125, %get3A_2122], %broadcast_in_dim3A_1 : memref<400x128xf32, #tpu.memory_space<vmem>>[vector<16xi32>, vector<16xi32>], vector<16xf32>,
    %get3A_2126 = arith.constant 304 : index
    %get3A_2127 = tpu.vector_load %arg9[%get3A_2126] {strides = array<i32>} : memref<400xi32, #tpu.memory_space<vmem>>, vector<16xi32>,
    %add3A_2128 = arith.constant 304 : i32
    %add3A_2129 = vector.broadcast %add3A_2128 : i32 to vector<16xi32>
    %add3A_2130 = arith.addi %iota3A, %add3A_2129 : vector<16xi32>
    tpu.vector_store_idx %arg7[%add3A_2130, %get3A_2127], %broadcast_in_dim3A_1 : memref<400x128xf32, #tpu.memory_space<vmem>>[vector<16xi32>, vector<16xi32>], vector<16xf32>,
    %get3A_2131 = arith.constant 320 : index
    %get3A_2132 = tpu.vector_load %arg9[%get3A_2131] {strides = array<i32>} : memref<400xi32, #tpu.memory_space<vmem>>, vector<16xi32>,
    %add3A_2133 = arith.constant 320 : i32
    %add3A_2134 = vector.broadcast %add3A_2133 : i32 to vector<16xi32>
    %add3A_2135 = arith.addi %iota3A, %add3A_2134 : vector<16xi32>
    tpu.vector_store_idx %arg7[%add3A_2135, %get3A_2132], %broadcast_in_dim3A_1 : memref<400x128xf32, #tpu.memory_space<vmem>>[vector<16xi32>, vector<16xi32>], vector<16xf32>,
    %get3A_2136 = arith.constant 336 : index
    %get3A_2137 = tpu.vector_load %arg9[%get3A_2136] {strides = array<i32>} : memref<400xi32, #tpu.memory_space<vmem>>, vector<16xi32>,
    %add3A_2138 = arith.constant 336 : i32
    %add3A_2139 = vector.broadcast %add3A_2138 : i32 to vector<16xi32>
    %add3A_2140 = arith.addi %iota3A, %add3A_2139 : vector<16xi32>
    tpu.vector_store_idx %arg7[%add3A_2140, %get3A_2137], %broadcast_in_dim3A_1 : memref<400x128xf32, #tpu.memory_space<vmem>>[vector<16xi32>, vector<16xi32>], vector<16xf32>,
    %get3A_2141 = arith.constant 352 : index
    %get3A_2142 = tpu.vector_load %arg9[%get3A_2141] {strides = array<i32>} : memref<400xi32, #tpu.memory_space<vmem>>, vector<16xi32>,
    %add3A_2143 = arith.constant 352 : i32
    %add3A_2144 = vector.broadcast %add3A_2143 : i32 to vector<16xi32>
    %add3A_2145 = arith.addi %iota3A, %add3A_2144 : vector<16xi32>
    tpu.vector_store_idx %arg7[%add3A_2145, %get3A_2142], %broadcast_in_dim3A_1 : memref<400x128xf32, #tpu.memory_space<vmem>>[vector<16xi32>, vector<16xi32>], vector<16xf32>,
    %get3A_2146 = arith.constant 368 : index
    %get3A_2147 = tpu.vector_load %arg9[%get3A_2146] {strides = array<i32>} : memref<400xi32, #tpu.memory_space<vmem>>, vector<16xi32>,
    %add3A_2148 = arith.constant 368 : i32
    %add3A_2149 = vector.broadcast %add3A_2148 : i32 to vector<16xi32>
    %add3A_2150 = arith.addi %iota3A, %add3A_2149 : vector<16xi32>
    tpu.vector_store_idx %arg7[%add3A_2150, %get3A_2147], %broadcast_in_dim3A_1 : memref<400x128xf32, #tpu.memory_space<vmem>>[vector<16xi32>, vector<16xi32>], vector<16xf32>,
    %get3A_2151 = arith.constant 384 : index
    %get3A_2152 = tpu.vector_load %arg9[%get3A_2151] {strides = array<i32>} : memref<400xi32, #tpu.memory_space<vmem>>, vector<16xi32>,
    %add3A_2153 = arith.constant 384 : i32
    %add3A_2154 = vector.broadcast %add3A_2153 : i32 to vector<16xi32>
    %add3A_2155 = arith.addi %iota3A, %add3A_2154 : vector<16xi32>
    tpu.vector_store_idx %arg7[%add3A_2155, %get3A_2152], %broadcast_in_dim3A_1 : memref<400x128xf32, #tpu.memory_space<vmem>>[vector<16xi32>, vector<16xi32>], vector<16xf32>,
    %dma_wait3A_2156 = tpu.memref_slice %arg2[%mul3A_1698] : memref<100000xi32, #tpu.memory_space<hbm>> -> memref<400xi32, #tpu.memory_space<hbm>>
    %dma_wait3A_2157 = tpu.memref_slice %arg2[%mul3A_1698] : memref<100000xi32, #tpu.memory_space<hbm>> -> memref<400xi32, #tpu.memory_space<hbm>>
    tpu.wait_dma2 semaphore(%arg13 : memref<!tpu.dma_semaphore, #tpu.memory_space<semaphore_mem>>) src(%dma_wait3A_2157 : memref<400xi32, #tpu.memory_space<hbm>>) dst(%arg5 : memref<400xi32, #tpu.memory_space<vmem>>)
    %get3A_2158 = arith.constant 0 : index
    %get3A_2159 = tpu.vector_load %arg5[%get3A_2158] {strides = array<i32>} : memref<400xi32, #tpu.memory_space<vmem>>, vector<16xi32>,
    %swap3A_2160 = arith.constant 0 : index
    %swap3A_2161 = tpu.vector_load %arg9[%swap3A_2160] {strides = array<i32>} : memref<400xi32, #tpu.memory_space<vmem>>, vector<16xi32>,
    tpu.vector_store %arg9[%swap3A_2160], %get3A_2159 {strides = array<i32>} : memref<400xi32, #tpu.memory_space<vmem>>, vector<16xi32>,
    %add3A_2162 = arith.constant 0 : i32
    %add3A_2163 = vector.broadcast %add3A_2162 : i32 to vector<16xi32>
    %add3A_2164 = arith.addi %iota3A, %add3A_2163 : vector<16xi32>
    tpu.vector_store_idx %arg7[%add3A_2164, %get3A_2159], %broadcast_in_dim3A_3 : memref<400x128xf32, #tpu.memory_space<vmem>>[vector<16xi32>, vector<16xi32>], vector<16xf32>,
    %get3A_2165 = arith.constant 16 : index
    %get3A_2166 = tpu.vector_load %arg5[%get3A_2165] {strides = array<i32>} : memref<400xi32, #tpu.memory_space<vmem>>, vector<16xi32>,
    %swap3A_2167 = arith.constant 16 : index
    %swap3A_2168 = tpu.vector_load %arg9[%swap3A_2167] {strides = array<i32>} : memref<400xi32, #tpu.memory_space<vmem>>, vector<16xi32>,
    tpu.vector_store %arg9[%swap3A_2167], %get3A_2166 {strides = array<i32>} : memref<400xi32, #tpu.memory_space<vmem>>, vector<16xi32>,
    %add3A_2169 = arith.constant 16 : i32
    %add3A_2170 = vector.broadcast %add3A_2169 : i32 to vector<16xi32>
    %add3A_2171 = arith.addi %iota3A, %add3A_2170 : vector<16xi32>
    tpu.vector_store_idx %arg7[%add3A_2171, %get3A_2166], %broadcast_in_dim3A_3 : memref<400x128xf32, #tpu.memory_space<vmem>>[vector<16xi32>, vector<16xi32>], vector<16xf32>,
    %get3A_2172 = arith.constant 32 : index
    %get3A_2173 = tpu.vector_load %arg5[%get3A_2172] {strides = array<i32>} : memref<400xi32, #tpu.memory_space<vmem>>, vector<16xi32>,
    %swap3A_2174 = arith.constant 32 : index
    %swap3A_2175 = tpu.vector_load %arg9[%swap3A_2174] {strides = array<i32>} : memref<400xi32, #tpu.memory_space<vmem>>, vector<16xi32>,
    tpu.vector_store %arg9[%swap3A_2174], %get3A_2173 {strides = array<i32>} : memref<400xi32, #tpu.memory_space<vmem>>, vector<16xi32>,
    %add3A_2176 = arith.constant 32 : i32
    %add3A_2177 = vector.broadcast %add3A_2176 : i32 to vector<16xi32>
    %add3A_2178 = arith.addi %iota3A, %add3A_2177 : vector<16xi32>
    tpu.vector_store_idx %arg7[%add3A_2178, %get3A_2173], %broadcast_in_dim3A_3 : memref<400x128xf32, #tpu.memory_space<vmem>>[vector<16xi32>, vector<16xi32>], vector<16xf32>,
    %get3A_2179 = arith.constant 48 : index
    %get3A_2180 = tpu.vector_load %arg5[%get3A_2179] {strides = array<i32>} : memref<400xi32, #tpu.memory_space<vmem>>, vector<16xi32>,
    %swap3A_2181 = arith.constant 48 : index
    %swap3A_2182 = tpu.vector_load %arg9[%swap3A_2181] {strides = array<i32>} : memref<400xi32, #tpu.memory_space<vmem>>, vector<16xi32>,
    tpu.vector_store %arg9[%swap3A_2181], %get3A_2180 {strides = array<i32>} : memref<400xi32, #tpu.memory_space<vmem>>, vector<16xi32>,
    %add3A_2183 = arith.constant 48 : i32
    %add3A_2184 = vector.broadcast %add3A_2183 : i32 to vector<16xi32>
    %add3A_2185 = arith.addi %iota3A, %add3A_2184 : vector<16xi32>
    tpu.vector_store_idx %arg7[%add3A_2185, %get3A_2180], %broadcast_in_dim3A_3 : memref<400x128xf32, #tpu.memory_space<vmem>>[vector<16xi32>, vector<16xi32>], vector<16xf32>,
    %get3A_2186 = arith.constant 64 : index
    %get3A_2187 = tpu.vector_load %arg5[%get3A_2186] {strides = array<i32>} : memref<400xi32, #tpu.memory_space<vmem>>, vector<16xi32>,
    %swap3A_2188 = arith.constant 64 : index
    %swap3A_2189 = tpu.vector_load %arg9[%swap3A_2188] {strides = array<i32>} : memref<400xi32, #tpu.memory_space<vmem>>, vector<16xi32>,
    tpu.vector_store %arg9[%swap3A_2188], %get3A_2187 {strides = array<i32>} : memref<400xi32, #tpu.memory_space<vmem>>, vector<16xi32>,
    %add3A_2190 = arith.constant 64 : i32
    %add3A_2191 = vector.broadcast %add3A_2190 : i32 to vector<16xi32>
    %add3A_2192 = arith.addi %iota3A, %add3A_2191 : vector<16xi32>
    tpu.vector_store_idx %arg7[%add3A_2192, %get3A_2187], %broadcast_in_dim3A_3 : memref<400x128xf32, #tpu.memory_space<vmem>>[vector<16xi32>, vector<16xi32>], vector<16xf32>,
    %get3A_2193 = arith.constant 80 : index
    %get3A_2194 = tpu.vector_load %arg5[%get3A_2193] {strides = array<i32>} : memref<400xi32, #tpu.memory_space<vmem>>, vector<16xi32>,
    %swap3A_2195 = arith.constant 80 : index
    %swap3A_2196 = tpu.vector_load %arg9[%swap3A_2195] {strides = array<i32>} : memref<400xi32, #tpu.memory_space<vmem>>, vector<16xi32>,
    tpu.vector_store %arg9[%swap3A_2195], %get3A_2194 {strides = array<i32>} : memref<400xi32, #tpu.memory_space<vmem>>, vector<16xi32>,
    %add3A_2197 = arith.constant 80 : i32
    %add3A_2198 = vector.broadcast %add3A_2197 : i32 to vector<16xi32>
    %add3A_2199 = arith.addi %iota3A, %add3A_2198 : vector<16xi32>
    tpu.vector_store_idx %arg7[%add3A_2199, %get3A_2194], %broadcast_in_dim3A_3 : memref<400x128xf32, #tpu.memory_space<vmem>>[vector<16xi32>, vector<16xi32>], vector<16xf32>,
    %get3A_2200 = arith.constant 96 : index
    %get3A_2201 = tpu.vector_load %arg5[%get3A_2200] {strides = array<i32>} : memref<400xi32, #tpu.memory_space<vmem>>, vector<16xi32>,
    %swap3A_2202 = arith.constant 96 : index
    %swap3A_2203 = tpu.vector_load %arg9[%swap3A_2202] {strides = array<i32>} : memref<400xi32, #tpu.memory_space<vmem>>, vector<16xi32>,
    tpu.vector_store %arg9[%swap3A_2202], %get3A_2201 {strides = array<i32>} : memref<400xi32, #tpu.memory_space<vmem>>, vector<16xi32>,
    %add3A_2204 = arith.constant 96 : i32
    %add3A_2205 = vector.broadcast %add3A_2204 : i32 to vector<16xi32>
    %add3A_2206 = arith.addi %iota3A, %add3A_2205 : vector<16xi32>
    tpu.vector_store_idx %arg7[%add3A_2206, %get3A_2201], %broadcast_in_dim3A_3 : memref<400x128xf32, #tpu.memory_space<vmem>>[vector<16xi32>, vector<16xi32>], vector<16xf32>,
    %get3A_2207 = arith.constant 112 : index
    %get3A_2208 = tpu.vector_load %arg5[%get3A_2207] {strides = array<i32>} : memref<400xi32, #tpu.memory_space<vmem>>, vector<16xi32>,
    %swap3A_2209 = arith.constant 112 : index
    %swap3A_2210 = tpu.vector_load %arg9[%swap3A_2209] {strides = array<i32>} : memref<400xi32, #tpu.memory_space<vmem>>, vector<16xi32>,
    tpu.vector_store %arg9[%swap3A_2209], %get3A_2208 {strides = array<i32>} : memref<400xi32, #tpu.memory_space<vmem>>, vector<16xi32>,
    %add3A_2211 = arith.constant 112 : i32
    %add3A_2212 = vector.broadcast %add3A_2211 : i32 to vector<16xi32>
    %add3A_2213 = arith.addi %iota3A, %add3A_2212 : vector<16xi32>
    tpu.vector_store_idx %arg7[%add3A_2213, %get3A_2208], %broadcast_in_dim3A_3 : memref<400x128xf32, #tpu.memory_space<vmem>>[vector<16xi32>, vector<16xi32>], vector<16xf32>,
    %get3A_2214 = arith.constant 128 : index
    %get3A_2215 = tpu.vector_load %arg5[%get3A_2214] {strides = array<i32>} : memref<400xi32, #tpu.memory_space<vmem>>, vector<16xi32>,
    %swap3A_2216 = arith.constant 128 : index
    %swap3A_2217 = tpu.vector_load %arg9[%swap3A_2216] {strides = array<i32>} : memref<400xi32, #tpu.memory_space<vmem>>, vector<16xi32>,
    tpu.vector_store %arg9[%swap3A_2216], %get3A_2215 {strides = array<i32>} : memref<400xi32, #tpu.memory_space<vmem>>, vector<16xi32>,
    %add3A_2218 = arith.constant 128 : i32
    %add3A_2219 = vector.broadcast %add3A_2218 : i32 to vector<16xi32>
    %add3A_2220 = arith.addi %iota3A, %add3A_2219 : vector<16xi32>
    tpu.vector_store_idx %arg7[%add3A_2220, %get3A_2215], %broadcast_in_dim3A_3 : memref<400x128xf32, #tpu.memory_space<vmem>>[vector<16xi32>, vector<16xi32>], vector<16xf32>,
    %get3A_2221 = arith.constant 144 : index
    %get3A_2222 = tpu.vector_load %arg5[%get3A_2221] {strides = array<i32>} : memref<400xi32, #tpu.memory_space<vmem>>, vector<16xi32>,
    %swap3A_2223 = arith.constant 144 : index
    %swap3A_2224 = tpu.vector_load %arg9[%swap3A_2223] {strides = array<i32>} : memref<400xi32, #tpu.memory_space<vmem>>, vector<16xi32>,
    tpu.vector_store %arg9[%swap3A_2223], %get3A_2222 {strides = array<i32>} : memref<400xi32, #tpu.memory_space<vmem>>, vector<16xi32>,
    %add3A_2225 = arith.constant 144 : i32
    %add3A_2226 = vector.broadcast %add3A_2225 : i32 to vector<16xi32>
    %add3A_2227 = arith.addi %iota3A, %add3A_2226 : vector<16xi32>
    tpu.vector_store_idx %arg7[%add3A_2227, %get3A_2222], %broadcast_in_dim3A_3 : memref<400x128xf32, #tpu.memory_space<vmem>>[vector<16xi32>, vector<16xi32>], vector<16xf32>,
    %get3A_2228 = arith.constant 160 : index
    %get3A_2229 = tpu.vector_load %arg5[%get3A_2228] {strides = array<i32>} : memref<400xi32, #tpu.memory_space<vmem>>, vector<16xi32>,
    %swap3A_2230 = arith.constant 160 : index
    %swap3A_2231 = tpu.vector_load %arg9[%swap3A_2230] {strides = array<i32>} : memref<400xi32, #tpu.memory_space<vmem>>, vector<16xi32>,
    tpu.vector_store %arg9[%swap3A_2230], %get3A_2229 {strides = array<i32>} : memref<400xi32, #tpu.memory_space<vmem>>, vector<16xi32>,
    %add3A_2232 = arith.constant 160 : i32
    %add3A_2233 = vector.broadcast %add3A_2232 : i32 to vector<16xi32>
    %add3A_2234 = arith.addi %iota3A, %add3A_2233 : vector<16xi32>
    tpu.vector_store_idx %arg7[%add3A_2234, %get3A_2229], %broadcast_in_dim3A_3 : memref<400x128xf32, #tpu.memory_space<vmem>>[vector<16xi32>, vector<16xi32>], vector<16xf32>,
    %get3A_2235 = arith.constant 176 : index
    %get3A_2236 = tpu.vector_load %arg5[%get3A_2235] {strides = array<i32>} : memref<400xi32, #tpu.memory_space<vmem>>, vector<16xi32>,
    %swap3A_2237 = arith.constant 176 : index
    %swap3A_2238 = tpu.vector_load %arg9[%swap3A_2237] {strides = array<i32>} : memref<400xi32, #tpu.memory_space<vmem>>, vector<16xi32>,
    tpu.vector_store %arg9[%swap3A_2237], %get3A_2236 {strides = array<i32>} : memref<400xi32, #tpu.memory_space<vmem>>, vector<16xi32>,
    %add3A_2239 = arith.constant 176 : i32
    %add3A_2240 = vector.broadcast %add3A_2239 : i32 to vector<16xi32>
    %add3A_2241 = arith.addi %iota3A, %add3A_2240 : vector<16xi32>
    tpu.vector_store_idx %arg7[%add3A_2241, %get3A_2236], %broadcast_in_dim3A_3 : memref<400x128xf32, #tpu.memory_space<vmem>>[vector<16xi32>, vector<16xi32>], vector<16xf32>,
    %get3A_2242 = arith.constant 192 : index
    %get3A_2243 = tpu.vector_load %arg5[%get3A_2242] {strides = array<i32>} : memref<400xi32, #tpu.memory_space<vmem>>, vector<16xi32>,
    %swap3A_2244 = arith.constant 192 : index
    %swap3A_2245 = tpu.vector_load %arg9[%swap3A_2244] {strides = array<i32>} : memref<400xi32, #tpu.memory_space<vmem>>, vector<16xi32>,
    tpu.vector_store %arg9[%swap3A_2244], %get3A_2243 {strides = array<i32>} : memref<400xi32, #tpu.memory_space<vmem>>, vector<16xi32>,
    %add3A_2246 = arith.constant 192 : i32
    %add3A_2247 = vector.broadcast %add3A_2246 : i32 to vector<16xi32>
    %add3A_2248 = arith.addi %iota3A, %add3A_2247 : vector<16xi32>
    tpu.vector_store_idx %arg7[%add3A_2248, %get3A_2243], %broadcast_in_dim3A_3 : memref<400x128xf32, #tpu.memory_space<vmem>>[vector<16xi32>, vector<16xi32>], vector<16xf32>,
    %get3A_2249 = arith.constant 208 : index
    %get3A_2250 = tpu.vector_load %arg5[%get3A_2249] {strides = array<i32>} : memref<400xi32, #tpu.memory_space<vmem>>, vector<16xi32>,
    %swap3A_2251 = arith.constant 208 : index
    %swap3A_2252 = tpu.vector_load %arg9[%swap3A_2251] {strides = array<i32>} : memref<400xi32, #tpu.memory_space<vmem>>, vector<16xi32>,
    tpu.vector_store %arg9[%swap3A_2251], %get3A_2250 {strides = array<i32>} : memref<400xi32, #tpu.memory_space<vmem>>, vector<16xi32>,
    %add3A_2253 = arith.constant 208 : i32
    %add3A_2254 = vector.broadcast %add3A_2253 : i32 to vector<16xi32>
    %add3A_2255 = arith.addi %iota3A, %add3A_2254 : vector<16xi32>
    tpu.vector_store_idx %arg7[%add3A_2255, %get3A_2250], %broadcast_in_dim3A_3 : memref<400x128xf32, #tpu.memory_space<vmem>>[vector<16xi32>, vector<16xi32>], vector<16xf32>,
    %get3A_2256 = arith.constant 224 : index
    %get3A_2257 = tpu.vector_load %arg5[%get3A_2256] {strides = array<i32>} : memref<400xi32, #tpu.memory_space<vmem>>, vector<16xi32>,
    %swap3A_2258 = arith.constant 224 : index
    %swap3A_2259 = tpu.vector_load %arg9[%swap3A_2258] {strides = array<i32>} : memref<400xi32, #tpu.memory_space<vmem>>, vector<16xi32>,
    tpu.vector_store %arg9[%swap3A_2258], %get3A_2257 {strides = array<i32>} : memref<400xi32, #tpu.memory_space<vmem>>, vector<16xi32>,
    %add3A_2260 = arith.constant 224 : i32
    %add3A_2261 = vector.broadcast %add3A_2260 : i32 to vector<16xi32>
    %add3A_2262 = arith.addi %iota3A, %add3A_2261 : vector<16xi32>
    tpu.vector_store_idx %arg7[%add3A_2262, %get3A_2257], %broadcast_in_dim3A_3 : memref<400x128xf32, #tpu.memory_space<vmem>>[vector<16xi32>, vector<16xi32>], vector<16xf32>,
    %get3A_2263 = arith.constant 240 : index
    %get3A_2264 = tpu.vector_load %arg5[%get3A_2263] {strides = array<i32>} : memref<400xi32, #tpu.memory_space<vmem>>, vector<16xi32>,
    %swap3A_2265 = arith.constant 240 : index
    %swap3A_2266 = tpu.vector_load %arg9[%swap3A_2265] {strides = array<i32>} : memref<400xi32, #tpu.memory_space<vmem>>, vector<16xi32>,
    tpu.vector_store %arg9[%swap3A_2265], %get3A_2264 {strides = array<i32>} : memref<400xi32, #tpu.memory_space<vmem>>, vector<16xi32>,
    %add3A_2267 = arith.constant 240 : i32
    %add3A_2268 = vector.broadcast %add3A_2267 : i32 to vector<16xi32>
    %add3A_2269 = arith.addi %iota3A, %add3A_2268 : vector<16xi32>
    tpu.vector_store_idx %arg7[%add3A_2269, %get3A_2264], %broadcast_in_dim3A_3 : memref<400x128xf32, #tpu.memory_space<vmem>>[vector<16xi32>, vector<16xi32>], vector<16xf32>,
    %get3A_2270 = arith.constant 256 : index
    %get3A_2271 = tpu.vector_load %arg5[%get3A_2270] {strides = array<i32>} : memref<400xi32, #tpu.memory_space<vmem>>, vector<16xi32>,
    %swap3A_2272 = arith.constant 256 : index
    %swap3A_2273 = tpu.vector_load %arg9[%swap3A_2272] {strides = array<i32>} : memref<400xi32, #tpu.memory_space<vmem>>, vector<16xi32>,
    tpu.vector_store %arg9[%swap3A_2272], %get3A_2271 {strides = array<i32>} : memref<400xi32, #tpu.memory_space<vmem>>, vector<16xi32>,
    %add3A_2274 = arith.constant 256 : i32
    %add3A_2275 = vector.broadcast %add3A_2274 : i32 to vector<16xi32>
    %add3A_2276 = arith.addi %iota3A, %add3A_2275 : vector<16xi32>
    tpu.vector_store_idx %arg7[%add3A_2276, %get3A_2271], %broadcast_in_dim3A_3 : memref<400x128xf32, #tpu.memory_space<vmem>>[vector<16xi32>, vector<16xi32>], vector<16xf32>,
    %get3A_2277 = arith.constant 272 : index
    %get3A_2278 = tpu.vector_load %arg5[%get3A_2277] {strides = array<i32>} : memref<400xi32, #tpu.memory_space<vmem>>, vector<16xi32>,
    %swap3A_2279 = arith.constant 272 : index
    %swap3A_2280 = tpu.vector_load %arg9[%swap3A_2279] {strides = array<i32>} : memref<400xi32, #tpu.memory_space<vmem>>, vector<16xi32>,
    tpu.vector_store %arg9[%swap3A_2279], %get3A_2278 {strides = array<i32>} : memref<400xi32, #tpu.memory_space<vmem>>, vector<16xi32>,
    %add3A_2281 = arith.constant 272 : i32
    %add3A_2282 = vector.broadcast %add3A_2281 : i32 to vector<16xi32>
    %add3A_2283 = arith.addi %iota3A, %add3A_2282 : vector<16xi32>
    tpu.vector_store_idx %arg7[%add3A_2283, %get3A_2278], %broadcast_in_dim3A_3 : memref<400x128xf32, #tpu.memory_space<vmem>>[vector<16xi32>, vector<16xi32>], vector<16xf32>,
    %get3A_2284 = arith.constant 288 : index
    %get3A_2285 = tpu.vector_load %arg5[%get3A_2284] {strides = array<i32>} : memref<400xi32, #tpu.memory_space<vmem>>, vector<16xi32>,
    %swap3A_2286 = arith.constant 288 : index
    %swap3A_2287 = tpu.vector_load %arg9[%swap3A_2286] {strides = array<i32>} : memref<400xi32, #tpu.memory_space<vmem>>, vector<16xi32>,
    tpu.vector_store %arg9[%swap3A_2286], %get3A_2285 {strides = array<i32>} : memref<400xi32, #tpu.memory_space<vmem>>, vector<16xi32>,
    %add3A_2288 = arith.constant 288 : i32
    %add3A_2289 = vector.broadcast %add3A_2288 : i32 to vector<16xi32>
    %add3A_2290 = arith.addi %iota3A, %add3A_2289 : vector<16xi32>
    tpu.vector_store_idx %arg7[%add3A_2290, %get3A_2285], %broadcast_in_dim3A_3 : memref<400x128xf32, #tpu.memory_space<vmem>>[vector<16xi32>, vector<16xi32>], vector<16xf32>,
    %get3A_2291 = arith.constant 304 : index
    %get3A_2292 = tpu.vector_load %arg5[%get3A_2291] {strides = array<i32>} : memref<400xi32, #tpu.memory_space<vmem>>, vector<16xi32>,
    %swap3A_2293 = arith.constant 304 : index
    %swap3A_2294 = tpu.vector_load %arg9[%swap3A_2293] {strides = array<i32>} : memref<400xi32, #tpu.memory_space<vmem>>, vector<16xi32>,
    tpu.vector_store %arg9[%swap3A_2293], %get3A_2292 {strides = array<i32>} : memref<400xi32, #tpu.memory_space<vmem>>, vector<16xi32>,
    %add3A_2295 = arith.constant 304 : i32
    %add3A_2296 = vector.broadcast %add3A_2295 : i32 to vector<16xi32>
    %add3A_2297 = arith.addi %iota3A, %add3A_2296 : vector<16xi32>
    tpu.vector_store_idx %arg7[%add3A_2297, %get3A_2292], %broadcast_in_dim3A_3 : memref<400x128xf32, #tpu.memory_space<vmem>>[vector<16xi32>, vector<16xi32>], vector<16xf32>,
    %get3A_2298 = arith.constant 320 : index
    %get3A_2299 = tpu.vector_load %arg5[%get3A_2298] {strides = array<i32>} : memref<400xi32, #tpu.memory_space<vmem>>, vector<16xi32>,
    %swap3A_2300 = arith.constant 320 : index
    %swap3A_2301 = tpu.vector_load %arg9[%swap3A_2300] {strides = array<i32>} : memref<400xi32, #tpu.memory_space<vmem>>, vector<16xi32>,
    tpu.vector_store %arg9[%swap3A_2300], %get3A_2299 {strides = array<i32>} : memref<400xi32, #tpu.memory_space<vmem>>, vector<16xi32>,
    %add3A_2302 = arith.constant 320 : i32
    %add3A_2303 = vector.broadcast %add3A_2302 : i32 to vector<16xi32>
    %add3A_2304 = arith.addi %iota3A, %add3A_2303 : vector<16xi32>
    tpu.vector_store_idx %arg7[%add3A_2304, %get3A_2299], %broadcast_in_dim3A_3 : memref<400x128xf32, #tpu.memory_space<vmem>>[vector<16xi32>, vector<16xi32>], vector<16xf32>,
    %get3A_2305 = arith.constant 336 : index
    %get3A_2306 = tpu.vector_load %arg5[%get3A_2305] {strides = array<i32>} : memref<400xi32, #tpu.memory_space<vmem>>, vector<16xi32>,
    %swap3A_2307 = arith.constant 336 : index
    %swap3A_2308 = tpu.vector_load %arg9[%swap3A_2307] {strides = array<i32>} : memref<400xi32, #tpu.memory_space<vmem>>, vector<16xi32>,
    tpu.vector_store %arg9[%swap3A_2307], %get3A_2306 {strides = array<i32>} : memref<400xi32, #tpu.memory_space<vmem>>, vector<16xi32>,
    %add3A_2309 = arith.constant 336 : i32
    %add3A_2310 = vector.broadcast %add3A_2309 : i32 to vector<16xi32>
    %add3A_2311 = arith.addi %iota3A, %add3A_2310 : vector<16xi32>
    tpu.vector_store_idx %arg7[%add3A_2311, %get3A_2306], %broadcast_in_dim3A_3 : memref<400x128xf32, #tpu.memory_space<vmem>>[vector<16xi32>, vector<16xi32>], vector<16xf32>,
    %get3A_2312 = arith.constant 352 : index
    %get3A_2313 = tpu.vector_load %arg5[%get3A_2312] {strides = array<i32>} : memref<400xi32, #tpu.memory_space<vmem>>, vector<16xi32>,
    %swap3A_2314 = arith.constant 352 : index
    %swap3A_2315 = tpu.vector_load %arg9[%swap3A_2314] {strides = array<i32>} : memref<400xi32, #tpu.memory_space<vmem>>, vector<16xi32>,
    tpu.vector_store %arg9[%swap3A_2314], %get3A_2313 {strides = array<i32>} : memref<400xi32, #tpu.memory_space<vmem>>, vector<16xi32>,
    %add3A_2316 = arith.constant 352 : i32
    %add3A_2317 = vector.broadcast %add3A_2316 : i32 to vector<16xi32>
    %add3A_2318 = arith.addi %iota3A, %add3A_2317 : vector<16xi32>
    tpu.vector_store_idx %arg7[%add3A_2318, %get3A_2313], %broadcast_in_dim3A_3 : memref<400x128xf32, #tpu.memory_space<vmem>>[vector<16xi32>, vector<16xi32>], vector<16xf32>,
    %get3A_2319 = arith.constant 368 : index
    %get3A_2320 = tpu.vector_load %arg5[%get3A_2319] {strides = array<i32>} : memref<400xi32, #tpu.memory_space<vmem>>, vector<16xi32>,
    %swap3A_2321 = arith.constant 368 : index
    %swap3A_2322 = tpu.vector_load %arg9[%swap3A_2321] {strides = array<i32>} : memref<400xi32, #tpu.memory_space<vmem>>, vector<16xi32>,
    tpu.vector_store %arg9[%swap3A_2321], %get3A_2320 {strides = array<i32>} : memref<400xi32, #tpu.memory_space<vmem>>, vector<16xi32>,
    %add3A_2323 = arith.constant 368 : i32
    %add3A_2324 = vector.broadcast %add3A_2323 : i32 to vector<16xi32>
    %add3A_2325 = arith.addi %iota3A, %add3A_2324 : vector<16xi32>
    tpu.vector_store_idx %arg7[%add3A_2325, %get3A_2320], %broadcast_in_dim3A_3 : memref<400x128xf32, #tpu.memory_space<vmem>>[vector<16xi32>, vector<16xi32>], vector<16xf32>,
    %get3A_2326 = arith.constant 384 : index
    %get3A_2327 = tpu.vector_load %arg5[%get3A_2326] {strides = array<i32>} : memref<400xi32, #tpu.memory_space<vmem>>, vector<16xi32>,
    %swap3A_2328 = arith.constant 384 : index
    %swap3A_2329 = tpu.vector_load %arg9[%swap3A_2328] {strides = array<i32>} : memref<400xi32, #tpu.memory_space<vmem>>, vector<16xi32>,
    tpu.vector_store %arg9[%swap3A_2328], %get3A_2327 {strides = array<i32>} : memref<400xi32, #tpu.memory_space<vmem>>, vector<16xi32>,
    %add3A_2330 = arith.constant 384 : i32
    %add3A_2331 = vector.broadcast %add3A_2330 : i32 to vector<16xi32>
    %add3A_2332 = arith.addi %iota3A, %add3A_2331 : vector<16xi32>
    tpu.vector_store_idx %arg7[%add3A_2332, %get3A_2327], %broadcast_in_dim3A_3 : memref<400x128xf32, #tpu.memory_space<vmem>>[vector<16xi32>, vector<16xi32>], vector<16xf32>,
    %mul3A_2333 = arith.constant 400 : i32
    %mul3A_2334 = arith.muli %min3A_2026, %mul3A_2333 : i32
    %dma_start3A_2335 = arith.constant 0 : i32
    %dma_start3A_2336 = tpu.memref_slice %arg3[%mul3A_2334, %dma_start3A_2335] : memref<100000x128xf32, #tpu.memory_space<hbm>> -> memref<400x128xf32, #tpu.memory_space<hbm>>
    %dma_start3A_2337 = arith.constant 0 : i32
    %dma_start3A_2338 = tpu.memref_slice %arg3[%mul3A_2334, %dma_start3A_2337] : memref<100000x128xf32, #tpu.memory_space<hbm>> -> memref<400x128xf32, #tpu.memory_space<hbm>>
    tpu.enqueue_dma source(%arg7 : memref<400x128xf32, #tpu.memory_space<vmem>>) target(%dma_start3A_2338 : memref<400x128xf32, #tpu.memory_space<hbm>>) target_semaphore(%arg11 : memref<!tpu.dma_semaphore, #tpu.memory_space<semaphore_mem>>)
    %dma_wait3A_2339 = arith.constant 0 : i32
    %dma_wait3A_2340 = tpu.memref_slice %arg3[%mul3A_2018, %dma_wait3A_2339] : memref<100000x128xf32, #tpu.memory_space<hbm>> -> memref<400x128xf32, #tpu.memory_space<hbm>>
    %dma_wait3A_2341 = arith.constant 0 : i32
    %dma_wait3A_2342 = tpu.memref_slice %arg3[%mul3A_2018, %dma_wait3A_2341] : memref<100000x128xf32, #tpu.memory_space<hbm>> -> memref<400x128xf32, #tpu.memory_space<hbm>>
    tpu.wait_dma2 semaphore(%arg10 : memref<!tpu.dma_semaphore, #tpu.memory_space<semaphore_mem>>) src(%arg6 : memref<400x128xf32, #tpu.memory_space<vmem>>) dst(%dma_wait3A_2342 : memref<400x128xf32, #tpu.memory_space<hbm>>)
    %dma_wait3A_2343 = arith.constant 0 : i32
    %dma_wait3A_2344 = tpu.memref_slice %arg3[%mul3A_2334, %dma_wait3A_2343] : memref<100000x128xf32, #tpu.memory_space<hbm>> -> memref<400x128xf32, #tpu.memory_space<hbm>>
    %dma_wait3A_2345 = arith.constant 0 : i32
    %dma_wait3A_2346 = tpu.memref_slice %arg3[%mul3A_2334, %dma_wait3A_2345] : memref<100000x128xf32, #tpu.memory_space<hbm>> -> memref<400x128xf32, #tpu.memory_space<hbm>>
    tpu.wait_dma2 semaphore(%arg11 : memref<!tpu.dma_semaphore, #tpu.memory_space<semaphore_mem>>) src(%arg7 : memref<400x128xf32, #tpu.memory_space<vmem>>) dst(%dma_wait3A_2346 : memref<400x128xf32, #tpu.memory_space<hbm>>)
    return
  }
}

</mosaic_0001>

<sc_bundles>
// kernel: kernel.3.cloned.1.call-start
scs
__scs_entry_jumppad:
0x0: {  	(pc) =	sbr.rel $0x88, $3  }
0x1: {  	(tag) =	ssettag $0x0;
	lr =	simm.s32 $0x1  }
0x2: {  	[smem:$0x3FA0] =	sst lr;
	_ =	strace $0xD0000000  }
0x3: {  	_ = 	snop  }
0x4: {  	_ = 	snop  }
0x5: {  	_ = 	snop  }
0x6: {  	_ = 	snop  }
0x7: {  	_ = 	snop  }
__scs_overlays_trampoline_lowered:
0x8: {  	[smem:$0x3FAF] =	sst s0  }
0x9: {  	[smem:$0x3FB0] =	sst s1  }
0xa: {  	[smem:$0x3FB1] =	sst s2  }
0xb: {  	[smem:$0x3FB2] =	sst s3  }
0xc: {  	[smem:$0x3FB3] =	sst s4  }
0xd: {  	[smem:$0x3FB4] =	sst s5  }
0xe: {  	[smem:$0x3FB5] =	sst s6  }
0xf: {  	[smem:$0x3FB6] =	sst s7  }
0x10: {  	[smem:$0x3FB7] =	sst s8  }
0x11: {  	[smem:$0x3FB8] =	sst s9;
	s0 =	simm.s32 @!p0 $0x0  }
0x12: {  	s1 =	sld [smem:$0x3F9E];
	s0 =	simm.s32 @p0 $0x1  }
0x13: {  	[smem:$0x3FB9] =	sst s0;
	s0 =	simm.s32 @!p1 $0x0  }
0x14: {  	s2 =	sld [smem:$0x3F9D];
	s0 =	simm.s32 @p1 $0x1  }
0x15: {  	[smem:$0x3FBA] =	sst s0;
	s0 =	simm.s32 @!p2 $0x0  }
0x16: {  	s3 =	sld [smem:$0x3FDB];
	s0 =	simm.s32 @p2 $0x1  }
0x17: {  	s4 =	simm.s32 $0x1BF5;
	[smem:$0x3FBC] =	sst s0  }
0x18: {  	s0 =	sld [smem:$0x3F9F];
	_ =	swait.ge [sflag:s4], $0x0  }
0x19: {  	s7 =	sld [smem:$0x3FA0]  }
0x1a: {  	s8 =	sadd.s32 $0xFFFFE003, lr  }
0x1b: {  	s9 =	sadd.s32 $0xFFFFFEF7, lr;
	s5 =	simm.s32 $0xFFFFFFFF;
	p2 =	slt.u32 s8, $0xFFFFF086  }
0x1c: {  	p1 =	slt.u32 s9, $0xF7A;
	s5 =	simm.s32 @!p2 $0x0  }
0x1d: {  	s5 =	simm.s32 @p1 $0x1;
	p0 =	seq.s32 s7, s2  }
0x1e: {  	s7 =	smul.u32 @!p0 $0xF7A, s2;
	p2 =	seq.s32 @!p0 s5, $0x0  }
0x1f: {  	s9 =	smul.u32 $0xF7A, s1;
	s8 =	simm.s32 @!p0 $0x1BF5;
	p2 =	por !p2, p0  }
0x20: {  	[sflag:s8] =	ssyncset.s32 @!p0 $0xFFFFF086;
	s6 =	sadd.s32 @!p0 s3, s7;
	s7 =	simm.s32 @!p0 $0x108  }
0x21: {  	s3 =	sadd.s32 s3, s9;
	s6 =	sadd.s32 @!p0 $0x88, s6;
	s7 =	simm.s32 @p2 $0x1082  }
0x22: {  	[simem:s7], [sflag:s8] =	dma.local @!p0 [hbm:s6], $0xF7A  }
0x23: {  	s9 =	sor.u32 $0xD0000000, s2;
	s6 =	simm.s32 $0x108;
	_ =	swait.ge @!p0 [sflag:s8], $0x0  }
0x24: {  	s3 =	sadd.s32 $0x88, s3;
	s6 =	simm.s32 @!p1 $0x1082;
	[sflag:s4] =	ssyncset.s32 $0xFFFFF086  }
0x25: {  	[simem:s6], [sflag:s4] =	dma.local [hbm:s3], $0xF7A  }
0x26: {  	[smem:$0x3FA0] =	sst s1;
	(tag) =	ssettag s2;
	_ =	strace s9  }
0x27: {  	s1 =	sld [smem:$0x3FB0]  }
0x28: {  	s2 =	sld [smem:$0x3FB1]  }
0x29: {  	s4 =	sld [smem:$0x3FB3]  }
0x2a: {  	p0 =	seq.s32 s5, $0x0;
	s5 =	sld [smem:$0x3FB4]  }
0x2b: {  	s6 =	sld [smem:$0x3FB5]  }
0x2c: {  	s7 =	sld [smem:$0x3FB6]  }
0x2d: {  	s3 =	simm.s32 $0x108;
	s8 =	sld [smem:$0x3FB7]  }
0x2e: {  	s3 =	simm.s32 @!p0 $0x1082;
	s9 =	sld [smem:$0x3FB8]  }
0x2f: {  	lr =	sadd.s32 s0, s3;
	s0 =	sld [smem:$0x3FAF]  }
0x30: {  	s3 =	sld [smem:$0x3FB2]  }
0x31: {  	[smem:$0x3FBB] =	sst s10  }
0x32: {  	s10 =	sld [smem:$0x3FB9];
	_ =	sdelay $0x3  }
0x33: {  	p0 =	seq.s32 s10, $0x1;
	s10 =	sld [smem:$0x3FBB];
	_ =	sdelay $0x3  }
0x34: {  	[smem:$0x3FBB] =	sst s10  }
0x35: {  	s10 =	sld [smem:$0x3FBA];
	_ =	sdelay $0x3  }
0x36: {  	p1 =	seq.s32 s10, $0x1;
	s10 =	sld [smem:$0x3FBB];
	_ =	sdelay $0x3  }
0x37: {  	[smem:$0x3FBB] =	sst s10  }
0x38: {  	s10 =	sld [smem:$0x3FBC]  }
0x39: {  	_ = 	snop;
	(pc) =	sbr.ind lr, $3  }
0x3a: {  	_ = 	snop  }
0x3b: {  	_ = 	snop  }
0x3c: {  	p2 =	seq.s32 s10, $0x1;
	s10 =	sld [smem:$0x3FBB]  }
0x3d: {  	_ =	shalt  }
0x3e: {  	_ =	shalt  }
0x3f: {  	_ =	shalt  }
0x40: {  	_ =	shalt  }
0x41: {  	_ =	shalt  }
0x42: {  	_ =	shalt  }
0x43: {  	_ =	shalt  }
0x44: {  	_ =	shalt  }
0x45: {  	_ =	shalt  }
0x46: {  	_ =	shalt  }
0x47: {  	_ =	shalt  }
0x48: {  	_ =	shalt  }
0x49: {  	_ =	shalt  }
0x4a: {  	_ =	shalt  }
0x4b: {  	_ =	shalt  }
0x4c: {  	_ =	shalt  }
0x4d: {  	_ =	shalt  }
0x4e: {  	_ =	shalt  }
0x4f: {  	_ =	shalt  }
0x50: {  	_ =	shalt  }
0x51: {  	_ =	shalt  }
0x52: {  	_ =	shalt  }
0x53: {  	_ =	shalt  }
0x54: {  	_ =	shalt  }
0x55: {  	_ =	shalt  }
0x56: {  	_ =	shalt  }
0x57: {  	_ =	shalt  }
0x58: {  	_ =	shalt  }
0x59: {  	_ =	shalt  }
0x5a: {  	_ =	shalt  }
0x5b: {  	_ =	shalt  }
0x5c: {  	_ =	shalt  }
0x5d: {  	_ =	shalt  }
0x5e: {  	_ =	shalt  }
0x5f: {  	_ =	shalt  }
0x60: {  	_ =	shalt  }
0x61: {  	_ =	shalt  }
0x62: {  	_ =	shalt  }
0x63: {  	_ =	shalt  }
0x64: {  	_ =	shalt  }
0x65: {  	_ =	shalt  }
0x66: {  	_ =	shalt  }
0x67: {  	_ =	shalt  }
0x68: {  	_ =	shalt  }
0x69: {  	_ =	shalt  }
0x6a: {  	_ =	shalt  }
0x6b: {  	_ =	shalt  }
0x6c: {  	_ =	shalt  }
0x6d: {  	_ =	shalt  }
0x6e: {  	_ =	shalt  }
0x6f: {  	_ =	shalt  }
0x70: {  	_ =	shalt  }
0x71: {  	_ =	shalt  }
0x72: {  	_ =	shalt  }
0x73: {  	_ =	shalt  }
0x74: {  	_ =	shalt  }
0x75: {  	_ =	shalt  }
0x76: {  	_ =	shalt  }
0x77: {  	_ =	shalt  }
0x78: {  	_ =	shalt  }
0x79: {  	_ =	shalt  }
0x7a: {  	_ =	shalt  }
0x7b: {  	_ =	shalt  }
0x7c: {  	_ =	shalt  }
0x7d: {  	_ =	shalt  }
0x7e: {  	_ =	shalt  }
0x7f: {  	_ =	shalt  }
0x80: {  	_ =	shalt  }
0x81: {  	_ =	shalt  }
0x82: {  	_ =	shalt  }
0x83: {  	_ =	shalt  }
0x84: {  	_ =	shalt  }
0x85: {  	_ =	shalt  }
0x86: {  	_ =	shalt  }
0x87: {  	_ =	shalt  }
.Lfunc_end0:
.L_simem_size_0:
called_computation.1_lowered:
.L_overlay_start_0:
0x88: {  	s2 =	sld [smem:$0x3FD9]  }
0x89: {  	s3 =	sld [smem:$0x3FFE];
	_ =	sdelay $0x1  }
0x8a: {  	s1 =	srdreg.scid  }
0x8b: {  	s0 =	sand.u32 $0x1, s1  }
0x8c: {  	s17 =	sshll.u32 s0, $0xA;
	s2 =	sadd.s32 s3, s2  }
0x8d: {  	s2 =	sadd.s32 s2, s17  }
0x8e: {  	[smem:$0x3FC7] =	sst s2  }
0x8f: {  	_ = 	snop  }
0x90: {  	s2 =	sld [smem:$0x3FC9];
	(tm) =	ssettm $0x1  }
0x91: {  	s18 =	sld [smem:$0x3FFB];
	_ =	sdelay $0x3  }
0x92: {  	_ =	strace s18  }
0x93: {  	s3 =	sld [smem:$0x3FFC];
	_ =	sdelay $0x3  }
0x94: {  	_ =	strace s3  }
0x95: {  	s3 =	sld [smem:$0x3FFD];
	_ =	sdelay $0x3  }
0x96: {  	_ =	strace s3  }
0x97: {  	_ =	strace $0x8FFFFFFF  }
0x98: {  	s19 =	sld [smem:$0x3FDB];
	_ =	sdelay $0x1  }
0x99: {  	s4 =	simm.s32 $_scs_section_size  }
0x9a: {  	s5 =	simm.s32 $_size__tile_overlayer_lowered;
	s6 =	simm.s32 $_tile_overlayer_lowered  }
0x9b: {  	s22 =	simm.s32 $0x1BFF;
	s21 =	sshll.u32 s6, $0x1;
	s3 =	sadd.s32 s4, s19  }
0x9c: {  	s7 =	simm.s32 $0x0;
	s20 =	sshll.u32 s5, $0x1;
	s5 =	sadd.s32 s21, s3  }
0x9d: {  	[timem:s7], [sflag:s22] =	dma.local [hbm:s5], s20  }
0x9e: {  	_ =	swait.ge [sflag:s22], s20  }
0x9f: {  	s4 =	ssub.s32 $0x0, s20;
	[sflag:s22] =	ssyncset.done $0x0  }
0xa0: {  	[sflag:s22] =	ssyncadd.s32 s4;
	_ =	sdelay $0x1  }
0xa1: {  	s23 =	simm.s32 $0x1B8B  }
0xa2: {  	_ =	swait.ge [sflag:s23], $0x1  }
0xa3: {  	[sflag:s23] =	ssyncset.done $0x0  }
0xa4: {  	s25 =	simm.s32 $0x1B8E;
	s24 =	sld [smem:$0x3FFE];
	[sflag:s23] =	ssyncadd.s32 $0xFFFFFFFF  }
0xa5: {  	s26 =	simm.s32 $execute0_lowered;
	[smem:$0x3FD2] =	sst s25  }
0xa6: {  	s5 =	sshll.u32 s26, $0x1;
	_ =	strace $0x80000046;
	[dreg:$0x1] =	wrdreg $0xFFFFFFFF  }
0xa7: {  	s28 =	simm.s32 $_size_execute0_lowered;
	s3 =	sadd.s32 s3, s5;
	[dreg:$0x0] =	wrdreg $0x0  }
0xa8: {  	s5 =	sshll.u32 s28, $0x1;
	[dreg:$0x2] =	wrdreg s3  }
0xa9: {  	[dreg:$0x3] =	wrdreg s5  }
0xaa: {  	[dreg:$0x4] =	wrdreg $0xC0  }
0xab: {  	_ =	task [dreg:s7], $0x5FFFF  }
0xac: {  	[dreg:$0x1] =	wrdreg $0xFFFFFFFF  }
0xad: {  	[dreg:$0x0] =	wrdreg $0x60  }
0xae: {  	[dreg:$0x2] =	wrdreg s2  }
0xaf: {  	[dreg:$0x3] =	wrdreg s24  }
0xb0: {  	[dreg:$0x4] =	wrdreg $0x9  }
0xb1: {  	_ =	task.clear_ibuf [dreg:s7], $0x5FFFF;
	_ =	strace $0x90000046  }
0xb2: {  	s29 =	simm.s32 $0x9;
	_ =	strace $0x80000048  }
0xb3: {  	_ =	swait.ge [sflag:s29], $0x1  }
0xb4: {  	[sflag:s29] =	ssyncadd.s32 $0xFFFFFFFF  }
0xb5: {  	_ =	strace $0x90000048  }
0xb6: {  	_ =	sfence  }
0xb7: {  	s30 =	sld [smem:$0x0];
	_ =	sdelay $0x2  }
0xb8: {  	s31 =	sshll.u32 s1, $0xD;
	s1 =	sshrl.u32 s1, $0x2  }
0xb9: {  	s3 =	sand.u32 $0x4000, s31;
	s1 =	sadd.s32 s1, s30  }
0xba: {  	s0 =	sor.u32 s3, s0;
	s1 =	sshll.u32 s1, $0x11  }
0xbb: {  	s0 =	sor.u32 s1, s0  }
0xbc: {  	s0 =	sadd.s32 $0x8F2B, s0  }
0xbd: {  	[sflag:s0] =	ssyncadd.remote.s32 $0x1  }
0xbe: {  	_ =	sfence.sel $0xFFFF  }
0xbf: {  	[dreg:$0x0] =	wrdreg $0xFFFFFFFF;
	(pc) =	sbr.abs _section_cstart, $3  }
0xc0: {  	[dreg:$0x1] =	wrdreg $0xFFFFFFFF  }
0xc1: {  	_ =	task.clear_ibuf [dreg:s7], $0x2FFFF;
	_ =	strace $0x9FFFFFFF  }
0xc2: {  	(tm) =	ssettm $0x7FFFFFFF  }
0xc3: {  	_ =	shalt  }
tec
execute0_lowered:
.L_overlay_start_1:
0x0: {  	(tag) =	ssettag $0x1  }
0x1: {  	s1 =	srdreg.scid;
	s0 =	stileid.u32  }
0x2: {  	s3 =	sand.u32 $0x1, s1;
	s24 =	sshll.u32 s0, $0x1  }
0x3: {  	s4 =	sor.u32 s3, s24  }
0x4: {  	s5 =	smul.u32 $0x32, s4  }
0x5: {  	s6 =	sor.u32 $0x20, s4;
	s11 =	smul.u32 $0x1900, s4  }
0x6: {  	s8 =	sor.u32 $0x40, s4;
	s7 =	smul.u32 $0x32, s6  }
0x7: {  	s12 =	sor.u32 $0x60, s4;
	s9 =	smul.u32 $0x32, s8  }
0x8: {  	s13 =	smul.u32 $0x32, s12  }
0x9: {  	s25 =	sor.u32 $0x80, s4;
	s14 =	smul.u32 $0x1900, s6  }
0xa: {  	s16 =	smul.u32 $0x32, s25  }
0xb: {  	s15 =	rddreg [dreg:$0x0];
	s18 =	sor.u32 $0xA0, s4;
	s17 =	smul.u32 $0x1900, s8  }
0xc: {  	s10 =	rddreg [dreg:$0x1];
	s2 =	simm.s32 $0x0;
	s20 =	smul.u32 $0x32, s18  }
0xd: {  	s1 =	rddreg [dreg:$0x2];
	s22 =	sor.u32 $0xC0, s4;
	s12 =	smul.u32 $0x1900, s12  }
0xe: {  	s28 =	simm.s32 $0x0;
	[smem:$0x7FF] =	sst s2;
	s23 =	smul.u32 $0x32, s22  }
0xf: {  	s19 =	sadd.s32 $0x800, s10;
	_ =	strace $0x80000047;
	s24 =	smul.u32 $0x1900, s25  }
0x10: {  	v0 =	vlaneseq.u32;
	s3 =	ssub.s32 $0x2, s3;
	s29 =	smin.u32 s4, $0x19;
	s18 =	smul.u32 $0x1900, s18  }
0x11: {  	v0 =	vmul.u32 $0x80, v0;
	s26 =	sshrl.u32 s3, $0x1;
	s25 =	sor.u32 $0xE0, s29;
	s30 =	smul.u32 $0x1900, s22  }
0x12: {  	v1 =	vimm.f32 $0.0e+00;
	v2 =	vimm.f32 $1.000000000e+00;
	s21 =	ssub.s32 s3, s26;
	s22 =	simm.s32 $0x400;
	s26 =	smul.u32 $0x32, s25  }
0x13: {  	v3 =	vor.u32 $0x800, v0;
	v4 =	vor.u32 $0x1000, v0;
	v5 =	vor.u32 $0x1800, v0;
	s3 =	sadd.s32 s15, s5;
	s6 =	sadd.s32 s19, s11;
	s31 =	smul.u32 $0x1900, s25  }
0x14: {  	v6 =	vor.u32 $0x2000, v0;
	v7 =	vor.u32 $0x2800, v0;
	v8 =	vor.u32 $0x3000, v0;
	s25 =	simm.s32 $0x1;
	s4 =	sadd.s32 s15, s7;
	s5 =	sadd.s32 s15, s9  }
0x15: {  	v9 =	vor.u32 $0x3800, v0;
	v10 =	vor.u32 $0x4000, v0;
	v11 =	vor.u32 $0x4800, v0;
	s7 =	sadd.s32 s15, s13;
	s8 =	sadd.s32 s19, s14;
	s9 =	sadd.s32 s15, s16  }
0x16: {  	v12 =	vor.u32 $0x5000, v0;
	v13 =	vor.u32 $0x5800, v0;
	v14 =	vor.u32 $0x6000, v0;
	s10 =	sadd.s32 s19, s17;
	s11 =	sadd.s32 s15, s20;
	s12 =	sadd.s32 s19, s12  }
0x17: {  	v15 =	vor.u32 $0x6800, v0;
	v16 =	vor.u32 $0x7000, v0;
	v17 =	vor.u32 $0x7800, v0;
	s13 =	sadd.s32 s15, s23;
	s14 =	sadd.s32 s19, s24;
	s16 =	sadd.s32 s19, s18  }
0x18: {  	v18 =	vor.u32 $0x8000, v0;
	v19 =	vor.u32 $0x8800, v0;
	v20 =	vor.u32 $0x9000, v0;
	s17 =	sadd.s32 s19, s30;
	s20 =	simm.s32 $0x200;
	s23 =	simm.s32 $0x4  }
0x19: {  	v21 =	vor.u32 $0x9800, v0;
	v22 =	vor.u32 $0xA000, v0;
	v23 =	vor.u32 $0xA800, v0;
	s24 =	simm.s32 $0xCC00;
	s15 =	sadd.s32 s15, s26;
	s18 =	sadd.s32 s19, s31  }
0x1a: {  	v24 =	vor.u32 $0xB000, v0;
	v25 =	vor.u32 $0xB800, v0;
	v26 =	vor.u32 $0xC000, v0;
	s19 =	smax.u32 s21, $0x1;
	s21 =	simm.s32 $0x3;
	s26 =	simm.s32 $0x2  }
.LBB2_1:
0x1b: {  	[tilespmem:s2], [sflag:$0x3] =	stream.linear.gather [hbm4b:s3+s2], $0x190, $0x38;
	[tilespmem:$0x19800] =	vst v63  }
0x1c: {  	s29 =	simm.s32 $0x0;
	s30 =	simm.s32 $0x200  }
0x1d: {  	[tilespmem:s20], [sflag:$0x4] =	stream.linear.gather [hbm4b:s4+s2], $0x190, $0x38;
	[tilespmem:$0x19800] =	vst v63  }
.LBB2_2:
0x1e: {  	p0 =	sne.s32 s30, $0x31E00;
	[tilespmem:s29+$0xCC70] =	vst v1  }
0x1f: {  	[tilespmem:s29+$0x400] =	vst v1  }
0x20: {  	[tilespmem:s29+$0xCC00] =	vst v1  }
0x21: {  	[tilespmem:s29+$0x410] =	vst v1  }
0x22: {  	[tilespmem:s29+$0xCC10] =	vst v1  }
0x23: {  	[tilespmem:s29+$0x420] =	vst v1  }
0x24: {  	[tilespmem:s29+$0xCC20] =	vst v1  }
0x25: {  	[tilespmem:s29+$0x430] =	vst v1  }
0x26: {  	[tilespmem:s29+$0xCC30] =	vst v1  }
0x27: {  	[tilespmem:s29+$0x440] =	vst v1  }
0x28: {  	[tilespmem:s29+$0xCC40] =	vst v1  }
.Ltmp0:
0x29: {  	[tilespmem:s29+$0x450] =	vst v1;
	(pc) =	sbr.rel @p0 .LBB2_2-.Ltmp0, $4  }
0x2a: {  	[tilespmem:s29+$0xCC50] =	vst v1  }
0x2b: {  	[tilespmem:s29+$0x460] =	vst v1  }
0x2c: {  	[tilespmem:s29+$0xCC60] =	vst v1  }
0x2d: {  	[tilespmem:s29+$0x470] =	vst v1;
	s29 =	sshra.s32 s30, $0x2;
	s30 =	sadd.s32 $0x200, s30  }
0x2e: {  	[tilespmem:s29+$0xCC70] =	vst v1  }
0x2f: {  	[tilespmem:s29+$0x400] =	vst v1  }
0x30: {  	[tilespmem:s29+$0xCC00] =	vst v1  }
0x31: {  	[tilespmem:s29+$0x410] =	vst v1  }
0x32: {  	[tilespmem:s29+$0xCC10] =	vst v1  }
0x33: {  	[tilespmem:s29+$0x420] =	vst v1  }
0x34: {  	[tilespmem:s29+$0xCC20] =	vst v1  }
0x35: {  	[tilespmem:s29+$0x430] =	vst v1  }
0x36: {  	[tilespmem:s29+$0xCC30] =	vst v1  }
0x37: {  	[tilespmem:s29+$0x440] =	vst v1  }
0x38: {  	[tilespmem:s29+$0xCC40] =	vst v1  }
0x39: {  	[tilespmem:s29+$0x450] =	vst v1  }
0x3a: {  	[tilespmem:s29+$0xCC50] =	vst v1  }
0x3b: {  	[tilespmem:s29+$0x460] =	vst v1  }
0x3c: {  	[tilespmem:s29+$0xCC60] =	vst v1  }
0x3d: {  	[tilespmem:s29+$0x470] =	vst v1  }
0x3e: {  	_ =	swait.ge [sflag:s21], $0x190  }
0x3f: {  	[sflag:s21] =	ssyncset.done $0x0  }
0x40: {  	[sflag:s21] =	ssyncadd.s32 $0xFFFFFE70  }
0x41: {  	v27 =	vld [tilespmem:$0x0];
	_ =	sdelay $0x4  }
0x42: {  	v28 =	vadd.s32 v0, v27;
	_ =	sdelay $0x3  }
0x43: {  	[tilespmem:$0x19400] =	vst v27  }
0x44: {  	[tilespmem:v28+s22+$0x0] =	vst.idx.msk $0xffff, v2  }
0x45: {  	v27 =	vld [tilespmem:$0x10];
	_ =	sdelay $0x4  }
0x46: {  	v57 =	vadd.s32 v3, v27;
	_ =	sdelay $0x3  }
0x47: {  	[tilespmem:$0x19410] =	vst v27  }
0x48: {  	[tilespmem:v57+s22+$0x0] =	vst.idx.msk $0xffff, v2  }
0x49: {  	v27 =	vld [tilespmem:$0x20];
	_ =	sdelay $0x4  }
0x4a: {  	v58 =	vadd.s32 v4, v27;
	_ =	sdelay $0x3  }
0x4b: {  	[tilespmem:$0x19420] =	vst v27  }
0x4c: {  	[tilespmem:v58+s22+$0x0] =	vst.idx.msk $0xffff, v2  }
0x4d: {  	v27 =	vld [tilespmem:$0x30];
	_ =	sdelay $0x4  }
0x4e: {  	v59 =	vadd.s32 v5, v27;
	_ =	sdelay $0x3  }
0x4f: {  	[tilespmem:$0x19430] =	vst v27  }
0x50: {  	[tilespmem:v59+s22+$0x0] =	vst.idx.msk $0xffff, v2  }
0x51: {  	v27 =	vld [tilespmem:$0x40];
	_ =	sdelay $0x4  }
0x52: {  	v60 =	vadd.s32 v6, v27;
	_ =	sdelay $0x3  }
0x53: {  	[tilespmem:$0x19440] =	vst v27  }
0x54: {  	[tilespmem:v60+s22+$0x0] =	vst.idx.msk $0xffff, v2  }
0x55: {  	v27 =	vld [tilespmem:$0x50];
	_ =	sdelay $0x4  }
0x56: {  	v61 =	vadd.s32 v7, v27;
	_ =	sdelay $0x3  }
0x57: {  	[tilespmem:$0x19450] =	vst v27  }
0x58: {  	[tilespmem:v61+s22+$0x0] =	vst.idx.msk $0xffff, v2  }
0x59: {  	v27 =	vld [tilespmem:$0x60];
	_ =	sdelay $0x4  }
0x5a: {  	v62 =	vadd.s32 v8, v27;
	_ =	sdelay $0x3  }
0x5b: {  	[tilespmem:$0x19460] =	vst v27  }
0x5c: {  	[tilespmem:v62+s22+$0x0] =	vst.idx.msk $0xffff, v2  }
0x5d: {  	v27 =	vld [tilespmem:$0x70];
	_ =	sdelay $0x4  }
0x5e: {  	v63 =	vadd.s32 v9, v27;
	_ =	sdelay $0x3  }
0x5f: {  	[tilespmem:$0x19470] =	vst v27  }
0x60: {  	[tilespmem:v63+s22+$0x0] =	vst.idx.msk $0xffff, v2  }
0x61: {  	v27 =	vld [tilespmem:$0x80];
	_ =	sdelay $0x4  }
0x62: {  	v32 =	vadd.s32 v10, v27;
	_ =	sdelay $0x3  }
0x63: {  	[tilespmem:$0x19480] =	vst v27  }
0x64: {  	[tilespmem:v32+s22+$0x0] =	vst.idx.msk $0xffff, v2  }
0x65: {  	v27 =	vld [tilespmem:$0x90];
	_ =	sdelay $0x4  }
0x66: {  	v33 =	vadd.s32 v11, v27;
	_ =	sdelay $0x3  }
0x67: {  	[tilespmem:$0x19490] =	vst v27  }
0x68: {  	[tilespmem:v33+s22+$0x0] =	vst.idx.msk $0xffff, v2  }
0x69: {  	v27 =	vld [tilespmem:$0xA0];
	_ =	sdelay $0x4  }
0x6a: {  	v34 =	vadd.s32 v12, v27;
	_ =	sdelay $0x3  }
0x6b: {  	[tilespmem:$0x194A0] =	vst v27  }
0x6c: {  	[tilespmem:v34+s22+$0x0] =	vst.idx.msk $0xffff, v2  }
0x6d: {  	v27 =	vld [tilespmem:$0xB0];
	_ =	sdelay $0x4  }
0x6e: {  	v35 =	vadd.s32 v13, v27;
	_ =	sdelay $0x3  }
0x6f: {  	[tilespmem:$0x194B0] =	vst v27  }
0x70: {  	[tilespmem:v35+s22+$0x0] =	vst.idx.msk $0xffff, v2  }
0x71: {  	v27 =	vld [tilespmem:$0xC0];
	_ =	sdelay $0x4  }
0x72: {  	v36 =	vadd.s32 v14, v27;
	_ =	sdelay $0x3  }
0x73: {  	[tilespmem:$0x194C0] =	vst v27  }
0x74: {  	[tilespmem:v36+s22+$0x0] =	vst.idx.msk $0xffff, v2  }
0x75: {  	v27 =	vld [tilespmem:$0xD0];
	_ =	sdelay $0x4  }
0x76: {  	v37 =	vadd.s32 v15, v27;
	_ =	sdelay $0x3  }
0x77: {  	[tilespmem:$0x194D0] =	vst v27  }
0x78: {  	[tilespmem:v37+s22+$0x0] =	vst.idx.msk $0xffff, v2  }
0x79: {  	v27 =	vld [tilespmem:$0xE0];
	_ =	sdelay $0x4  }
0x7a: {  	v38 =	vadd.s32 v16, v27;
	_ =	sdelay $0x3  }
0x7b: {  	[tilespmem:$0x194E0] =	vst v27  }
0x7c: {  	[tilespmem:v38+s22+$0x0] =	vst.idx.msk $0xffff, v2  }
0x7d: {  	v27 =	vld [tilespmem:$0xF0];
	_ =	sdelay $0x4  }
0x7e: {  	v39 =	vadd.s32 v17, v27;
	_ =	sdelay $0x3  }
0x7f: {  	[tilespmem:$0x194F0] =	vst v27  }
0x80: {  	[tilespmem:v39+s22+$0x0] =	vst.idx.msk $0xffff, v2  }
0x81: {  	v27 =	vld [tilespmem:$0x100];
	_ =	sdelay $0x4  }
0x82: {  	v40 =	vadd.s32 v18, v27;
	_ =	sdelay $0x3  }
0x83: {  	[tilespmem:$0x19500] =	vst v27  }
0x84: {  	[tilespmem:v40+s22+$0x0] =	vst.idx.msk $0xffff, v2  }
0x85: {  	v27 =	vld [tilespmem:$0x110];
	_ =	sdelay $0x4  }
0x86: {  	v41 =	vadd.s32 v19, v27;
	_ =	sdelay $0x3  }
0x87: {  	[tilespmem:$0x19510] =	vst v27  }
0x88: {  	[tilespmem:v41+s22+$0x0] =	vst.idx.msk $0xffff, v2  }
0x89: {  	v27 =	vld [tilespmem:$0x120];
	_ =	sdelay $0x4  }
0x8a: {  	v42 =	vadd.s32 v20, v27;
	_ =	sdelay $0x3  }
0x8b: {  	[tilespmem:$0x19520] =	vst v27  }
0x8c: {  	[tilespmem:v42+s22+$0x0] =	vst.idx.msk $0xffff, v2  }
0x8d: {  	v27 =	vld [tilespmem:$0x130];
	_ =	sdelay $0x4  }
0x8e: {  	v43 =	vadd.s32 v21, v27;
	_ =	sdelay $0x3  }
0x8f: {  	[tilespmem:$0x19530] =	vst v27  }
0x90: {  	[tilespmem:v43+s22+$0x0] =	vst.idx.msk $0xffff, v2  }
0x91: {  	v27 =	vld [tilespmem:$0x140];
	_ =	sdelay $0x4  }
0x92: {  	v44 =	vadd.s32 v22, v27;
	_ =	sdelay $0x3  }
0x93: {  	[tilespmem:$0x19540] =	vst v27  }
0x94: {  	[tilespmem:v44+s22+$0x0] =	vst.idx.msk $0xffff, v2  }
0x95: {  	v27 =	vld [tilespmem:$0x150];
	_ =	sdelay $0x4  }
0x96: {  	v45 =	vadd.s32 v23, v27;
	_ =	sdelay $0x3  }
0x97: {  	[tilespmem:$0x19550] =	vst v27  }
0x98: {  	[tilespmem:v45+s22+$0x0] =	vst.idx.msk $0xffff, v2  }
0x99: {  	v27 =	vld [tilespmem:$0x160];
	_ =	sdelay $0x4  }
0x9a: {  	v46 =	vadd.s32 v24, v27;
	_ =	sdelay $0x3  }
0x9b: {  	[tilespmem:$0x19560] =	vst v27  }
0x9c: {  	[tilespmem:v46+s22+$0x0] =	vst.idx.msk $0xffff, v2  }
0x9d: {  	v27 =	vld [tilespmem:$0x170];
	_ =	sdelay $0x4  }
0x9e: {  	v47 =	vadd.s32 v25, v27;
	_ =	sdelay $0x3  }
0x9f: {  	[tilespmem:$0x19570] =	vst v27  }
0xa0: {  	[tilespmem:v47+s22+$0x0] =	vst.idx.msk $0xffff, v2  }
0xa1: {  	v27 =	vld [tilespmem:$0x180];
	_ =	sdelay $0x4  }
0xa2: {  	v48 =	vadd.s32 v26, v27;
	_ =	sdelay $0x3  }
0xa3: {  	[tilespmem:$0x19580] =	vst v27  }
0xa4: {  	[tilespmem:v48+s22+$0x0] =	vst.idx.msk $0xffff, v2  }
0xa5: {  	[tilespmem:s2], [sflag:$0x3] =	stream.linear.gather [hbm4b:s5+s2], $0x190, $0x38;
	[tilespmem:$0x19800] =	vst v63  }
0xa6: {  	_ = 	snop  }
0xa7: {  	[hbm4b:s6+s2] =	stream.linear.scatter [tilespmem:s22], [sflag:$0x1], $0xC800, $0x38;
	[tilespmem:$0x19800] =	vst v63  }
0xa8: {  	_ =	swait.ge [sflag:s23], $0x190  }
0xa9: {  	[sflag:s23] =	ssyncset.done $0x0  }
0xaa: {  	[sflag:s23] =	ssyncadd.s32 $0xFFFFFE70  }
0xab: {  	v27 =	vld [tilespmem:$0x200];
	_ =	sdelay $0x4  }
0xac: {  	v49 =	vadd.s32 v0, v27;
	_ =	sdelay $0x3  }
0xad: {  	[tilespmem:$0x19600] =	vst v27  }
0xae: {  	[tilespmem:v49+s24+$0x0] =	vst.idx.msk $0xffff, v2  }
0xaf: {  	v27 =	vld [tilespmem:$0x210];
	_ =	sdelay $0x4  }
0xb0: {  	v50 =	vadd.s32 v3, v27;
	_ =	sdelay $0x3  }
0xb1: {  	[tilespmem:$0x19610] =	vst v27  }
0xb2: {  	[tilespmem:v50+s24+$0x0] =	vst.idx.msk $0xffff, v2  }
0xb3: {  	v27 =	vld [tilespmem:$0x220];
	_ =	sdelay $0x4  }
0xb4: {  	v51 =	vadd.s32 v4, v27;
	_ =	sdelay $0x3  }
0xb5: {  	[tilespmem:$0x19620] =	vst v27  }
0xb6: {  	[tilespmem:v51+s24+$0x0] =	vst.idx.msk $0xffff, v2  }
0xb7: {  	v27 =	vld [tilespmem:$0x230];
	_ =	sdelay $0x4  }
0xb8: {  	v52 =	vadd.s32 v5, v27;
	_ =	sdelay $0x3  }
0xb9: {  	[tilespmem:$0x19630] =	vst v27  }
0xba: {  	[tilespmem:v52+s24+$0x0] =	vst.idx.msk $0xffff, v2  }
0xbb: {  	v27 =	vld [tilespmem:$0x240];
	_ =	sdelay $0x4  }
0xbc: {  	v53 =	vadd.s32 v6, v27;
	_ =	sdelay $0x3  }
0xbd: {  	[tilespmem:$0x19640] =	vst v27  }
0xbe: {  	[tilespmem:v53+s24+$0x0] =	vst.idx.msk $0xffff, v2  }
0xbf: {  	v27 =	vld [tilespmem:$0x250];
	_ =	sdelay $0x4  }
0xc0: {  	v54 =	vadd.s32 v7, v27;
	_ =	sdelay $0x3  }
0xc1: {  	[tilespmem:$0x19650] =	vst v27  }
0xc2: {  	[tilespmem:v54+s24+$0x0] =	vst.idx.msk $0xffff, v2  }
0xc3: {  	v27 =	vld [tilespmem:$0x260];
	_ =	sdelay $0x4  }
0xc4: {  	v55 =	vadd.s32 v8, v27;
	_ =	sdelay $0x3  }
0xc5: {  	[tilespmem:$0x19660] =	vst v27  }
0xc6: {  	[tilespmem:v55+s24+$0x0] =	vst.idx.msk $0xffff, v2  }
0xc7: {  	v27 =	vld [tilespmem:$0x270];
	_ =	sdelay $0x4  }
0xc8: {  	v56 =	vadd.s32 v9, v27;
	_ =	sdelay $0x3  }
0xc9: {  	[tilespmem:$0x19670] =	vst v27  }
0xca: {  	[tilespmem:v56+s24+$0x0] =	vst.idx.msk $0xffff, v2  }
0xcb: {  	v27 =	vld [tilespmem:$0x280];
	_ =	sdelay $0x4  }
0xcc: {  	v57 =	vadd.s32 v10, v27;
	_ =	sdelay $0x3  }
0xcd: {  	[tilespmem:$0x19680] =	vst v27  }
0xce: {  	[tilespmem:v57+s24+$0x0] =	vst.idx.msk $0xffff, v2  }
0xcf: {  	v27 =	vld [tilespmem:$0x290];
	_ =	sdelay $0x4  }
0xd0: {  	v58 =	vadd.s32 v11, v27;
	_ =	sdelay $0x3  }
0xd1: {  	[tilespmem:$0x19690] =	vst v27  }
0xd2: {  	[tilespmem:v58+s24+$0x0] =	vst.idx.msk $0xffff, v2  }
0xd3: {  	v27 =	vld [tilespmem:$0x2A0];
	_ =	sdelay $0x4  }
0xd4: {  	v59 =	vadd.s32 v12, v27;
	_ =	sdelay $0x3  }
0xd5: {  	[tilespmem:$0x196A0] =	vst v27  }
0xd6: {  	[tilespmem:v59+s24+$0x0] =	vst.idx.msk $0xffff, v2  }
0xd7: {  	v27 =	vld [tilespmem:$0x2B0];
	_ =	sdelay $0x4  }
0xd8: {  	v60 =	vadd.s32 v13, v27;
	_ =	sdelay $0x3  }
0xd9: {  	[tilespmem:$0x196B0] =	vst v27  }
0xda: {  	[tilespmem:v60+s24+$0x0] =	vst.idx.msk $0xffff, v2  }
0xdb: {  	v27 =	vld [tilespmem:$0x2C0];
	_ =	sdelay $0x4  }
0xdc: {  	v61 =	vadd.s32 v14, v27;
	_ =	sdelay $0x3  }
0xdd: {  	[tilespmem:$0x196C0] =	vst v27  }
0xde: {  	[tilespmem:v61+s24+$0x0] =	vst.idx.msk $0xffff, v2  }
0xdf: {  	v27 =	vld [tilespmem:$0x2D0];
	_ =	sdelay $0x4  }
0xe0: {  	v62 =	vadd.s32 v15, v27;
	_ =	sdelay $0x3  }
0xe1: {  	[tilespmem:$0x196D0] =	vst v27  }
0xe2: {  	[tilespmem:v62+s24+$0x0] =	vst.idx.msk $0xffff, v2  }
0xe3: {  	v27 =	vld [tilespmem:$0x2E0];
	_ =	sdelay $0x4  }
0xe4: {  	v63 =	vadd.s32 v16, v27;
	_ =	sdelay $0x3  }
0xe5: {  	[tilespmem:$0x196E0] =	vst v27  }
0xe6: {  	[tilespmem:v63+s24+$0x0] =	vst.idx.msk $0xffff, v2  }
0xe7: {  	v27 =	vld [tilespmem:$0x2F0];
	_ =	sdelay $0x4  }
0xe8: {  	v32 =	vadd.s32 v17, v27;
	_ =	sdelay $0x3  }
0xe9: {  	[tilespmem:$0x196F0] =	vst v27  }
0xea: {  	[tilespmem:v32+s24+$0x0] =	vst.idx.msk $0xffff, v2  }
0xeb: {  	v27 =	vld [tilespmem:$0x300];
	_ =	sdelay $0x4  }
0xec: {  	v33 =	vadd.s32 v18, v27;
	_ =	sdelay $0x3  }
0xed: {  	[tilespmem:$0x19700] =	vst v27  }
0xee: {  	[tilespmem:v33+s24+$0x0] =	vst.idx.msk $0xffff, v2  }
0xef: {  	v27 =	vld [tilespmem:$0x310];
	_ =	sdelay $0x4  }
0xf0: {  	v34 =	vadd.s32 v19, v27;
	_ =	sdelay $0x3  }
0xf1: {  	[tilespmem:$0x19710] =	vst v27  }
0xf2: {  	[tilespmem:v34+s24+$0x0] =	vst.idx.msk $0xffff, v2  }
0xf3: {  	v27 =	vld [tilespmem:$0x320];
	_ =	sdelay $0x4  }
0xf4: {  	v35 =	vadd.s32 v20, v27;
	_ =	sdelay $0x3  }
0xf5: {  	[tilespmem:$0x19720] =	vst v27  }
0xf6: {  	[tilespmem:v35+s24+$0x0] =	vst.idx.msk $0xffff, v2  }
0xf7: {  	v27 =	vld [tilespmem:$0x330];
	_ =	sdelay $0x4  }
0xf8: {  	v36 =	vadd.s32 v21, v27;
	_ =	sdelay $0x3  }
0xf9: {  	[tilespmem:$0x19730] =	vst v27  }
0xfa: {  	[tilespmem:v36+s24+$0x0] =	vst.idx.msk $0xffff, v2  }
0xfb: {  	v27 =	vld [tilespmem:$0x340];
	_ =	sdelay $0x4  }
0xfc: {  	v37 =	vadd.s32 v22, v27;
	_ =	sdelay $0x3  }
0xfd: {  	[tilespmem:$0x19740] =	vst v27  }
0xfe: {  	[tilespmem:v37+s24+$0x0] =	vst.idx.msk $0xffff, v2  }
0xff: {  	v27 =	vld [tilespmem:$0x350];
	_ =	sdelay $0x4  }
0x100: {  	v38 =	vadd.s32 v23, v27;
	_ =	sdelay $0x3  }
0x101: {  	[tilespmem:$0x19750] =	vst v27  }
0x102: {  	[tilespmem:v38+s24+$0x0] =	vst.idx.msk $0xffff, v2  }
0x103: {  	v27 =	vld [tilespmem:$0x360];
	_ =	sdelay $0x4  }
0x104: {  	v39 =	vadd.s32 v24, v27;
	_ =	sdelay $0x3  }
0x105: {  	[tilespmem:$0x19760] =	vst v27  }
0x106: {  	[tilespmem:v39+s24+$0x0] =	vst.idx.msk $0xffff, v2  }
0x107: {  	v27 =	vld [tilespmem:$0x370];
	_ =	sdelay $0x4  }
0x108: {  	v40 =	vadd.s32 v25, v27;
	_ =	sdelay $0x3  }
0x109: {  	[tilespmem:$0x19770] =	vst v27  }
0x10a: {  	[tilespmem:v40+s24+$0x0] =	vst.idx.msk $0xffff, v2  }
0x10b: {  	v27 =	vld [tilespmem:$0x380];
	_ =	sdelay $0x4  }
0x10c: {  	v41 =	vadd.s32 v26, v27;
	_ =	sdelay $0x3  }
0x10d: {  	[tilespmem:$0x19780] =	vst v27  }
0x10e: {  	[tilespmem:v41+s24+$0x0] =	vst.idx.msk $0xffff, v2  }
0x10f: {  	[tilespmem:s20], [sflag:$0x4] =	stream.linear.gather [hbm4b:s7+s2], $0x190, $0x38;
	[tilespmem:$0x19800] =	vst v63  }
0x110: {  	_ = 	snop  }
0x111: {  	[hbm4b:s8+s2] =	stream.linear.scatter [tilespmem:s24], [sflag:$0x2], $0xC800, $0x38;
	[tilespmem:$0x19800] =	vst v63  }
0x112: {  	_ =	swait.ge [sflag:s25], $0xC800  }
0x113: {  	[sflag:s25] =	ssyncset.done $0x0  }
0x114: {  	[sflag:s25] =	ssyncadd.s32 $0xFFFF3800  }
0x115: {  	v27 =	vld [tilespmem:$0x19400];
	_ =	sdelay $0x4  }
0x116: {  	v27 =	vadd.s32 v0, v27;
	_ =	sdelay $0x4  }
0x117: {  	[tilespmem:v27+s22+$0x0] =	vst.idx.msk $0xffff, v1  }
0x118: {  	v27 =	vld [tilespmem:$0x19410];
	_ =	sdelay $0x4  }
0x119: {  	v27 =	vadd.s32 v3, v27;
	_ =	sdelay $0x4  }
0x11a: {  	[tilespmem:v27+s22+$0x0] =	vst.idx.msk $0xffff, v1  }
0x11b: {  	v27 =	vld [tilespmem:$0x19420];
	_ =	sdelay $0x4  }
0x11c: {  	v27 =	vadd.s32 v4, v27;
	_ =	sdelay $0x4  }
0x11d: {  	[tilespmem:v27+s22+$0x0] =	vst.idx.msk $0xffff, v1  }
0x11e: {  	v27 =	vld [tilespmem:$0x19430];
	_ =	sdelay $0x4  }
0x11f: {  	v27 =	vadd.s32 v5, v27;
	_ =	sdelay $0x4  }
0x120: {  	[tilespmem:v27+s22+$0x0] =	vst.idx.msk $0xffff, v1  }
0x121: {  	v27 =	vld [tilespmem:$0x19440];
	_ =	sdelay $0x4  }
0x122: {  	v27 =	vadd.s32 v6, v27;
	_ =	sdelay $0x4  }
0x123: {  	[tilespmem:v27+s22+$0x0] =	vst.idx.msk $0xffff, v1  }
0x124: {  	v27 =	vld [tilespmem:$0x19450];
	_ =	sdelay $0x4  }
0x125: {  	v27 =	vadd.s32 v7, v27;
	_ =	sdelay $0x4  }
0x126: {  	[tilespmem:v27+s22+$0x0] =	vst.idx.msk $0xffff, v1  }
0x127: {  	v27 =	vld [tilespmem:$0x19460];
	_ =	sdelay $0x4  }
0x128: {  	v27 =	vadd.s32 v8, v27;
	_ =	sdelay $0x4  }
0x129: {  	[tilespmem:v27+s22+$0x0] =	vst.idx.msk $0xffff, v1  }
0x12a: {  	v27 =	vld [tilespmem:$0x19470];
	_ =	sdelay $0x4  }
0x12b: {  	v27 =	vadd.s32 v9, v27;
	_ =	sdelay $0x4  }
0x12c: {  	[tilespmem:v27+s22+$0x0] =	vst.idx.msk $0xffff, v1  }
0x12d: {  	v27 =	vld [tilespmem:$0x19480];
	_ =	sdelay $0x4  }
0x12e: {  	v27 =	vadd.s32 v10, v27;
	_ =	sdelay $0x4  }
0x12f: {  	[tilespmem:v27+s22+$0x0] =	vst.idx.msk $0xffff, v1  }
0x130: {  	v27 =	vld [tilespmem:$0x19490];
	_ =	sdelay $0x4  }
0x131: {  	v27 =	vadd.s32 v11, v27;
	_ =	sdelay $0x4  }
0x132: {  	[tilespmem:v27+s22+$0x0] =	vst.idx.msk $0xffff, v1  }
0x133: {  	v27 =	vld [tilespmem:$0x194A0];
	_ =	sdelay $0x4  }
0x134: {  	v27 =	vadd.s32 v12, v27;
	_ =	sdelay $0x4  }
0x135: {  	[tilespmem:v27+s22+$0x0] =	vst.idx.msk $0xffff, v1  }
0x136: {  	v27 =	vld [tilespmem:$0x194B0];
	_ =	sdelay $0x4  }
0x137: {  	v27 =	vadd.s32 v13, v27;
	_ =	sdelay $0x4  }
0x138: {  	[tilespmem:v27+s22+$0x0] =	vst.idx.msk $0xffff, v1  }
0x139: {  	v27 =	vld [tilespmem:$0x194C0];
	_ =	sdelay $0x4  }
0x13a: {  	v27 =	vadd.s32 v14, v27;
	_ =	sdelay $0x4  }
0x13b: {  	[tilespmem:v27+s22+$0x0] =	vst.idx.msk $0xffff, v1  }
0x13c: {  	v27 =	vld [tilespmem:$0x194D0];
	_ =	sdelay $0x4  }
0x13d: {  	v27 =	vadd.s32 v15, v27;
	_ =	sdelay $0x4  }
0x13e: {  	[tilespmem:v27+s22+$0x0] =	vst.idx.msk $0xffff, v1  }
0x13f: {  	v27 =	vld [tilespmem:$0x194E0];
	_ =	sdelay $0x4  }
0x140: {  	v27 =	vadd.s32 v16, v27;
	_ =	sdelay $0x4  }
0x141: {  	[tilespmem:v27+s22+$0x0] =	vst.idx.msk $0xffff, v1  }
0x142: {  	v27 =	vld [tilespmem:$0x194F0];
	_ =	sdelay $0x4  }
0x143: {  	v27 =	vadd.s32 v17, v27;
	_ =	sdelay $0x4  }
0x144: {  	[tilespmem:v27+s22+$0x0] =	vst.idx.msk $0xffff, v1  }
0x145: {  	v27 =	vld [tilespmem:$0x19500];
	_ =	sdelay $0x4  }
0x146: {  	v27 =	vadd.s32 v18, v27;
	_ =	sdelay $0x4  }
0x147: {  	[tilespmem:v27+s22+$0x0] =	vst.idx.msk $0xffff, v1  }
0x148: {  	v27 =	vld [tilespmem:$0x19510];
	_ =	sdelay $0x4  }
0x149: {  	v27 =	vadd.s32 v19, v27;
	_ =	sdelay $0x4  }
0x14a: {  	[tilespmem:v27+s22+$0x0] =	vst.idx.msk $0xffff, v1  }
0x14b: {  	v27 =	vld [tilespmem:$0x19520];
	_ =	sdelay $0x4  }
0x14c: {  	v27 =	vadd.s32 v20, v27;
	_ =	sdelay $0x4  }
0x14d: {  	[tilespmem:v27+s22+$0x0] =	vst.idx.msk $0xffff, v1  }
0x14e: {  	v27 =	vld [tilespmem:$0x19530];
	_ =	sdelay $0x4  }
0x14f: {  	v27 =	vadd.s32 v21, v27;
	_ =	sdelay $0x4  }
0x150: {  	[tilespmem:v27+s22+$0x0] =	vst.idx.msk $0xffff, v1  }
0x151: {  	v27 =	vld [tilespmem:$0x19540];
	_ =	sdelay $0x4  }
0x152: {  	v27 =	vadd.s32 v22, v27;
	_ =	sdelay $0x4  }
0x153: {  	[tilespmem:v27+s22+$0x0] =	vst.idx.msk $0xffff, v1  }
0x154: {  	v27 =	vld [tilespmem:$0x19550];
	_ =	sdelay $0x4  }
0x155: {  	v27 =	vadd.s32 v23, v27;
	_ =	sdelay $0x4  }
0x156: {  	[tilespmem:v27+s22+$0x0] =	vst.idx.msk $0xffff, v1  }
0x157: {  	v27 =	vld [tilespmem:$0x19560];
	_ =	sdelay $0x4  }
0x158: {  	v27 =	vadd.s32 v24, v27;
	_ =	sdelay $0x4  }
0x159: {  	[tilespmem:v27+s22+$0x0] =	vst.idx.msk $0xffff, v1  }
0x15a: {  	v27 =	vld [tilespmem:$0x19570];
	_ =	sdelay $0x4  }
0x15b: {  	v27 =	vadd.s32 v25, v27;
	_ =	sdelay $0x4  }
0x15c: {  	[tilespmem:v27+s22+$0x0] =	vst.idx.msk $0xffff, v1  }
0x15d: {  	v27 =	vld [tilespmem:$0x19580];
	_ =	sdelay $0x4  }
0x15e: {  	v27 =	vadd.s32 v26, v27;
	_ =	sdelay $0x4  }
0x15f: {  	[tilespmem:v27+s22+$0x0] =	vst.idx.msk $0xffff, v1  }
0x160: {  	_ =	swait.ge [sflag:s21], $0x190  }
0x161: {  	[sflag:s21] =	ssyncset.done $0x0  }
0x162: {  	[sflag:s21] =	ssyncadd.s32 $0xFFFFFE70  }
0x163: {  	v27 =	vld [tilespmem:$0x0];
	_ =	sdelay $0x4  }
0x164: {  	v42 =	vadd.s32 v0, v27;
	_ =	sdelay $0x3  }
0x165: {  	[tilespmem:$0x19400] =	vst v27  }
0x166: {  	[tilespmem:v42+s22+$0x0] =	vst.idx.msk $0xffff, v2  }
0x167: {  	v27 =	vld [tilespmem:$0x10];
	_ =	sdelay $0x4  }
0x168: {  	v43 =	vadd.s32 v3, v27;
	_ =	sdelay $0x3  }
0x169: {  	[tilespmem:$0x19410] =	vst v27  }
0x16a: {  	[tilespmem:v43+s22+$0x0] =	vst.idx.msk $0xffff, v2  }
0x16b: {  	v27 =	vld [tilespmem:$0x20];
	_ =	sdelay $0x4  }
0x16c: {  	v44 =	vadd.s32 v4, v27;
	_ =	sdelay $0x3  }
0x16d: {  	[tilespmem:$0x19420] =	vst v27  }
0x16e: {  	[tilespmem:v44+s22+$0x0] =	vst.idx.msk $0xffff, v2  }
0x16f: {  	v27 =	vld [tilespmem:$0x30];
	_ =	sdelay $0x4  }
0x170: {  	v45 =	vadd.s32 v5, v27;
	_ =	sdelay $0x3  }
0x171: {  	[tilespmem:$0x19430] =	vst v27  }
0x172: {  	[tilespmem:v45+s22+$0x0] =	vst.idx.msk $0xffff, v2  }
0x173: {  	v27 =	vld [tilespmem:$0x40];
	_ =	sdelay $0x4  }
0x174: {  	v46 =	vadd.s32 v6, v27;
	_ =	sdelay $0x3  }
0x175: {  	[tilespmem:$0x19440] =	vst v27  }
0x176: {  	[tilespmem:v46+s22+$0x0] =	vst.idx.msk $0xffff, v2  }
0x177: {  	v27 =	vld [tilespmem:$0x50];
	_ =	sdelay $0x4  }
0x178: {  	v47 =	vadd.s32 v7, v27;
	_ =	sdelay $0x3  }
0x179: {  	[tilespmem:$0x19450] =	vst v27  }
0x17a: {  	[tilespmem:v47+s22+$0x0] =	vst.idx.msk $0xffff, v2  }
0x17b: {  	v27 =	vld [tilespmem:$0x60];
	_ =	sdelay $0x4  }
0x17c: {  	v48 =	vadd.s32 v8, v27;
	_ =	sdelay $0x3  }
0x17d: {  	[tilespmem:$0x19460] =	vst v27  }
0x17e: {  	[tilespmem:v48+s22+$0x0] =	vst.idx.msk $0xffff, v2  }
0x17f: {  	v27 =	vld [tilespmem:$0x70];
	_ =	sdelay $0x4  }
0x180: {  	v49 =	vadd.s32 v9, v27;
	_ =	sdelay $0x3  }
0x181: {  	[tilespmem:$0x19470] =	vst v27  }
0x182: {  	[tilespmem:v49+s22+$0x0] =	vst.idx.msk $0xffff, v2  }
0x183: {  	v27 =	vld [tilespmem:$0x80];
	_ =	sdelay $0x4  }
0x184: {  	v50 =	vadd.s32 v10, v27;
	_ =	sdelay $0x3  }
0x185: {  	[tilespmem:$0x19480] =	vst v27  }
0x186: {  	[tilespmem:v50+s22+$0x0] =	vst.idx.msk $0xffff, v2  }
0x187: {  	v27 =	vld [tilespmem:$0x90];
	_ =	sdelay $0x4  }
0x188: {  	v51 =	vadd.s32 v11, v27;
	_ =	sdelay $0x3  }
0x189: {  	[tilespmem:$0x19490] =	vst v27  }
0x18a: {  	[tilespmem:v51+s22+$0x0] =	vst.idx.msk $0xffff, v2  }
0x18b: {  	v27 =	vld [tilespmem:$0xA0];
	_ =	sdelay $0x4  }
0x18c: {  	v52 =	vadd.s32 v12, v27;
	_ =	sdelay $0x3  }
0x18d: {  	[tilespmem:$0x194A0] =	vst v27  }
0x18e: {  	[tilespmem:v52+s22+$0x0] =	vst.idx.msk $0xffff, v2  }
0x18f: {  	v27 =	vld [tilespmem:$0xB0];
	_ =	sdelay $0x4  }
0x190: {  	v53 =	vadd.s32 v13, v27;
	_ =	sdelay $0x3  }
0x191: {  	[tilespmem:$0x194B0] =	vst v27  }
0x192: {  	[tilespmem:v53+s22+$0x0] =	vst.idx.msk $0xffff, v2  }
0x193: {  	v27 =	vld [tilespmem:$0xC0];
	_ =	sdelay $0x4  }
0x194: {  	v54 =	vadd.s32 v14, v27;
	_ =	sdelay $0x3  }
0x195: {  	[tilespmem:$0x194C0] =	vst v27  }
0x196: {  	[tilespmem:v54+s22+$0x0] =	vst.idx.msk $0xffff, v2  }
0x197: {  	v27 =	vld [tilespmem:$0xD0];
	_ =	sdelay $0x4  }
0x198: {  	v55 =	vadd.s32 v15, v27;
	_ =	sdelay $0x3  }
0x199: {  	[tilespmem:$0x194D0] =	vst v27  }
0x19a: {  	[tilespmem:v55+s22+$0x0] =	vst.idx.msk $0xffff, v2  }
0x19b: {  	v27 =	vld [tilespmem:$0xE0];
	_ =	sdelay $0x4  }
0x19c: {  	v56 =	vadd.s32 v16, v27;
	_ =	sdelay $0x3  }
0x19d: {  	[tilespmem:$0x194E0] =	vst v27  }
0x19e: {  	[tilespmem:v56+s22+$0x0] =	vst.idx.msk $0xffff, v2  }
0x19f: {  	v27 =	vld [tilespmem:$0xF0];
	_ =	sdelay $0x4  }
0x1a0: {  	v57 =	vadd.s32 v17, v27;
	_ =	sdelay $0x3  }
0x1a1: {  	[tilespmem:$0x194F0] =	vst v27  }
0x1a2: {  	[tilespmem:v57+s22+$0x0] =	vst.idx.msk $0xffff, v2  }
0x1a3: {  	v27 =	vld [tilespmem:$0x100];
	_ =	sdelay $0x4  }
0x1a4: {  	v58 =	vadd.s32 v18, v27;
	_ =	sdelay $0x3  }
0x1a5: {  	[tilespmem:$0x19500] =	vst v27  }
0x1a6: {  	[tilespmem:v58+s22+$0x0] =	vst.idx.msk $0xffff, v2  }
0x1a7: {  	v27 =	vld [tilespmem:$0x110];
	_ =	sdelay $0x4  }
0x1a8: {  	v59 =	vadd.s32 v19, v27;
	_ =	sdelay $0x3  }
0x1a9: {  	[tilespmem:$0x19510] =	vst v27  }
0x1aa: {  	[tilespmem:v59+s22+$0x0] =	vst.idx.msk $0xffff, v2  }
0x1ab: {  	v27 =	vld [tilespmem:$0x120];
	_ =	sdelay $0x4  }
0x1ac: {  	v60 =	vadd.s32 v20, v27;
	_ =	sdelay $0x3  }
0x1ad: {  	[tilespmem:$0x19520] =	vst v27  }
0x1ae: {  	[tilespmem:v60+s22+$0x0] =	vst.idx.msk $0xffff, v2  }
0x1af: {  	v27 =	vld [tilespmem:$0x130];
	_ =	sdelay $0x4  }
0x1b0: {  	v61 =	vadd.s32 v21, v27;
	_ =	sdelay $0x3  }
0x1b1: {  	[tilespmem:$0x19530] =	vst v27  }
0x1b2: {  	[tilespmem:v61+s22+$0x0] =	vst.idx.msk $0xffff, v2  }
0x1b3: {  	v27 =	vld [tilespmem:$0x140];
	_ =	sdelay $0x4  }
0x1b4: {  	v62 =	vadd.s32 v22, v27;
	_ =	sdelay $0x3  }
0x1b5: {  	[tilespmem:$0x19540] =	vst v27  }
0x1b6: {  	[tilespmem:v62+s22+$0x0] =	vst.idx.msk $0xffff, v2  }
0x1b7: {  	v27 =	vld [tilespmem:$0x150];
	_ =	sdelay $0x4  }
0x1b8: {  	v63 =	vadd.s32 v23, v27;
	_ =	sdelay $0x3  }
0x1b9: {  	[tilespmem:$0x19550] =	vst v27  }
0x1ba: {  	[tilespmem:v63+s22+$0x0] =	vst.idx.msk $0xffff, v2  }
0x1bb: {  	v27 =	vld [tilespmem:$0x160];
	_ =	sdelay $0x4  }
0x1bc: {  	v32 =	vadd.s32 v24, v27;
	_ =	sdelay $0x3  }
0x1bd: {  	[tilespmem:$0x19560] =	vst v27  }
0x1be: {  	[tilespmem:v32+s22+$0x0] =	vst.idx.msk $0xffff, v2  }
0x1bf: {  	v27 =	vld [tilespmem:$0x170];
	_ =	sdelay $0x4  }
0x1c0: {  	v33 =	vadd.s32 v25, v27;
	_ =	sdelay $0x3  }
0x1c1: {  	[tilespmem:$0x19570] =	vst v27  }
0x1c2: {  	[tilespmem:v33+s22+$0x0] =	vst.idx.msk $0xffff, v2  }
0x1c3: {  	v27 =	vld [tilespmem:$0x180];
	_ =	sdelay $0x4  }
0x1c4: {  	v34 =	vadd.s32 v26, v27;
	_ =	sdelay $0x3  }
0x1c5: {  	[tilespmem:$0x19580] =	vst v27  }
0x1c6: {  	[tilespmem:v34+s22+$0x0] =	vst.idx.msk $0xffff, v2  }
0x1c7: {  	[tilespmem:s2], [sflag:$0x3] =	stream.linear.gather [hbm4b:s9+s2], $0x190, $0x38;
	[tilespmem:$0x19800] =	vst v63  }
0x1c8: {  	_ = 	snop  }
0x1c9: {  	[hbm4b:s10+s2] =	stream.linear.scatter [tilespmem:s22], [sflag:$0x1], $0xC800, $0x38;
	[tilespmem:$0x19800] =	vst v63  }
0x1ca: {  	_ =	swait.ge [sflag:s26], $0xC800  }
0x1cb: {  	[sflag:s26] =	ssyncset.done $0x0  }
0x1cc: {  	[sflag:s26] =	ssyncadd.s32 $0xFFFF3800  }
0x1cd: {  	v27 =	vld [tilespmem:$0x19600];
	_ =	sdelay $0x4  }
0x1ce: {  	v27 =	vadd.s32 v0, v27;
	_ =	sdelay $0x4  }
0x1cf: {  	[tilespmem:v27+s24+$0x0] =	vst.idx.msk $0xffff, v1  }
0x1d0: {  	v27 =	vld [tilespmem:$0x19610];
	_ =	sdelay $0x4  }
0x1d1: {  	v27 =	vadd.s32 v3, v27;
	_ =	sdelay $0x4  }
0x1d2: {  	[tilespmem:v27+s24+$0x0] =	vst.idx.msk $0xffff, v1  }
0x1d3: {  	v27 =	vld [tilespmem:$0x19620];
	_ =	sdelay $0x4  }
0x1d4: {  	v27 =	vadd.s32 v4, v27;
	_ =	sdelay $0x4  }
0x1d5: {  	[tilespmem:v27+s24+$0x0] =	vst.idx.msk $0xffff, v1  }
0x1d6: {  	v27 =	vld [tilespmem:$0x19630];
	_ =	sdelay $0x4  }
0x1d7: {  	v27 =	vadd.s32 v5, v27;
	_ =	sdelay $0x4  }
0x1d8: {  	[tilespmem:v27+s24+$0x0] =	vst.idx.msk $0xffff, v1  }
0x1d9: {  	v27 =	vld [tilespmem:$0x19640];
	_ =	sdelay $0x4  }
0x1da: {  	v27 =	vadd.s32 v6, v27;
	_ =	sdelay $0x4  }
0x1db: {  	[tilespmem:v27+s24+$0x0] =	vst.idx.msk $0xffff, v1  }
0x1dc: {  	v27 =	vld [tilespmem:$0x19650];
	_ =	sdelay $0x4  }
0x1dd: {  	v27 =	vadd.s32 v7, v27;
	_ =	sdelay $0x4  }
0x1de: {  	[tilespmem:v27+s24+$0x0] =	vst.idx.msk $0xffff, v1  }
0x1df: {  	v27 =	vld [tilespmem:$0x19660];
	_ =	sdelay $0x4  }
0x1e0: {  	v27 =	vadd.s32 v8, v27;
	_ =	sdelay $0x4  }
0x1e1: {  	[tilespmem:v27+s24+$0x0] =	vst.idx.msk $0xffff, v1  }
0x1e2: {  	v27 =	vld [tilespmem:$0x19670];
	_ =	sdelay $0x4  }
0x1e3: {  	v27 =	vadd.s32 v9, v27;
	_ =	sdelay $0x4  }
0x1e4: {  	[tilespmem:v27+s24+$0x0] =	vst.idx.msk $0xffff, v1  }
0x1e5: {  	v27 =	vld [tilespmem:$0x19680];
	_ =	sdelay $0x4  }
0x1e6: {  	v27 =	vadd.s32 v10, v27;
	_ =	sdelay $0x4  }
0x1e7: {  	[tilespmem:v27+s24+$0x0] =	vst.idx.msk $0xffff, v1  }
0x1e8: {  	v27 =	vld [tilespmem:$0x19690];
	_ =	sdelay $0x4  }
0x1e9: {  	v27 =	vadd.s32 v11, v27;
	_ =	sdelay $0x4  }
0x1ea: {  	[tilespmem:v27+s24+$0x0] =	vst.idx.msk $0xffff, v1  }
0x1eb: {  	v27 =	vld [tilespmem:$0x196A0];
	_ =	sdelay $0x4  }
0x1ec: {  	v27 =	vadd.s32 v12, v27;
	_ =	sdelay $0x4  }
0x1ed: {  	[tilespmem:v27+s24+$0x0] =	vst.idx.msk $0xffff, v1  }
0x1ee: {  	v27 =	vld [tilespmem:$0x196B0];
	_ =	sdelay $0x4  }
0x1ef: {  	v27 =	vadd.s32 v13, v27;
	_ =	sdelay $0x4  }
0x1f0: {  	[tilespmem:v27+s24+$0x0] =	vst.idx.msk $0xffff, v1  }
0x1f1: {  	v27 =	vld [tilespmem:$0x196C0];
	_ =	sdelay $0x4  }
0x1f2: {  	v27 =	vadd.s32 v14, v27;
	_ =	sdelay $0x4  }
0x1f3: {  	[tilespmem:v27+s24+$0x0] =	vst.idx.msk $0xffff, v1  }
0x1f4: {  	v27 =	vld [tilespmem:$0x196D0];
	_ =	sdelay $0x4  }
0x1f5: {  	v27 =	vadd.s32 v15, v27;
	_ =	sdelay $0x4  }
0x1f6: {  	[tilespmem:v27+s24+$0x0] =	vst.idx.msk $0xffff, v1  }
0x1f7: {  	v27 =	vld [tilespmem:$0x196E0];
	_ =	sdelay $0x4  }
0x1f8: {  	v27 =	vadd.s32 v16, v27;
	_ =	sdelay $0x4  }
0x1f9: {  	[tilespmem:v27+s24+$0x0] =	vst.idx.msk $0xffff, v1  }
0x1fa: {  	v27 =	vld [tilespmem:$0x196F0];
	_ =	sdelay $0x4  }
0x1fb: {  	v27 =	vadd.s32 v17, v27;
	_ =	sdelay $0x4  }
0x1fc: {  	[tilespmem:v27+s24+$0x0] =	vst.idx.msk $0xffff, v1  }
0x1fd: {  	v27 =	vld [tilespmem:$0x19700];
	_ =	sdelay $0x4  }
0x1fe: {  	v27 =	vadd.s32 v18, v27;
	_ =	sdelay $0x4  }
0x1ff: {  	[tilespmem:v27+s24+$0x0] =	vst.idx.msk $0xffff, v1  }
0x200: {  	v27 =	vld [tilespmem:$0x19710];
	_ =	sdelay $0x4  }
0x201: {  	v27 =	vadd.s32 v19, v27;
	_ =	sdelay $0x4  }
0x202: {  	[tilespmem:v27+s24+$0x0] =	vst.idx.msk $0xffff, v1  }
0x203: {  	v27 =	vld [tilespmem:$0x19720];
	_ =	sdelay $0x4  }
0x204: {  	v27 =	vadd.s32 v20, v27;
	_ =	sdelay $0x4  }
0x205: {  	[tilespmem:v27+s24+$0x0] =	vst.idx.msk $0xffff, v1  }
0x206: {  	v27 =	vld [tilespmem:$0x19730];
	_ =	sdelay $0x4  }
0x207: {  	v27 =	vadd.s32 v21, v27;
	_ =	sdelay $0x4  }
0x208: {  	[tilespmem:v27+s24+$0x0] =	vst.idx.msk $0xffff, v1  }
0x209: {  	v27 =	vld [tilespmem:$0x19740];
	_ =	sdelay $0x4  }
0x20a: {  	v27 =	vadd.s32 v22, v27;
	_ =	sdelay $0x4  }
0x20b: {  	[tilespmem:v27+s24+$0x0] =	vst.idx.msk $0xffff, v1  }
0x20c: {  	v27 =	vld [tilespmem:$0x19750];
	_ =	sdelay $0x4  }
0x20d: {  	v27 =	vadd.s32 v23, v27;
	_ =	sdelay $0x4  }
0x20e: {  	[tilespmem:v27+s24+$0x0] =	vst.idx.msk $0xffff, v1  }
0x20f: {  	v27 =	vld [tilespmem:$0x19760];
	_ =	sdelay $0x4  }
0x210: {  	v27 =	vadd.s32 v24, v27;
	_ =	sdelay $0x4  }
0x211: {  	[tilespmem:v27+s24+$0x0] =	vst.idx.msk $0xffff, v1  }
0x212: {  	v27 =	vld [tilespmem:$0x19770];
	_ =	sdelay $0x4  }
0x213: {  	v27 =	vadd.s32 v25, v27;
	_ =	sdelay $0x4  }
0x214: {  	[tilespmem:v27+s24+$0x0] =	vst.idx.msk $0xffff, v1  }
0x215: {  	v27 =	vld [tilespmem:$0x19780];
	_ =	sdelay $0x4  }
0x216: {  	v27 =	vadd.s32 v26, v27;
	_ =	sdelay $0x4  }
0x217: {  	[tilespmem:v27+s24+$0x0] =	vst.idx.msk $0xffff, v1  }
0x218: {  	_ =	swait.ge [sflag:s23], $0x190  }
0x219: {  	[sflag:s23] =	ssyncset.done $0x0  }
0x21a: {  	[sflag:s23] =	ssyncadd.s32 $0xFFFFFE70  }
0x21b: {  	v27 =	vld [tilespmem:$0x200];
	_ =	sdelay $0x4  }
0x21c: {  	v35 =	vadd.s32 v0, v27;
	_ =	sdelay $0x3  }
0x21d: {  	[tilespmem:$0x19600] =	vst v27  }
0x21e: {  	[tilespmem:v35+s24+$0x0] =	vst.idx.msk $0xffff, v2  }
0x21f: {  	v27 =	vld [tilespmem:$0x210];
	_ =	sdelay $0x4  }
0x220: {  	v36 =	vadd.s32 v3, v27;
	_ =	sdelay $0x3  }
0x221: {  	[tilespmem:$0x19610] =	vst v27  }
0x222: {  	[tilespmem:v36+s24+$0x0] =	vst.idx.msk $0xffff, v2  }
0x223: {  	v27 =	vld [tilespmem:$0x220];
	_ =	sdelay $0x4  }
0x224: {  	v37 =	vadd.s32 v4, v27;
	_ =	sdelay $0x3  }
0x225: {  	[tilespmem:$0x19620] =	vst v27  }
0x226: {  	[tilespmem:v37+s24+$0x0] =	vst.idx.msk $0xffff, v2  }
0x227: {  	v27 =	vld [tilespmem:$0x230];
	_ =	sdelay $0x4  }
0x228: {  	v38 =	vadd.s32 v5, v27;
	_ =	sdelay $0x3  }
0x229: {  	[tilespmem:$0x19630] =	vst v27  }
0x22a: {  	[tilespmem:v38+s24+$0x0] =	vst.idx.msk $0xffff, v2  }
0x22b: {  	v27 =	vld [tilespmem:$0x240];
	_ =	sdelay $0x4  }
0x22c: {  	v39 =	vadd.s32 v6, v27;
	_ =	sdelay $0x3  }
0x22d: {  	[tilespmem:$0x19640] =	vst v27  }
0x22e: {  	[tilespmem:v39+s24+$0x0] =	vst.idx.msk $0xffff, v2  }
0x22f: {  	v27 =	vld [tilespmem:$0x250];
	_ =	sdelay $0x4  }
0x230: {  	v40 =	vadd.s32 v7, v27;
	_ =	sdelay $0x3  }
0x231: {  	[tilespmem:$0x19650] =	vst v27  }
0x232: {  	[tilespmem:v40+s24+$0x0] =	vst.idx.msk $0xffff, v2  }
0x233: {  	v27 =	vld [tilespmem:$0x260];
	_ =	sdelay $0x4  }
0x234: {  	v41 =	vadd.s32 v8, v27;
	_ =	sdelay $0x3  }
0x235: {  	[tilespmem:$0x19660] =	vst v27  }
0x236: {  	[tilespmem:v41+s24+$0x0] =	vst.idx.msk $0xffff, v2  }
0x237: {  	v27 =	vld [tilespmem:$0x270];
	_ =	sdelay $0x4  }
0x238: {  	v42 =	vadd.s32 v9, v27;
	_ =	sdelay $0x3  }
0x239: {  	[tilespmem:$0x19670] =	vst v27  }
0x23a: {  	[tilespmem:v42+s24+$0x0] =	vst.idx.msk $0xffff, v2  }
0x23b: {  	v27 =	vld [tilespmem:$0x280];
	_ =	sdelay $0x4  }
0x23c: {  	v43 =	vadd.s32 v10, v27;
	_ =	sdelay $0x3  }
0x23d: {  	[tilespmem:$0x19680] =	vst v27  }
0x23e: {  	[tilespmem:v43+s24+$0x0] =	vst.idx.msk $0xffff, v2  }
0x23f: {  	v27 =	vld [tilespmem:$0x290];
	_ =	sdelay $0x4  }
0x240: {  	v44 =	vadd.s32 v11, v27;
	_ =	sdelay $0x3  }
0x241: {  	[tilespmem:$0x19690] =	vst v27  }
0x242: {  	[tilespmem:v44+s24+$0x0] =	vst.idx.msk $0xffff, v2  }
0x243: {  	v27 =	vld [tilespmem:$0x2A0];
	_ =	sdelay $0x4  }
0x244: {  	v45 =	vadd.s32 v12, v27;
	_ =	sdelay $0x3  }
0x245: {  	[tilespmem:$0x196A0] =	vst v27  }
0x246: {  	[tilespmem:v45+s24+$0x0] =	vst.idx.msk $0xffff, v2  }
0x247: {  	v27 =	vld [tilespmem:$0x2B0];
	_ =	sdelay $0x4  }
0x248: {  	v46 =	vadd.s32 v13, v27;
	_ =	sdelay $0x3  }
0x249: {  	[tilespmem:$0x196B0] =	vst v27  }
0x24a: {  	[tilespmem:v46+s24+$0x0] =	vst.idx.msk $0xffff, v2  }
0x24b: {  	v27 =	vld [tilespmem:$0x2C0];
	_ =	sdelay $0x4  }
0x24c: {  	v47 =	vadd.s32 v14, v27;
	_ =	sdelay $0x3  }
0x24d: {  	[tilespmem:$0x196C0] =	vst v27  }
0x24e: {  	[tilespmem:v47+s24+$0x0] =	vst.idx.msk $0xffff, v2  }
0x24f: {  	v27 =	vld [tilespmem:$0x2D0];
	_ =	sdelay $0x4  }
0x250: {  	v48 =	vadd.s32 v15, v27;
	_ =	sdelay $0x3  }
0x251: {  	[tilespmem:$0x196D0] =	vst v27  }
0x252: {  	[tilespmem:v48+s24+$0x0] =	vst.idx.msk $0xffff, v2  }
0x253: {  	v27 =	vld [tilespmem:$0x2E0];
	_ =	sdelay $0x4  }
0x254: {  	v49 =	vadd.s32 v16, v27;
	_ =	sdelay $0x3  }
0x255: {  	[tilespmem:$0x196E0] =	vst v27  }
0x256: {  	[tilespmem:v49+s24+$0x0] =	vst.idx.msk $0xffff, v2  }
0x257: {  	v27 =	vld [tilespmem:$0x2F0];
	_ =	sdelay $0x4  }
0x258: {  	v50 =	vadd.s32 v17, v27;
	_ =	sdelay $0x3  }
0x259: {  	[tilespmem:$0x196F0] =	vst v27  }
0x25a: {  	[tilespmem:v50+s24+$0x0] =	vst.idx.msk $0xffff, v2  }
0x25b: {  	v27 =	vld [tilespmem:$0x300];
	_ =	sdelay $0x4  }
0x25c: {  	v51 =	vadd.s32 v18, v27;
	_ =	sdelay $0x3  }
0x25d: {  	[tilespmem:$0x19700] =	vst v27  }
0x25e: {  	[tilespmem:v51+s24+$0x0] =	vst.idx.msk $0xffff, v2  }
0x25f: {  	v27 =	vld [tilespmem:$0x310];
	_ =	sdelay $0x4  }
0x260: {  	v52 =	vadd.s32 v19, v27;
	_ =	sdelay $0x3  }
0x261: {  	[tilespmem:$0x19710] =	vst v27  }
0x262: {  	[tilespmem:v52+s24+$0x0] =	vst.idx.msk $0xffff, v2  }
0x263: {  	v27 =	vld [tilespmem:$0x320];
	_ =	sdelay $0x4  }
0x264: {  	v53 =	vadd.s32 v20, v27;
	_ =	sdelay $0x3  }
0x265: {  	[tilespmem:$0x19720] =	vst v27  }
0x266: {  	[tilespmem:v53+s24+$0x0] =	vst.idx.msk $0xffff, v2  }
0x267: {  	v27 =	vld [tilespmem:$0x330];
	_ =	sdelay $0x4  }
0x268: {  	v54 =	vadd.s32 v21, v27;
	_ =	sdelay $0x3  }
0x269: {  	[tilespmem:$0x19730] =	vst v27  }
0x26a: {  	[tilespmem:v54+s24+$0x0] =	vst.idx.msk $0xffff, v2  }
0x26b: {  	v27 =	vld [tilespmem:$0x340];
	_ =	sdelay $0x4  }
0x26c: {  	v55 =	vadd.s32 v22, v27;
	_ =	sdelay $0x3  }
0x26d: {  	[tilespmem:$0x19740] =	vst v27  }
0x26e: {  	[tilespmem:v55+s24+$0x0] =	vst.idx.msk $0xffff, v2  }
0x26f: {  	v27 =	vld [tilespmem:$0x350];
	_ =	sdelay $0x4  }
0x270: {  	v56 =	vadd.s32 v23, v27;
	_ =	sdelay $0x3  }
0x271: {  	[tilespmem:$0x19750] =	vst v27  }
0x272: {  	[tilespmem:v56+s24+$0x0] =	vst.idx.msk $0xffff, v2  }
0x273: {  	v27 =	vld [tilespmem:$0x360];
	_ =	sdelay $0x4  }
0x274: {  	v57 =	vadd.s32 v24, v27;
	_ =	sdelay $0x3  }
0x275: {  	[tilespmem:$0x19760] =	vst v27  }
0x276: {  	[tilespmem:v57+s24+$0x0] =	vst.idx.msk $0xffff, v2  }
0x277: {  	v27 =	vld [tilespmem:$0x370];
	_ =	sdelay $0x4  }
0x278: {  	v58 =	vadd.s32 v25, v27;
	_ =	sdelay $0x3  }
0x279: {  	[tilespmem:$0x19770] =	vst v27  }
0x27a: {  	[tilespmem:v58+s24+$0x0] =	vst.idx.msk $0xffff, v2  }
0x27b: {  	v27 =	vld [tilespmem:$0x380];
	_ =	sdelay $0x4  }
0x27c: {  	v59 =	vadd.s32 v26, v27;
	_ =	sdelay $0x3  }
0x27d: {  	[tilespmem:$0x19780] =	vst v27  }
0x27e: {  	[tilespmem:v59+s24+$0x0] =	vst.idx.msk $0xffff, v2  }
0x27f: {  	[tilespmem:s20], [sflag:$0x4] =	stream.linear.gather [hbm4b:s11+s2], $0x190, $0x38;
	[tilespmem:$0x19800] =	vst v63  }
0x280: {  	_ = 	snop  }
0x281: {  	[hbm4b:s12+s2] =	stream.linear.scatter [tilespmem:s24], [sflag:$0x2], $0xC800, $0x38;
	[tilespmem:$0x19800] =	vst v63  }
0x282: {  	_ =	swait.ge [sflag:s25], $0xC800  }
0x283: {  	[sflag:s25] =	ssyncset.done $0x0  }
0x284: {  	[sflag:s25] =	ssyncadd.s32 $0xFFFF3800  }
0x285: {  	v27 =	vld [tilespmem:$0x19400];
	_ =	sdelay $0x4  }
0x286: {  	v27 =	vadd.s32 v0, v27;
	_ =	sdelay $0x4  }
0x287: {  	[tilespmem:v27+s22+$0x0] =	vst.idx.msk $0xffff, v1  }
0x288: {  	v27 =	vld [tilespmem:$0x19410];
	_ =	sdelay $0x4  }
0x289: {  	v27 =	vadd.s32 v3, v27;
	_ =	sdelay $0x4  }
0x28a: {  	[tilespmem:v27+s22+$0x0] =	vst.idx.msk $0xffff, v1  }
0x28b: {  	v27 =	vld [tilespmem:$0x19420];
	_ =	sdelay $0x4  }
0x28c: {  	v27 =	vadd.s32 v4, v27;
	_ =	sdelay $0x4  }
0x28d: {  	[tilespmem:v27+s22+$0x0] =	vst.idx.msk $0xffff, v1  }
0x28e: {  	v27 =	vld [tilespmem:$0x19430];
	_ =	sdelay $0x4  }
0x28f: {  	v27 =	vadd.s32 v5, v27;
	_ =	sdelay $0x4  }
0x290: {  	[tilespmem:v27+s22+$0x0] =	vst.idx.msk $0xffff, v1  }
0x291: {  	v27 =	vld [tilespmem:$0x19440];
	_ =	sdelay $0x4  }
0x292: {  	v27 =	vadd.s32 v6, v27;
	_ =	sdelay $0x4  }
0x293: {  	[tilespmem:v27+s22+$0x0] =	vst.idx.msk $0xffff, v1  }
0x294: {  	v27 =	vld [tilespmem:$0x19450];
	_ =	sdelay $0x4  }
0x295: {  	v27 =	vadd.s32 v7, v27;
	_ =	sdelay $0x4  }
0x296: {  	[tilespmem:v27+s22+$0x0] =	vst.idx.msk $0xffff, v1  }
0x297: {  	v27 =	vld [tilespmem:$0x19460];
	_ =	sdelay $0x4  }
0x298: {  	v27 =	vadd.s32 v8, v27;
	_ =	sdelay $0x4  }
0x299: {  	[tilespmem:v27+s22+$0x0] =	vst.idx.msk $0xffff, v1  }
0x29a: {  	v27 =	vld [tilespmem:$0x19470];
	_ =	sdelay $0x4  }
0x29b: {  	v27 =	vadd.s32 v9, v27;
	_ =	sdelay $0x4  }
0x29c: {  	[tilespmem:v27+s22+$0x0] =	vst.idx.msk $0xffff, v1  }
0x29d: {  	v27 =	vld [tilespmem:$0x19480];
	_ =	sdelay $0x4  }
0x29e: {  	v27 =	vadd.s32 v10, v27;
	_ =	sdelay $0x4  }
0x29f: {  	[tilespmem:v27+s22+$0x0] =	vst.idx.msk $0xffff, v1  }
0x2a0: {  	v27 =	vld [tilespmem:$0x19490];
	_ =	sdelay $0x4  }
0x2a1: {  	v27 =	vadd.s32 v11, v27;
	_ =	sdelay $0x4  }
0x2a2: {  	[tilespmem:v27+s22+$0x0] =	vst.idx.msk $0xffff, v1  }
0x2a3: {  	v27 =	vld [tilespmem:$0x194A0];
	_ =	sdelay $0x4  }
0x2a4: {  	v27 =	vadd.s32 v12, v27;
	_ =	sdelay $0x4  }
0x2a5: {  	[tilespmem:v27+s22+$0x0] =	vst.idx.msk $0xffff, v1  }
0x2a6: {  	v27 =	vld [tilespmem:$0x194B0];
	_ =	sdelay $0x4  }
0x2a7: {  	v27 =	vadd.s32 v13, v27;
	_ =	sdelay $0x4  }
0x2a8: {  	[tilespmem:v27+s22+$0x0] =	vst.idx.msk $0xffff, v1  }
0x2a9: {  	v27 =	vld [tilespmem:$0x194C0];
	_ =	sdelay $0x4  }
0x2aa: {  	v27 =	vadd.s32 v14, v27;
	_ =	sdelay $0x4  }
0x2ab: {  	[tilespmem:v27+s22+$0x0] =	vst.idx.msk $0xffff, v1  }
0x2ac: {  	v27 =	vld [tilespmem:$0x194D0];
	_ =	sdelay $0x4  }
0x2ad: {  	v27 =	vadd.s32 v15, v27;
	_ =	sdelay $0x4  }
0x2ae: {  	[tilespmem:v27+s22+$0x0] =	vst.idx.msk $0xffff, v1  }
0x2af: {  	v27 =	vld [tilespmem:$0x194E0];
	_ =	sdelay $0x4  }
0x2b0: {  	v27 =	vadd.s32 v16, v27;
	_ =	sdelay $0x4  }
0x2b1: {  	[tilespmem:v27+s22+$0x0] =	vst.idx.msk $0xffff, v1  }
0x2b2: {  	v27 =	vld [tilespmem:$0x194F0];
	_ =	sdelay $0x4  }
0x2b3: {  	v27 =	vadd.s32 v17, v27;
	_ =	sdelay $0x4  }
0x2b4: {  	[tilespmem:v27+s22+$0x0] =	vst.idx.msk $0xffff, v1  }
0x2b5: {  	v27 =	vld [tilespmem:$0x19500];
	_ =	sdelay $0x4  }
0x2b6: {  	v27 =	vadd.s32 v18, v27;
	_ =	sdelay $0x4  }
0x2b7: {  	[tilespmem:v27+s22+$0x0] =	vst.idx.msk $0xffff, v1  }
0x2b8: {  	v27 =	vld [tilespmem:$0x19510];
	_ =	sdelay $0x4  }
0x2b9: {  	v27 =	vadd.s32 v19, v27;
	_ =	sdelay $0x4  }
0x2ba: {  	[tilespmem:v27+s22+$0x0] =	vst.idx.msk $0xffff, v1  }
0x2bb: {  	v27 =	vld [tilespmem:$0x19520];
	_ =	sdelay $0x4  }
0x2bc: {  	v27 =	vadd.s32 v20, v27;
	_ =	sdelay $0x4  }
0x2bd: {  	[tilespmem:v27+s22+$0x0] =	vst.idx.msk $0xffff, v1  }
0x2be: {  	v27 =	vld [tilespmem:$0x19530];
	_ =	sdelay $0x4  }
0x2bf: {  	v27 =	vadd.s32 v21, v27;
	_ =	sdelay $0x4  }
0x2c0: {  	[tilespmem:v27+s22+$0x0] =	vst.idx.msk $0xffff, v1  }
0x2c1: {  	v27 =	vld [tilespmem:$0x19540];
	_ =	sdelay $0x4  }
0x2c2: {  	v27 =	vadd.s32 v22, v27;
	_ =	sdelay $0x4  }
0x2c3: {  	[tilespmem:v27+s22+$0x0] =	vst.idx.msk $0xffff, v1  }
0x2c4: {  	v27 =	vld [tilespmem:$0x19550];
	_ =	sdelay $0x4  }
0x2c5: {  	v27 =	vadd.s32 v23, v27;
	_ =	sdelay $0x4  }
0x2c6: {  	[tilespmem:v27+s22+$0x0] =	vst.idx.msk $0xffff, v1  }
0x2c7: {  	v27 =	vld [tilespmem:$0x19560];
	_ =	sdelay $0x4  }
0x2c8: {  	v27 =	vadd.s32 v24, v27;
	_ =	sdelay $0x4  }
0x2c9: {  	[tilespmem:v27+s22+$0x0] =	vst.idx.msk $0xffff, v1  }
0x2ca: {  	v27 =	vld [tilespmem:$0x19570];
	_ =	sdelay $0x4  }
0x2cb: {  	v27 =	vadd.s32 v25, v27;
	_ =	sdelay $0x4  }
0x2cc: {  	[tilespmem:v27+s22+$0x0] =	vst.idx.msk $0xffff, v1  }
0x2cd: {  	v27 =	vld [tilespmem:$0x19580];
	_ =	sdelay $0x4  }
0x2ce: {  	v27 =	vadd.s32 v26, v27;
	_ =	sdelay $0x4  }
0x2cf: {  	[tilespmem:v27+s22+$0x0] =	vst.idx.msk $0xffff, v1  }
0x2d0: {  	_ =	swait.ge [sflag:s21], $0x190  }
0x2d1: {  	[sflag:s21] =	ssyncset.done $0x0  }
0x2d2: {  	[sflag:s21] =	ssyncadd.s32 $0xFFFFFE70  }
0x2d3: {  	v27 =	vld [tilespmem:$0x0];
	_ =	sdelay $0x4  }
0x2d4: {  	v60 =	vadd.s32 v0, v27;
	_ =	sdelay $0x3  }
0x2d5: {  	[tilespmem:$0x19400] =	vst v27  }
0x2d6: {  	[tilespmem:v60+s22+$0x0] =	vst.idx.msk $0xffff, v2  }
0x2d7: {  	v27 =	vld [tilespmem:$0x10];
	_ =	sdelay $0x4  }
0x2d8: {  	v61 =	vadd.s32 v3, v27;
	_ =	sdelay $0x3  }
0x2d9: {  	[tilespmem:$0x19410] =	vst v27  }
0x2da: {  	[tilespmem:v61+s22+$0x0] =	vst.idx.msk $0xffff, v2  }
0x2db: {  	v27 =	vld [tilespmem:$0x20];
	_ =	sdelay $0x4  }
0x2dc: {  	v62 =	vadd.s32 v4, v27;
	_ =	sdelay $0x3  }
0x2dd: {  	[tilespmem:$0x19420] =	vst v27  }
0x2de: {  	[tilespmem:v62+s22+$0x0] =	vst.idx.msk $0xffff, v2  }
0x2df: {  	v27 =	vld [tilespmem:$0x30];
	_ =	sdelay $0x4  }
0x2e0: {  	v63 =	vadd.s32 v5, v27;
	_ =	sdelay $0x3  }
0x2e1: {  	[tilespmem:$0x19430] =	vst v27  }
0x2e2: {  	[tilespmem:v63+s22+$0x0] =	vst.idx.msk $0xffff, v2  }
0x2e3: {  	v27 =	vld [tilespmem:$0x40];
	_ =	sdelay $0x4  }
0x2e4: {  	v32 =	vadd.s32 v6, v27;
	_ =	sdelay $0x3  }
0x2e5: {  	[tilespmem:$0x19440] =	vst v27  }
0x2e6: {  	[tilespmem:v32+s22+$0x0] =	vst.idx.msk $0xffff, v2  }
0x2e7: {  	v27 =	vld [tilespmem:$0x50];
	_ =	sdelay $0x4  }
0x2e8: {  	v33 =	vadd.s32 v7, v27;
	_ =	sdelay $0x3  }
0x2e9: {  	[tilespmem:$0x19450] =	vst v27  }
0x2ea: {  	[tilespmem:v33+s22+$0x0] =	vst.idx.msk $0xffff, v2  }
0x2eb: {  	v27 =	vld [tilespmem:$0x60];
	_ =	sdelay $0x4  }
0x2ec: {  	v34 =	vadd.s32 v8, v27;
	_ =	sdelay $0x3  }
0x2ed: {  	[tilespmem:$0x19460] =	vst v27  }
0x2ee: {  	[tilespmem:v34+s22+$0x0] =	vst.idx.msk $0xffff, v2  }
0x2ef: {  	v27 =	vld [tilespmem:$0x70];
	_ =	sdelay $0x4  }
0x2f0: {  	v35 =	vadd.s32 v9, v27;
	_ =	sdelay $0x3  }
0x2f1: {  	[tilespmem:$0x19470] =	vst v27  }
0x2f2: {  	[tilespmem:v35+s22+$0x0] =	vst.idx.msk $0xffff, v2  }
0x2f3: {  	v27 =	vld [tilespmem:$0x80];
	_ =	sdelay $0x4  }
0x2f4: {  	v36 =	vadd.s32 v10, v27;
	_ =	sdelay $0x3  }
0x2f5: {  	[tilespmem:$0x19480] =	vst v27  }
0x2f6: {  	[tilespmem:v36+s22+$0x0] =	vst.idx.msk $0xffff, v2  }
0x2f7: {  	v27 =	vld [tilespmem:$0x90];
	_ =	sdelay $0x4  }
0x2f8: {  	v37 =	vadd.s32 v11, v27;
	_ =	sdelay $0x3  }
0x2f9: {  	[tilespmem:$0x19490] =	vst v27  }
0x2fa: {  	[tilespmem:v37+s22+$0x0] =	vst.idx.msk $0xffff, v2  }
0x2fb: {  	v27 =	vld [tilespmem:$0xA0];
	_ =	sdelay $0x4  }
0x2fc: {  	v38 =	vadd.s32 v12, v27;
	_ =	sdelay $0x3  }
0x2fd: {  	[tilespmem:$0x194A0] =	vst v27  }
0x2fe: {  	[tilespmem:v38+s22+$0x0] =	vst.idx.msk $0xffff, v2  }
0x2ff: {  	v27 =	vld [tilespmem:$0xB0];
	_ =	sdelay $0x4  }
0x300: {  	v39 =	vadd.s32 v13, v27;
	_ =	sdelay $0x3  }
0x301: {  	[tilespmem:$0x194B0] =	vst v27  }
0x302: {  	[tilespmem:v39+s22+$0x0] =	vst.idx.msk $0xffff, v2  }
0x303: {  	v27 =	vld [tilespmem:$0xC0];
	_ =	sdelay $0x4  }
0x304: {  	v40 =	vadd.s32 v14, v27;
	_ =	sdelay $0x3  }
0x305: {  	[tilespmem:$0x194C0] =	vst v27  }
0x306: {  	[tilespmem:v40+s22+$0x0] =	vst.idx.msk $0xffff, v2  }
0x307: {  	v27 =	vld [tilespmem:$0xD0];
	_ =	sdelay $0x4  }
0x308: {  	v41 =	vadd.s32 v15, v27;
	_ =	sdelay $0x3  }
0x309: {  	[tilespmem:$0x194D0] =	vst v27  }
0x30a: {  	[tilespmem:v41+s22+$0x0] =	vst.idx.msk $0xffff, v2  }
0x30b: {  	v27 =	vld [tilespmem:$0xE0];
	_ =	sdelay $0x4  }
0x30c: {  	v42 =	vadd.s32 v16, v27;
	_ =	sdelay $0x3  }
0x30d: {  	[tilespmem:$0x194E0] =	vst v27  }
0x30e: {  	[tilespmem:v42+s22+$0x0] =	vst.idx.msk $0xffff, v2  }
0x30f: {  	v27 =	vld [tilespmem:$0xF0];
	_ =	sdelay $0x4  }
0x310: {  	v43 =	vadd.s32 v17, v27;
	_ =	sdelay $0x3  }
0x311: {  	[tilespmem:$0x194F0] =	vst v27  }
0x312: {  	[tilespmem:v43+s22+$0x0] =	vst.idx.msk $0xffff, v2  }
0x313: {  	v27 =	vld [tilespmem:$0x100];
	_ =	sdelay $0x4  }
0x314: {  	v44 =	vadd.s32 v18, v27;
	_ =	sdelay $0x3  }
0x315: {  	[tilespmem:$0x19500] =	vst v27  }
0x316: {  	[tilespmem:v44+s22+$0x0] =	vst.idx.msk $0xffff, v2  }
0x317: {  	v27 =	vld [tilespmem:$0x110];
	_ =	sdelay $0x4  }
0x318: {  	v45 =	vadd.s32 v19, v27;
	_ =	sdelay $0x3  }
0x319: {  	[tilespmem:$0x19510] =	vst v27  }
0x31a: {  	[tilespmem:v45+s22+$0x0] =	vst.idx.msk $0xffff, v2  }
0x31b: {  	v27 =	vld [tilespmem:$0x120];
	_ =	sdelay $0x4  }
0x31c: {  	v46 =	vadd.s32 v20, v27;
	_ =	sdelay $0x3  }
0x31d: {  	[tilespmem:$0x19520] =	vst v27  }
0x31e: {  	[tilespmem:v46+s22+$0x0] =	vst.idx.msk $0xffff, v2  }
0x31f: {  	v27 =	vld [tilespmem:$0x130];
	_ =	sdelay $0x4  }
0x320: {  	v47 =	vadd.s32 v21, v27;
	_ =	sdelay $0x3  }
0x321: {  	[tilespmem:$0x19530] =	vst v27  }
0x322: {  	[tilespmem:v47+s22+$0x0] =	vst.idx.msk $0xffff, v2  }
0x323: {  	v27 =	vld [tilespmem:$0x140];
	_ =	sdelay $0x4  }
0x324: {  	v48 =	vadd.s32 v22, v27;
	_ =	sdelay $0x3  }
0x325: {  	[tilespmem:$0x19540] =	vst v27  }
0x326: {  	[tilespmem:v48+s22+$0x0] =	vst.idx.msk $0xffff, v2  }
0x327: {  	v27 =	vld [tilespmem:$0x150];
	_ =	sdelay $0x4  }
0x328: {  	v49 =	vadd.s32 v23, v27;
	_ =	sdelay $0x3  }
0x329: {  	[tilespmem:$0x19550] =	vst v27  }
0x32a: {  	[tilespmem:v49+s22+$0x0] =	vst.idx.msk $0xffff, v2  }
0x32b: {  	v27 =	vld [tilespmem:$0x160];
	_ =	sdelay $0x4  }
0x32c: {  	v50 =	vadd.s32 v24, v27;
	_ =	sdelay $0x3  }
0x32d: {  	[tilespmem:$0x19560] =	vst v27  }
0x32e: {  	[tilespmem:v50+s22+$0x0] =	vst.idx.msk $0xffff, v2  }
0x32f: {  	v27 =	vld [tilespmem:$0x170];
	_ =	sdelay $0x4  }
0x330: {  	v51 =	vadd.s32 v25, v27;
	_ =	sdelay $0x3  }
0x331: {  	[tilespmem:$0x19570] =	vst v27  }
0x332: {  	[tilespmem:v51+s22+$0x0] =	vst.idx.msk $0xffff, v2  }
0x333: {  	v27 =	vld [tilespmem:$0x180];
	_ =	sdelay $0x4  }
0x334: {  	v52 =	vadd.s32 v26, v27;
	_ =	sdelay $0x3  }
0x335: {  	[tilespmem:$0x19580] =	vst v27  }
0x336: {  	[tilespmem:v52+s22+$0x0] =	vst.idx.msk $0xffff, v2  }
0x337: {  	[tilespmem:s2], [sflag:$0x3] =	stream.linear.gather [hbm4b:s13+s2], $0x190, $0x38;
	[tilespmem:$0x19800] =	vst v63  }
0x338: {  	_ = 	snop  }
0x339: {  	[hbm4b:s14+s2] =	stream.linear.scatter [tilespmem:s22], [sflag:$0x1], $0xC800, $0x38;
	[tilespmem:$0x19800] =	vst v63  }
0x33a: {  	_ =	swait.ge [sflag:s26], $0xC800  }
0x33b: {  	[sflag:s26] =	ssyncset.done $0x0  }
0x33c: {  	[sflag:s26] =	ssyncadd.s32 $0xFFFF3800  }
0x33d: {  	v27 =	vld [tilespmem:$0x19600];
	_ =	sdelay $0x4  }
0x33e: {  	v27 =	vadd.s32 v0, v27;
	_ =	sdelay $0x4  }
0x33f: {  	[tilespmem:v27+s24+$0x0] =	vst.idx.msk $0xffff, v1  }
0x340: {  	v27 =	vld [tilespmem:$0x19610];
	_ =	sdelay $0x4  }
0x341: {  	v27 =	vadd.s32 v3, v27;
	_ =	sdelay $0x4  }
0x342: {  	[tilespmem:v27+s24+$0x0] =	vst.idx.msk $0xffff, v1  }
0x343: {  	v27 =	vld [tilespmem:$0x19620];
	_ =	sdelay $0x4  }
0x344: {  	v27 =	vadd.s32 v4, v27;
	_ =	sdelay $0x4  }
0x345: {  	[tilespmem:v27+s24+$0x0] =	vst.idx.msk $0xffff, v1  }
0x346: {  	v27 =	vld [tilespmem:$0x19630];
	_ =	sdelay $0x4  }
0x347: {  	v27 =	vadd.s32 v5, v27;
	_ =	sdelay $0x4  }
0x348: {  	[tilespmem:v27+s24+$0x0] =	vst.idx.msk $0xffff, v1  }
0x349: {  	v27 =	vld [tilespmem:$0x19640];
	_ =	sdelay $0x4  }
0x34a: {  	v27 =	vadd.s32 v6, v27;
	_ =	sdelay $0x4  }
0x34b: {  	[tilespmem:v27+s24+$0x0] =	vst.idx.msk $0xffff, v1  }
0x34c: {  	v27 =	vld [tilespmem:$0x19650];
	_ =	sdelay $0x4  }
0x34d: {  	v27 =	vadd.s32 v7, v27;
	_ =	sdelay $0x4  }
0x34e: {  	[tilespmem:v27+s24+$0x0] =	vst.idx.msk $0xffff, v1  }
0x34f: {  	v27 =	vld [tilespmem:$0x19660];
	_ =	sdelay $0x4  }
0x350: {  	v27 =	vadd.s32 v8, v27;
	_ =	sdelay $0x4  }
0x351: {  	[tilespmem:v27+s24+$0x0] =	vst.idx.msk $0xffff, v1  }
0x352: {  	v27 =	vld [tilespmem:$0x19670];
	_ =	sdelay $0x4  }
0x353: {  	v27 =	vadd.s32 v9, v27;
	_ =	sdelay $0x4  }
0x354: {  	[tilespmem:v27+s24+$0x0] =	vst.idx.msk $0xffff, v1  }
0x355: {  	v27 =	vld [tilespmem:$0x19680];
	_ =	sdelay $0x4  }
0x356: {  	v27 =	vadd.s32 v10, v27;
	_ =	sdelay $0x4  }
0x357: {  	[tilespmem:v27+s24+$0x0] =	vst.idx.msk $0xffff, v1  }
0x358: {  	v27 =	vld [tilespmem:$0x19690];
	_ =	sdelay $0x4  }
0x359: {  	v27 =	vadd.s32 v11, v27;
	_ =	sdelay $0x4  }
0x35a: {  	[tilespmem:v27+s24+$0x0] =	vst.idx.msk $0xffff, v1  }
0x35b: {  	v27 =	vld [tilespmem:$0x196A0];
	_ =	sdelay $0x4  }
0x35c: {  	v27 =	vadd.s32 v12, v27;
	_ =	sdelay $0x4  }
0x35d: {  	[tilespmem:v27+s24+$0x0] =	vst.idx.msk $0xffff, v1  }
0x35e: {  	v27 =	vld [tilespmem:$0x196B0];
	_ =	sdelay $0x4  }
0x35f: {  	v27 =	vadd.s32 v13, v27;
	_ =	sdelay $0x4  }
0x360: {  	[tilespmem:v27+s24+$0x0] =	vst.idx.msk $0xffff, v1  }
0x361: {  	v27 =	vld [tilespmem:$0x196C0];
	_ =	sdelay $0x4  }
0x362: {  	v27 =	vadd.s32 v14, v27;
	_ =	sdelay $0x4  }
0x363: {  	[tilespmem:v27+s24+$0x0] =	vst.idx.msk $0xffff, v1  }
0x364: {  	v27 =	vld [tilespmem:$0x196D0];
	_ =	sdelay $0x4  }
0x365: {  	v27 =	vadd.s32 v15, v27;
	_ =	sdelay $0x4  }
0x366: {  	[tilespmem:v27+s24+$0x0] =	vst.idx.msk $0xffff, v1  }
0x367: {  	v27 =	vld [tilespmem:$0x196E0];
	_ =	sdelay $0x4  }
0x368: {  	v27 =	vadd.s32 v16, v27;
	_ =	sdelay $0x4  }
0x369: {  	[tilespmem:v27+s24+$0x0] =	vst.idx.msk $0xffff, v1  }
0x36a: {  	v27 =	vld [tilespmem:$0x196F0];
	_ =	sdelay $0x4  }
0x36b: {  	v27 =	vadd.s32 v17, v27;
	_ =	sdelay $0x4  }
0x36c: {  	[tilespmem:v27+s24+$0x0] =	vst.idx.msk $0xffff, v1  }
0x36d: {  	v27 =	vld [tilespmem:$0x19700];
	_ =	sdelay $0x4  }
0x36e: {  	v27 =	vadd.s32 v18, v27;
	_ =	sdelay $0x4  }
0x36f: {  	[tilespmem:v27+s24+$0x0] =	vst.idx.msk $0xffff, v1  }
0x370: {  	v27 =	vld [tilespmem:$0x19710];
	_ =	sdelay $0x4  }
0x371: {  	v27 =	vadd.s32 v19, v27;
	_ =	sdelay $0x4  }
0x372: {  	[tilespmem:v27+s24+$0x0] =	vst.idx.msk $0xffff, v1  }
0x373: {  	v27 =	vld [tilespmem:$0x19720];
	_ =	sdelay $0x4  }
0x374: {  	v27 =	vadd.s32 v20, v27;
	_ =	sdelay $0x4  }
0x375: {  	[tilespmem:v27+s24+$0x0] =	vst.idx.msk $0xffff, v1  }
0x376: {  	v27 =	vld [tilespmem:$0x19730];
	_ =	sdelay $0x4  }
0x377: {  	v27 =	vadd.s32 v21, v27;
	_ =	sdelay $0x4  }
0x378: {  	[tilespmem:v27+s24+$0x0] =	vst.idx.msk $0xffff, v1  }
0x379: {  	v27 =	vld [tilespmem:$0x19740];
	_ =	sdelay $0x4  }
0x37a: {  	v27 =	vadd.s32 v22, v27;
	_ =	sdelay $0x4  }
0x37b: {  	[tilespmem:v27+s24+$0x0] =	vst.idx.msk $0xffff, v1  }
0x37c: {  	v27 =	vld [tilespmem:$0x19750];
	_ =	sdelay $0x4  }
0x37d: {  	v27 =	vadd.s32 v23, v27;
	_ =	sdelay $0x4  }
0x37e: {  	[tilespmem:v27+s24+$0x0] =	vst.idx.msk $0xffff, v1  }
0x37f: {  	v27 =	vld [tilespmem:$0x19760];
	_ =	sdelay $0x4  }
0x380: {  	v27 =	vadd.s32 v24, v27;
	_ =	sdelay $0x4  }
0x381: {  	[tilespmem:v27+s24+$0x0] =	vst.idx.msk $0xffff, v1  }
0x382: {  	v27 =	vld [tilespmem:$0x19770];
	_ =	sdelay $0x4  }
0x383: {  	v27 =	vadd.s32 v25, v27;
	_ =	sdelay $0x4  }
0x384: {  	[tilespmem:v27+s24+$0x0] =	vst.idx.msk $0xffff, v1  }
0x385: {  	v27 =	vld [tilespmem:$0x19780];
	_ =	sdelay $0x4  }
0x386: {  	v27 =	vadd.s32 v26, v27;
	_ =	sdelay $0x4  }
0x387: {  	[tilespmem:v27+s24+$0x0] =	vst.idx.msk $0xffff, v1  }
0x388: {  	_ =	swait.ge [sflag:s23], $0x190  }
0x389: {  	[sflag:s23] =	ssyncset.done $0x0  }
0x38a: {  	[sflag:s23] =	ssyncadd.s32 $0xFFFFFE70  }
0x38b: {  	v27 =	vld [tilespmem:$0x200];
	_ =	sdelay $0x4  }
0x38c: {  	v53 =	vadd.s32 v0, v27;
	_ =	sdelay $0x3  }
0x38d: {  	[tilespmem:$0x19600] =	vst v27  }
0x38e: {  	[tilespmem:v53+s24+$0x0] =	vst.idx.msk $0xffff, v2  }
0x38f: {  	v27 =	vld [tilespmem:$0x210];
	_ =	sdelay $0x4  }
0x390: {  	v54 =	vadd.s32 v3, v27;
	_ =	sdelay $0x3  }
0x391: {  	[tilespmem:$0x19610] =	vst v27  }
0x392: {  	[tilespmem:v54+s24+$0x0] =	vst.idx.msk $0xffff, v2  }
0x393: {  	v27 =	vld [tilespmem:$0x220];
	_ =	sdelay $0x4  }
0x394: {  	v55 =	vadd.s32 v4, v27;
	_ =	sdelay $0x3  }
0x395: {  	[tilespmem:$0x19620] =	vst v27  }
0x396: {  	[tilespmem:v55+s24+$0x0] =	vst.idx.msk $0xffff, v2  }
0x397: {  	v27 =	vld [tilespmem:$0x230];
	_ =	sdelay $0x4  }
0x398: {  	v56 =	vadd.s32 v5, v27;
	_ =	sdelay $0x3  }
0x399: {  	[tilespmem:$0x19630] =	vst v27  }
0x39a: {  	[tilespmem:v56+s24+$0x0] =	vst.idx.msk $0xffff, v2  }
0x39b: {  	v27 =	vld [tilespmem:$0x240];
	_ =	sdelay $0x4  }
0x39c: {  	v57 =	vadd.s32 v6, v27;
	_ =	sdelay $0x3  }
0x39d: {  	[tilespmem:$0x19640] =	vst v27  }
0x39e: {  	[tilespmem:v57+s24+$0x0] =	vst.idx.msk $0xffff, v2  }
0x39f: {  	v27 =	vld [tilespmem:$0x250];
	_ =	sdelay $0x4  }
0x3a0: {  	v58 =	vadd.s32 v7, v27;
	_ =	sdelay $0x3  }
0x3a1: {  	[tilespmem:$0x19650] =	vst v27  }
0x3a2: {  	[tilespmem:v58+s24+$0x0] =	vst.idx.msk $0xffff, v2  }
0x3a3: {  	v27 =	vld [tilespmem:$0x260];
	_ =	sdelay $0x4  }
0x3a4: {  	v59 =	vadd.s32 v8, v27;
	_ =	sdelay $0x3  }
0x3a5: {  	[tilespmem:$0x19660] =	vst v27  }
0x3a6: {  	[tilespmem:v59+s24+$0x0] =	vst.idx.msk $0xffff, v2  }
0x3a7: {  	v27 =	vld [tilespmem:$0x270];
	_ =	sdelay $0x4  }
0x3a8: {  	v60 =	vadd.s32 v9, v27;
	_ =	sdelay $0x3  }
0x3a9: {  	[tilespmem:$0x19670] =	vst v27  }
0x3aa: {  	[tilespmem:v60+s24+$0x0] =	vst.idx.msk $0xffff, v2  }
0x3ab: {  	v27 =	vld [tilespmem:$0x280];
	_ =	sdelay $0x4  }
0x3ac: {  	v61 =	vadd.s32 v10, v27;
	_ =	sdelay $0x3  }
0x3ad: {  	[tilespmem:$0x19680] =	vst v27  }
0x3ae: {  	[tilespmem:v61+s24+$0x0] =	vst.idx.msk $0xffff, v2  }
0x3af: {  	v27 =	vld [tilespmem:$0x290];
	_ =	sdelay $0x4  }
0x3b0: {  	v62 =	vadd.s32 v11, v27;
	_ =	sdelay $0x3  }
0x3b1: {  	[tilespmem:$0x19690] =	vst v27  }
0x3b2: {  	[tilespmem:v62+s24+$0x0] =	vst.idx.msk $0xffff, v2  }
0x3b3: {  	v27 =	vld [tilespmem:$0x2A0];
	_ =	sdelay $0x4  }
0x3b4: {  	v63 =	vadd.s32 v12, v27;
	_ =	sdelay $0x3  }
0x3b5: {  	[tilespmem:$0x196A0] =	vst v27  }
0x3b6: {  	[tilespmem:v63+s24+$0x0] =	vst.idx.msk $0xffff, v2  }
0x3b7: {  	v27 =	vld [tilespmem:$0x2B0];
	_ =	sdelay $0x4  }
0x3b8: {  	v32 =	vadd.s32 v13, v27;
	_ =	sdelay $0x3  }
0x3b9: {  	[tilespmem:$0x196B0] =	vst v27  }
0x3ba: {  	[tilespmem:v32+s24+$0x0] =	vst.idx.msk $0xffff, v2  }
0x3bb: {  	v27 =	vld [tilespmem:$0x2C0];
	_ =	sdelay $0x4  }
0x3bc: {  	v33 =	vadd.s32 v14, v27;
	_ =	sdelay $0x3  }
0x3bd: {  	[tilespmem:$0x196C0] =	vst v27  }
0x3be: {  	[tilespmem:v33+s24+$0x0] =	vst.idx.msk $0xffff, v2  }
0x3bf: {  	v27 =	vld [tilespmem:$0x2D0];
	_ =	sdelay $0x4  }
0x3c0: {  	v34 =	vadd.s32 v15, v27;
	_ =	sdelay $0x3  }
0x3c1: {  	[tilespmem:$0x196D0] =	vst v27  }
0x3c2: {  	[tilespmem:v34+s24+$0x0] =	vst.idx.msk $0xffff, v2  }
0x3c3: {  	v27 =	vld [tilespmem:$0x2E0];
	_ =	sdelay $0x4  }
0x3c4: {  	v35 =	vadd.s32 v16, v27;
	_ =	sdelay $0x3  }
0x3c5: {  	[tilespmem:$0x196E0] =	vst v27  }
0x3c6: {  	[tilespmem:v35+s24+$0x0] =	vst.idx.msk $0xffff, v2  }
0x3c7: {  	v27 =	vld [tilespmem:$0x2F0];
	_ =	sdelay $0x4  }
0x3c8: {  	v36 =	vadd.s32 v17, v27;
	_ =	sdelay $0x3  }
0x3c9: {  	[tilespmem:$0x196F0] =	vst v27  }
0x3ca: {  	[tilespmem:v36+s24+$0x0] =	vst.idx.msk $0xffff, v2  }
0x3cb: {  	v27 =	vld [tilespmem:$0x300];
	_ =	sdelay $0x4  }
0x3cc: {  	v37 =	vadd.s32 v18, v27;
	_ =	sdelay $0x3  }
0x3cd: {  	[tilespmem:$0x19700] =	vst v27  }
0x3ce: {  	[tilespmem:v37+s24+$0x0] =	vst.idx.msk $0xffff, v2  }
0x3cf: {  	v27 =	vld [tilespmem:$0x310];
	_ =	sdelay $0x4  }
0x3d0: {  	v38 =	vadd.s32 v19, v27;
	_ =	sdelay $0x3  }
0x3d1: {  	[tilespmem:$0x19710] =	vst v27  }
0x3d2: {  	[tilespmem:v38+s24+$0x0] =	vst.idx.msk $0xffff, v2  }
0x3d3: {  	v27 =	vld [tilespmem:$0x320];
	_ =	sdelay $0x4  }
0x3d4: {  	v39 =	vadd.s32 v20, v27;
	_ =	sdelay $0x3  }
0x3d5: {  	[tilespmem:$0x19720] =	vst v27  }
0x3d6: {  	[tilespmem:v39+s24+$0x0] =	vst.idx.msk $0xffff, v2  }
0x3d7: {  	v27 =	vld [tilespmem:$0x330];
	_ =	sdelay $0x4  }
0x3d8: {  	v40 =	vadd.s32 v21, v27;
	_ =	sdelay $0x3  }
0x3d9: {  	[tilespmem:$0x19730] =	vst v27  }
0x3da: {  	[tilespmem:v40+s24+$0x0] =	vst.idx.msk $0xffff, v2  }
0x3db: {  	v27 =	vld [tilespmem:$0x340];
	_ =	sdelay $0x4  }
0x3dc: {  	v41 =	vadd.s32 v22, v27;
	_ =	sdelay $0x3  }
0x3dd: {  	[tilespmem:$0x19740] =	vst v27  }
0x3de: {  	[tilespmem:v41+s24+$0x0] =	vst.idx.msk $0xffff, v2  }
0x3df: {  	v27 =	vld [tilespmem:$0x350];
	_ =	sdelay $0x4  }
0x3e0: {  	v42 =	vadd.s32 v23, v27;
	_ =	sdelay $0x3  }
0x3e1: {  	[tilespmem:$0x19750] =	vst v27  }
0x3e2: {  	[tilespmem:v42+s24+$0x0] =	vst.idx.msk $0xffff, v2  }
0x3e3: {  	v27 =	vld [tilespmem:$0x360];
	_ =	sdelay $0x4  }
0x3e4: {  	v43 =	vadd.s32 v24, v27;
	_ =	sdelay $0x3  }
0x3e5: {  	[tilespmem:$0x19760] =	vst v27  }
0x3e6: {  	[tilespmem:v43+s24+$0x0] =	vst.idx.msk $0xffff, v2  }
0x3e7: {  	v27 =	vld [tilespmem:$0x370];
	_ =	sdelay $0x4  }
0x3e8: {  	v44 =	vadd.s32 v25, v27;
	_ =	sdelay $0x3  }
0x3e9: {  	[tilespmem:$0x19770] =	vst v27  }
0x3ea: {  	[tilespmem:v44+s24+$0x0] =	vst.idx.msk $0xffff, v2  }
0x3eb: {  	v27 =	vld [tilespmem:$0x380];
	_ =	sdelay $0x4  }
0x3ec: {  	v45 =	vadd.s32 v26, v27;
	_ =	sdelay $0x3  }
0x3ed: {  	[tilespmem:$0x19780] =	vst v27  }
0x3ee: {  	[tilespmem:v45+s24+$0x0] =	vst.idx.msk $0xffff, v2  }
0x3ef: {  	[tilespmem:s20], [sflag:$0x4] =	stream.linear.gather [hbm4b:s15+s2], $0x190, $0x38;
	[tilespmem:$0x19800] =	vst v63  }
0x3f0: {  	_ = 	snop  }
0x3f1: {  	[hbm4b:s16+s2] =	stream.linear.scatter [tilespmem:s24], [sflag:$0x2], $0xC800, $0x38;
	[tilespmem:$0x19800] =	vst v63  }
0x3f2: {  	_ =	swait.ge [sflag:s25], $0xC800  }
0x3f3: {  	[sflag:s25] =	ssyncset.done $0x0  }
0x3f4: {  	[sflag:s25] =	ssyncadd.s32 $0xFFFF3800  }
0x3f5: {  	v27 =	vld [tilespmem:$0x19400];
	_ =	sdelay $0x4  }
0x3f6: {  	v27 =	vadd.s32 v0, v27;
	_ =	sdelay $0x4  }
0x3f7: {  	[tilespmem:v27+s22+$0x0] =	vst.idx.msk $0xffff, v1  }
0x3f8: {  	v27 =	vld [tilespmem:$0x19410];
	_ =	sdelay $0x4  }
0x3f9: {  	v27 =	vadd.s32 v3, v27;
	_ =	sdelay $0x4  }
0x3fa: {  	[tilespmem:v27+s22+$0x0] =	vst.idx.msk $0xffff, v1  }
0x3fb: {  	v27 =	vld [tilespmem:$0x19420];
	_ =	sdelay $0x4  }
0x3fc: {  	v27 =	vadd.s32 v4, v27;
	_ =	sdelay $0x4  }
0x3fd: {  	[tilespmem:v27+s22+$0x0] =	vst.idx.msk $0xffff, v1  }
0x3fe: {  	v27 =	vld [tilespmem:$0x19430];
	_ =	sdelay $0x4  }
0x3ff: {  	v27 =	vadd.s32 v5, v27;
	_ =	sdelay $0x4  }
0x400: {  	[tilespmem:v27+s22+$0x0] =	vst.idx.msk $0xffff, v1  }
0x401: {  	v27 =	vld [tilespmem:$0x19440];
	_ =	sdelay $0x4  }
0x402: {  	v27 =	vadd.s32 v6, v27;
	_ =	sdelay $0x4  }
0x403: {  	[tilespmem:v27+s22+$0x0] =	vst.idx.msk $0xffff, v1  }
0x404: {  	v27 =	vld [tilespmem:$0x19450];
	_ =	sdelay $0x4  }
0x405: {  	v27 =	vadd.s32 v7, v27;
	_ =	sdelay $0x4  }
0x406: {  	[tilespmem:v27+s22+$0x0] =	vst.idx.msk $0xffff, v1  }
0x407: {  	v27 =	vld [tilespmem:$0x19460];
	_ =	sdelay $0x4  }
0x408: {  	v27 =	vadd.s32 v8, v27;
	_ =	sdelay $0x4  }
0x409: {  	[tilespmem:v27+s22+$0x0] =	vst.idx.msk $0xffff, v1  }
0x40a: {  	v27 =	vld [tilespmem:$0x19470];
	_ =	sdelay $0x4  }
0x40b: {  	v27 =	vadd.s32 v9, v27;
	_ =	sdelay $0x4  }
0x40c: {  	[tilespmem:v27+s22+$0x0] =	vst.idx.msk $0xffff, v1  }
0x40d: {  	v27 =	vld [tilespmem:$0x19480];
	_ =	sdelay $0x4  }
0x40e: {  	v27 =	vadd.s32 v10, v27;
	_ =	sdelay $0x4  }
0x40f: {  	[tilespmem:v27+s22+$0x0] =	vst.idx.msk $0xffff, v1  }
0x410: {  	v27 =	vld [tilespmem:$0x19490];
	_ =	sdelay $0x4  }
0x411: {  	v27 =	vadd.s32 v11, v27;
	_ =	sdelay $0x4  }
0x412: {  	[tilespmem:v27+s22+$0x0] =	vst.idx.msk $0xffff, v1  }
0x413: {  	v27 =	vld [tilespmem:$0x194A0];
	_ =	sdelay $0x4  }
0x414: {  	v27 =	vadd.s32 v12, v27;
	_ =	sdelay $0x4  }
0x415: {  	[tilespmem:v27+s22+$0x0] =	vst.idx.msk $0xffff, v1  }
0x416: {  	v27 =	vld [tilespmem:$0x194B0];
	_ =	sdelay $0x4  }
0x417: {  	v27 =	vadd.s32 v13, v27;
	_ =	sdelay $0x4  }
0x418: {  	[tilespmem:v27+s22+$0x0] =	vst.idx.msk $0xffff, v1  }
0x419: {  	v27 =	vld [tilespmem:$0x194C0];
	_ =	sdelay $0x4  }
0x41a: {  	v27 =	vadd.s32 v14, v27;
	_ =	sdelay $0x4  }
0x41b: {  	[tilespmem:v27+s22+$0x0] =	vst.idx.msk $0xffff, v1  }
0x41c: {  	v27 =	vld [tilespmem:$0x194D0];
	_ =	sdelay $0x4  }
0x41d: {  	v27 =	vadd.s32 v15, v27;
	_ =	sdelay $0x4  }
0x41e: {  	[tilespmem:v27+s22+$0x0] =	vst.idx.msk $0xffff, v1  }
0x41f: {  	v27 =	vld [tilespmem:$0x194E0];
	_ =	sdelay $0x4  }
0x420: {  	v27 =	vadd.s32 v16, v27;
	_ =	sdelay $0x4  }
0x421: {  	[tilespmem:v27+s22+$0x0] =	vst.idx.msk $0xffff, v1  }
0x422: {  	v27 =	vld [tilespmem:$0x194F0];
	_ =	sdelay $0x4  }
0x423: {  	v27 =	vadd.s32 v17, v27;
	_ =	sdelay $0x4  }
0x424: {  	[tilespmem:v27+s22+$0x0] =	vst.idx.msk $0xffff, v1  }
0x425: {  	v27 =	vld [tilespmem:$0x19500];
	_ =	sdelay $0x4  }
0x426: {  	v27 =	vadd.s32 v18, v27;
	_ =	sdelay $0x4  }
0x427: {  	[tilespmem:v27+s22+$0x0] =	vst.idx.msk $0xffff, v1  }
0x428: {  	v27 =	vld [tilespmem:$0x19510];
	_ =	sdelay $0x4  }
0x429: {  	v27 =	vadd.s32 v19, v27;
	_ =	sdelay $0x4  }
0x42a: {  	[tilespmem:v27+s22+$0x0] =	vst.idx.msk $0xffff, v1  }
0x42b: {  	v27 =	vld [tilespmem:$0x19520];
	_ =	sdelay $0x4  }
0x42c: {  	v27 =	vadd.s32 v20, v27;
	_ =	sdelay $0x4  }
0x42d: {  	[tilespmem:v27+s22+$0x0] =	vst.idx.msk $0xffff, v1  }
0x42e: {  	v27 =	vld [tilespmem:$0x19530];
	_ =	sdelay $0x4  }
0x42f: {  	v27 =	vadd.s32 v21, v27;
	_ =	sdelay $0x4  }
0x430: {  	[tilespmem:v27+s22+$0x0] =	vst.idx.msk $0xffff, v1  }
0x431: {  	v27 =	vld [tilespmem:$0x19540];
	_ =	sdelay $0x4  }
0x432: {  	v27 =	vadd.s32 v22, v27;
	_ =	sdelay $0x4  }
0x433: {  	[tilespmem:v27+s22+$0x0] =	vst.idx.msk $0xffff, v1  }
0x434: {  	v27 =	vld [tilespmem:$0x19550];
	_ =	sdelay $0x4  }
0x435: {  	v27 =	vadd.s32 v23, v27;
	_ =	sdelay $0x4  }
0x436: {  	[tilespmem:v27+s22+$0x0] =	vst.idx.msk $0xffff, v1  }
0x437: {  	v27 =	vld [tilespmem:$0x19560];
	_ =	sdelay $0x4  }
0x438: {  	v27 =	vadd.s32 v24, v27;
	_ =	sdelay $0x4  }
0x439: {  	[tilespmem:v27+s22+$0x0] =	vst.idx.msk $0xffff, v1  }
0x43a: {  	v27 =	vld [tilespmem:$0x19570];
	_ =	sdelay $0x4  }
0x43b: {  	v27 =	vadd.s32 v25, v27;
	_ =	sdelay $0x4  }
0x43c: {  	[tilespmem:v27+s22+$0x0] =	vst.idx.msk $0xffff, v1  }
0x43d: {  	v27 =	vld [tilespmem:$0x19580];
	_ =	sdelay $0x4  }
0x43e: {  	v27 =	vadd.s32 v26, v27;
	_ =	sdelay $0x4  }
0x43f: {  	[tilespmem:v27+s22+$0x0] =	vst.idx.msk $0xffff, v1  }
0x440: {  	_ =	swait.ge [sflag:s21], $0x190  }
0x441: {  	[sflag:s21] =	ssyncset.done $0x0  }
0x442: {  	[sflag:s21] =	ssyncadd.s32 $0xFFFFFE70  }
0x443: {  	v27 =	vld [tilespmem:$0x0];
	_ =	sdelay $0x4  }
0x444: {  	v46 =	vadd.s32 v0, v27;
	_ =	sdelay $0x3  }
0x445: {  	[tilespmem:$0x19400] =	vst v27  }
0x446: {  	[tilespmem:v46+s22+$0x0] =	vst.idx.msk $0xffff, v2  }
0x447: {  	v27 =	vld [tilespmem:$0x10];
	_ =	sdelay $0x4  }
0x448: {  	v47 =	vadd.s32 v3, v27;
	_ =	sdelay $0x3  }
0x449: {  	[tilespmem:$0x19410] =	vst v27  }
0x44a: {  	[tilespmem:v47+s22+$0x0] =	vst.idx.msk $0xffff, v2  }
0x44b: {  	v27 =	vld [tilespmem:$0x20];
	_ =	sdelay $0x4  }
0x44c: {  	v48 =	vadd.s32 v4, v27;
	_ =	sdelay $0x3  }
0x44d: {  	[tilespmem:$0x19420] =	vst v27  }
0x44e: {  	[tilespmem:v48+s22+$0x0] =	vst.idx.msk $0xffff, v2  }
0x44f: {  	v27 =	vld [tilespmem:$0x30];
	_ =	sdelay $0x4  }
0x450: {  	v49 =	vadd.s32 v5, v27;
	_ =	sdelay $0x3  }
0x451: {  	[tilespmem:$0x19430] =	vst v27  }
0x452: {  	[tilespmem:v49+s22+$0x0] =	vst.idx.msk $0xffff, v2  }
0x453: {  	v27 =	vld [tilespmem:$0x40];
	_ =	sdelay $0x4  }
0x454: {  	v50 =	vadd.s32 v6, v27;
	_ =	sdelay $0x3  }
0x455: {  	[tilespmem:$0x19440] =	vst v27  }
0x456: {  	[tilespmem:v50+s22+$0x0] =	vst.idx.msk $0xffff, v2  }
0x457: {  	v27 =	vld [tilespmem:$0x50];
	_ =	sdelay $0x4  }
0x458: {  	v51 =	vadd.s32 v7, v27;
	_ =	sdelay $0x3  }
0x459: {  	[tilespmem:$0x19450] =	vst v27  }
0x45a: {  	[tilespmem:v51+s22+$0x0] =	vst.idx.msk $0xffff, v2  }
0x45b: {  	v27 =	vld [tilespmem:$0x60];
	_ =	sdelay $0x4  }
0x45c: {  	v52 =	vadd.s32 v8, v27;
	_ =	sdelay $0x3  }
0x45d: {  	[tilespmem:$0x19460] =	vst v27  }
0x45e: {  	[tilespmem:v52+s22+$0x0] =	vst.idx.msk $0xffff, v2  }
0x45f: {  	v27 =	vld [tilespmem:$0x70];
	_ =	sdelay $0x4  }
0x460: {  	v53 =	vadd.s32 v9, v27;
	_ =	sdelay $0x3  }
0x461: {  	[tilespmem:$0x19470] =	vst v27  }
0x462: {  	[tilespmem:v53+s22+$0x0] =	vst.idx.msk $0xffff, v2  }
0x463: {  	v27 =	vld [tilespmem:$0x80];
	_ =	sdelay $0x4  }
0x464: {  	v54 =	vadd.s32 v10, v27;
	_ =	sdelay $0x3  }
0x465: {  	[tilespmem:$0x19480] =	vst v27  }
0x466: {  	[tilespmem:v54+s22+$0x0] =	vst.idx.msk $0xffff, v2  }
0x467: {  	v27 =	vld [tilespmem:$0x90];
	_ =	sdelay $0x4  }
0x468: {  	v55 =	vadd.s32 v11, v27;
	_ =	sdelay $0x3  }
0x469: {  	[tilespmem:$0x19490] =	vst v27  }
0x46a: {  	[tilespmem:v55+s22+$0x0] =	vst.idx.msk $0xffff, v2  }
0x46b: {  	v27 =	vld [tilespmem:$0xA0];
	_ =	sdelay $0x4  }
0x46c: {  	v56 =	vadd.s32 v12, v27;
	_ =	sdelay $0x3  }
0x46d: {  	[tilespmem:$0x194A0] =	vst v27  }
0x46e: {  	[tilespmem:v56+s22+$0x0] =	vst.idx.msk $0xffff, v2  }
0x46f: {  	v27 =	vld [tilespmem:$0xB0];
	_ =	sdelay $0x4  }
0x470: {  	v57 =	vadd.s32 v13, v27;
	_ =	sdelay $0x3  }
0x471: {  	[tilespmem:$0x194B0] =	vst v27  }
0x472: {  	[tilespmem:v57+s22+$0x0] =	vst.idx.msk $0xffff, v2  }
0x473: {  	v27 =	vld [tilespmem:$0xC0];
	_ =	sdelay $0x4  }
0x474: {  	v58 =	vadd.s32 v14, v27;
	_ =	sdelay $0x3  }
0x475: {  	[tilespmem:$0x194C0] =	vst v27  }
0x476: {  	[tilespmem:v58+s22+$0x0] =	vst.idx.msk $0xffff, v2  }
0x477: {  	v27 =	vld [tilespmem:$0xD0];
	_ =	sdelay $0x4  }
0x478: {  	v59 =	vadd.s32 v15, v27;
	_ =	sdelay $0x3  }
0x479: {  	[tilespmem:$0x194D0] =	vst v27  }
0x47a: {  	[tilespmem:v59+s22+$0x0] =	vst.idx.msk $0xffff, v2  }
0x47b: {  	v27 =	vld [tilespmem:$0xE0];
	_ =	sdelay $0x4  }
0x47c: {  	v60 =	vadd.s32 v16, v27;
	_ =	sdelay $0x3  }
0x47d: {  	[tilespmem:$0x194E0] =	vst v27  }
0x47e: {  	[tilespmem:v60+s22+$0x0] =	vst.idx.msk $0xffff, v2  }
0x47f: {  	v27 =	vld [tilespmem:$0xF0];
	_ =	sdelay $0x4  }
0x480: {  	v61 =	vadd.s32 v17, v27;
	_ =	sdelay $0x3  }
0x481: {  	[tilespmem:$0x194F0] =	vst v27  }
0x482: {  	[tilespmem:v61+s22+$0x0] =	vst.idx.msk $0xffff, v2  }
0x483: {  	v27 =	vld [tilespmem:$0x100];
	_ =	sdelay $0x4  }
0x484: {  	v62 =	vadd.s32 v18, v27;
	_ =	sdelay $0x3  }
0x485: {  	[tilespmem:$0x19500] =	vst v27  }
0x486: {  	[tilespmem:v62+s22+$0x0] =	vst.idx.msk $0xffff, v2  }
0x487: {  	v27 =	vld [tilespmem:$0x110];
	_ =	sdelay $0x4  }
0x488: {  	v63 =	vadd.s32 v19, v27;
	_ =	sdelay $0x3  }
0x489: {  	[tilespmem:$0x19510] =	vst v27  }
0x48a: {  	[tilespmem:v63+s22+$0x0] =	vst.idx.msk $0xffff, v2  }
0x48b: {  	v27 =	vld [tilespmem:$0x120];
	_ =	sdelay $0x4  }
0x48c: {  	v32 =	vadd.s32 v20, v27;
	_ =	sdelay $0x3  }
0x48d: {  	[tilespmem:$0x19520] =	vst v27  }
0x48e: {  	[tilespmem:v32+s22+$0x0] =	vst.idx.msk $0xffff, v2  }
0x48f: {  	v27 =	vld [tilespmem:$0x130];
	_ =	sdelay $0x4  }
0x490: {  	v33 =	vadd.s32 v21, v27;
	_ =	sdelay $0x3  }
0x491: {  	[tilespmem:$0x19530] =	vst v27  }
0x492: {  	[tilespmem:v33+s22+$0x0] =	vst.idx.msk $0xffff, v2  }
0x493: {  	v27 =	vld [tilespmem:$0x140];
	_ =	sdelay $0x4  }
0x494: {  	v34 =	vadd.s32 v22, v27;
	_ =	sdelay $0x3  }
0x495: {  	[tilespmem:$0x19540] =	vst v27  }
0x496: {  	[tilespmem:v34+s22+$0x0] =	vst.idx.msk $0xffff, v2  }
0x497: {  	v27 =	vld [tilespmem:$0x150];
	_ =	sdelay $0x4  }
0x498: {  	v35 =	vadd.s32 v23, v27;
	_ =	sdelay $0x3  }
0x499: {  	[tilespmem:$0x19550] =	vst v27  }
0x49a: {  	[tilespmem:v35+s22+$0x0] =	vst.idx.msk $0xffff, v2  }
0x49b: {  	v27 =	vld [tilespmem:$0x160];
	_ =	sdelay $0x4  }
0x49c: {  	v36 =	vadd.s32 v24, v27;
	_ =	sdelay $0x3  }
0x49d: {  	[tilespmem:$0x19560] =	vst v27  }
0x49e: {  	[tilespmem:v36+s22+$0x0] =	vst.idx.msk $0xffff, v2  }
0x49f: {  	v27 =	vld [tilespmem:$0x170];
	_ =	sdelay $0x4  }
0x4a0: {  	v37 =	vadd.s32 v25, v27;
	_ =	sdelay $0x3  }
0x4a1: {  	[tilespmem:$0x19570] =	vst v27  }
0x4a2: {  	[tilespmem:v37+s22+$0x0] =	vst.idx.msk $0xffff, v2  }
0x4a3: {  	v27 =	vld [tilespmem:$0x180];
	_ =	sdelay $0x4  }
0x4a4: {  	v38 =	vadd.s32 v26, v27;
	_ =	sdelay $0x3  }
0x4a5: {  	[tilespmem:$0x19580] =	vst v27  }
0x4a6: {  	[tilespmem:v38+s22+$0x0] =	vst.idx.msk $0xffff, v2  }
0x4a7: {  	[hbm4b:s17+s2] =	stream.linear.scatter [tilespmem:s22], [sflag:$0x1], $0xC800, $0x38;
	[tilespmem:$0x19800] =	vst v63  }
0x4a8: {  	_ =	swait.ge [sflag:s26], $0xC800  }
0x4a9: {  	[sflag:s26] =	ssyncset.done $0x0  }
0x4aa: {  	[sflag:s26] =	ssyncadd.s32 $0xFFFF3800  }
0x4ab: {  	v27 =	vld [tilespmem:$0x19600];
	_ =	sdelay $0x4  }
0x4ac: {  	v27 =	vadd.s32 v0, v27;
	_ =	sdelay $0x4  }
0x4ad: {  	[tilespmem:v27+s24+$0x0] =	vst.idx.msk $0xffff, v1  }
0x4ae: {  	v27 =	vld [tilespmem:$0x19610];
	_ =	sdelay $0x4  }
0x4af: {  	v27 =	vadd.s32 v3, v27;
	_ =	sdelay $0x4  }
0x4b0: {  	[tilespmem:v27+s24+$0x0] =	vst.idx.msk $0xffff, v1  }
0x4b1: {  	v27 =	vld [tilespmem:$0x19620];
	_ =	sdelay $0x4  }
0x4b2: {  	v27 =	vadd.s32 v4, v27;
	_ =	sdelay $0x4  }
0x4b3: {  	[tilespmem:v27+s24+$0x0] =	vst.idx.msk $0xffff, v1  }
0x4b4: {  	v27 =	vld [tilespmem:$0x19630];
	_ =	sdelay $0x4  }
0x4b5: {  	v27 =	vadd.s32 v5, v27;
	_ =	sdelay $0x4  }
0x4b6: {  	[tilespmem:v27+s24+$0x0] =	vst.idx.msk $0xffff, v1  }
0x4b7: {  	v27 =	vld [tilespmem:$0x19640];
	_ =	sdelay $0x4  }
0x4b8: {  	v27 =	vadd.s32 v6, v27;
	_ =	sdelay $0x4  }
0x4b9: {  	[tilespmem:v27+s24+$0x0] =	vst.idx.msk $0xffff, v1  }
0x4ba: {  	v27 =	vld [tilespmem:$0x19650];
	_ =	sdelay $0x4  }
0x4bb: {  	v27 =	vadd.s32 v7, v27;
	_ =	sdelay $0x4  }
0x4bc: {  	[tilespmem:v27+s24+$0x0] =	vst.idx.msk $0xffff, v1  }
0x4bd: {  	v27 =	vld [tilespmem:$0x19660];
	_ =	sdelay $0x4  }
0x4be: {  	v27 =	vadd.s32 v8, v27;
	_ =	sdelay $0x4  }
0x4bf: {  	[tilespmem:v27+s24+$0x0] =	vst.idx.msk $0xffff, v1  }
0x4c0: {  	v27 =	vld [tilespmem:$0x19670];
	_ =	sdelay $0x4  }
0x4c1: {  	v27 =	vadd.s32 v9, v27;
	_ =	sdelay $0x4  }
0x4c2: {  	[tilespmem:v27+s24+$0x0] =	vst.idx.msk $0xffff, v1  }
0x4c3: {  	v27 =	vld [tilespmem:$0x19680];
	_ =	sdelay $0x4  }
0x4c4: {  	v27 =	vadd.s32 v10, v27;
	_ =	sdelay $0x4  }
0x4c5: {  	[tilespmem:v27+s24+$0x0] =	vst.idx.msk $0xffff, v1  }
0x4c6: {  	v27 =	vld [tilespmem:$0x19690];
	_ =	sdelay $0x4  }
0x4c7: {  	v27 =	vadd.s32 v11, v27;
	_ =	sdelay $0x4  }
0x4c8: {  	[tilespmem:v27+s24+$0x0] =	vst.idx.msk $0xffff, v1  }
0x4c9: {  	v27 =	vld [tilespmem:$0x196A0];
	_ =	sdelay $0x4  }
0x4ca: {  	v27 =	vadd.s32 v12, v27;
	_ =	sdelay $0x4  }
0x4cb: {  	[tilespmem:v27+s24+$0x0] =	vst.idx.msk $0xffff, v1  }
0x4cc: {  	v27 =	vld [tilespmem:$0x196B0];
	_ =	sdelay $0x4  }
0x4cd: {  	v27 =	vadd.s32 v13, v27;
	_ =	sdelay $0x4  }
0x4ce: {  	[tilespmem:v27+s24+$0x0] =	vst.idx.msk $0xffff, v1  }
0x4cf: {  	v27 =	vld [tilespmem:$0x196C0];
	_ =	sdelay $0x4  }
0x4d0: {  	v27 =	vadd.s32 v14, v27;
	_ =	sdelay $0x4  }
0x4d1: {  	[tilespmem:v27+s24+$0x0] =	vst.idx.msk $0xffff, v1  }
0x4d2: {  	v27 =	vld [tilespmem:$0x196D0];
	_ =	sdelay $0x4  }
0x4d3: {  	v27 =	vadd.s32 v15, v27;
	_ =	sdelay $0x4  }
0x4d4: {  	[tilespmem:v27+s24+$0x0] =	vst.idx.msk $0xffff, v1  }
0x4d5: {  	v27 =	vld [tilespmem:$0x196E0];
	_ =	sdelay $0x4  }
0x4d6: {  	v27 =	vadd.s32 v16, v27;
	_ =	sdelay $0x4  }
0x4d7: {  	[tilespmem:v27+s24+$0x0] =	vst.idx.msk $0xffff, v1  }
0x4d8: {  	v27 =	vld [tilespmem:$0x196F0];
	_ =	sdelay $0x4  }
0x4d9: {  	v27 =	vadd.s32 v17, v27;
	_ =	sdelay $0x4  }
0x4da: {  	[tilespmem:v27+s24+$0x0] =	vst.idx.msk $0xffff, v1  }
0x4db: {  	v27 =	vld [tilespmem:$0x19700];
	_ =	sdelay $0x4  }
0x4dc: {  	v27 =	vadd.s32 v18, v27;
	_ =	sdelay $0x4  }
0x4dd: {  	[tilespmem:v27+s24+$0x0] =	vst.idx.msk $0xffff, v1  }
0x4de: {  	v27 =	vld [tilespmem:$0x19710];
	_ =	sdelay $0x4  }
0x4df: {  	v27 =	vadd.s32 v19, v27;
	_ =	sdelay $0x4  }
0x4e0: {  	[tilespmem:v27+s24+$0x0] =	vst.idx.msk $0xffff, v1  }
0x4e1: {  	v27 =	vld [tilespmem:$0x19720];
	_ =	sdelay $0x4  }
0x4e2: {  	v27 =	vadd.s32 v20, v27;
	_ =	sdelay $0x4  }
0x4e3: {  	[tilespmem:v27+s24+$0x0] =	vst.idx.msk $0xffff, v1  }
0x4e4: {  	v27 =	vld [tilespmem:$0x19730];
	_ =	sdelay $0x4  }
0x4e5: {  	v27 =	vadd.s32 v21, v27;
	_ =	sdelay $0x4  }
0x4e6: {  	[tilespmem:v27+s24+$0x0] =	vst.idx.msk $0xffff, v1  }
0x4e7: {  	v27 =	vld [tilespmem:$0x19740];
	_ =	sdelay $0x4  }
0x4e8: {  	v27 =	vadd.s32 v22, v27;
	_ =	sdelay $0x4  }
0x4e9: {  	[tilespmem:v27+s24+$0x0] =	vst.idx.msk $0xffff, v1  }
0x4ea: {  	v27 =	vld [tilespmem:$0x19750];
	_ =	sdelay $0x4  }
0x4eb: {  	v27 =	vadd.s32 v23, v27;
	_ =	sdelay $0x4  }
0x4ec: {  	[tilespmem:v27+s24+$0x0] =	vst.idx.msk $0xffff, v1  }
0x4ed: {  	v27 =	vld [tilespmem:$0x19760];
	_ =	sdelay $0x4  }
0x4ee: {  	v27 =	vadd.s32 v24, v27;
	_ =	sdelay $0x4  }
0x4ef: {  	[tilespmem:v27+s24+$0x0] =	vst.idx.msk $0xffff, v1  }
0x4f0: {  	v27 =	vld [tilespmem:$0x19770];
	_ =	sdelay $0x4  }
0x4f1: {  	v27 =	vadd.s32 v25, v27;
	_ =	sdelay $0x4  }
0x4f2: {  	[tilespmem:v27+s24+$0x0] =	vst.idx.msk $0xffff, v1  }
0x4f3: {  	v27 =	vld [tilespmem:$0x19780];
	_ =	sdelay $0x4  }
0x4f4: {  	v27 =	vadd.s32 v26, v27;
	_ =	sdelay $0x4  }
0x4f5: {  	[tilespmem:v27+s24+$0x0] =	vst.idx.msk $0xffff, v1  }
0x4f6: {  	_ =	swait.ge [sflag:s23], $0x190  }
0x4f7: {  	[sflag:s23] =	ssyncset.done $0x0  }
0x4f8: {  	[sflag:s23] =	ssyncadd.s32 $0xFFFFFE70  }
0x4f9: {  	v27 =	vld [tilespmem:$0x200];
	_ =	sdelay $0x4  }
0x4fa: {  	v39 =	vadd.s32 v0, v27;
	_ =	sdelay $0x3  }
0x4fb: {  	[tilespmem:$0x19600] =	vst v27  }
0x4fc: {  	[tilespmem:v39+s24+$0x0] =	vst.idx.msk $0xffff, v2  }
0x4fd: {  	v27 =	vld [tilespmem:$0x210];
	_ =	sdelay $0x4  }
0x4fe: {  	v40 =	vadd.s32 v3, v27;
	_ =	sdelay $0x3  }
0x4ff: {  	[tilespmem:$0x19610] =	vst v27  }
0x500: {  	[tilespmem:v40+s24+$0x0] =	vst.idx.msk $0xffff, v2  }
0x501: {  	v27 =	vld [tilespmem:$0x220];
	_ =	sdelay $0x4  }
0x502: {  	v41 =	vadd.s32 v4, v27;
	_ =	sdelay $0x3  }
0x503: {  	[tilespmem:$0x19620] =	vst v27  }
0x504: {  	[tilespmem:v41+s24+$0x0] =	vst.idx.msk $0xffff, v2  }
0x505: {  	v27 =	vld [tilespmem:$0x230];
	_ =	sdelay $0x4  }
0x506: {  	v42 =	vadd.s32 v5, v27;
	_ =	sdelay $0x3  }
0x507: {  	[tilespmem:$0x19630] =	vst v27  }
0x508: {  	[tilespmem:v42+s24+$0x0] =	vst.idx.msk $0xffff, v2  }
0x509: {  	v27 =	vld [tilespmem:$0x240];
	_ =	sdelay $0x4  }
0x50a: {  	v43 =	vadd.s32 v6, v27;
	_ =	sdelay $0x3  }
0x50b: {  	[tilespmem:$0x19640] =	vst v27  }
0x50c: {  	[tilespmem:v43+s24+$0x0] =	vst.idx.msk $0xffff, v2  }
0x50d: {  	v27 =	vld [tilespmem:$0x250];
	_ =	sdelay $0x4  }
0x50e: {  	v44 =	vadd.s32 v7, v27;
	_ =	sdelay $0x3  }
0x50f: {  	[tilespmem:$0x19650] =	vst v27  }
0x510: {  	[tilespmem:v44+s24+$0x0] =	vst.idx.msk $0xffff, v2  }
0x511: {  	v27 =	vld [tilespmem:$0x260];
	_ =	sdelay $0x4  }
0x512: {  	v45 =	vadd.s32 v8, v27;
	_ =	sdelay $0x3  }
0x513: {  	[tilespmem:$0x19660] =	vst v27  }
0x514: {  	[tilespmem:v45+s24+$0x0] =	vst.idx.msk $0xffff, v2  }
0x515: {  	v27 =	vld [tilespmem:$0x270];
	_ =	sdelay $0x4  }
0x516: {  	v46 =	vadd.s32 v9, v27;
	_ =	sdelay $0x3  }
0x517: {  	[tilespmem:$0x19670] =	vst v27  }
0x518: {  	[tilespmem:v46+s24+$0x0] =	vst.idx.msk $0xffff, v2  }
0x519: {  	v27 =	vld [tilespmem:$0x280];
	_ =	sdelay $0x4  }
0x51a: {  	v47 =	vadd.s32 v10, v27;
	_ =	sdelay $0x3  }
0x51b: {  	[tilespmem:$0x19680] =	vst v27  }
0x51c: {  	[tilespmem:v47+s24+$0x0] =	vst.idx.msk $0xffff, v2  }
0x51d: {  	v27 =	vld [tilespmem:$0x290];
	_ =	sdelay $0x4  }
0x51e: {  	v48 =	vadd.s32 v11, v27;
	_ =	sdelay $0x3  }
0x51f: {  	[tilespmem:$0x19690] =	vst v27  }
0x520: {  	[tilespmem:v48+s24+$0x0] =	vst.idx.msk $0xffff, v2  }
0x521: {  	v27 =	vld [tilespmem:$0x2A0];
	_ =	sdelay $0x4  }
0x522: {  	v49 =	vadd.s32 v12, v27;
	_ =	sdelay $0x3  }
0x523: {  	[tilespmem:$0x196A0] =	vst v27  }
0x524: {  	[tilespmem:v49+s24+$0x0] =	vst.idx.msk $0xffff, v2  }
0x525: {  	v27 =	vld [tilespmem:$0x2B0];
	_ =	sdelay $0x4  }
0x526: {  	v50 =	vadd.s32 v13, v27;
	_ =	sdelay $0x3  }
0x527: {  	[tilespmem:$0x196B0] =	vst v27  }
0x528: {  	[tilespmem:v50+s24+$0x0] =	vst.idx.msk $0xffff, v2  }
0x529: {  	v27 =	vld [tilespmem:$0x2C0];
	_ =	sdelay $0x4  }
0x52a: {  	v51 =	vadd.s32 v14, v27;
	_ =	sdelay $0x3  }
0x52b: {  	[tilespmem:$0x196C0] =	vst v27  }
0x52c: {  	[tilespmem:v51+s24+$0x0] =	vst.idx.msk $0xffff, v2  }
0x52d: {  	v27 =	vld [tilespmem:$0x2D0];
	_ =	sdelay $0x4  }
0x52e: {  	v52 =	vadd.s32 v15, v27;
	_ =	sdelay $0x3  }
0x52f: {  	[tilespmem:$0x196D0] =	vst v27  }
0x530: {  	[tilespmem:v52+s24+$0x0] =	vst.idx.msk $0xffff, v2  }
0x531: {  	v27 =	vld [tilespmem:$0x2E0];
	_ =	sdelay $0x4  }
0x532: {  	v53 =	vadd.s32 v16, v27;
	_ =	sdelay $0x3  }
0x533: {  	[tilespmem:$0x196E0] =	vst v27  }
0x534: {  	[tilespmem:v53+s24+$0x0] =	vst.idx.msk $0xffff, v2  }
0x535: {  	v27 =	vld [tilespmem:$0x2F0];
	_ =	sdelay $0x4  }
0x536: {  	v54 =	vadd.s32 v17, v27;
	_ =	sdelay $0x3  }
0x537: {  	[tilespmem:$0x196F0] =	vst v27  }
0x538: {  	[tilespmem:v54+s24+$0x0] =	vst.idx.msk $0xffff, v2  }
0x539: {  	v27 =	vld [tilespmem:$0x300];
	_ =	sdelay $0x4  }
0x53a: {  	v55 =	vadd.s32 v18, v27;
	_ =	sdelay $0x3  }
0x53b: {  	[tilespmem:$0x19700] =	vst v27  }
0x53c: {  	[tilespmem:v55+s24+$0x0] =	vst.idx.msk $0xffff, v2  }
0x53d: {  	v27 =	vld [tilespmem:$0x310];
	_ =	sdelay $0x4  }
0x53e: {  	v56 =	vadd.s32 v19, v27;
	_ =	sdelay $0x3  }
0x53f: {  	[tilespmem:$0x19710] =	vst v27  }
0x540: {  	[tilespmem:v56+s24+$0x0] =	vst.idx.msk $0xffff, v2  }
0x541: {  	v27 =	vld [tilespmem:$0x320];
	_ =	sdelay $0x4  }
0x542: {  	v57 =	vadd.s32 v20, v27;
	_ =	sdelay $0x3  }
0x543: {  	[tilespmem:$0x19720] =	vst v27  }
0x544: {  	[tilespmem:v57+s24+$0x0] =	vst.idx.msk $0xffff, v2  }
0x545: {  	v27 =	vld [tilespmem:$0x330];
	_ =	sdelay $0x4  }
0x546: {  	v58 =	vadd.s32 v21, v27;
	_ =	sdelay $0x3  }
0x547: {  	[tilespmem:$0x19730] =	vst v27  }
0x548: {  	[tilespmem:v58+s24+$0x0] =	vst.idx.msk $0xffff, v2  }
0x549: {  	v27 =	vld [tilespmem:$0x340];
	_ =	sdelay $0x4  }
0x54a: {  	v59 =	vadd.s32 v22, v27;
	_ =	sdelay $0x3  }
0x54b: {  	[tilespmem:$0x19740] =	vst v27  }
0x54c: {  	[tilespmem:v59+s24+$0x0] =	vst.idx.msk $0xffff, v2  }
0x54d: {  	v27 =	vld [tilespmem:$0x350];
	_ =	sdelay $0x4  }
0x54e: {  	v60 =	vadd.s32 v23, v27;
	_ =	sdelay $0x3  }
0x54f: {  	[tilespmem:$0x19750] =	vst v27  }
0x550: {  	[tilespmem:v60+s24+$0x0] =	vst.idx.msk $0xffff, v2  }
0x551: {  	v27 =	vld [tilespmem:$0x360];
	_ =	sdelay $0x4  }
0x552: {  	v61 =	vadd.s32 v24, v27;
	_ =	sdelay $0x3  }
0x553: {  	[tilespmem:$0x19760] =	vst v27  }
0x554: {  	[tilespmem:v61+s24+$0x0] =	vst.idx.msk $0xffff, v2  }
0x555: {  	v27 =	vld [tilespmem:$0x370];
	_ =	sdelay $0x4  }
0x556: {  	v62 =	vadd.s32 v25, v27;
	_ =	sdelay $0x3  }
0x557: {  	[tilespmem:$0x19770] =	vst v27  }
0x558: {  	[tilespmem:v62+s24+$0x0] =	vst.idx.msk $0xffff, v2  }
0x559: {  	v27 =	vld [tilespmem:$0x380];
	_ =	sdelay $0x4  }
0x55a: {  	v63 =	vadd.s32 v26, v27;
	_ =	sdelay $0x3  }
0x55b: {  	[tilespmem:$0x19780] =	vst v27  }
0x55c: {  	s28 =	sadd.s32 $0x1, s28;
	[tilespmem:v63+s24+$0x0] =	vst.idx.msk $0xffff, v2  }
0x55d: {  	[hbm4b:s18+s2] =	stream.linear.scatter [tilespmem:s24], [sflag:$0x2], $0xC800, $0x38;
	[tilespmem:$0x19800] =	vst v63  }
0x55e: {  	p0 =	sne.s32 s28, s19;
	_ =	swait.ge [sflag:s25], $0xC800  }
.Ltmp1:
0x55f: {  	[sflag:s25] =	ssyncset.done $0x0;
	(pc) =	sbr.rel @p0 .LBB2_1-.Ltmp1, $4  }
0x560: {  	[sflag:s25] =	ssyncadd.s32 $0xFFFF3800  }
0x561: {  	_ =	swait.ge [sflag:s26], $0xC800  }
0x562: {  	[sflag:s26] =	ssyncset.done $0x0  }
0x563: {  	[sflag:s26] =	ssyncadd.s32 $0xFFFF3800  }
0x564: {  	_ =	sfence.sel $0x180000  }
0x565: {  	[bflag:$0x0] =	sbarrier.arrive $0xFFFF  }
0x566: {  	p0 =	sne.s32 s0, $0x0;
	_ =	strace $0x90000047  }
0x567: {  	s0 =	sadd.s32 @!p0 $0x100000, s1;
	[bflag:$0x2] =	sbarrier.arrive $0xFFFF  }
0x568: {  	[sflag:s0] =	ssyncadd.tile.s32 @!p0 $0x1;
	_ =	shalt  }
.Lfunc_end2:
_tile_overlayer_lowered:
.L_overlay_start_2:
0x569: {  	(tag) =	ssettag $0x2  }
0x56a: {  	s0 =	rddreg [dreg:$0x0];
	s2 =	stileid.u32  }
0x56b: {  	s1 =	rddreg [dreg:$0x1];
	p0 =	sne.s32 s2, $0x0  }
0x56c: {  	s3 =	rddreg [dreg:$0x2];
	[bflag:$0x3] =	sbarrier.arrive $0xFFFF;
	s2 =	simm.s32 @!p0 $0x1C05  }
0x56d: {  	[timem:s3], [sflag:s2] =	dma.local @!p0 [hbm:s0], s1  }
0x56e: {  	s0 =	simm.s32 @!p0 $0x5  }
0x56f: {  	_ =	swait.ge @!p0 [sflag:s0], s1  }
0x570: {  	s1 =	ssub.s32 @!p0 $0x0, s1;
	[sflag:s0] =	ssyncset.done @!p0 $0x0  }
0x571: {  	[sflag:s0] =	ssyncadd.s32 @!p0 s1  }
0x572: {  	[bflag:$0x3] =	sbarrier.arrive $0xFFFF  }
0x573: {  	_ =	shalt  }

// kernel: sparse-core-data-format-call.cloned.1.call-start
scs
called_computation_lowered:
.L_overlay_start_0:
0x0: {  	s2 =	sld [smem:$0x3FD9]  }
0x1: {  	s3 =	sld [smem:$0x3FFE];
	_ =	sdelay $0x1  }
0x2: {  	s1 =	srdreg.scid  }
0x3: {  	s0 =	sand.u32 $0x1, s1  }
0x4: {  	s18 =	sshll.u32 s0, $0xA;
	s2 =	sadd.s32 s3, s2  }
0x5: {  	s2 =	sadd.s32 s2, s18  }
0x6: {  	[smem:$0x3FC7] =	sst s2  }
0x7: {  	_ = 	snop  }
0x8: {  	s2 =	sld [smem:$0x3FD0];
	(tm) =	ssettm $0x1  }
0x9: {  	s19 =	sld [smem:$0x3FFB];
	_ =	sdelay $0x3  }
0xa: {  	_ =	strace s19  }
0xb: {  	s3 =	sld [smem:$0x3FFC];
	_ =	sdelay $0x3  }
0xc: {  	_ =	strace s3  }
0xd: {  	s3 =	sld [smem:$0x3FFD];
	_ =	sdelay $0x3  }
0xe: {  	_ =	strace s3  }
0xf: {  	_ =	strace $0x8FFFFFFF  }
0x10: {  	s20 =	sld [smem:$0x3FDB];
	_ =	sdelay $0x1  }
0x11: {  	s4 =	simm.s32 $_scs_section_size  }
0x12: {  	s5 =	simm.s32 $_size__tile_overlayer_lowered;
	s6 =	simm.s32 $_tile_overlayer_lowered  }
0x13: {  	s23 =	simm.s32 $0x1BFF;
	s22 =	sshll.u32 s6, $0x1;
	s3 =	sadd.s32 s4, s20  }
0x14: {  	s7 =	simm.s32 $0x0;
	s21 =	sshll.u32 s5, $0x1;
	s5 =	sadd.s32 s22, s3  }
0x15: {  	[timem:s7], [sflag:s23] =	dma.local [hbm:s5], s21  }
0x16: {  	_ =	swait.ge [sflag:s23], s21  }
0x17: {  	s4 =	ssub.s32 $0x0, s21;
	[sflag:s23] =	ssyncset.done $0x0  }
0x18: {  	[sflag:s23] =	ssyncadd.s32 s4;
	_ =	sdelay $0x1  }
0x19: {  	s24 =	simm.s32 $0x1B8B  }
0x1a: {  	_ =	swait.ge [sflag:s24], $0x1  }
0x1b: {  	[sflag:s24] =	ssyncset.done $0x0  }
0x1c: {  	s26 =	simm.s32 $0x1B8E;
	s25 =	sld [smem:$0x3FFE];
	[sflag:s24] =	ssyncadd.s32 $0xFFFFFFFF  }
0x1d: {  	s27 =	simm.s32 $execute0_lowered;
	[smem:$0x3FD2] =	sst s26  }
0x1e: {  	s5 =	sshll.u32 s27, $0x1;
	_ =	strace $0x80000049;
	[dreg:$0x1] =	wrdreg $0xFFFFFFFF  }
0x1f: {  	s28 =	simm.s32 $_size_execute0_lowered;
	s3 =	sadd.s32 s3, s5;
	[dreg:$0x0] =	wrdreg $0x0  }
0x20: {  	s5 =	sshll.u32 s28, $0x1;
	[dreg:$0x2] =	wrdreg s3  }
0x21: {  	[dreg:$0x3] =	wrdreg s5  }
0x22: {  	[dreg:$0x4] =	wrdreg $0xC0  }
0x23: {  	_ =	task [dreg:s7], $0x5FFFF  }
0x24: {  	[dreg:$0x1] =	wrdreg $0xFFFFFFFF  }
0x25: {  	[dreg:$0x0] =	wrdreg $0x60  }
0x26: {  	[dreg:$0x2] =	wrdreg s25  }
0x27: {  	[dreg:$0x3] =	wrdreg s2  }
0x28: {  	[dreg:$0x4] =	wrdreg $0x9  }
0x29: {  	_ =	task.clear_ibuf [dreg:s7], $0x5FFFF;
	_ =	strace $0x90000049  }
0x2a: {  	s29 =	simm.s32 $0x9;
	_ =	strace $0x8000004B  }
0x2b: {  	_ =	swait.ge [sflag:s29], $0x1  }
0x2c: {  	[sflag:s29] =	ssyncadd.s32 $0xFFFFFFFF  }
0x2d: {  	_ =	strace $0x9000004B  }
0x2e: {  	_ =	sfence  }
0x2f: {  	s30 =	sld [smem:$0x0];
	_ =	sdelay $0x2  }
0x30: {  	s31 =	sshll.u32 s1, $0xD;
	s1 =	sshrl.u32 s1, $0x2  }
0x31: {  	s3 =	sand.u32 $0x4000, s31;
	s1 =	sadd.s32 s1, s30  }
0x32: {  	s0 =	sor.u32 s3, s0;
	s1 =	sshll.u32 s1, $0x11  }
0x33: {  	s0 =	sor.u32 s1, s0  }
0x34: {  	s0 =	sadd.s32 $0x8F2B, s0  }
0x35: {  	[sflag:s0] =	ssyncadd.remote.s32 $0x1  }
0x36: {  	_ =	sfence.sel $0xFFFF  }
0x37: {  	[dreg:$0x0] =	wrdreg $0xFFFFFFFF;
	(pc) =	sbr.abs _section_cstart, $3  }
0x38: {  	[dreg:$0x1] =	wrdreg $0xFFFFFFFF  }
0x39: {  	_ =	task.clear_ibuf [dreg:s7], $0x2FFFF;
	_ =	strace $0x9FFFFFFF  }
0x3a: {  	(tm) =	ssettm $0x7FFFFFFF  }
0x3b: {  	_ =	shalt  }
tec
execute0_lowered:
.L_overlay_start_1:
0x0: {  	(tag) =	ssettag $0x1  }
0x1: {  	s4 =	rddreg [dreg:$0x0]  }
0x2: {  	s0 =	srdreg.scid;
	s2 =	rddreg [dreg:$0x1]  }
0x3: {  	s1 =	stileid.u32;
	s5 =	simm.s32 $0x1;
	s0 =	sshll.u32 s0, $0x4  }
0x4: {  	s7 =	simm.s32 $0x2;
	s12 =	simm.s32 $0x0;
	s3 =	sand.u32 $0x10, s0  }
.Ltmp0:
0x5: {  	s8 =	simm.s32 $0xC3800;
	s3 =	sor.u32 s1, s3;
	(pc) =	sbr.rel .LBB1_1-.Ltmp0, $4  }
0x6: {  	s10 =	simm.s32 $0x0;
	s11 =	simm.s32 $0x0;
	s3 =	sshll.u32 s3, $0x7  }
0x7: {  	s0 =	rddreg [dreg:$0x2];
	_ =	strace $0x8000004A;
	s6 =	ssub.s32 $0x18680, s3  }
0x8: {  	s4 =	sadd.s32 $0x800, s4;
	[sflag:s5] =	ssyncpa.u1 $0x0;
	s6 =	sshrl.u32 s6, $0xC  }
0x9: {  	[sflag:s7] =	ssyncpa.u1 $0x0;
	s9 =	smov.u32 s3;
	s7 =	sadd.s32 $0x2, s6  }
.LBB1_5:
0xa: {  	[tilespmem:s23+$0x0 ss:$0x81] =	vst.msk $0xffff, v4;
	s15 =	sadd.s32 s18, s20  }
0xb: {  	s16 =	sadd.s32 s18, s21;
	[tilespmem:s15+$0x0 ss:$0x81] =	vst.msk $0xffff, v2  }
0xc: {  	s31 =	sadd.s32 s18, s22;
	[tilespmem:s16+$0x0 ss:$0x81] =	vst.msk $0xffff, v1  }
0xd: {  	[tilespmem:s31+$0x0 ss:$0x81] =	vst.msk $0xffff, v3  }
.LBB1_6:
0xe: {  	s15 =	sshll.u32 s10, $0x3  }
0xf: {  	s15 =	sand.u32 $0xFFFFFC00, s15  }
0x10: {  	s17 =	smulhi.u32 $0xA79C7B17, s15;
	_ =	sdelay $0x1  }
0x11: {  	s16 =	sand.u32 $0x7F, s10;
	s17 =	sshrl.u32 s17, $0x10  }
0x12: {  	s15 =	sor.u32 s16, s15;
	s18 =	smul.u32 $0x4EC5, s17  }
0x13: {  	p0 =	sgt.s32 s10, $0x18680;
	s19 =	smov.u32 s10;
	s16 =	smulhi.u32 $0xA79C7B17, s15  }
0x14: {  	s19 =	simm.s32 @!p0 $0x18680;
	s18 =	sshrl.u32 s18, $0x15  }
0x15: {  	s13 =	sadd.s32 s13, s19;
	s16 =	sshrl.u32 s16, $0x10;
	s18 =	smul.u32 $0x68, s18  }
0x16: {  	s30 =	sadd.s32 $0xFFFE7980, s13;
	s16 =	smul.u32 $0x18700, s16  }
0x17: {  	s13 =	ssub.s32 $0x18700, s13;
	p0 =	sgt.s32 s30, $0x7F;
	s29 =	ssub.s32 s17, s18  }
0x18: {  	s13 =	smul.u32 $0x1A0, s13;
	s15 =	ssub.s32 s15, s16;
	s16 =	sand.u32 $0xFFFF, s29  }
0x19: {  	s31 =	sshrl.u32 s15, $0x3;
	s15 =	sand.u32 $0x7, s15;
	s16 =	smul.u32 $0x30E0, s16  }
0x1a: {  	s13 =	sshrl.u32 s13, $0x2;
	s17 =	sadd.s32 s2, s31;
	s15 =	sshll.u32 s15, $0x12  }
0x1b: {  	s13 =	simm.s32 @p0 $0x0;
	s15 =	sor.u32 $0x400, s15;
	s16 =	sadd.s32 s16, s17  }
0x1c: {  	[hbm4b:s16+s15] =	stream.strided.scatter [tilespmem:s14], [sflag:$0x2], s13, s8, s15, $0x20;
	[tilespmem:$0x10100] =	vst v63  }
.LBB1_7:
0x1d: {  	p0 =	slt.u32 s11, $0x2  }
0x1e: {  	p1 =	sgt.s32 @!p0 s12, $0x18680  }
0x1f: {  	s13 =	smov.u32 s12;
	s14 =	sshra.s32 @!p0 s12, $0x1F;
	p1 =	por !p1, p0  }
0x20: {  	s12 =	sand.u32 @!p0 s14, s12;
	s13 =	simm.s32 @p1 $0x18680  }
0x21: {  	s12 =	ssub.s32 @!p0 s13, s12  }
0x22: {  	s13 =	ssub.s32 @!p0 $0x18700, s12  }
0x23: {  	s12 =	sadd.s32 @!p0 $0xFFFE7980, s12;
	s13 =	smul.u32 @!p0 $0x1A0, s13  }
0x24: {  	p1 =	sgt.s32 @!p0 s12, $0x7F  }
0x25: {  	s14 =	sadd.s32 $0x1000, s9;
	p1 =	por !p1, p0;
	s12 =	sshrl.u32 @!p0 s13, $0x2  }
0x26: {  	s12 =	simm.s32 @!p1 $0x0;
	p1 =	sgt.s32 s14, $0x1869F  }
0x27: {  	s14 =	smov.u32 @p1 s3;
	p1 =	sne.s32 s11, s7  }
.Ltmp1:
0x28: {  	_ = 	snop;
	(pc) =	sbr.rel @!p1 .LBB1_8-.Ltmp1, $4  }
0x29: {  	s13 =	simm.s32 @!p0 $0x2  }
0x2a: {  	_ =	swait.ge @!p0 [sflag:s13], s12;
	s15 =	ssub.s32 @!p0 $0x0, s12  }
0x2b: {  	s12 =	smov.u32 s10;
	s11 =	sadd.s32 $0x1, s11;
	[sflag:s13] =	ssyncset.done @!p0 $0x0  }
0x2c: {  	s10 =	smov.u32 s9;
	s9 =	smov.u32 s14;
	[sflag:s13] =	ssyncadd.s32 @!p0 s15  }
.LBB1_1:
0x2d: {  	p0 =	sgt.u32 s11, s6  }
0x2e: {  	s13 =	sand.u32 @!p0 $0x1FFFFFF, s9  }
0x2f: {  	p1 =	sgt.s32 @!p0 s9, $0x18620;
	s14 =	smulhi.u32 @!p0 $0x14F8B59, s13  }
0x30: {  	s15 =	smov.u32 s9;
	s16 =	sshra.s32 @!p0 s9, $0x1F;
	p1 =	por !p1, p0  }
0x31: {  	s16 =	sand.u32 @!p0 s16, s9;
	s15 =	simm.s32 @p1 $0x18620;
	s14 =	sshrl.u32 @!p0 s14, $0x9  }
0x32: {  	s15 =	ssub.s32 @!p0 s15, s16;
	s14 =	smul.u32 @!p0 $0x186A0, s14  }
0x33: {  	s16 =	sxor.u32 @!p0 $0xFFFFFFFF, s11;
	s15 =	sadd.s32 @!p0 $0xFFFE79E0, s15  }
0x34: {  	s16 =	sshll.u32 @!p0 s16, $0xE;
	s13 =	ssub.s32 @!p0 s13, s14;
	s14 =	sshll.u32 @!p0 s15, $0x9  }
0x35: {  	s16 =	sand.u32 @!p0 $0x4000, s16;
	p1 =	sgt.s32 @!p0 s15, $0x7F;
	s14 =	ssub.s32 @!p0 $0x10000, s14  }
0x36: {  	p1 =	por !p1, p0;
	s13 =	sshll.u32 @!p0 s13, $0x4;
	s14 =	sshrl.u32 @!p0 s14, $0x2  }
0x37: {  	s15 =	simm.s32 @!p0 $0x0;
	s13 =	sadd.s32 @!p0 s4, s13;
	s14 =	simm.s32 @!p1 $0x0  }
0x38: {  	[tilespmem:s16], [sflag:$0x1] =	stream.linear.gather @!p0 [hbm4b:s13+s15], s14, $0x38;
	[tilespmem:$0x10100] =	vst v63  }
0x39: {  	p0 =	seq.s32 s11, $0x0  }
0x3a: {  	p1 =	sge.u32 @!p0 s11, s7  }
0x3b: {  	p0 =	por p0, p1  }
.Ltmp2:
0x3c: {  	_ = 	snop;
	(pc) =	sbr.rel @p0 .LBB1_7-.Ltmp2, $1  }
0x3d: {  	_ =	sdelay $0x3  }
0x3e: {  	s13 =	ssub.s32 $0x0, s10  }
0x3f: {  	s14 =	sshra.s32 s10, $0x1F;
	p0 =	sgt.s32 s10, $0x18620;
	s15 =	smov.u32 s10  }
0x40: {  	s13 =	sand.u32 s13, s14;
	s15 =	simm.s32 @!p0 $0x18620  }
0x41: {  	s14 =	sadd.s32 s13, s15  }
0x42: {  	s17 =	sadd.s32 $0x80, s10;
	s14 =	sadd.s32 $0xFFFE79E0, s14  }
0x43: {  	p1 =	slt.s32 s17, $0x186A0;
	s31 =	sshll.u32 s14, $0x9  }
0x44: {  	s17 =	simm.s32 @!p1 $0x186A0;
	s15 =	ssub.s32 $0x10000, s31  }
0x45: {  	p0 =	sgt.s32 s14, $0x7F;
	s14 =	sshrl.u32 s15, $0x2;
	s15 =	ssub.s32 s17, s10  }
0x46: {  	s14 =	simm.s32 @p0 $0x0;
	p0 =	slt.s32 s15, $0x1  }
.Ltmp3:
0x47: {  	_ = 	snop;
	(pc) =	sbr.rel @p0 .LBB1_6-.Ltmp3, $4  }
0x48: {  	s16 =	sand.u32 $0x1, s11  }
0x49: {  	s18 =	smul.u32 $0x4080, s16;
	_ =	swait.ge [sflag:s5], s14  }
0x4a: {  	s14 =	ssub.s32 $0x0, s14;
	[sflag:s5] =	ssyncset.done $0x0  }
0x4b: {  	[sflag:s5] =	ssyncadd.s32 s14;
	s14 =	sor.u32 $0x8000, s18  }
0x4c: {  	s18 =	sshll.u32 s16, $0xE;
	s19 =	simm.s32 $0x0  }
0x4d: {  	s20 =	simm.s32 $0x10;
	s21 =	simm.s32 $0x20;
	s19 =	sand.u32 $0x78, s19  }
0x4e: {  	s20 =	sand.u32 $0x78, s20;
	s31 =	sxor.u32 $0x40, s19;
	s19 =	smul.u32 $0x204, s19  }
0x4f: {  	s23 =	simm.s32 $0x30;
	v0 =	vmov s18;
	s21 =	sand.u32 $0x78, s21;
	s20 =	smul.u32 $0x204, s20  }
0x50: {  	s24 =	simm.s32 $0x50;
	s23 =	sand.u32 $0x78, s23;
	s21 =	smul.u32 $0x204, s21  }
0x51: {  	s25 =	simm.s32 $0x60;
	s24 =	sand.u32 $0x78, s24;
	s23 =	smul.u32 $0x204, s23  }
0x52: {  	s16 =	simm.s32 $0x0;
	s25 =	sand.u32 $0x78, s25;
	s24 =	smul.u32 $0x204, s24  }
0x53: {  	s22 =	sand.u32 $0x3F80, s16;
	s30 =	smul.u32 $0x204, s25  }
0x54: {  	s17 =	simm.s32 $0x1;
	p0 =	sne.s32 s15, $0x1;
	s18 =	smul.u32 $0x204, s31;
	v1 =	vld.idx.msk [tilespmem:v0+s22+$0x40 ss:$0x1], $0xffff  }
0x55: {  	s19 =	sshrl.u32 s19, $0x2;
	s20 =	sshrl.u32 s20, $0x2;
	s21 =	sshrl.u32 s21, $0x2;
	v3 =	vld.idx.msk [tilespmem:v0+s22+$0x0 ss:$0x1], $0xffff  }
0x56: {  	s29 =	sshrl.u32 s23, $0x2;
	s25 =	sshrl.u32 s30, $0x2;
	s26 =	sshrl.u32 s18, $0x2;
	v5 =	vld.idx.msk [tilespmem:v0+s22+$0x10 ss:$0x1], $0xffff  }
.Ltmp4:
0x57: {  	s18 =	sand.u32 $0x7F, s16;
	s26 =	sadd.s32 s26, s14;
	v4 =	vld.idx.msk [tilespmem:v0+s22+$0x20 ss:$0x1], $0xffff;
	(pc) =	sbr.rel @!p0 .LBB1_5-.Ltmp4, $4  }
0x58: {  	s19 =	sadd.s32 s19, s14;
	s27 =	sadd.s32 s20, s14;
	v2 =	vld.idx.msk [tilespmem:v0+s22+$0x30 ss:$0x1], $0xffff;
	s26 =	sadd.s32 s18, s26  }
0x59: {  	s28 =	sadd.s32 s21, s14;
	s21 =	sshrl.u32 s24, $0x2;
	s19 =	sadd.s32 s18, s19;
	[tilespmem:s26+$0x0 ss:$0x81] =	vst.msk $0xffff, v1;
	v1 =	vld.idx.msk [tilespmem:v0+s22+$0x50 ss:$0x1], $0xffff  }
0x5a: {  	s20 =	sadd.s32 s29, s14;
	s31 =	sadd.s32 s18, s27;
	s21 =	sadd.s32 s21, s14;
	[tilespmem:s19+$0x0 ss:$0x81] =	vst.msk $0xffff, v3;
	v3 =	vld.idx.msk [tilespmem:v0+s22+$0x60 ss:$0x1], $0xffff  }
0x5b: {  	s23 =	sadd.s32 s18, s28;
	[tilespmem:s31+$0x0 ss:$0x81] =	vst.msk $0xffff, v5;
	s22 =	sadd.s32 s25, s14;
	s19 =	simm.s32 $0x3008  }
.LBB1_4:
0x5c: {  	s24 =	sadd.s32 $0xFFFFD000, s19  }
0x5d: {  	s25 =	sadd.s32 $0xFFFFD800, s19;
	[tilespmem:s23+$0x0 ss:$0x81] =	vst.msk $0xffff, v4;
	s23 =	smov.u32 s17;
	s17 =	sadd.s32 $0x1, s17  }
0x5e: {  	s16 =	sadd.s32 $0x80, s16;
	s24 =	sshrl.u32 s24, $0x7;
	p0 =	sne.s32 s15, s17  }
0x5f: {  	s27 =	sadd.s32 $0xFFFFE000, s19;
	s26 =	sand.u32 $0x3F80, s16;
	s24 =	sand.u32 $0x78, s24  }
0x60: {  	s28 =	sadd.s32 $0xFFFFE800, s19;
	s30 =	sadd.s32 $0xFFFFF800, s19;
	v5 =	vld.idx.msk [tilespmem:v0+s26+$0x40 ss:$0x1], $0xffff;
	s29 =	sxor.u32 $0x40, s24  }
0x61: {  	s25 =	sshrl.u32 s25, $0x7;
	s27 =	sshrl.u32 s27, $0x7;
	v6 =	vld.idx.msk [tilespmem:v0+s26+$0x0 ss:$0x1], $0xffff;
	s29 =	smul.u32 $0x204, s29  }
0x62: {  	s31 =	sshrl.u32 s19, $0x7;
	s28 =	sshrl.u32 s28, $0x7;
	s30 =	sshrl.u32 s30, $0x7;
	v7 =	vld.idx.msk [tilespmem:v0+s26+$0x10 ss:$0x1], $0xffff  }
0x63: {  	s25 =	sand.u32 $0x78, s25;
	s27 =	sand.u32 $0x78, s27;
	v4 =	vld.idx.msk [tilespmem:v0+s26+$0x20 ss:$0x1], $0xffff;
	s29 =	sshrl.u32 s29, $0x2  }
0x64: {  	s23 =	sand.u32 $0x7F, s23;
	s28 =	sand.u32 $0x78, s28;
	v8 =	vld.idx.msk [tilespmem:v0+s26+$0x30 ss:$0x1], $0xffff;
	s29 =	sadd.s32 s29, s14  }
0x65: {  	s31 =	sand.u32 $0x78, s31;
	s30 =	sand.u32 $0x78, s30;
	s29 =	sadd.s32 s23, s29;
	v9 =	vld.idx.msk [tilespmem:v0+s26+$0x50 ss:$0x1], $0xffff  }
0x66: {  	s20 =	sadd.s32 s18, s20;
	s21 =	sadd.s32 s18, s21;
	s24 =	smul.u32 $0x204, s24;
	[tilespmem:s29+$0x0 ss:$0x81] =	vst.msk $0xffff, v5;
	v5 =	vld.idx.msk [tilespmem:v0+s26+$0x60 ss:$0x1], $0xffff  }
0x67: {  	s25 =	smul.u32 $0x204, s25;
	[tilespmem:s20+$0x0 ss:$0x81] =	vst.msk $0xffff, v2;
	s20 =	sadd.s32 s18, s22  }
0x68: {  	s18 =	smov.u32 s23;
	s22 =	sshrl.u32 s24, $0x2;
	s23 =	smul.u32 $0x204, s27  }
0x69: {  	s24 =	smul.u32 $0x204, s28;
	[tilespmem:s21+$0x0 ss:$0x81] =	vst.msk $0xffff, v1;
	s21 =	sadd.s32 s22, s14  }
0x6a: {  	s22 =	sshrl.u32 s25, $0x2;
	[tilespmem:s20+$0x0 ss:$0x81] =	vst.msk $0xffff, v3;
	s20 =	sshrl.u32 s23, $0x2;
	s23 =	smul.u32 $0x204, s30  }
.Ltmp5:
0x6b: {  	s22 =	sadd.s32 s22, s14;
	(pc) =	sbr.rel @p0 .LBB1_4-.Ltmp5, $4  }
0x6c: {  	v2 =	vmov v8;
	s25 =	sadd.s32 s20, s14;
	s20 =	sshrl.u32 s24, $0x2;
	s24 =	smul.u32 $0x204, s31;
	v1 =	vmov v9  }
0x6d: {  	s21 =	sadd.s32 s18, s21;
	s20 =	sadd.s32 s20, s14;
	s23 =	sshrl.u32 s23, $0x2;
	v3 =	vmov v5  }
0x6e: {  	s22 =	sadd.s32 s18, s22;
	s24 =	sshrl.u32 s24, $0x2;
	[tilespmem:s21+$0x0 ss:$0x81] =	vst.msk $0xffff, v6;
	s21 =	sadd.s32 s23, s14  }
0x6f: {  	s19 =	sadd.s32 $0x8, s19;
	s23 =	sadd.s32 s18, s25;
	[tilespmem:s22+$0x0 ss:$0x81] =	vst.msk $0xffff, v7;
	s22 =	sadd.s32 s24, s14  }
.Ltmp6:
0x70: {  	_ = 	snop;
	(pc) =	sbr.rel .LBB1_5-.Ltmp6, $1  }
0x71: {  	_ =	sdelay $0x3  }
.LBB1_8:
0x72: {  	_ =	sfence.sel $0x180000  }
0x73: {  	s2 =	simm.s32 $0x1;
	[bflag:$0x0] =	sbarrier.arrive $0xFFFF  }
0x74: {  	s31 =	simm.s32 $0x2;
	[sflag:s2] =	ssyncpa.u1 $0x1  }
0x75: {  	[sflag:s31] =	ssyncpa.u1 $0x1  }
0x76: {  	p0 =	sne.s32 s1, $0x0;
	_ =	strace $0x9000004A  }
0x77: {  	s0 =	sadd.s32 @!p0 $0x100000, s0;
	[bflag:$0x2] =	sbarrier.arrive $0xFFFF  }
0x78: {  	[sflag:s0] =	ssyncadd.tile.s32 @!p0 $0x1;
	_ =	shalt  }
.Lfunc_end1:
_tile_overlayer_lowered:
.L_overlay_start_2:
0x79: {  	(tag) =	ssettag $0x2  }
0x7a: {  	s0 =	rddreg [dreg:$0x0];
	s2 =	stileid.u32  }
0x7b: {  	s1 =	rddreg [dreg:$0x1];
	p0 =	sne.s32 s2, $0x0  }
0x7c: {  	s3 =	rddreg [dreg:$0x2];
	[bflag:$0x3] =	sbarrier.arrive $0xFFFF;
	s2 =	simm.s32 @!p0 $0x1C01  }
0x7d: {  	[timem:s3], [sflag:s2] =	dma.local @!p0 [hbm:s0], s1  }
0x7e: {  	s0 =	simm.s32 @!p0 $0x1  }
0x7f: {  	_ =	swait.ge @!p0 [sflag:s0], s1  }
0x80: {  	s1 =	ssub.s32 @!p0 $0x0, s1;
	[sflag:s0] =	ssyncset.done @!p0 $0x0  }
0x81: {  	[sflag:s0] =	ssyncadd.s32 @!p0 s1  }
0x82: {  	[bflag:$0x3] =	sbarrier.arrive $0xFFFF  }
0x83: {  	_ =	shalt  }

</sc_bundles>
